<compile_context>
chip_gen: v7x
topology: tpu7x:2x2x1
jax: 0.10.2.dev20260603
libtpu: 0.0.44.dev20260713+nightly
codegen_flags: <defaults>
</compile_context>

<pallas_src>
import functools

import jax
import jax.numpy as jnp
from jax import lax
from jax.experimental import pallas as pl
from jax.experimental.pallas import tpu as pltpu
from jax.experimental.pallas import tpu_sc as plsc

N = 10000
E = 160000
NF = 128
H = 3
NEG = 0.2
HALF = H * NF // 2
QF = H * NF // 4

NC = 2
NS = 16
NW = NC * NS

B1 = 800
B3 = 160
NB1 = E // B1
NB3 = E // B3
ROWS_PER_TILE = 624
_ZCOPY = (256, 256, 112)
_TAIL = N - NS * ROWS_PER_TILE



def _tc_a1(h_ref, wuv_ref, aa_ref):
    aa_ref[...] = jnp.dot(h_ref[...], wuv_ref[...],
                          preferred_element_type=jnp.float32)


def _tc_a2(h_ref, wn_ref, wv0_ref, wv1_ref, wv2_ref, wv3_ref):
    wv = jnp.dot(h_ref[...], wn_ref[...], preferred_element_type=jnp.float32)
    wv0_ref[...] = wv[:, :QF]
    wv1_ref[...] = wv[:, QF:2 * QF]
    wv2_ref[...] = wv[:, 2 * QF:3 * QF]
    wv3_ref[...] = wv[:, 3 * QF:]


def _tc_b(e_ref, wea_ref, ae_ref):
    ae_ref[...] = jnp.dot(e_ref[...], wea_ref[...],
                          preferred_element_type=jnp.float32)


def _tc_c(part_ref, rd_ref):
    s = jnp.sum(part_ref[...], axis=0, keepdims=True)
    rd_ref[...] = jnp.where(s > 0, 1.0 / s, 0.0)


def _tc_d(e_ref, sc_ref, we_ref, s0_ref, s1_ref, s2_ref, s3_ref):
    eb = e_ref[...]
    sc = sc_ref[...]
    bx = sc.shape[0]
    sexp = jnp.broadcast_to(sc[:, :, None], (bx, H, NF)).reshape(bx, H * NF)
    see = jnp.dot(eb, we_ref[...], preferred_element_type=jnp.float32) * sexp
    s0_ref[...] = see[:, :QF]
    s1_ref[...] = see[:, QF:2 * QF]
    s2_ref[...] = see[:, 2 * QF:3 * QF]
    s3_ref[...] = see[:, 3 * QF:]


def _tc_e(a0_ref, a1_ref, a2_ref, a3_ref, ws_ref, b_ref, out_ref):
    acc = b_ref[...]
    for q, a_ref in enumerate((a0_ref, a1_ref, a2_ref, a3_ref)):
        acc = acc + jnp.dot(a_ref[...], ws_ref[pl.ds(q * QF, QF), :],
                            preferred_element_type=jnp.float32)
    out_ref[...] = acc



def _sc1_body(src_hbm, dst_hbm, ae_hbm, aa_hbm, ex_hbm, part_hbm,
              aa_v, acc_v, src_v, dst_v, ae_v, ex_v):
    wid = lax.axis_index("s") * NC + lax.axis_index("c")
    pltpu.sync_copy(aa_hbm, aa_v)

    def zero_body(i, _):
        acc_v[pl.ds(i * 16, 16)] = jnp.zeros((16,), jnp.float32)
        return 0
    lax.fori_loop(0, (N * H) // 16, zero_body, 0)

    def blk_body(b, _):
        base = b * B1
        pltpu.sync_copy(src_hbm.at[pl.ds(base, B1)], src_v)
        pltpu.sync_copy(dst_hbm.at[pl.ds(base, B1)], dst_v)
        pltpu.sync_copy(ae_hbm.at[pl.ds(base * H, B1 * H)], ae_v)

        def vec_body(i, _):
            s16 = src_v[pl.ds(i * 16, 16)]
            d16 = dst_v[pl.ds(i * 16, 16)]
            lane = lax.iota(jnp.int32, 16) + i * 16
            for h in range(H):
                au = plsc.load_gather(aa_v, [s16 * (2 * H) + h])
                av = plsc.load_gather(aa_v, [d16 * (2 * H) + (H + h)])
                ae16 = plsc.load_gather(ae_v, [lane * H + h])
                lg = au + av + ae16
                lg = jnp.where(lg >= 0, lg, lg * NEG)
                ex16 = jnp.exp(lg)
                plsc.store_scatter(ex_v, [lane * H + h], ex16)
                plsc.addupdate_scatter(acc_v, [d16 * H + h], ex16)
            return 0
        lax.fori_loop(0, B1 // 16, vec_body, 0)
        pltpu.sync_copy(ex_v, ex_hbm.at[pl.ds(base * H, B1 * H)])
        return 0

    nblk = (NB1 - wid + NW - 1) // NW
    lax.fori_loop(0, nblk, lambda k, c: blk_body(wid + k * NW, c), 0)
    pltpu.sync_copy(acc_v, part_hbm.at[wid])


def _sc2_body(dst_hbm, ex_hbm, rd_hbm, sc_hbm,
              rd_v, dst_v, ex_v, sc_v):
    wid = lax.axis_index("s") * NC + lax.axis_index("c")
    pltpu.sync_copy(rd_hbm, rd_v)

    def blk_body(b, _):
        base = b * B1
        pltpu.sync_copy(dst_hbm.at[pl.ds(base, B1)], dst_v)
        pltpu.sync_copy(ex_hbm.at[pl.ds(base * H, B1 * H)], ex_v)

        def vec_body(i, _):
            d16 = dst_v[pl.ds(i * 16, 16)]
            lane = lax.iota(jnp.int32, 16) + i * 16
            for h in range(H):
                ex16 = plsc.load_gather(ex_v, [lane * H + h])
                r16 = plsc.load_gather(rd_v, [d16 * H + h])
                plsc.store_scatter(sc_v, [lane * H + h], ex16 * r16)
            return 0
        lax.fori_loop(0, B1 // 16, vec_body, 0)
        pltpu.sync_copy(sc_v, sc_hbm.at[pl.ds(base * H, B1 * H)])
        return 0

    nblk = (NB1 - wid + NW - 1) // NW
    lax.fori_loop(0, nblk, lambda k, c: blk_body(wid + k * NW, c), 0)


def _sc3_body(src_hbm, dst_hbm, wva_hbm, wvb_hbm, seea_hbm, seeb_hbm,
              agga_hbm, aggb_hbm,
              u0, u1, se0, se1, src0, src1, dst0, dst1,
              sem_u0, sem_u1, sem_s0, sem_s1, agg_s):
    c = lax.axis_index("c")
    s = lax.axis_index("s")
    u_v = (u0, u1)
    se_v = (se0, se1)
    src_v = (src0, src1)
    dst_v = (dst0, dst1)
    sem_u = (sem_u0, sem_u1)
    sem_s = (sem_s0, sem_s1)

    def zbuf_body(i, _):
        for j in range(QF // 16):
            u0[i, pl.ds(j * 16, 16)] = jnp.zeros((16,), jnp.float32)
        return 0
    lax.fori_loop(0, B3, zbuf_body, 0)
    off = 0
    for nrows in _ZCOPY:
        for rep in range(-(-nrows // B3)):
            nn = min(B3, nrows - rep * B3)
            pltpu.sync_copy(
                u0.at[pl.ds(0, nn)],
                agg_s.at[pl.ds(s * ROWS_PER_TILE + off + rep * B3, nn)])
        off += nrows

    @pl.when(s == NS - 1)
    def _():
        pltpu.sync_copy(u0.at[pl.ds(0, _TAIL)],
                        agg_s.at[pl.ds(NS * ROWS_PER_TILE, _TAIL)])

    plsc.subcore_barrier()

    nblk = (NB3 - s + NS - 1) // NS

    def issue(b, j):
        base = (s + j * NS) * B3
        pltpu.sync_copy(src_hbm.at[pl.ds(base, B3)], src_v[b])
        pltpu.sync_copy(dst_hbm.at[pl.ds(base, B3)], dst_v[b])

        @pl.when(c == 0)
        def _():
            pltpu.async_copy(wva_hbm.at[src_v[b]], u_v[b], sem_u[b])
            pltpu.async_copy(seea_hbm.at[pl.ds(base, B3)], se_v[b], sem_s[b])

        @pl.when(c == 1)
        def _():
            pltpu.async_copy(wvb_hbm.at[src_v[b]], u_v[b], sem_u[b])
            pltpu.async_copy(seeb_hbm.at[pl.ds(base, B3)], se_v[b], sem_s[b])

    for b in range(2):
        @pl.when(b < nblk)
        def _(b=b):
            issue(b, b)

    def k2_body(k2, _):
        for b in range(2):
            j = 2 * k2 + b

            @pl.when(j < nblk)
            def _(b=b, j=j):
                pltpu.make_async_copy(wva_hbm.at[src_v[b]], u_v[b],
                                      sem_u[b]).wait()
                pltpu.make_async_copy(seea_hbm.at[pl.ds(0, B3)], se_v[b],
                                      sem_s[b]).wait()

                def mul_body(i, _):
                    for jj in range(QF // 16):
                        u_v[b][i, pl.ds(jj * 16, 16)] = (
                            u_v[b][i, pl.ds(jj * 16, 16)]
                            * se_v[b][i, pl.ds(jj * 16, 16)])
                    return 0
                lax.fori_loop(0, B3, mul_body, 0)

                pltpu.sync_copy(u_v[b], agg_s.at[dst_v[b]], add=True)

                @pl.when(j + 2 < nblk)
                def _():
                    issue(b, j + 2)
        return 0

    lax.fori_loop(0, (nblk + 1) // 2, k2_body, 0)
    plsc.subcore_barrier()

    def _dump(row, nrows):
        @pl.when(c == 0)
        def _():
            pltpu.sync_copy(agg_s.at[pl.ds(row, nrows)],
                            agga_hbm.at[pl.ds(row, nrows)])

        @pl.when(c == 1)
        def _():
            pltpu.sync_copy(agg_s.at[pl.ds(row, nrows)],
                            aggb_hbm.at[pl.ds(row, nrows)])

    off = 0
    for nrows in _ZCOPY:
        _dump(s * ROWS_PER_TILE + off, nrows)
        off += nrows

    @pl.when(s == NS - 1)
    def _():
        _dump(NS * ROWS_PER_TILE, _TAIL)



@jax.jit
def kernel(h, edge_index, e, W_node, W_edge, w_att, W_scale, bias):
    f32 = jnp.float32
    src = edge_index[0].astype(jnp.int32)
    dst = edge_index[1].astype(jnp.int32)

    wa = w_att[0]
    wa_u, wa_e, wa_v = wa[:, :NF], wa[:, NF:2 * NF], wa[:, 2 * NF:]
    wn3 = W_node.reshape(NF, H, NF)
    wu = jnp.einsum("fhg,hg->fh", wn3, wa_u)
    wv_fold = jnp.einsum("fhg,hg->fh", wn3, wa_v)
    w_uv = jnp.concatenate([wu, wv_fold], axis=1)
    we3 = W_edge.reshape(e.shape[1], H, NF)
    wea = jnp.einsum("fhg,hg->fh", we3, wa_e)

    BN = 1000
    aa = pl.pallas_call(
        _tc_a1,
        grid=(N // BN,),
        in_specs=[
            pl.BlockSpec((BN, NF), lambda i: (i, 0)),
            pl.BlockSpec((NF, 2 * H), lambda i: (0, 0)),
        ],
        out_specs=pl.BlockSpec((BN, 2 * H), lambda i: (i, 0)),
        out_shape=jax.ShapeDtypeStruct((N, 2 * H), f32),
    )(h, w_uv)
    wv0, wv1, wv2, wv3 = pl.pallas_call(
        _tc_a2,
        grid=(N // BN,),
        in_specs=[
            pl.BlockSpec((BN, NF), lambda i: (i, 0)),
            pl.BlockSpec((NF, H * NF), lambda i: (0, 0)),
        ],
        out_specs=[pl.BlockSpec((BN, QF), lambda i: (i, 0))] * 4,
        out_shape=[jax.ShapeDtypeStruct((N, QF), f32)] * 4,
    )(h, W_node)

    BE = 2000
    ae = pl.pallas_call(
        _tc_b,
        grid=(E // BE,),
        in_specs=[
            pl.BlockSpec((BE, e.shape[1]), lambda i: (i, 0)),
            pl.BlockSpec((e.shape[1], H), lambda i: (0, 0)),
        ],
        out_specs=pl.BlockSpec((BE, H), lambda i: (i, 0)),
        out_shape=jax.ShapeDtypeStruct((E, H), f32),
    )(e, wea)

    mesh = plsc.VectorSubcoreMesh(core_axis_name="c", subcore_axis_name="s")
    sc_params = pltpu.CompilerParams(needs_layout_passes=False,
                                     use_tc_tiling_on_sc=False)

    sc1 = pl.kernel(
        _sc1_body,
        out_type=[
            jax.ShapeDtypeStruct((E * H,), f32),
            jax.ShapeDtypeStruct((NW, N * H), f32),
        ],
        mesh=mesh,
        scratch_types=[
            pltpu.VMEM((N * 2 * H,), f32),
            pltpu.VMEM((N * H,), f32),
            pltpu.VMEM((B1,), jnp.int32),
            pltpu.VMEM((B1,), jnp.int32),
            pltpu.VMEM((B1 * H,), f32),
            pltpu.VMEM((B1 * H,), f32),
        ],
        compiler_params=sc_params,
    )
    ex, part = sc1(src, dst, ae.reshape(E * H), aa.reshape(N * 2 * H))

    rd = pl.pallas_call(
        _tc_c,
        grid=(1,),
        in_specs=[pl.BlockSpec((NW, N * H), lambda i: (0, 0))],
        out_specs=pl.BlockSpec((1, N * H), lambda i: (0, 0)),
        out_shape=jax.ShapeDtypeStruct((1, N * H), f32),
    )(part)

    sc2 = pl.kernel(
        _sc2_body,
        out_type=jax.ShapeDtypeStruct((E * H,), f32),
        mesh=mesh,
        scratch_types=[
            pltpu.VMEM((N * H,), f32),
            pltpu.VMEM((B1,), jnp.int32),
            pltpu.VMEM((B1 * H,), f32),
            pltpu.VMEM((B1 * H,), f32),
        ],
        compiler_params=sc_params,
    )
    score = sc2(dst, ex, rd.reshape(N * H))

    BD = 1000
    see_q = pl.pallas_call(
        _tc_d,
        grid=(E // BD,),
        in_specs=[
            pl.BlockSpec((BD, e.shape[1]), lambda i: (i, 0)),
            pl.BlockSpec((BD, H), lambda i: (i, 0)),
            pl.BlockSpec((e.shape[1], H * NF), lambda i: (0, 0)),
        ],
        out_specs=[pl.BlockSpec((BD, QF), lambda i: (i, 0))] * 4,
        out_shape=[jax.ShapeDtypeStruct((E, QF), f32)] * 4,
    )(e, score.reshape(E, H), W_edge)

    sc3 = pl.kernel(
        _sc3_body,
        out_type=[jax.ShapeDtypeStruct((N, QF), f32)] * 2,
        mesh=mesh,
        scratch_types=(
            [pltpu.VMEM((B3, QF), f32)] * 4
            + [pltpu.VMEM((B3,), jnp.int32)] * 4
            + [pltpu.SemaphoreType.DMA] * 4
            + [pltpu.VMEM_SHARED((N, QF), f32)]
        ),
        compiler_params=sc_params,
    )
    agg0, agg1 = sc3(src, dst, wv0, wv1, see_q[0], see_q[1])
    agg2, agg3 = sc3(src, dst, wv2, wv3, see_q[2], see_q[3])

    out = pl.pallas_call(
        _tc_e,
        grid=(N // BN,),
        in_specs=[pl.BlockSpec((BN, QF), lambda i: (i, 0))] * 4
        + [
            pl.BlockSpec((H * NF, NF), lambda i: (0, 0)),
            pl.BlockSpec((1, NF), lambda i: (0, 0)),
        ],
        out_specs=pl.BlockSpec((BN, NF), lambda i: (i, 0)),
        out_shape=jax.ShapeDtypeStruct((N, NF), f32),
    )(agg0, agg1, agg2, agg3, W_scale, bias.reshape(1, NF))

    return out

# --- scband reference (transcript-rebuilt; emitter-appended) ---
"""Pipeline reference for scband-multi-head-60971355734194 (READ-ONLY COPY).

The authoritative reference and input builder live on the scoring server;
editing this copy changes nothing except your own understanding.
"""

import jax, jax.numpy as jnp
import numpy as np

N = 10000
E = 160000
NF = 128
EF = 16
H = 3
NEG = 0.2


def setup_inputs(seed: int = 0):
    key = jax.random.key(seed)
    ks = jax.random.split(key, 8)
    h = jax.random.normal(ks[0], (N, NF), dtype=jnp.float32)
    edge_index = jax.random.randint(ks[1], (2, E), 0, N)
    e = jax.random.normal(ks[2], (E, EF), dtype=jnp.float32)
    W_node = jax.random.normal(ks[3], (NF, NF * H), dtype=jnp.float32) * 0.05
    W_edge = jax.random.normal(ks[4], (EF, NF * H), dtype=jnp.float32) * 0.05
    w_att = jax.random.normal(ks[5], (1, H, 3 * NF), dtype=jnp.float32) * 0.05
    W_scale = jax.random.normal(ks[6], (H * NF, NF), dtype=jnp.float32) * 0.05
    bias = jnp.zeros((NF,), dtype=jnp.float32)
    return {"h": h, "edge_index": edge_index, "e": e, "W_node": W_node,
            "W_edge": W_edge, "w_att": w_att, "W_scale": W_scale, "bias": bias}


def _forward(h, e, edge_index, W_node, W_edge, w_att, W_scale, bias):
    src = edge_index[0]
    dst = edge_index[1]
    # wv = self.weight_node(h); we = self.weight_edge(e)
    wv = h @ W_node                        # [N, H*NF]
    we = e @ W_edge                        # [E, H*NF]
    # message_func: gather src/dst node projections per edge
    u = wv[src].reshape(E, H, NF)
    v = wv[dst].reshape(E, H, NF)
    ee = we.reshape(E, H, NF)
    # attn = sum(cat([u,e,v],-1) * weight_triplet_att, -1) -- computed via slices (identical math)
    wa_u = w_att[:, :, :NF]
    wa_e = w_att[:, :, NF:2 * NF]
    wa_v = w_att[:, :, 2 * NF:]
    attn = (jnp.sum(u * wa_u, axis=-1, keepdims=True)
            + jnp.sum(ee * wa_e, axis=-1, keepdims=True)
            + jnp.sum(v * wa_v, axis=-1, keepdims=True))   # [E, H, 1]
    attn = jax.nn.leaky_relu(attn, NEG)
    # reduce_func: softmax over incoming edges per destination node
    amax = jax.ops.segment_max(attn, dst, num_segments=N)  # [N, H, 1]
    amax = jnp.where(jnp.isfinite(amax), amax, 0.0)
    ex = jnp.exp(attn - amax[dst])
    denom = jax.ops.segment_sum(ex, dst, num_segments=N)   # [N, H, 1]
    score = ex / denom[dst]
    msg = score * u * ee                                   # [E, H, NF]
    agg = jax.ops.segment_sum(msg.reshape(E, H * NF), dst, num_segments=N)  # [N, H*NF]
    return agg @ W_scale + bias                            # [N, NF]


def reference(h, edge_index, e, W_node, W_edge, w_att, W_scale, bias):
    return _forward(h, e, edge_index, W_node, W_edge, w_att, W_scale, bias)

if __name__ == "__main__":
    import jax
    _d = setup_inputs()
    print(jax.jit(kernel)(*tuple(_d.values())))

</pallas_src>

<mosaic_0001>
#map = affine_map<(d0, d1) -> (0)>
#map1 = affine_map<(d0, d1) -> (0, 0)>
module attributes {stable_mosaic.version = 14 : i64} {
  func.func @_sc1_body(%arg0: i32, %arg1: i32, %arg2: memref<160000xi32, #tpu.memory_space<hbm>>, %arg3: memref<160000xi32, #tpu.memory_space<hbm>>, %arg4: memref<480000xf32, #tpu.memory_space<hbm>>, %arg5: memref<60000xf32, #tpu.memory_space<hbm>>, %arg6: memref<480000xf32, #tpu.memory_space<hbm>>, %arg7: memref<32x30000xf32, #tpu.memory_space<hbm>>, %arg8: memref<60000xf32, #tpu.memory_space<vmem>>, %arg9: memref<30000xf32, #tpu.memory_space<vmem>>, %arg10: memref<800xi32, #tpu.memory_space<vmem>>, %arg11: memref<800xi32, #tpu.memory_space<vmem>>, %arg12: memref<2400xf32, #tpu.memory_space<vmem>>, %arg13: memref<2400xf32, #tpu.memory_space<vmem>>) attributes {dimension_semantics = [#tpu.dimension_semantics<core_parallel>, #tpu.dimension_semantics<subcore_parallel>], iteration_bounds = array<i64: 2, 16>, scalar_prefetch = 0 : i64, scratch_operands = 6 : i64, tpu.core_type = #tpu.core_type<sc_vector_subcore>, window_params = [{transform_indices = #map}, {transform_indices = #map}, {transform_indices = #map}, {transform_indices = #map}, {transform_indices = #map}, {transform_indices = #map1}]} {
    %mul3A = arith.constant 2 : i32
    %mul3A_0 = arith.muli %arg1, %mul3A : i32
    %add3A = arith.addi %mul3A_0, %arg0 : i32
    "tpu.region"() ({
      %run_scoped3A = tpu.sem_alloc : memref<!tpu.dma_semaphore, #tpu.memory_space<semaphore_mem>>
      tpu.enqueue_dma source(%arg5 : memref<60000xf32, #tpu.memory_space<hbm>>) target(%arg8 : memref<60000xf32, #tpu.memory_space<vmem>>) target_semaphore(%run_scoped3A : memref<!tpu.dma_semaphore, #tpu.memory_space<semaphore_mem>>)
      tpu.wait_dma2 semaphore(%run_scoped3A : memref<!tpu.dma_semaphore, #tpu.memory_space<semaphore_mem>>) src(%arg5 : memref<60000xf32, #tpu.memory_space<hbm>>) dst(%arg8 : memref<60000xf32, #tpu.memory_space<vmem>>)
      tpu.yield
    }) : () -> ()
    %scan3A = arith.constant 0 : i32
    %scan3A_1 = arith.constant 0 : i32
    %scan3A_2 = arith.constant 1875 : i32
    %scan3A_3 = arith.addi %scan3A_1, %scan3A_2 : i32
    %scan3A_4 = arith.constant 1 : i32
    %scan3A_5 = scf.for %scan3A_40 = %scan3A_1 to %scan3A_3 step %scan3A_4 iter_args(%scan3A_41 = %scan3A) -> (i32)  : i32 {
      %broadcast_in_dim3A = arith.constant 0.000000e+00 : f32
      %broadcast_in_dim3A_42 = vector.broadcast %broadcast_in_dim3A : f32 to vector<16xf32>
      %mul3A_43 = arith.constant 16 : i32
      %mul3A_44 = arith.muli %scan3A_40, %mul3A_43 : i32
      %swap3A = arith.index_cast %mul3A_44 : i32 to index
      %swap3A_45 = tpu.vector_load %arg9[%swap3A] {strides = array<i32>} : memref<30000xf32, #tpu.memory_space<vmem>>, vector<16xf32>,
      tpu.vector_store %arg9[%swap3A], %broadcast_in_dim3A_42 {strides = array<i32>} : memref<30000xf32, #tpu.memory_space<vmem>>, vector<16xf32>,
      %scan3A_46 = arith.constant 0 : i32
      scf.yield %scan3A_46 : i32
    }
    %scan3A_6 = arith.constant 1875 : i32
    %sub3A = arith.constant 200 : i32
    %sub3A_7 = arith.subi %sub3A, %add3A : i32
    %add3A_8 = arith.constant 32 : i32
    %add3A_9 = arith.addi %sub3A_7, %add3A_8 : i32
    %sub3A_10 = arith.constant 1 : i32
    %sub3A_11 = arith.subi %add3A_9, %sub3A_10 : i32
    %jit3A = arith.constant 32 : i32
    %div3A = arith.divsi %sub3A_11, %jit3A : i32
    %sign3A = arith.constant 0 : i32
    %sign3A_12 = arith.cmpi sgt, %sub3A_11, %sign3A : i32
    %sign3A_13 = arith.extui %sign3A_12 : i1 to i32
    %sign3A_14 = arith.constant 0 : i32
    %sign3A_15 = arith.cmpi slt, %sub3A_11, %sign3A_14 : i32
    %sign3A_16 = arith.extui %sign3A_15 : i1 to i32
    %sign3A_17 = arith.subi %sign3A_13, %sign3A_16 : i32
    %sign3A_18 = arith.constant 0 : i32
    %sign3A_19 = arith.cmpi sgt, %jit3A, %sign3A_18 : i32
    %sign3A_20 = arith.extui %sign3A_19 : i1 to i32
    %sign3A_21 = arith.constant 0 : i32
    %sign3A_22 = arith.cmpi slt, %jit3A, %sign3A_21 : i32
    %sign3A_23 = arith.extui %sign3A_22 : i1 to i32
    %sign3A_24 = arith.subi %sign3A_20, %sign3A_23 : i32
    %ne3A = arith.cmpi ne, %sign3A_17, %sign3A_24 : i32
    %rem3A = arith.remsi %sub3A_11, %jit3A : i32
    %ne3A_25 = arith.constant 0 : i32
    %ne3A_26 = arith.cmpi ne, %rem3A, %ne3A_25 : i32
    %and3A = arith.andi %ne3A, %ne3A_26 : i1
    %sub3A_27 = arith.constant 1 : i32
    %sub3A_28 = arith.subi %div3A, %sub3A_27 : i32
    %select_n3A = arith.select %and3A, %sub3A_28, %div3A : i32
    %while3A = arith.constant 0 : i32
    %while3A_29 = arith.constant 0 : i32
    %while3A_30 = arith.subi %select_n3A, %while3A : i32
    %while3A_31 = arith.addi %while3A, %while3A_30 : i32
    %while3A_32 = arith.constant 1 : i32
    %while3A_33 = arith.divsi %while3A_30, %while3A_32 : i32
    %while3A_34 = arith.muli %while3A_33, %while3A_32 : i32
    %while3A_35 = arith.addi %while3A, %while3A_34 : i32
    %while3A_36 = arith.constant 1 : i32
    %while3A_37 = scf.for %while3A_40 = %while3A to %while3A_35 step %while3A_36 iter_args(%while3A_41 = %while3A_29) -> (i32)  : i32 {
      %mul3A_42 = arith.constant 32 : i32
      %mul3A_43 = arith.muli %while3A_40, %mul3A_42 : i32
      %add3A_44 = arith.addi %add3A, %mul3A_43 : i32
      %mul3A_45 = arith.constant 800 : i32
      %mul3A_46 = arith.muli %add3A_44, %mul3A_45 : i32
      "tpu.region"() ({
        %run_scoped3A = tpu.sem_alloc : memref<!tpu.dma_semaphore, #tpu.memory_space<semaphore_mem>>
        %dma_start3A = tpu.memref_slice %arg2[%mul3A_46] : memref<160000xi32, #tpu.memory_space<hbm>> -> memref<800xi32, #tpu.memory_space<hbm>>
        %dma_start3A_59 = tpu.memref_slice %arg2[%mul3A_46] : memref<160000xi32, #tpu.memory_space<hbm>> -> memref<800xi32, #tpu.memory_space<hbm>>
        tpu.enqueue_dma source(%dma_start3A_59 : memref<800xi32, #tpu.memory_space<hbm>>) target(%arg10 : memref<800xi32, #tpu.memory_space<vmem>>) target_semaphore(%run_scoped3A : memref<!tpu.dma_semaphore, #tpu.memory_space<semaphore_mem>>)
        %dma_wait3A = tpu.memref_slice %arg2[%mul3A_46] : memref<160000xi32, #tpu.memory_space<hbm>> -> memref<800xi32, #tpu.memory_space<hbm>>
        %dma_wait3A_60 = tpu.memref_slice %arg2[%mul3A_46] : memref<160000xi32, #tpu.memory_space<hbm>> -> memref<800xi32, #tpu.memory_space<hbm>>
        tpu.wait_dma2 semaphore(%run_scoped3A : memref<!tpu.dma_semaphore, #tpu.memory_space<semaphore_mem>>) src(%dma_wait3A_60 : memref<800xi32, #tpu.memory_space<hbm>>) dst(%arg10 : memref<800xi32, #tpu.memory_space<vmem>>)
        tpu.yield
      }) : () -> ()
      "tpu.region"() ({
        %run_scoped3A = tpu.sem_alloc : memref<!tpu.dma_semaphore, #tpu.memory_space<semaphore_mem>>
        %dma_start3A = tpu.memref_slice %arg3[%mul3A_46] : memref<160000xi32, #tpu.memory_space<hbm>> -> memref<800xi32, #tpu.memory_space<hbm>>
        %dma_start3A_59 = tpu.memref_slice %arg3[%mul3A_46] : memref<160000xi32, #tpu.memory_space<hbm>> -> memref<800xi32, #tpu.memory_space<hbm>>
        tpu.enqueue_dma source(%dma_start3A_59 : memref<800xi32, #tpu.memory_space<hbm>>) target(%arg11 : memref<800xi32, #tpu.memory_space<vmem>>) target_semaphore(%run_scoped3A : memref<!tpu.dma_semaphore, #tpu.memory_space<semaphore_mem>>)
        %dma_wait3A = tpu.memref_slice %arg3[%mul3A_46] : memref<160000xi32, #tpu.memory_space<hbm>> -> memref<800xi32, #tpu.memory_space<hbm>>
        %dma_wait3A_60 = tpu.memref_slice %arg3[%mul3A_46] : memref<160000xi32, #tpu.memory_space<hbm>> -> memref<800xi32, #tpu.memory_space<hbm>>
        tpu.wait_dma2 semaphore(%run_scoped3A : memref<!tpu.dma_semaphore, #tpu.memory_space<semaphore_mem>>) src(%dma_wait3A_60 : memref<800xi32, #tpu.memory_space<hbm>>) dst(%arg11 : memref<800xi32, #tpu.memory_space<vmem>>)
        tpu.yield
      }) : () -> ()
      %mul3A_47 = arith.constant 3 : i32
      %mul3A_48 = arith.muli %mul3A_46, %mul3A_47 : i32
      "tpu.region"() ({
        %run_scoped3A = tpu.sem_alloc : memref<!tpu.dma_semaphore, #tpu.memory_space<semaphore_mem>>
        %dma_start3A = tpu.memref_slice %arg4[%mul3A_48] : memref<480000xf32, #tpu.memory_space<hbm>> -> memref<2400xf32, #tpu.memory_space<hbm>>
        %dma_start3A_59 = tpu.memref_slice %arg4[%mul3A_48] : memref<480000xf32, #tpu.memory_space<hbm>> -> memref<2400xf32, #tpu.memory_space<hbm>>
        tpu.enqueue_dma source(%dma_start3A_59 : memref<2400xf32, #tpu.memory_space<hbm>>) target(%arg12 : memref<2400xf32, #tpu.memory_space<vmem>>) target_semaphore(%run_scoped3A : memref<!tpu.dma_semaphore, #tpu.memory_space<semaphore_mem>>)
        %dma_wait3A = tpu.memref_slice %arg4[%mul3A_48] : memref<480000xf32, #tpu.memory_space<hbm>> -> memref<2400xf32, #tpu.memory_space<hbm>>
        %dma_wait3A_60 = tpu.memref_slice %arg4[%mul3A_48] : memref<480000xf32, #tpu.memory_space<hbm>> -> memref<2400xf32, #tpu.memory_space<hbm>>
        tpu.wait_dma2 semaphore(%run_scoped3A : memref<!tpu.dma_semaphore, #tpu.memory_space<semaphore_mem>>) src(%dma_wait3A_60 : memref<2400xf32, #tpu.memory_space<hbm>>) dst(%arg12 : memref<2400xf32, #tpu.memory_space<vmem>>)
        tpu.yield
      }) : () -> ()
      %scan3A_49 = arith.constant 0 : i32
      %scan3A_50 = arith.constant 0 : i32
      %scan3A_51 = arith.constant 50 : i32
      %scan3A_52 = arith.addi %scan3A_50, %scan3A_51 : i32
      %scan3A_53 = arith.constant 1 : i32
      %scan3A_54 = scf.for %scan3A_59 = %scan3A_50 to %scan3A_52 step %scan3A_53 iter_args(%scan3A_60 = %scan3A_49) -> (i32)  : i32 {
        %mul3A_61 = arith.constant 16 : i32
        %mul3A_62 = arith.muli %scan3A_59, %mul3A_61 : i32
        %get3A = arith.index_cast %mul3A_62 : i32 to index
        %get3A_63 = tpu.vector_load %arg10[%get3A] {strides = array<i32>} : memref<800xi32, #tpu.memory_space<vmem>>, vector<16xi32>,
        %mul3A_64 = arith.constant 16 : i32
        %mul3A_65 = arith.muli %scan3A_59, %mul3A_64 : i32
        %get3A_66 = arith.index_cast %mul3A_65 : i32 to index
        %get3A_67 = tpu.vector_load %arg11[%get3A_66] {strides = array<i32>} : memref<800xi32, #tpu.memory_space<vmem>>, vector<16xi32>,
        %iota3A = tpu.iota {dimensions = array<i32: 0>} : vector<16xi32>
        %mul3A_68 = arith.constant 16 : i32
        %mul3A_69 = arith.muli %scan3A_59, %mul3A_68 : i32
        %add3A_70 = vector.broadcast %mul3A_69 : i32 to vector<16xi32>
        %add3A_71 = arith.addi %iota3A, %add3A_70 : vector<16xi32>
        %mul3A_72 = arith.constant 6 : i32
        %mul3A_73 = vector.broadcast %mul3A_72 : i32 to vector<16xi32>
        %mul3A_74 = arith.muli %get3A_63, %mul3A_73 : vector<16xi32>
        %add3A_75 = arith.constant 0 : i32
        %add3A_76 = vector.broadcast %add3A_75 : i32 to vector<16xi32>
        %add3A_77 = arith.addi %mul3A_74, %add3A_76 : vector<16xi32>
        %gather3A = tpu.vector_load_idx %arg8[%add3A_77] : memref<60000xf32, #tpu.memory_space<vmem>>[vector<16xi32>], vector<16xf32>,
        %mul3A_78 = arith.constant 6 : i32
        %mul3A_79 = vector.broadcast %mul3A_78 : i32 to vector<16xi32>
        %mul3A_80 = arith.muli %get3A_67, %mul3A_79 : vector<16xi32>
        %add3A_81 = arith.constant 3 : i32
        %add3A_82 = vector.broadcast %add3A_81 : i32 to vector<16xi32>
        %add3A_83 = arith.addi %mul3A_80, %add3A_82 : vector<16xi32>
        %gather3A_84 = tpu.vector_load_idx %arg8[%add3A_83] : memref<60000xf32, #tpu.memory_space<vmem>>[vector<16xi32>], vector<16xf32>,
        %mul3A_85 = arith.constant 3 : i32
        %mul3A_86 = vector.broadcast %mul3A_85 : i32 to vector<16xi32>
        %mul3A_87 = arith.muli %add3A_71, %mul3A_86 : vector<16xi32>
        %add3A_88 = arith.constant 0 : i32
        %add3A_89 = vector.broadcast %add3A_88 : i32 to vector<16xi32>
        %add3A_90 = arith.addi %mul3A_87, %add3A_89 : vector<16xi32>
        %gather3A_91 = tpu.vector_load_idx %arg12[%add3A_90] : memref<2400xf32, #tpu.memory_space<vmem>>[vector<16xi32>], vector<16xf32>,
        %add3A_92 = arith.addf %gather3A, %gather3A_84 : vector<16xf32>
        %add3A_93 = arith.addf %add3A_92, %gather3A_91 : vector<16xf32>
        %ge3A = arith.constant 0.000000e+00 : f32
        %ge3A_94 = vector.broadcast %ge3A : f32 to vector<16xf32>
        %ge3A_95 = arith.cmpf oge, %add3A_93, %ge3A_94 : vector<16xf32>
        %mul3A_96 = arith.constant 2.000000e-01 : f32
        %mul3A_97 = vector.broadcast %mul3A_96 : f32 to vector<16xf32>
        %mul3A_98 = arith.mulf %add3A_93, %mul3A_97 : vector<16xf32>
        %select_n3A_99 = arith.select %ge3A_95, %add3A_93, %mul3A_98 : vector<16xi1>, vector<16xf32>
        %exp3A = math.exp %select_n3A_99 : vector<16xf32>
        %mul3A_100 = arith.constant 3 : i32
        %mul3A_101 = vector.broadcast %mul3A_100 : i32 to vector<16xi32>
        %mul3A_102 = arith.muli %add3A_71, %mul3A_101 : vector<16xi32>
        %add3A_103 = arith.constant 0 : i32
        %add3A_104 = vector.broadcast %add3A_103 : i32 to vector<16xi32>
        %add3A_105 = arith.addi %mul3A_102, %add3A_104 : vector<16xi32>
        tpu.vector_store_idx %arg13[%add3A_105], %exp3A : memref<2400xf32, #tpu.memory_space<vmem>>[vector<16xi32>], vector<16xf32>,
        %mul3A_106 = arith.constant 3 : i32
        %mul3A_107 = vector.broadcast %mul3A_106 : i32 to vector<16xi32>
        %mul3A_108 = arith.muli %get3A_67, %mul3A_107 : vector<16xi32>
        %add3A_109 = arith.constant 0 : i32
        %add3A_110 = vector.broadcast %add3A_109 : i32 to vector<16xi32>
        %add3A_111 = arith.addi %mul3A_108, %add3A_110 : vector<16xi32>
        tpu.vector_store_idx %arg9[%add3A_111], %exp3A {add = true} : memref<30000xf32, #tpu.memory_space<vmem>>[vector<16xi32>], vector<16xf32>,
        %mul3A_112 = arith.constant 6 : i32
        %mul3A_113 = vector.broadcast %mul3A_112 : i32 to vector<16xi32>
        %mul3A_114 = arith.muli %get3A_63, %mul3A_113 : vector<16xi32>
        %add3A_115 = arith.constant 1 : i32
        %add3A_116 = vector.broadcast %add3A_115 : i32 to vector<16xi32>
        %add3A_117 = arith.addi %mul3A_114, %add3A_116 : vector<16xi32>
        %gather3A_118 = tpu.vector_load_idx %arg8[%add3A_117] : memref<60000xf32, #tpu.memory_space<vmem>>[vector<16xi32>], vector<16xf32>,
        %mul3A_119 = arith.constant 6 : i32
        %mul3A_120 = vector.broadcast %mul3A_119 : i32 to vector<16xi32>
        %mul3A_121 = arith.muli %get3A_67, %mul3A_120 : vector<16xi32>
        %add3A_122 = arith.constant 4 : i32
        %add3A_123 = vector.broadcast %add3A_122 : i32 to vector<16xi32>
        %add3A_124 = arith.addi %mul3A_121, %add3A_123 : vector<16xi32>
        %gather3A_125 = tpu.vector_load_idx %arg8[%add3A_124] : memref<60000xf32, #tpu.memory_space<vmem>>[vector<16xi32>], vector<16xf32>,
        %mul3A_126 = arith.constant 3 : i32
        %mul3A_127 = vector.broadcast %mul3A_126 : i32 to vector<16xi32>
        %mul3A_128 = arith.muli %add3A_71, %mul3A_127 : vector<16xi32>
        %add3A_129 = arith.constant 1 : i32
        %add3A_130 = vector.broadcast %add3A_129 : i32 to vector<16xi32>
        %add3A_131 = arith.addi %mul3A_128, %add3A_130 : vector<16xi32>
        %gather3A_132 = tpu.vector_load_idx %arg12[%add3A_131] : memref<2400xf32, #tpu.memory_space<vmem>>[vector<16xi32>], vector<16xf32>,
        %add3A_133 = arith.addf %gather3A_118, %gather3A_125 : vector<16xf32>
        %add3A_134 = arith.addf %add3A_133, %gather3A_132 : vector<16xf32>
        %ge3A_135 = arith.constant 0.000000e+00 : f32
        %ge3A_136 = vector.broadcast %ge3A_135 : f32 to vector<16xf32>
        %ge3A_137 = arith.cmpf oge, %add3A_134, %ge3A_136 : vector<16xf32>
        %mul3A_138 = arith.constant 2.000000e-01 : f32
        %mul3A_139 = vector.broadcast %mul3A_138 : f32 to vector<16xf32>
        %mul3A_140 = arith.mulf %add3A_134, %mul3A_139 : vector<16xf32>
        %select_n3A_141 = arith.select %ge3A_137, %add3A_134, %mul3A_140 : vector<16xi1>, vector<16xf32>
        %exp3A_142 = math.exp %select_n3A_141 : vector<16xf32>
        %mul3A_143 = arith.constant 3 : i32
        %mul3A_144 = vector.broadcast %mul3A_143 : i32 to vector<16xi32>
        %mul3A_145 = arith.muli %add3A_71, %mul3A_144 : vector<16xi32>
        %add3A_146 = arith.constant 1 : i32
        %add3A_147 = vector.broadcast %add3A_146 : i32 to vector<16xi32>
        %add3A_148 = arith.addi %mul3A_145, %add3A_147 : vector<16xi32>
        tpu.vector_store_idx %arg13[%add3A_148], %exp3A_142 : memref<2400xf32, #tpu.memory_space<vmem>>[vector<16xi32>], vector<16xf32>,
        %mul3A_149 = arith.constant 3 : i32
        %mul3A_150 = vector.broadcast %mul3A_149 : i32 to vector<16xi32>
        %mul3A_151 = arith.muli %get3A_67, %mul3A_150 : vector<16xi32>
        %add3A_152 = arith.constant 1 : i32
        %add3A_153 = vector.broadcast %add3A_152 : i32 to vector<16xi32>
        %add3A_154 = arith.addi %mul3A_151, %add3A_153 : vector<16xi32>
        tpu.vector_store_idx %arg9[%add3A_154], %exp3A_142 {add = true} : memref<30000xf32, #tpu.memory_space<vmem>>[vector<16xi32>], vector<16xf32>,
        %mul3A_155 = arith.constant 6 : i32
        %mul3A_156 = vector.broadcast %mul3A_155 : i32 to vector<16xi32>
        %mul3A_157 = arith.muli %get3A_63, %mul3A_156 : vector<16xi32>
        %add3A_158 = arith.constant 2 : i32
        %add3A_159 = vector.broadcast %add3A_158 : i32 to vector<16xi32>
        %add3A_160 = arith.addi %mul3A_157, %add3A_159 : vector<16xi32>
        %gather3A_161 = tpu.vector_load_idx %arg8[%add3A_160] : memref<60000xf32, #tpu.memory_space<vmem>>[vector<16xi32>], vector<16xf32>,
        %mul3A_162 = arith.constant 6 : i32
        %mul3A_163 = vector.broadcast %mul3A_162 : i32 to vector<16xi32>
        %mul3A_164 = arith.muli %get3A_67, %mul3A_163 : vector<16xi32>
        %add3A_165 = arith.constant 5 : i32
        %add3A_166 = vector.broadcast %add3A_165 : i32 to vector<16xi32>
        %add3A_167 = arith.addi %mul3A_164, %add3A_166 : vector<16xi32>
        %gather3A_168 = tpu.vector_load_idx %arg8[%add3A_167] : memref<60000xf32, #tpu.memory_space<vmem>>[vector<16xi32>], vector<16xf32>,
        %mul3A_169 = arith.constant 3 : i32
        %mul3A_170 = vector.broadcast %mul3A_169 : i32 to vector<16xi32>
        %mul3A_171 = arith.muli %add3A_71, %mul3A_170 : vector<16xi32>
        %add3A_172 = arith.constant 2 : i32
        %add3A_173 = vector.broadcast %add3A_172 : i32 to vector<16xi32>
        %add3A_174 = arith.addi %mul3A_171, %add3A_173 : vector<16xi32>
        %gather3A_175 = tpu.vector_load_idx %arg12[%add3A_174] : memref<2400xf32, #tpu.memory_space<vmem>>[vector<16xi32>], vector<16xf32>,
        %add3A_176 = arith.addf %gather3A_161, %gather3A_168 : vector<16xf32>
        %add3A_177 = arith.addf %add3A_176, %gather3A_175 : vector<16xf32>
        %ge3A_178 = arith.constant 0.000000e+00 : f32
        %ge3A_179 = vector.broadcast %ge3A_178 : f32 to vector<16xf32>
        %ge3A_180 = arith.cmpf oge, %add3A_177, %ge3A_179 : vector<16xf32>
        %mul3A_181 = arith.constant 2.000000e-01 : f32
        %mul3A_182 = vector.broadcast %mul3A_181 : f32 to vector<16xf32>
        %mul3A_183 = arith.mulf %add3A_177, %mul3A_182 : vector<16xf32>
        %select_n3A_184 = arith.select %ge3A_180, %add3A_177, %mul3A_183 : vector<16xi1>, vector<16xf32>
        %exp3A_185 = math.exp %select_n3A_184 : vector<16xf32>
        %mul3A_186 = arith.constant 3 : i32
        %mul3A_187 = vector.broadcast %mul3A_186 : i32 to vector<16xi32>
        %mul3A_188 = arith.muli %add3A_71, %mul3A_187 : vector<16xi32>
        %add3A_189 = arith.constant 2 : i32
        %add3A_190 = vector.broadcast %add3A_189 : i32 to vector<16xi32>
        %add3A_191 = arith.addi %mul3A_188, %add3A_190 : vector<16xi32>
        tpu.vector_store_idx %arg13[%add3A_191], %exp3A_185 : memref<2400xf32, #tpu.memory_space<vmem>>[vector<16xi32>], vector<16xf32>,
        %mul3A_192 = arith.constant 3 : i32
        %mul3A_193 = vector.broadcast %mul3A_192 : i32 to vector<16xi32>
        %mul3A_194 = arith.muli %get3A_67, %mul3A_193 : vector<16xi32>
        %add3A_195 = arith.constant 2 : i32
        %add3A_196 = vector.broadcast %add3A_195 : i32 to vector<16xi32>
        %add3A_197 = arith.addi %mul3A_194, %add3A_196 : vector<16xi32>
        tpu.vector_store_idx %arg9[%add3A_197], %exp3A_185 {add = true} : memref<30000xf32, #tpu.memory_space<vmem>>[vector<16xi32>], vector<16xf32>,
        %scan3A_198 = arith.constant 0 : i32
        scf.yield %scan3A_198 : i32
      }
      %scan3A_55 = arith.constant 50 : i32
      %mul3A_56 = arith.constant 3 : i32
      %mul3A_57 = arith.muli %mul3A_46, %mul3A_56 : i32
      "tpu.region"() ({
        %run_scoped3A = tpu.sem_alloc : memref<!tpu.dma_semaphore, #tpu.memory_space<semaphore_mem>>
        %dma_start3A = tpu.memref_slice %arg6[%mul3A_57] : memref<480000xf32, #tpu.memory_space<hbm>> -> memref<2400xf32, #tpu.memory_space<hbm>>
        %dma_start3A_59 = tpu.memref_slice %arg6[%mul3A_57] : memref<480000xf32, #tpu.memory_space<hbm>> -> memref<2400xf32, #tpu.memory_space<hbm>>
        tpu.enqueue_dma source(%arg13 : memref<2400xf32, #tpu.memory_space<vmem>>) target(%dma_start3A_59 : memref<2400xf32, #tpu.memory_space<hbm>>) target_semaphore(%run_scoped3A : memref<!tpu.dma_semaphore, #tpu.memory_space<semaphore_mem>>)
        %dma_wait3A = tpu.memref_slice %arg6[%mul3A_57] : memref<480000xf32, #tpu.memory_space<hbm>> -> memref<2400xf32, #tpu.memory_space<hbm>>
        %dma_wait3A_60 = tpu.memref_slice %arg6[%mul3A_57] : memref<480000xf32, #tpu.memory_space<hbm>> -> memref<2400xf32, #tpu.memory_space<hbm>>
        tpu.wait_dma2 semaphore(%run_scoped3A : memref<!tpu.dma_semaphore, #tpu.memory_space<semaphore_mem>>) src(%arg13 : memref<2400xf32, #tpu.memory_space<vmem>>) dst(%dma_wait3A_60 : memref<2400xf32, #tpu.memory_space<hbm>>)
        tpu.yield
      }) : () -> ()
      %while3A_58 = arith.constant 0 : i32
      scf.yield %while3A_58 : i32
    }
    %while3A_38 = arith.constant 1 : i32
    %while3A_39 = scf.for %while3A_40 = %while3A_35 to %while3A_31 step %while3A_38 iter_args(%while3A_41 = %while3A_37) -> (i32)  : i32 {
      %mul3A_42 = arith.constant 32 : i32
      %mul3A_43 = arith.muli %while3A_40, %mul3A_42 : i32
      %add3A_44 = arith.addi %add3A, %mul3A_43 : i32
      %mul3A_45 = arith.constant 800 : i32
      %mul3A_46 = arith.muli %add3A_44, %mul3A_45 : i32
      "tpu.region"() ({
        %run_scoped3A = tpu.sem_alloc : memref<!tpu.dma_semaphore, #tpu.memory_space<semaphore_mem>>
        %dma_start3A = tpu.memref_slice %arg2[%mul3A_46] : memref<160000xi32, #tpu.memory_space<hbm>> -> memref<800xi32, #tpu.memory_space<hbm>>
        %dma_start3A_59 = tpu.memref_slice %arg2[%mul3A_46] : memref<160000xi32, #tpu.memory_space<hbm>> -> memref<800xi32, #tpu.memory_space<hbm>>
        tpu.enqueue_dma source(%dma_start3A_59 : memref<800xi32, #tpu.memory_space<hbm>>) target(%arg10 : memref<800xi32, #tpu.memory_space<vmem>>) target_semaphore(%run_scoped3A : memref<!tpu.dma_semaphore, #tpu.memory_space<semaphore_mem>>)
        %dma_wait3A = tpu.memref_slice %arg2[%mul3A_46] : memref<160000xi32, #tpu.memory_space<hbm>> -> memref<800xi32, #tpu.memory_space<hbm>>
        %dma_wait3A_60 = tpu.memref_slice %arg2[%mul3A_46] : memref<160000xi32, #tpu.memory_space<hbm>> -> memref<800xi32, #tpu.memory_space<hbm>>
        tpu.wait_dma2 semaphore(%run_scoped3A : memref<!tpu.dma_semaphore, #tpu.memory_space<semaphore_mem>>) src(%dma_wait3A_60 : memref<800xi32, #tpu.memory_space<hbm>>) dst(%arg10 : memref<800xi32, #tpu.memory_space<vmem>>)
        tpu.yield
      }) : () -> ()
      "tpu.region"() ({
        %run_scoped3A = tpu.sem_alloc : memref<!tpu.dma_semaphore, #tpu.memory_space<semaphore_mem>>
        %dma_start3A = tpu.memref_slice %arg3[%mul3A_46] : memref<160000xi32, #tpu.memory_space<hbm>> -> memref<800xi32, #tpu.memory_space<hbm>>
        %dma_start3A_59 = tpu.memref_slice %arg3[%mul3A_46] : memref<160000xi32, #tpu.memory_space<hbm>> -> memref<800xi32, #tpu.memory_space<hbm>>
        tpu.enqueue_dma source(%dma_start3A_59 : memref<800xi32, #tpu.memory_space<hbm>>) target(%arg11 : memref<800xi32, #tpu.memory_space<vmem>>) target_semaphore(%run_scoped3A : memref<!tpu.dma_semaphore, #tpu.memory_space<semaphore_mem>>)
        %dma_wait3A = tpu.memref_slice %arg3[%mul3A_46] : memref<160000xi32, #tpu.memory_space<hbm>> -> memref<800xi32, #tpu.memory_space<hbm>>
        %dma_wait3A_60 = tpu.memref_slice %arg3[%mul3A_46] : memref<160000xi32, #tpu.memory_space<hbm>> -> memref<800xi32, #tpu.memory_space<hbm>>
        tpu.wait_dma2 semaphore(%run_scoped3A : memref<!tpu.dma_semaphore, #tpu.memory_space<semaphore_mem>>) src(%dma_wait3A_60 : memref<800xi32, #tpu.memory_space<hbm>>) dst(%arg11 : memref<800xi32, #tpu.memory_space<vmem>>)
        tpu.yield
      }) : () -> ()
      %mul3A_47 = arith.constant 3 : i32
      %mul3A_48 = arith.muli %mul3A_46, %mul3A_47 : i32
      "tpu.region"() ({
        %run_scoped3A = tpu.sem_alloc : memref<!tpu.dma_semaphore, #tpu.memory_space<semaphore_mem>>
        %dma_start3A = tpu.memref_slice %arg4[%mul3A_48] : memref<480000xf32, #tpu.memory_space<hbm>> -> memref<2400xf32, #tpu.memory_space<hbm>>
        %dma_start3A_59 = tpu.memref_slice %arg4[%mul3A_48] : memref<480000xf32, #tpu.memory_space<hbm>> -> memref<2400xf32, #tpu.memory_space<hbm>>
        tpu.enqueue_dma source(%dma_start3A_59 : memref<2400xf32, #tpu.memory_space<hbm>>) target(%arg12 : memref<2400xf32, #tpu.memory_space<vmem>>) target_semaphore(%run_scoped3A : memref<!tpu.dma_semaphore, #tpu.memory_space<semaphore_mem>>)
        %dma_wait3A = tpu.memref_slice %arg4[%mul3A_48] : memref<480000xf32, #tpu.memory_space<hbm>> -> memref<2400xf32, #tpu.memory_space<hbm>>
        %dma_wait3A_60 = tpu.memref_slice %arg4[%mul3A_48] : memref<480000xf32, #tpu.memory_space<hbm>> -> memref<2400xf32, #tpu.memory_space<hbm>>
        tpu.wait_dma2 semaphore(%run_scoped3A : memref<!tpu.dma_semaphore, #tpu.memory_space<semaphore_mem>>) src(%dma_wait3A_60 : memref<2400xf32, #tpu.memory_space<hbm>>) dst(%arg12 : memref<2400xf32, #tpu.memory_space<vmem>>)
        tpu.yield
      }) : () -> ()
      %scan3A_49 = arith.constant 0 : i32
      %scan3A_50 = arith.constant 0 : i32
      %scan3A_51 = arith.constant 50 : i32
      %scan3A_52 = arith.addi %scan3A_50, %scan3A_51 : i32
      %scan3A_53 = arith.constant 1 : i32
      %scan3A_54 = scf.for %scan3A_59 = %scan3A_50 to %scan3A_52 step %scan3A_53 iter_args(%scan3A_60 = %scan3A_49) -> (i32)  : i32 {
        %mul3A_61 = arith.constant 16 : i32
        %mul3A_62 = arith.muli %scan3A_59, %mul3A_61 : i32
        %get3A = arith.index_cast %mul3A_62 : i32 to index
        %get3A_63 = tpu.vector_load %arg10[%get3A] {strides = array<i32>} : memref<800xi32, #tpu.memory_space<vmem>>, vector<16xi32>,
        %mul3A_64 = arith.constant 16 : i32
        %mul3A_65 = arith.muli %scan3A_59, %mul3A_64 : i32
        %get3A_66 = arith.index_cast %mul3A_65 : i32 to index
        %get3A_67 = tpu.vector_load %arg11[%get3A_66] {strides = array<i32>} : memref<800xi32, #tpu.memory_space<vmem>>, vector<16xi32>,
        %iota3A = tpu.iota {dimensions = array<i32: 0>} : vector<16xi32>
        %mul3A_68 = arith.constant 16 : i32
        %mul3A_69 = arith.muli %scan3A_59, %mul3A_68 : i32
        %add3A_70 = vector.broadcast %mul3A_69 : i32 to vector<16xi32>
        %add3A_71 = arith.addi %iota3A, %add3A_70 : vector<16xi32>
        %mul3A_72 = arith.constant 6 : i32
        %mul3A_73 = vector.broadcast %mul3A_72 : i32 to vector<16xi32>
        %mul3A_74 = arith.muli %get3A_63, %mul3A_73 : vector<16xi32>
        %add3A_75 = arith.constant 0 : i32
        %add3A_76 = vector.broadcast %add3A_75 : i32 to vector<16xi32>
        %add3A_77 = arith.addi %mul3A_74, %add3A_76 : vector<16xi32>
        %gather3A = tpu.vector_load_idx %arg8[%add3A_77] : memref<60000xf32, #tpu.memory_space<vmem>>[vector<16xi32>], vector<16xf32>,
        %mul3A_78 = arith.constant 6 : i32
        %mul3A_79 = vector.broadcast %mul3A_78 : i32 to vector<16xi32>
        %mul3A_80 = arith.muli %get3A_67, %mul3A_79 : vector<16xi32>
        %add3A_81 = arith.constant 3 : i32
        %add3A_82 = vector.broadcast %add3A_81 : i32 to vector<16xi32>
        %add3A_83 = arith.addi %mul3A_80, %add3A_82 : vector<16xi32>
        %gather3A_84 = tpu.vector_load_idx %arg8[%add3A_83] : memref<60000xf32, #tpu.memory_space<vmem>>[vector<16xi32>], vector<16xf32>,
        %mul3A_85 = arith.constant 3 : i32
        %mul3A_86 = vector.broadcast %mul3A_85 : i32 to vector<16xi32>
        %mul3A_87 = arith.muli %add3A_71, %mul3A_86 : vector<16xi32>
        %add3A_88 = arith.constant 0 : i32
        %add3A_89 = vector.broadcast %add3A_88 : i32 to vector<16xi32>
        %add3A_90 = arith.addi %mul3A_87, %add3A_89 : vector<16xi32>
        %gather3A_91 = tpu.vector_load_idx %arg12[%add3A_90] : memref<2400xf32, #tpu.memory_space<vmem>>[vector<16xi32>], vector<16xf32>,
        %add3A_92 = arith.addf %gather3A, %gather3A_84 : vector<16xf32>
        %add3A_93 = arith.addf %add3A_92, %gather3A_91 : vector<16xf32>
        %ge3A = arith.constant 0.000000e+00 : f32
        %ge3A_94 = vector.broadcast %ge3A : f32 to vector<16xf32>
        %ge3A_95 = arith.cmpf oge, %add3A_93, %ge3A_94 : vector<16xf32>
        %mul3A_96 = arith.constant 2.000000e-01 : f32
        %mul3A_97 = vector.broadcast %mul3A_96 : f32 to vector<16xf32>
        %mul3A_98 = arith.mulf %add3A_93, %mul3A_97 : vector<16xf32>
        %select_n3A_99 = arith.select %ge3A_95, %add3A_93, %mul3A_98 : vector<16xi1>, vector<16xf32>
        %exp3A = math.exp %select_n3A_99 : vector<16xf32>
        %mul3A_100 = arith.constant 3 : i32
        %mul3A_101 = vector.broadcast %mul3A_100 : i32 to vector<16xi32>
        %mul3A_102 = arith.muli %add3A_71, %mul3A_101 : vector<16xi32>
        %add3A_103 = arith.constant 0 : i32
        %add3A_104 = vector.broadcast %add3A_103 : i32 to vector<16xi32>
        %add3A_105 = arith.addi %mul3A_102, %add3A_104 : vector<16xi32>
        tpu.vector_store_idx %arg13[%add3A_105], %exp3A : memref<2400xf32, #tpu.memory_space<vmem>>[vector<16xi32>], vector<16xf32>,
        %mul3A_106 = arith.constant 3 : i32
        %mul3A_107 = vector.broadcast %mul3A_106 : i32 to vector<16xi32>
        %mul3A_108 = arith.muli %get3A_67, %mul3A_107 : vector<16xi32>
        %add3A_109 = arith.constant 0 : i32
        %add3A_110 = vector.broadcast %add3A_109 : i32 to vector<16xi32>
        %add3A_111 = arith.addi %mul3A_108, %add3A_110 : vector<16xi32>
        tpu.vector_store_idx %arg9[%add3A_111], %exp3A {add = true} : memref<30000xf32, #tpu.memory_space<vmem>>[vector<16xi32>], vector<16xf32>,
        %mul3A_112 = arith.constant 6 : i32
        %mul3A_113 = vector.broadcast %mul3A_112 : i32 to vector<16xi32>
        %mul3A_114 = arith.muli %get3A_63, %mul3A_113 : vector<16xi32>
        %add3A_115 = arith.constant 1 : i32
        %add3A_116 = vector.broadcast %add3A_115 : i32 to vector<16xi32>
        %add3A_117 = arith.addi %mul3A_114, %add3A_116 : vector<16xi32>
        %gather3A_118 = tpu.vector_load_idx %arg8[%add3A_117] : memref<60000xf32, #tpu.memory_space<vmem>>[vector<16xi32>], vector<16xf32>,
        %mul3A_119 = arith.constant 6 : i32
        %mul3A_120 = vector.broadcast %mul3A_119 : i32 to vector<16xi32>
        %mul3A_121 = arith.muli %get3A_67, %mul3A_120 : vector<16xi32>
        %add3A_122 = arith.constant 4 : i32
        %add3A_123 = vector.broadcast %add3A_122 : i32 to vector<16xi32>
        %add3A_124 = arith.addi %mul3A_121, %add3A_123 : vector<16xi32>
        %gather3A_125 = tpu.vector_load_idx %arg8[%add3A_124] : memref<60000xf32, #tpu.memory_space<vmem>>[vector<16xi32>], vector<16xf32>,
        %mul3A_126 = arith.constant 3 : i32
        %mul3A_127 = vector.broadcast %mul3A_126 : i32 to vector<16xi32>
        %mul3A_128 = arith.muli %add3A_71, %mul3A_127 : vector<16xi32>
        %add3A_129 = arith.constant 1 : i32
        %add3A_130 = vector.broadcast %add3A_129 : i32 to vector<16xi32>
        %add3A_131 = arith.addi %mul3A_128, %add3A_130 : vector<16xi32>
        %gather3A_132 = tpu.vector_load_idx %arg12[%add3A_131] : memref<2400xf32, #tpu.memory_space<vmem>>[vector<16xi32>], vector<16xf32>,
        %add3A_133 = arith.addf %gather3A_118, %gather3A_125 : vector<16xf32>
        %add3A_134 = arith.addf %add3A_133, %gather3A_132 : vector<16xf32>
        %ge3A_135 = arith.constant 0.000000e+00 : f32
        %ge3A_136 = vector.broadcast %ge3A_135 : f32 to vector<16xf32>
        %ge3A_137 = arith.cmpf oge, %add3A_134, %ge3A_136 : vector<16xf32>
        %mul3A_138 = arith.constant 2.000000e-01 : f32
        %mul3A_139 = vector.broadcast %mul3A_138 : f32 to vector<16xf32>
        %mul3A_140 = arith.mulf %add3A_134, %mul3A_139 : vector<16xf32>
        %select_n3A_141 = arith.select %ge3A_137, %add3A_134, %mul3A_140 : vector<16xi1>, vector<16xf32>
        %exp3A_142 = math.exp %select_n3A_141 : vector<16xf32>
        %mul3A_143 = arith.constant 3 : i32
        %mul3A_144 = vector.broadcast %mul3A_143 : i32 to vector<16xi32>
        %mul3A_145 = arith.muli %add3A_71, %mul3A_144 : vector<16xi32>
        %add3A_146 = arith.constant 1 : i32
        %add3A_147 = vector.broadcast %add3A_146 : i32 to vector<16xi32>
        %add3A_148 = arith.addi %mul3A_145, %add3A_147 : vector<16xi32>
        tpu.vector_store_idx %arg13[%add3A_148], %exp3A_142 : memref<2400xf32, #tpu.memory_space<vmem>>[vector<16xi32>], vector<16xf32>,
        %mul3A_149 = arith.constant 3 : i32
        %mul3A_150 = vector.broadcast %mul3A_149 : i32 to vector<16xi32>
        %mul3A_151 = arith.muli %get3A_67, %mul3A_150 : vector<16xi32>
        %add3A_152 = arith.constant 1 : i32
        %add3A_153 = vector.broadcast %add3A_152 : i32 to vector<16xi32>
        %add3A_154 = arith.addi %mul3A_151, %add3A_153 : vector<16xi32>
        tpu.vector_store_idx %arg9[%add3A_154], %exp3A_142 {add = true} : memref<30000xf32, #tpu.memory_space<vmem>>[vector<16xi32>], vector<16xf32>,
        %mul3A_155 = arith.constant 6 : i32
        %mul3A_156 = vector.broadcast %mul3A_155 : i32 to vector<16xi32>
        %mul3A_157 = arith.muli %get3A_63, %mul3A_156 : vector<16xi32>
        %add3A_158 = arith.constant 2 : i32
        %add3A_159 = vector.broadcast %add3A_158 : i32 to vector<16xi32>
        %add3A_160 = arith.addi %mul3A_157, %add3A_159 : vector<16xi32>
        %gather3A_161 = tpu.vector_load_idx %arg8[%add3A_160] : memref<60000xf32, #tpu.memory_space<vmem>>[vector<16xi32>], vector<16xf32>,
        %mul3A_162 = arith.constant 6 : i32
        %mul3A_163 = vector.broadcast %mul3A_162 : i32 to vector<16xi32>
        %mul3A_164 = arith.muli %get3A_67, %mul3A_163 : vector<16xi32>
        %add3A_165 = arith.constant 5 : i32
        %add3A_166 = vector.broadcast %add3A_165 : i32 to vector<16xi32>
        %add3A_167 = arith.addi %mul3A_164, %add3A_166 : vector<16xi32>
        %gather3A_168 = tpu.vector_load_idx %arg8[%add3A_167] : memref<60000xf32, #tpu.memory_space<vmem>>[vector<16xi32>], vector<16xf32>,
        %mul3A_169 = arith.constant 3 : i32
        %mul3A_170 = vector.broadcast %mul3A_169 : i32 to vector<16xi32>
        %mul3A_171 = arith.muli %add3A_71, %mul3A_170 : vector<16xi32>
        %add3A_172 = arith.constant 2 : i32
        %add3A_173 = vector.broadcast %add3A_172 : i32 to vector<16xi32>
        %add3A_174 = arith.addi %mul3A_171, %add3A_173 : vector<16xi32>
        %gather3A_175 = tpu.vector_load_idx %arg12[%add3A_174] : memref<2400xf32, #tpu.memory_space<vmem>>[vector<16xi32>], vector<16xf32>,
        %add3A_176 = arith.addf %gather3A_161, %gather3A_168 : vector<16xf32>
        %add3A_177 = arith.addf %add3A_176, %gather3A_175 : vector<16xf32>
        %ge3A_178 = arith.constant 0.000000e+00 : f32
        %ge3A_179 = vector.broadcast %ge3A_178 : f32 to vector<16xf32>
        %ge3A_180 = arith.cmpf oge, %add3A_177, %ge3A_179 : vector<16xf32>
        %mul3A_181 = arith.constant 2.000000e-01 : f32
        %mul3A_182 = vector.broadcast %mul3A_181 : f32 to vector<16xf32>
        %mul3A_183 = arith.mulf %add3A_177, %mul3A_182 : vector<16xf32>
        %select_n3A_184 = arith.select %ge3A_180, %add3A_177, %mul3A_183 : vector<16xi1>, vector<16xf32>
        %exp3A_185 = math.exp %select_n3A_184 : vector<16xf32>
        %mul3A_186 = arith.constant 3 : i32
        %mul3A_187 = vector.broadcast %mul3A_186 : i32 to vector<16xi32>
        %mul3A_188 = arith.muli %add3A_71, %mul3A_187 : vector<16xi32>
        %add3A_189 = arith.constant 2 : i32
        %add3A_190 = vector.broadcast %add3A_189 : i32 to vector<16xi32>
        %add3A_191 = arith.addi %mul3A_188, %add3A_190 : vector<16xi32>
        tpu.vector_store_idx %arg13[%add3A_191], %exp3A_185 : memref<2400xf32, #tpu.memory_space<vmem>>[vector<16xi32>], vector<16xf32>,
        %mul3A_192 = arith.constant 3 : i32
        %mul3A_193 = vector.broadcast %mul3A_192 : i32 to vector<16xi32>
        %mul3A_194 = arith.muli %get3A_67, %mul3A_193 : vector<16xi32>
        %add3A_195 = arith.constant 2 : i32
        %add3A_196 = vector.broadcast %add3A_195 : i32 to vector<16xi32>
        %add3A_197 = arith.addi %mul3A_194, %add3A_196 : vector<16xi32>
        tpu.vector_store_idx %arg9[%add3A_197], %exp3A_185 {add = true} : memref<30000xf32, #tpu.memory_space<vmem>>[vector<16xi32>], vector<16xf32>,
        %scan3A_198 = arith.constant 0 : i32
        scf.yield %scan3A_198 : i32
      }
      %scan3A_55 = arith.constant 50 : i32
      %mul3A_56 = arith.constant 3 : i32
      %mul3A_57 = arith.muli %mul3A_46, %mul3A_56 : i32
      "tpu.region"() ({
        %run_scoped3A = tpu.sem_alloc : memref<!tpu.dma_semaphore, #tpu.memory_space<semaphore_mem>>
        %dma_start3A = tpu.memref_slice %arg6[%mul3A_57] : memref<480000xf32, #tpu.memory_space<hbm>> -> memref<2400xf32, #tpu.memory_space<hbm>>
        %dma_start3A_59 = tpu.memref_slice %arg6[%mul3A_57] : memref<480000xf32, #tpu.memory_space<hbm>> -> memref<2400xf32, #tpu.memory_space<hbm>>
        tpu.enqueue_dma source(%arg13 : memref<2400xf32, #tpu.memory_space<vmem>>) target(%dma_start3A_59 : memref<2400xf32, #tpu.memory_space<hbm>>) target_semaphore(%run_scoped3A : memref<!tpu.dma_semaphore, #tpu.memory_space<semaphore_mem>>)
        %dma_wait3A = tpu.memref_slice %arg6[%mul3A_57] : memref<480000xf32, #tpu.memory_space<hbm>> -> memref<2400xf32, #tpu.memory_space<hbm>>
        %dma_wait3A_60 = tpu.memref_slice %arg6[%mul3A_57] : memref<480000xf32, #tpu.memory_space<hbm>> -> memref<2400xf32, #tpu.memory_space<hbm>>
        tpu.wait_dma2 semaphore(%run_scoped3A : memref<!tpu.dma_semaphore, #tpu.memory_space<semaphore_mem>>) src(%arg13 : memref<2400xf32, #tpu.memory_space<vmem>>) dst(%dma_wait3A_60 : memref<2400xf32, #tpu.memory_space<hbm>>)
        tpu.yield
      }) : () -> ()
      %while3A_58 = arith.constant 0 : i32
      scf.yield %while3A_58 : i32
    }
    "tpu.region"() ({
      %run_scoped3A = tpu.sem_alloc : memref<!tpu.dma_semaphore, #tpu.memory_space<semaphore_mem>>
      %dma_start3A = arith.constant 0 : i32
      %dma_start3A_40 = tpu.memref_slice %arg7[%add3A, %dma_start3A] : memref<32x30000xf32, #tpu.memory_space<hbm>> -> memref<1x30000xf32, #tpu.memory_space<hbm>>
      %dma_start3A_41 = tpu.memref_squeeze %dma_start3A_40 : memref<1x30000xf32, #tpu.memory_space<hbm>> -> memref<30000xf32, #tpu.memory_space<hbm>>
      %dma_start3A_42 = arith.constant 0 : i32
      %dma_start3A_43 = tpu.memref_slice %arg7[%add3A, %dma_start3A_42] : memref<32x30000xf32, #tpu.memory_space<hbm>> -> memref<1x30000xf32, #tpu.memory_space<hbm>>
      %dma_start3A_44 = tpu.memref_squeeze %dma_start3A_43 : memref<1x30000xf32, #tpu.memory_space<hbm>> -> memref<30000xf32, #tpu.memory_space<hbm>>
      tpu.enqueue_dma source(%arg9 : memref<30000xf32, #tpu.memory_space<vmem>>) target(%dma_start3A_44 : memref<30000xf32, #tpu.memory_space<hbm>>) target_semaphore(%run_scoped3A : memref<!tpu.dma_semaphore, #tpu.memory_space<semaphore_mem>>)
      %dma_wait3A = arith.constant 0 : i32
      %dma_wait3A_45 = tpu.memref_slice %arg7[%add3A, %dma_wait3A] : memref<32x30000xf32, #tpu.memory_space<hbm>> -> memref<1x30000xf32, #tpu.memory_space<hbm>>
      %dma_wait3A_46 = tpu.memref_squeeze %dma_wait3A_45 : memref<1x30000xf32, #tpu.memory_space<hbm>> -> memref<30000xf32, #tpu.memory_space<hbm>>
      %dma_wait3A_47 = arith.constant 0 : i32
      %dma_wait3A_48 = tpu.memref_slice %arg7[%add3A, %dma_wait3A_47] : memref<32x30000xf32, #tpu.memory_space<hbm>> -> memref<1x30000xf32, #tpu.memory_space<hbm>>
      %dma_wait3A_49 = tpu.memref_squeeze %dma_wait3A_48 : memref<1x30000xf32, #tpu.memory_space<hbm>> -> memref<30000xf32, #tpu.memory_space<hbm>>
      tpu.wait_dma2 semaphore(%run_scoped3A : memref<!tpu.dma_semaphore, #tpu.memory_space<semaphore_mem>>) src(%arg9 : memref<30000xf32, #tpu.memory_space<vmem>>) dst(%dma_wait3A_49 : memref<30000xf32, #tpu.memory_space<hbm>>)
      tpu.yield
    }) : () -> ()
    return
  }
}

#map = affine_map<(d0, d1) -> (0)>
module attributes {stable_mosaic.version = 14 : i64} {
  func.func @_sc2_body(%arg0: i32, %arg1: i32, %arg2: memref<160000xi32, #tpu.memory_space<hbm>>, %arg3: memref<480000xf32, #tpu.memory_space<hbm>>, %arg4: memref<30000xf32, #tpu.memory_space<hbm>>, %arg5: memref<480000xf32, #tpu.memory_space<hbm>>, %arg6: memref<30000xf32, #tpu.memory_space<vmem>>, %arg7: memref<800xi32, #tpu.memory_space<vmem>>, %arg8: memref<2400xf32, #tpu.memory_space<vmem>>, %arg9: memref<2400xf32, #tpu.memory_space<vmem>>) attributes {dimension_semantics = [#tpu.dimension_semantics<core_parallel>, #tpu.dimension_semantics<subcore_parallel>], iteration_bounds = array<i64: 2, 16>, scalar_prefetch = 0 : i64, scratch_operands = 4 : i64, tpu.core_type = #tpu.core_type<sc_vector_subcore>, window_params = [{transform_indices = #map}, {transform_indices = #map}, {transform_indices = #map}, {transform_indices = #map}]} {
    %mul3A = arith.constant 2 : i32
    %mul3A_0 = arith.muli %arg1, %mul3A : i32
    %add3A = arith.addi %mul3A_0, %arg0 : i32
    "tpu.region"() ({
      %run_scoped3A = tpu.sem_alloc : memref<!tpu.dma_semaphore, #tpu.memory_space<semaphore_mem>>
      tpu.enqueue_dma source(%arg4 : memref<30000xf32, #tpu.memory_space<hbm>>) target(%arg6 : memref<30000xf32, #tpu.memory_space<vmem>>) target_semaphore(%run_scoped3A : memref<!tpu.dma_semaphore, #tpu.memory_space<semaphore_mem>>)
      tpu.wait_dma2 semaphore(%run_scoped3A : memref<!tpu.dma_semaphore, #tpu.memory_space<semaphore_mem>>) src(%arg4 : memref<30000xf32, #tpu.memory_space<hbm>>) dst(%arg6 : memref<30000xf32, #tpu.memory_space<vmem>>)
      tpu.yield
    }) : () -> ()
    %sub3A = arith.constant 200 : i32
    %sub3A_1 = arith.subi %sub3A, %add3A : i32
    %add3A_2 = arith.constant 32 : i32
    %add3A_3 = arith.addi %sub3A_1, %add3A_2 : i32
    %sub3A_4 = arith.constant 1 : i32
    %sub3A_5 = arith.subi %add3A_3, %sub3A_4 : i32
    %jit3A = arith.constant 32 : i32
    %div3A = arith.divsi %sub3A_5, %jit3A : i32
    %sign3A = arith.constant 0 : i32
    %sign3A_6 = arith.cmpi sgt, %sub3A_5, %sign3A : i32
    %sign3A_7 = arith.extui %sign3A_6 : i1 to i32
    %sign3A_8 = arith.constant 0 : i32
    %sign3A_9 = arith.cmpi slt, %sub3A_5, %sign3A_8 : i32
    %sign3A_10 = arith.extui %sign3A_9 : i1 to i32
    %sign3A_11 = arith.subi %sign3A_7, %sign3A_10 : i32
    %sign3A_12 = arith.constant 0 : i32
    %sign3A_13 = arith.cmpi sgt, %jit3A, %sign3A_12 : i32
    %sign3A_14 = arith.extui %sign3A_13 : i1 to i32
    %sign3A_15 = arith.constant 0 : i32
    %sign3A_16 = arith.cmpi slt, %jit3A, %sign3A_15 : i32
    %sign3A_17 = arith.extui %sign3A_16 : i1 to i32
    %sign3A_18 = arith.subi %sign3A_14, %sign3A_17 : i32
    %ne3A = arith.cmpi ne, %sign3A_11, %sign3A_18 : i32
    %rem3A = arith.remsi %sub3A_5, %jit3A : i32
    %ne3A_19 = arith.constant 0 : i32
    %ne3A_20 = arith.cmpi ne, %rem3A, %ne3A_19 : i32
    %and3A = arith.andi %ne3A, %ne3A_20 : i1
    %sub3A_21 = arith.constant 1 : i32
    %sub3A_22 = arith.subi %div3A, %sub3A_21 : i32
    %select_n3A = arith.select %and3A, %sub3A_22, %div3A : i32
    %while3A = arith.constant 0 : i32
    %while3A_23 = arith.constant 0 : i32
    %while3A_24 = arith.subi %select_n3A, %while3A : i32
    %while3A_25 = arith.addi %while3A, %while3A_24 : i32
    %while3A_26 = arith.constant 1 : i32
    %while3A_27 = arith.divsi %while3A_24, %while3A_26 : i32
    %while3A_28 = arith.muli %while3A_27, %while3A_26 : i32
    %while3A_29 = arith.addi %while3A, %while3A_28 : i32
    %while3A_30 = arith.constant 1 : i32
    %while3A_31 = scf.for %while3A_34 = %while3A to %while3A_29 step %while3A_30 iter_args(%while3A_35 = %while3A_23) -> (i32)  : i32 {
      %mul3A_36 = arith.constant 32 : i32
      %mul3A_37 = arith.muli %while3A_34, %mul3A_36 : i32
      %add3A_38 = arith.addi %add3A, %mul3A_37 : i32
      %mul3A_39 = arith.constant 800 : i32
      %mul3A_40 = arith.muli %add3A_38, %mul3A_39 : i32
      "tpu.region"() ({
        %run_scoped3A = tpu.sem_alloc : memref<!tpu.dma_semaphore, #tpu.memory_space<semaphore_mem>>
        %dma_start3A = tpu.memref_slice %arg2[%mul3A_40] : memref<160000xi32, #tpu.memory_space<hbm>> -> memref<800xi32, #tpu.memory_space<hbm>>
        %dma_start3A_52 = tpu.memref_slice %arg2[%mul3A_40] : memref<160000xi32, #tpu.memory_space<hbm>> -> memref<800xi32, #tpu.memory_space<hbm>>
        tpu.enqueue_dma source(%dma_start3A_52 : memref<800xi32, #tpu.memory_space<hbm>>) target(%arg7 : memref<800xi32, #tpu.memory_space<vmem>>) target_semaphore(%run_scoped3A : memref<!tpu.dma_semaphore, #tpu.memory_space<semaphore_mem>>)
        %dma_wait3A = tpu.memref_slice %arg2[%mul3A_40] : memref<160000xi32, #tpu.memory_space<hbm>> -> memref<800xi32, #tpu.memory_space<hbm>>
        %dma_wait3A_53 = tpu.memref_slice %arg2[%mul3A_40] : memref<160000xi32, #tpu.memory_space<hbm>> -> memref<800xi32, #tpu.memory_space<hbm>>
        tpu.wait_dma2 semaphore(%run_scoped3A : memref<!tpu.dma_semaphore, #tpu.memory_space<semaphore_mem>>) src(%dma_wait3A_53 : memref<800xi32, #tpu.memory_space<hbm>>) dst(%arg7 : memref<800xi32, #tpu.memory_space<vmem>>)
        tpu.yield
      }) : () -> ()
      %mul3A_41 = arith.constant 3 : i32
      %mul3A_42 = arith.muli %mul3A_40, %mul3A_41 : i32
      "tpu.region"() ({
        %run_scoped3A = tpu.sem_alloc : memref<!tpu.dma_semaphore, #tpu.memory_space<semaphore_mem>>
        %dma_start3A = tpu.memref_slice %arg3[%mul3A_42] : memref<480000xf32, #tpu.memory_space<hbm>> -> memref<2400xf32, #tpu.memory_space<hbm>>
        %dma_start3A_52 = tpu.memref_slice %arg3[%mul3A_42] : memref<480000xf32, #tpu.memory_space<hbm>> -> memref<2400xf32, #tpu.memory_space<hbm>>
        tpu.enqueue_dma source(%dma_start3A_52 : memref<2400xf32, #tpu.memory_space<hbm>>) target(%arg8 : memref<2400xf32, #tpu.memory_space<vmem>>) target_semaphore(%run_scoped3A : memref<!tpu.dma_semaphore, #tpu.memory_space<semaphore_mem>>)
        %dma_wait3A = tpu.memref_slice %arg3[%mul3A_42] : memref<480000xf32, #tpu.memory_space<hbm>> -> memref<2400xf32, #tpu.memory_space<hbm>>
        %dma_wait3A_53 = tpu.memref_slice %arg3[%mul3A_42] : memref<480000xf32, #tpu.memory_space<hbm>> -> memref<2400xf32, #tpu.memory_space<hbm>>
        tpu.wait_dma2 semaphore(%run_scoped3A : memref<!tpu.dma_semaphore, #tpu.memory_space<semaphore_mem>>) src(%dma_wait3A_53 : memref<2400xf32, #tpu.memory_space<hbm>>) dst(%arg8 : memref<2400xf32, #tpu.memory_space<vmem>>)
        tpu.yield
      }) : () -> ()
      %scan3A = arith.constant 0 : i32
      %scan3A_43 = arith.constant 0 : i32
      %scan3A_44 = arith.constant 50 : i32
      %scan3A_45 = arith.addi %scan3A_43, %scan3A_44 : i32
      %scan3A_46 = arith.constant 1 : i32
      %scan3A_47 = scf.for %scan3A_52 = %scan3A_43 to %scan3A_45 step %scan3A_46 iter_args(%scan3A_53 = %scan3A) -> (i32)  : i32 {
        %mul3A_54 = arith.constant 16 : i32
        %mul3A_55 = arith.muli %scan3A_52, %mul3A_54 : i32
        %get3A = arith.index_cast %mul3A_55 : i32 to index
        %get3A_56 = tpu.vector_load %arg7[%get3A] {strides = array<i32>} : memref<800xi32, #tpu.memory_space<vmem>>, vector<16xi32>,
        %iota3A = tpu.iota {dimensions = array<i32: 0>} : vector<16xi32>
        %mul3A_57 = arith.constant 16 : i32
        %mul3A_58 = arith.muli %scan3A_52, %mul3A_57 : i32
        %add3A_59 = vector.broadcast %mul3A_58 : i32 to vector<16xi32>
        %add3A_60 = arith.addi %iota3A, %add3A_59 : vector<16xi32>
        %mul3A_61 = arith.constant 3 : i32
        %mul3A_62 = vector.broadcast %mul3A_61 : i32 to vector<16xi32>
        %mul3A_63 = arith.muli %add3A_60, %mul3A_62 : vector<16xi32>
        %add3A_64 = arith.constant 0 : i32
        %add3A_65 = vector.broadcast %add3A_64 : i32 to vector<16xi32>
        %add3A_66 = arith.addi %mul3A_63, %add3A_65 : vector<16xi32>
        %gather3A = tpu.vector_load_idx %arg8[%add3A_66] : memref<2400xf32, #tpu.memory_space<vmem>>[vector<16xi32>], vector<16xf32>,
        %mul3A_67 = arith.constant 3 : i32
        %mul3A_68 = vector.broadcast %mul3A_67 : i32 to vector<16xi32>
        %mul3A_69 = arith.muli %get3A_56, %mul3A_68 : vector<16xi32>
        %add3A_70 = arith.constant 0 : i32
        %add3A_71 = vector.broadcast %add3A_70 : i32 to vector<16xi32>
        %add3A_72 = arith.addi %mul3A_69, %add3A_71 : vector<16xi32>
        %gather3A_73 = tpu.vector_load_idx %arg6[%add3A_72] : memref<30000xf32, #tpu.memory_space<vmem>>[vector<16xi32>], vector<16xf32>,
        %mul3A_74 = arith.constant 3 : i32
        %mul3A_75 = vector.broadcast %mul3A_74 : i32 to vector<16xi32>
        %mul3A_76 = arith.muli %add3A_60, %mul3A_75 : vector<16xi32>
        %add3A_77 = arith.constant 0 : i32
        %add3A_78 = vector.broadcast %add3A_77 : i32 to vector<16xi32>
        %add3A_79 = arith.addi %mul3A_76, %add3A_78 : vector<16xi32>
        %mul3A_80 = arith.mulf %gather3A, %gather3A_73 : vector<16xf32>
        tpu.vector_store_idx %arg9[%add3A_79], %mul3A_80 : memref<2400xf32, #tpu.memory_space<vmem>>[vector<16xi32>], vector<16xf32>,
        %mul3A_81 = arith.constant 3 : i32
        %mul3A_82 = vector.broadcast %mul3A_81 : i32 to vector<16xi32>
        %mul3A_83 = arith.muli %add3A_60, %mul3A_82 : vector<16xi32>
        %add3A_84 = arith.constant 1 : i32
        %add3A_85 = vector.broadcast %add3A_84 : i32 to vector<16xi32>
        %add3A_86 = arith.addi %mul3A_83, %add3A_85 : vector<16xi32>
        %gather3A_87 = tpu.vector_load_idx %arg8[%add3A_86] : memref<2400xf32, #tpu.memory_space<vmem>>[vector<16xi32>], vector<16xf32>,
        %mul3A_88 = arith.constant 3 : i32
        %mul3A_89 = vector.broadcast %mul3A_88 : i32 to vector<16xi32>
        %mul3A_90 = arith.muli %get3A_56, %mul3A_89 : vector<16xi32>
        %add3A_91 = arith.constant 1 : i32
        %add3A_92 = vector.broadcast %add3A_91 : i32 to vector<16xi32>
        %add3A_93 = arith.addi %mul3A_90, %add3A_92 : vector<16xi32>
        %gather3A_94 = tpu.vector_load_idx %arg6[%add3A_93] : memref<30000xf32, #tpu.memory_space<vmem>>[vector<16xi32>], vector<16xf32>,
        %mul3A_95 = arith.constant 3 : i32
        %mul3A_96 = vector.broadcast %mul3A_95 : i32 to vector<16xi32>
        %mul3A_97 = arith.muli %add3A_60, %mul3A_96 : vector<16xi32>
        %add3A_98 = arith.constant 1 : i32
        %add3A_99 = vector.broadcast %add3A_98 : i32 to vector<16xi32>
        %add3A_100 = arith.addi %mul3A_97, %add3A_99 : vector<16xi32>
        %mul3A_101 = arith.mulf %gather3A_87, %gather3A_94 : vector<16xf32>
        tpu.vector_store_idx %arg9[%add3A_100], %mul3A_101 : memref<2400xf32, #tpu.memory_space<vmem>>[vector<16xi32>], vector<16xf32>,
        %mul3A_102 = arith.constant 3 : i32
        %mul3A_103 = vector.broadcast %mul3A_102 : i32 to vector<16xi32>
        %mul3A_104 = arith.muli %add3A_60, %mul3A_103 : vector<16xi32>
        %add3A_105 = arith.constant 2 : i32
        %add3A_106 = vector.broadcast %add3A_105 : i32 to vector<16xi32>
        %add3A_107 = arith.addi %mul3A_104, %add3A_106 : vector<16xi32>
        %gather3A_108 = tpu.vector_load_idx %arg8[%add3A_107] : memref<2400xf32, #tpu.memory_space<vmem>>[vector<16xi32>], vector<16xf32>,
        %mul3A_109 = arith.constant 3 : i32
        %mul3A_110 = vector.broadcast %mul3A_109 : i32 to vector<16xi32>
        %mul3A_111 = arith.muli %get3A_56, %mul3A_110 : vector<16xi32>
        %add3A_112 = arith.constant 2 : i32
        %add3A_113 = vector.broadcast %add3A_112 : i32 to vector<16xi32>
        %add3A_114 = arith.addi %mul3A_111, %add3A_113 : vector<16xi32>
        %gather3A_115 = tpu.vector_load_idx %arg6[%add3A_114] : memref<30000xf32, #tpu.memory_space<vmem>>[vector<16xi32>], vector<16xf32>,
        %mul3A_116 = arith.constant 3 : i32
        %mul3A_117 = vector.broadcast %mul3A_116 : i32 to vector<16xi32>
        %mul3A_118 = arith.muli %add3A_60, %mul3A_117 : vector<16xi32>
        %add3A_119 = arith.constant 2 : i32
        %add3A_120 = vector.broadcast %add3A_119 : i32 to vector<16xi32>
        %add3A_121 = arith.addi %mul3A_118, %add3A_120 : vector<16xi32>
        %mul3A_122 = arith.mulf %gather3A_108, %gather3A_115 : vector<16xf32>
        tpu.vector_store_idx %arg9[%add3A_121], %mul3A_122 : memref<2400xf32, #tpu.memory_space<vmem>>[vector<16xi32>], vector<16xf32>,
        %scan3A_123 = arith.constant 0 : i32
        scf.yield %scan3A_123 : i32
      }
      %scan3A_48 = arith.constant 50 : i32
      %mul3A_49 = arith.constant 3 : i32
      %mul3A_50 = arith.muli %mul3A_40, %mul3A_49 : i32
      "tpu.region"() ({
        %run_scoped3A = tpu.sem_alloc : memref<!tpu.dma_semaphore, #tpu.memory_space<semaphore_mem>>
        %dma_start3A = tpu.memref_slice %arg5[%mul3A_50] : memref<480000xf32, #tpu.memory_space<hbm>> -> memref<2400xf32, #tpu.memory_space<hbm>>
        %dma_start3A_52 = tpu.memref_slice %arg5[%mul3A_50] : memref<480000xf32, #tpu.memory_space<hbm>> -> memref<2400xf32, #tpu.memory_space<hbm>>
        tpu.enqueue_dma source(%arg9 : memref<2400xf32, #tpu.memory_space<vmem>>) target(%dma_start3A_52 : memref<2400xf32, #tpu.memory_space<hbm>>) target_semaphore(%run_scoped3A : memref<!tpu.dma_semaphore, #tpu.memory_space<semaphore_mem>>)
        %dma_wait3A = tpu.memref_slice %arg5[%mul3A_50] : memref<480000xf32, #tpu.memory_space<hbm>> -> memref<2400xf32, #tpu.memory_space<hbm>>
        %dma_wait3A_53 = tpu.memref_slice %arg5[%mul3A_50] : memref<480000xf32, #tpu.memory_space<hbm>> -> memref<2400xf32, #tpu.memory_space<hbm>>
        tpu.wait_dma2 semaphore(%run_scoped3A : memref<!tpu.dma_semaphore, #tpu.memory_space<semaphore_mem>>) src(%arg9 : memref<2400xf32, #tpu.memory_space<vmem>>) dst(%dma_wait3A_53 : memref<2400xf32, #tpu.memory_space<hbm>>)
        tpu.yield
      }) : () -> ()
      %while3A_51 = arith.constant 0 : i32
      scf.yield %while3A_51 : i32
    }
    %while3A_32 = arith.constant 1 : i32
    %while3A_33 = scf.for %while3A_34 = %while3A_29 to %while3A_25 step %while3A_32 iter_args(%while3A_35 = %while3A_31) -> (i32)  : i32 {
      %mul3A_36 = arith.constant 32 : i32
      %mul3A_37 = arith.muli %while3A_34, %mul3A_36 : i32
      %add3A_38 = arith.addi %add3A, %mul3A_37 : i32
      %mul3A_39 = arith.constant 800 : i32
      %mul3A_40 = arith.muli %add3A_38, %mul3A_39 : i32
      "tpu.region"() ({
        %run_scoped3A = tpu.sem_alloc : memref<!tpu.dma_semaphore, #tpu.memory_space<semaphore_mem>>
        %dma_start3A = tpu.memref_slice %arg2[%mul3A_40] : memref<160000xi32, #tpu.memory_space<hbm>> -> memref<800xi32, #tpu.memory_space<hbm>>
        %dma_start3A_52 = tpu.memref_slice %arg2[%mul3A_40] : memref<160000xi32, #tpu.memory_space<hbm>> -> memref<800xi32, #tpu.memory_space<hbm>>
        tpu.enqueue_dma source(%dma_start3A_52 : memref<800xi32, #tpu.memory_space<hbm>>) target(%arg7 : memref<800xi32, #tpu.memory_space<vmem>>) target_semaphore(%run_scoped3A : memref<!tpu.dma_semaphore, #tpu.memory_space<semaphore_mem>>)
        %dma_wait3A = tpu.memref_slice %arg2[%mul3A_40] : memref<160000xi32, #tpu.memory_space<hbm>> -> memref<800xi32, #tpu.memory_space<hbm>>
        %dma_wait3A_53 = tpu.memref_slice %arg2[%mul3A_40] : memref<160000xi32, #tpu.memory_space<hbm>> -> memref<800xi32, #tpu.memory_space<hbm>>
        tpu.wait_dma2 semaphore(%run_scoped3A : memref<!tpu.dma_semaphore, #tpu.memory_space<semaphore_mem>>) src(%dma_wait3A_53 : memref<800xi32, #tpu.memory_space<hbm>>) dst(%arg7 : memref<800xi32, #tpu.memory_space<vmem>>)
        tpu.yield
      }) : () -> ()
      %mul3A_41 = arith.constant 3 : i32
      %mul3A_42 = arith.muli %mul3A_40, %mul3A_41 : i32
      "tpu.region"() ({
        %run_scoped3A = tpu.sem_alloc : memref<!tpu.dma_semaphore, #tpu.memory_space<semaphore_mem>>
        %dma_start3A = tpu.memref_slice %arg3[%mul3A_42] : memref<480000xf32, #tpu.memory_space<hbm>> -> memref<2400xf32, #tpu.memory_space<hbm>>
        %dma_start3A_52 = tpu.memref_slice %arg3[%mul3A_42] : memref<480000xf32, #tpu.memory_space<hbm>> -> memref<2400xf32, #tpu.memory_space<hbm>>
        tpu.enqueue_dma source(%dma_start3A_52 : memref<2400xf32, #tpu.memory_space<hbm>>) target(%arg8 : memref<2400xf32, #tpu.memory_space<vmem>>) target_semaphore(%run_scoped3A : memref<!tpu.dma_semaphore, #tpu.memory_space<semaphore_mem>>)
        %dma_wait3A = tpu.memref_slice %arg3[%mul3A_42] : memref<480000xf32, #tpu.memory_space<hbm>> -> memref<2400xf32, #tpu.memory_space<hbm>>
        %dma_wait3A_53 = tpu.memref_slice %arg3[%mul3A_42] : memref<480000xf32, #tpu.memory_space<hbm>> -> memref<2400xf32, #tpu.memory_space<hbm>>
        tpu.wait_dma2 semaphore(%run_scoped3A : memref<!tpu.dma_semaphore, #tpu.memory_space<semaphore_mem>>) src(%dma_wait3A_53 : memref<2400xf32, #tpu.memory_space<hbm>>) dst(%arg8 : memref<2400xf32, #tpu.memory_space<vmem>>)
        tpu.yield
      }) : () -> ()
      %scan3A = arith.constant 0 : i32
      %scan3A_43 = arith.constant 0 : i32
      %scan3A_44 = arith.constant 50 : i32
      %scan3A_45 = arith.addi %scan3A_43, %scan3A_44 : i32
      %scan3A_46 = arith.constant 1 : i32
      %scan3A_47 = scf.for %scan3A_52 = %scan3A_43 to %scan3A_45 step %scan3A_46 iter_args(%scan3A_53 = %scan3A) -> (i32)  : i32 {
        %mul3A_54 = arith.constant 16 : i32
        %mul3A_55 = arith.muli %scan3A_52, %mul3A_54 : i32
        %get3A = arith.index_cast %mul3A_55 : i32 to index
        %get3A_56 = tpu.vector_load %arg7[%get3A] {strides = array<i32>} : memref<800xi32, #tpu.memory_space<vmem>>, vector<16xi32>,
        %iota3A = tpu.iota {dimensions = array<i32: 0>} : vector<16xi32>
        %mul3A_57 = arith.constant 16 : i32
        %mul3A_58 = arith.muli %scan3A_52, %mul3A_57 : i32
        %add3A_59 = vector.broadcast %mul3A_58 : i32 to vector<16xi32>
        %add3A_60 = arith.addi %iota3A, %add3A_59 : vector<16xi32>
        %mul3A_61 = arith.constant 3 : i32
        %mul3A_62 = vector.broadcast %mul3A_61 : i32 to vector<16xi32>
        %mul3A_63 = arith.muli %add3A_60, %mul3A_62 : vector<16xi32>
        %add3A_64 = arith.constant 0 : i32
        %add3A_65 = vector.broadcast %add3A_64 : i32 to vector<16xi32>
        %add3A_66 = arith.addi %mul3A_63, %add3A_65 : vector<16xi32>
        %gather3A = tpu.vector_load_idx %arg8[%add3A_66] : memref<2400xf32, #tpu.memory_space<vmem>>[vector<16xi32>], vector<16xf32>,
        %mul3A_67 = arith.constant 3 : i32
        %mul3A_68 = vector.broadcast %mul3A_67 : i32 to vector<16xi32>
        %mul3A_69 = arith.muli %get3A_56, %mul3A_68 : vector<16xi32>
        %add3A_70 = arith.constant 0 : i32
        %add3A_71 = vector.broadcast %add3A_70 : i32 to vector<16xi32>
        %add3A_72 = arith.addi %mul3A_69, %add3A_71 : vector<16xi32>
        %gather3A_73 = tpu.vector_load_idx %arg6[%add3A_72] : memref<30000xf32, #tpu.memory_space<vmem>>[vector<16xi32>], vector<16xf32>,
        %mul3A_74 = arith.constant 3 : i32
        %mul3A_75 = vector.broadcast %mul3A_74 : i32 to vector<16xi32>
        %mul3A_76 = arith.muli %add3A_60, %mul3A_75 : vector<16xi32>
        %add3A_77 = arith.constant 0 : i32
        %add3A_78 = vector.broadcast %add3A_77 : i32 to vector<16xi32>
        %add3A_79 = arith.addi %mul3A_76, %add3A_78 : vector<16xi32>
        %mul3A_80 = arith.mulf %gather3A, %gather3A_73 : vector<16xf32>
        tpu.vector_store_idx %arg9[%add3A_79], %mul3A_80 : memref<2400xf32, #tpu.memory_space<vmem>>[vector<16xi32>], vector<16xf32>,
        %mul3A_81 = arith.constant 3 : i32
        %mul3A_82 = vector.broadcast %mul3A_81 : i32 to vector<16xi32>
        %mul3A_83 = arith.muli %add3A_60, %mul3A_82 : vector<16xi32>
        %add3A_84 = arith.constant 1 : i32
        %add3A_85 = vector.broadcast %add3A_84 : i32 to vector<16xi32>
        %add3A_86 = arith.addi %mul3A_83, %add3A_85 : vector<16xi32>
        %gather3A_87 = tpu.vector_load_idx %arg8[%add3A_86] : memref<2400xf32, #tpu.memory_space<vmem>>[vector<16xi32>], vector<16xf32>,
        %mul3A_88 = arith.constant 3 : i32
        %mul3A_89 = vector.broadcast %mul3A_88 : i32 to vector<16xi32>
        %mul3A_90 = arith.muli %get3A_56, %mul3A_89 : vector<16xi32>
        %add3A_91 = arith.constant 1 : i32
        %add3A_92 = vector.broadcast %add3A_91 : i32 to vector<16xi32>
        %add3A_93 = arith.addi %mul3A_90, %add3A_92 : vector<16xi32>
        %gather3A_94 = tpu.vector_load_idx %arg6[%add3A_93] : memref<30000xf32, #tpu.memory_space<vmem>>[vector<16xi32>], vector<16xf32>,
        %mul3A_95 = arith.constant 3 : i32
        %mul3A_96 = vector.broadcast %mul3A_95 : i32 to vector<16xi32>
        %mul3A_97 = arith.muli %add3A_60, %mul3A_96 : vector<16xi32>
        %add3A_98 = arith.constant 1 : i32
        %add3A_99 = vector.broadcast %add3A_98 : i32 to vector<16xi32>
        %add3A_100 = arith.addi %mul3A_97, %add3A_99 : vector<16xi32>
        %mul3A_101 = arith.mulf %gather3A_87, %gather3A_94 : vector<16xf32>
        tpu.vector_store_idx %arg9[%add3A_100], %mul3A_101 : memref<2400xf32, #tpu.memory_space<vmem>>[vector<16xi32>], vector<16xf32>,
        %mul3A_102 = arith.constant 3 : i32
        %mul3A_103 = vector.broadcast %mul3A_102 : i32 to vector<16xi32>
        %mul3A_104 = arith.muli %add3A_60, %mul3A_103 : vector<16xi32>
        %add3A_105 = arith.constant 2 : i32
        %add3A_106 = vector.broadcast %add3A_105 : i32 to vector<16xi32>
        %add3A_107 = arith.addi %mul3A_104, %add3A_106 : vector<16xi32>
        %gather3A_108 = tpu.vector_load_idx %arg8[%add3A_107] : memref<2400xf32, #tpu.memory_space<vmem>>[vector<16xi32>], vector<16xf32>,
        %mul3A_109 = arith.constant 3 : i32
        %mul3A_110 = vector.broadcast %mul3A_109 : i32 to vector<16xi32>
        %mul3A_111 = arith.muli %get3A_56, %mul3A_110 : vector<16xi32>
        %add3A_112 = arith.constant 2 : i32
        %add3A_113 = vector.broadcast %add3A_112 : i32 to vector<16xi32>
        %add3A_114 = arith.addi %mul3A_111, %add3A_113 : vector<16xi32>
        %gather3A_115 = tpu.vector_load_idx %arg6[%add3A_114] : memref<30000xf32, #tpu.memory_space<vmem>>[vector<16xi32>], vector<16xf32>,
        %mul3A_116 = arith.constant 3 : i32
        %mul3A_117 = vector.broadcast %mul3A_116 : i32 to vector<16xi32>
        %mul3A_118 = arith.muli %add3A_60, %mul3A_117 : vector<16xi32>
        %add3A_119 = arith.constant 2 : i32
        %add3A_120 = vector.broadcast %add3A_119 : i32 to vector<16xi32>
        %add3A_121 = arith.addi %mul3A_118, %add3A_120 : vector<16xi32>
        %mul3A_122 = arith.mulf %gather3A_108, %gather3A_115 : vector<16xf32>
        tpu.vector_store_idx %arg9[%add3A_121], %mul3A_122 : memref<2400xf32, #tpu.memory_space<vmem>>[vector<16xi32>], vector<16xf32>,
        %scan3A_123 = arith.constant 0 : i32
        scf.yield %scan3A_123 : i32
      }
      %scan3A_48 = arith.constant 50 : i32
      %mul3A_49 = arith.constant 3 : i32
      %mul3A_50 = arith.muli %mul3A_40, %mul3A_49 : i32
      "tpu.region"() ({
        %run_scoped3A = tpu.sem_alloc : memref<!tpu.dma_semaphore, #tpu.memory_space<semaphore_mem>>
        %dma_start3A = tpu.memref_slice %arg5[%mul3A_50] : memref<480000xf32, #tpu.memory_space<hbm>> -> memref<2400xf32, #tpu.memory_space<hbm>>
        %dma_start3A_52 = tpu.memref_slice %arg5[%mul3A_50] : memref<480000xf32, #tpu.memory_space<hbm>> -> memref<2400xf32, #tpu.memory_space<hbm>>
        tpu.enqueue_dma source(%arg9 : memref<2400xf32, #tpu.memory_space<vmem>>) target(%dma_start3A_52 : memref<2400xf32, #tpu.memory_space<hbm>>) target_semaphore(%run_scoped3A : memref<!tpu.dma_semaphore, #tpu.memory_space<semaphore_mem>>)
        %dma_wait3A = tpu.memref_slice %arg5[%mul3A_50] : memref<480000xf32, #tpu.memory_space<hbm>> -> memref<2400xf32, #tpu.memory_space<hbm>>
        %dma_wait3A_53 = tpu.memref_slice %arg5[%mul3A_50] : memref<480000xf32, #tpu.memory_space<hbm>> -> memref<2400xf32, #tpu.memory_space<hbm>>
        tpu.wait_dma2 semaphore(%run_scoped3A : memref<!tpu.dma_semaphore, #tpu.memory_space<semaphore_mem>>) src(%arg9 : memref<2400xf32, #tpu.memory_space<vmem>>) dst(%dma_wait3A_53 : memref<2400xf32, #tpu.memory_space<hbm>>)
        tpu.yield
      }) : () -> ()
      %while3A_51 = arith.constant 0 : i32
      scf.yield %while3A_51 : i32
    }
    return
  }
}

#map = affine_map<(d0, d1) -> (0)>
#map1 = affine_map<(d0, d1) -> (0, 0)>
module attributes {stable_mosaic.version = 14 : i64} {
  func.func @_sc3_body(%arg0: i32, %arg1: i32, %arg2: memref<160000xi32, #tpu.memory_space<hbm>>, %arg3: memref<160000xi32, #tpu.memory_space<hbm>>, %arg4: memref<10000x96xf32, #tpu.memory_space<hbm>>, %arg5: memref<10000x96xf32, #tpu.memory_space<hbm>>, %arg6: memref<160000x96xf32, #tpu.memory_space<hbm>>, %arg7: memref<160000x96xf32, #tpu.memory_space<hbm>>, %arg8: memref<10000x96xf32, #tpu.memory_space<hbm>>, %arg9: memref<10000x96xf32, #tpu.memory_space<hbm>>, %arg10: memref<160x96xf32, #tpu.memory_space<vmem>>, %arg11: memref<160x96xf32, #tpu.memory_space<vmem>>, %arg12: memref<160x96xf32, #tpu.memory_space<vmem>>, %arg13: memref<160x96xf32, #tpu.memory_space<vmem>>, %arg14: memref<160xi32, #tpu.memory_space<vmem>>, %arg15: memref<160xi32, #tpu.memory_space<vmem>>, %arg16: memref<160xi32, #tpu.memory_space<vmem>>, %arg17: memref<160xi32, #tpu.memory_space<vmem>>, %arg18: memref<!tpu.dma_semaphore, #tpu.memory_space<semaphore_mem>>, %arg19: memref<!tpu.dma_semaphore, #tpu.memory_space<semaphore_mem>>, %arg20: memref<!tpu.dma_semaphore, #tpu.memory_space<semaphore_mem>>, %arg21: memref<!tpu.dma_semaphore, #tpu.memory_space<semaphore_mem>>, %arg22: memref<10000x96xf32, #tpu.memory_space<vmem_shared>>) attributes {dimension_semantics = [#tpu.dimension_semantics<core_parallel>, #tpu.dimension_semantics<subcore_parallel>], iteration_bounds = array<i64: 2, 16>, scalar_prefetch = 0 : i64, scratch_operands = 13 : i64, tpu.core_type = #tpu.core_type<sc_vector_subcore>, window_params = [{transform_indices = #map}, {transform_indices = #map}, {transform_indices = #map1}, {transform_indices = #map1}, {transform_indices = #map1}, {transform_indices = #map1}, {transform_indices = #map1}, {transform_indices = #map1}]} {
    %scan3A = arith.constant 0 : i32
    %scan3A_0 = arith.constant 0 : i32
    %scan3A_1 = arith.constant 160 : i32
    %scan3A_2 = arith.addi %scan3A_0, %scan3A_1 : i32
    %scan3A_3 = arith.constant 1 : i32
    %scan3A_4 = scf.for %scan3A_152 = %scan3A_0 to %scan3A_2 step %scan3A_3 iter_args(%scan3A_153 = %scan3A) -> (i32)  : i32 {
      %broadcast_in_dim3A = arith.constant 0.000000e+00 : f32
      %broadcast_in_dim3A_154 = vector.broadcast %broadcast_in_dim3A : f32 to vector<16xf32>
      %swap3A = arith.index_cast %scan3A_152 : i32 to index
      %swap3A_155 = arith.constant 0 : index
      %swap3A_156 = tpu.vector_load %arg10[%swap3A, %swap3A_155] {strides = array<i32>} : memref<160x96xf32, #tpu.memory_space<vmem>>, vector<16xf32>,
      tpu.vector_store %arg10[%swap3A, %swap3A_155], %broadcast_in_dim3A_154 {strides = array<i32>} : memref<160x96xf32, #tpu.memory_space<vmem>>, vector<16xf32>,
      %broadcast_in_dim3A_157 = arith.constant 0.000000e+00 : f32
      %broadcast_in_dim3A_158 = vector.broadcast %broadcast_in_dim3A_157 : f32 to vector<16xf32>
      %swap3A_159 = arith.index_cast %scan3A_152 : i32 to index
      %swap3A_160 = arith.constant 16 : index
      %swap3A_161 = tpu.vector_load %arg10[%swap3A_159, %swap3A_160] {strides = array<i32>} : memref<160x96xf32, #tpu.memory_space<vmem>>, vector<16xf32>,
      tpu.vector_store %arg10[%swap3A_159, %swap3A_160], %broadcast_in_dim3A_158 {strides = array<i32>} : memref<160x96xf32, #tpu.memory_space<vmem>>, vector<16xf32>,
      %broadcast_in_dim3A_162 = arith.constant 0.000000e+00 : f32
      %broadcast_in_dim3A_163 = vector.broadcast %broadcast_in_dim3A_162 : f32 to vector<16xf32>
      %swap3A_164 = arith.index_cast %scan3A_152 : i32 to index
      %swap3A_165 = arith.constant 32 : index
      %swap3A_166 = tpu.vector_load %arg10[%swap3A_164, %swap3A_165] {strides = array<i32>} : memref<160x96xf32, #tpu.memory_space<vmem>>, vector<16xf32>,
      tpu.vector_store %arg10[%swap3A_164, %swap3A_165], %broadcast_in_dim3A_163 {strides = array<i32>} : memref<160x96xf32, #tpu.memory_space<vmem>>, vector<16xf32>,
      %broadcast_in_dim3A_167 = arith.constant 0.000000e+00 : f32
      %broadcast_in_dim3A_168 = vector.broadcast %broadcast_in_dim3A_167 : f32 to vector<16xf32>
      %swap3A_169 = arith.index_cast %scan3A_152 : i32 to index
      %swap3A_170 = arith.constant 48 : index
      %swap3A_171 = tpu.vector_load %arg10[%swap3A_169, %swap3A_170] {strides = array<i32>} : memref<160x96xf32, #tpu.memory_space<vmem>>, vector<16xf32>,
      tpu.vector_store %arg10[%swap3A_169, %swap3A_170], %broadcast_in_dim3A_168 {strides = array<i32>} : memref<160x96xf32, #tpu.memory_space<vmem>>, vector<16xf32>,
      %broadcast_in_dim3A_172 = arith.constant 0.000000e+00 : f32
      %broadcast_in_dim3A_173 = vector.broadcast %broadcast_in_dim3A_172 : f32 to vector<16xf32>
      %swap3A_174 = arith.index_cast %scan3A_152 : i32 to index
      %swap3A_175 = arith.constant 64 : index
      %swap3A_176 = tpu.vector_load %arg10[%swap3A_174, %swap3A_175] {strides = array<i32>} : memref<160x96xf32, #tpu.memory_space<vmem>>, vector<16xf32>,
      tpu.vector_store %arg10[%swap3A_174, %swap3A_175], %broadcast_in_dim3A_173 {strides = array<i32>} : memref<160x96xf32, #tpu.memory_space<vmem>>, vector<16xf32>,
      %broadcast_in_dim3A_177 = arith.constant 0.000000e+00 : f32
      %broadcast_in_dim3A_178 = vector.broadcast %broadcast_in_dim3A_177 : f32 to vector<16xf32>
      %swap3A_179 = arith.index_cast %scan3A_152 : i32 to index
      %swap3A_180 = arith.constant 80 : index
      %swap3A_181 = tpu.vector_load %arg10[%swap3A_179, %swap3A_180] {strides = array<i32>} : memref<160x96xf32, #tpu.memory_space<vmem>>, vector<16xf32>,
      tpu.vector_store %arg10[%swap3A_179, %swap3A_180], %broadcast_in_dim3A_178 {strides = array<i32>} : memref<160x96xf32, #tpu.memory_space<vmem>>, vector<16xf32>,
      %scan3A_182 = arith.constant 0 : i32
      scf.yield %scan3A_182 : i32
    }
    %scan3A_5 = arith.constant 160 : i32
    %mul3A = arith.constant 624 : i32
    %mul3A_6 = arith.muli %arg1, %mul3A : i32
    %add3A = arith.constant 0 : i32
    %add3A_7 = arith.addi %mul3A_6, %add3A : i32
    %add3A_8 = arith.constant 0 : i32
    %add3A_9 = arith.addi %add3A_7, %add3A_8 : i32
    "tpu.region"() ({
      %run_scoped3A = tpu.sem_alloc : memref<!tpu.dma_semaphore, #tpu.memory_space<semaphore_mem>>
      %dma_start3A = arith.constant 0 : i32
      %dma_start3A_152 = arith.constant 0 : i32
      %dma_start3A_153 = tpu.memref_slice %arg10[%dma_start3A, %dma_start3A_152] : memref<160x96xf32, #tpu.memory_space<vmem>> -> memref<160x96xf32, #tpu.memory_space<vmem>>
      %dma_start3A_154 = arith.constant 0 : i32
      %dma_start3A_155 = tpu.memref_slice %arg22[%add3A_9, %dma_start3A_154] : memref<10000x96xf32, #tpu.memory_space<vmem_shared>> -> memref<160x96xf32, #tpu.memory_space<vmem_shared>>
      %dma_start3A_156 = arith.constant 0 : i32
      %dma_start3A_157 = tpu.memref_slice %arg22[%add3A_9, %dma_start3A_156] : memref<10000x96xf32, #tpu.memory_space<vmem_shared>> -> memref<160x96xf32, #tpu.memory_space<vmem_shared>>
      %dma_start3A_158 = arith.constant 0 : i32
      %dma_start3A_159 = arith.constant 0 : i32
      %dma_start3A_160 = tpu.memref_slice %arg10[%dma_start3A_158, %dma_start3A_159] : memref<160x96xf32, #tpu.memory_space<vmem>> -> memref<160x96xf32, #tpu.memory_space<vmem>>
      tpu.enqueue_dma source(%dma_start3A_160 : memref<160x96xf32, #tpu.memory_space<vmem>>) target(%dma_start3A_157 : memref<160x96xf32, #tpu.memory_space<vmem_shared>>) target_semaphore(%run_scoped3A : memref<!tpu.dma_semaphore, #tpu.memory_space<semaphore_mem>>)
      %dma_wait3A = arith.constant 0 : i32
      %dma_wait3A_161 = arith.constant 0 : i32
      %dma_wait3A_162 = tpu.memref_slice %arg10[%dma_wait3A, %dma_wait3A_161] : memref<160x96xf32, #tpu.memory_space<vmem>> -> memref<160x96xf32, #tpu.memory_space<vmem>>
      %dma_wait3A_163 = arith.constant 0 : i32
      %dma_wait3A_164 = tpu.memref_slice %arg22[%add3A_9, %dma_wait3A_163] : memref<10000x96xf32, #tpu.memory_space<vmem_shared>> -> memref<160x96xf32, #tpu.memory_space<vmem_shared>>
      %dma_wait3A_165 = arith.constant 0 : i32
      %dma_wait3A_166 = tpu.memref_slice %arg22[%add3A_9, %dma_wait3A_165] : memref<10000x96xf32, #tpu.memory_space<vmem_shared>> -> memref<160x96xf32, #tpu.memory_space<vmem_shared>>
      %dma_wait3A_167 = arith.constant 0 : i32
      %dma_wait3A_168 = arith.constant 0 : i32
      %dma_wait3A_169 = tpu.memref_slice %arg10[%dma_wait3A_167, %dma_wait3A_168] : memref<160x96xf32, #tpu.memory_space<vmem>> -> memref<160x96xf32, #tpu.memory_space<vmem>>
      tpu.wait_dma2 semaphore(%run_scoped3A : memref<!tpu.dma_semaphore, #tpu.memory_space<semaphore_mem>>) src(%dma_wait3A_169 : memref<160x96xf32, #tpu.memory_space<vmem>>) dst(%dma_wait3A_166 : memref<160x96xf32, #tpu.memory_space<vmem_shared>>)
      tpu.yield
    }) : () -> ()
    %mul3A_10 = arith.constant 624 : i32
    %mul3A_11 = arith.muli %arg1, %mul3A_10 : i32
    %add3A_12 = arith.constant 0 : i32
    %add3A_13 = arith.addi %mul3A_11, %add3A_12 : i32
    %add3A_14 = arith.constant 160 : i32
    %add3A_15 = arith.addi %add3A_13, %add3A_14 : i32
    "tpu.region"() ({
      %run_scoped3A = tpu.sem_alloc : memref<!tpu.dma_semaphore, #tpu.memory_space<semaphore_mem>>
      %dma_start3A = arith.constant 0 : i32
      %dma_start3A_152 = arith.constant 0 : i32
      %dma_start3A_153 = tpu.memref_slice %arg10[%dma_start3A, %dma_start3A_152] : memref<160x96xf32, #tpu.memory_space<vmem>> -> memref<96x96xf32, #tpu.memory_space<vmem>>
      %dma_start3A_154 = arith.constant 0 : i32
      %dma_start3A_155 = tpu.memref_slice %arg22[%add3A_15, %dma_start3A_154] : memref<10000x96xf32, #tpu.memory_space<vmem_shared>> -> memref<96x96xf32, #tpu.memory_space<vmem_shared>>
      %dma_start3A_156 = arith.constant 0 : i32
      %dma_start3A_157 = tpu.memref_slice %arg22[%add3A_15, %dma_start3A_156] : memref<10000x96xf32, #tpu.memory_space<vmem_shared>> -> memref<96x96xf32, #tpu.memory_space<vmem_shared>>
      %dma_start3A_158 = arith.constant 0 : i32
      %dma_start3A_159 = arith.constant 0 : i32
      %dma_start3A_160 = tpu.memref_slice %arg10[%dma_start3A_158, %dma_start3A_159] : memref<160x96xf32, #tpu.memory_space<vmem>> -> memref<96x96xf32, #tpu.memory_space<vmem>>
      tpu.enqueue_dma source(%dma_start3A_160 : memref<96x96xf32, #tpu.memory_space<vmem>>) target(%dma_start3A_157 : memref<96x96xf32, #tpu.memory_space<vmem_shared>>) target_semaphore(%run_scoped3A : memref<!tpu.dma_semaphore, #tpu.memory_space<semaphore_mem>>)
      %dma_wait3A = arith.constant 0 : i32
      %dma_wait3A_161 = arith.constant 0 : i32
      %dma_wait3A_162 = tpu.memref_slice %arg10[%dma_wait3A, %dma_wait3A_161] : memref<160x96xf32, #tpu.memory_space<vmem>> -> memref<96x96xf32, #tpu.memory_space<vmem>>
      %dma_wait3A_163 = arith.constant 0 : i32
      %dma_wait3A_164 = tpu.memref_slice %arg22[%add3A_15, %dma_wait3A_163] : memref<10000x96xf32, #tpu.memory_space<vmem_shared>> -> memref<96x96xf32, #tpu.memory_space<vmem_shared>>
      %dma_wait3A_165 = arith.constant 0 : i32
      %dma_wait3A_166 = tpu.memref_slice %arg22[%add3A_15, %dma_wait3A_165] : memref<10000x96xf32, #tpu.memory_space<vmem_shared>> -> memref<96x96xf32, #tpu.memory_space<vmem_shared>>
      %dma_wait3A_167 = arith.constant 0 : i32
      %dma_wait3A_168 = arith.constant 0 : i32
      %dma_wait3A_169 = tpu.memref_slice %arg10[%dma_wait3A_167, %dma_wait3A_168] : memref<160x96xf32, #tpu.memory_space<vmem>> -> memref<96x96xf32, #tpu.memory_space<vmem>>
      tpu.wait_dma2 semaphore(%run_scoped3A : memref<!tpu.dma_semaphore, #tpu.memory_space<semaphore_mem>>) src(%dma_wait3A_169 : memref<96x96xf32, #tpu.memory_space<vmem>>) dst(%dma_wait3A_166 : memref<96x96xf32, #tpu.memory_space<vmem_shared>>)
      tpu.yield
    }) : () -> ()
    %mul3A_16 = arith.constant 624 : i32
    %mul3A_17 = arith.muli %arg1, %mul3A_16 : i32
    %add3A_18 = arith.constant 256 : i32
    %add3A_19 = arith.addi %mul3A_17, %add3A_18 : i32
    %add3A_20 = arith.constant 0 : i32
    %add3A_21 = arith.addi %add3A_19, %add3A_20 : i32
    "tpu.region"() ({
      %run_scoped3A = tpu.sem_alloc : memref<!tpu.dma_semaphore, #tpu.memory_space<semaphore_mem>>
      %dma_start3A = arith.constant 0 : i32
      %dma_start3A_152 = arith.constant 0 : i32
      %dma_start3A_153 = tpu.memref_slice %arg10[%dma_start3A, %dma_start3A_152] : memref<160x96xf32, #tpu.memory_space<vmem>> -> memref<160x96xf32, #tpu.memory_space<vmem>>
      %dma_start3A_154 = arith.constant 0 : i32
      %dma_start3A_155 = tpu.memref_slice %arg22[%add3A_21, %dma_start3A_154] : memref<10000x96xf32, #tpu.memory_space<vmem_shared>> -> memref<160x96xf32, #tpu.memory_space<vmem_shared>>
      %dma_start3A_156 = arith.constant 0 : i32
      %dma_start3A_157 = tpu.memref_slice %arg22[%add3A_21, %dma_start3A_156] : memref<10000x96xf32, #tpu.memory_space<vmem_shared>> -> memref<160x96xf32, #tpu.memory_space<vmem_shared>>
      %dma_start3A_158 = arith.constant 0 : i32
      %dma_start3A_159 = arith.constant 0 : i32
      %dma_start3A_160 = tpu.memref_slice %arg10[%dma_start3A_158, %dma_start3A_159] : memref<160x96xf32, #tpu.memory_space<vmem>> -> memref<160x96xf32, #tpu.memory_space<vmem>>
      tpu.enqueue_dma source(%dma_start3A_160 : memref<160x96xf32, #tpu.memory_space<vmem>>) target(%dma_start3A_157 : memref<160x96xf32, #tpu.memory_space<vmem_shared>>) target_semaphore(%run_scoped3A : memref<!tpu.dma_semaphore, #tpu.memory_space<semaphore_mem>>)
      %dma_wait3A = arith.constant 0 : i32
      %dma_wait3A_161 = arith.constant 0 : i32
      %dma_wait3A_162 = tpu.memref_slice %arg10[%dma_wait3A, %dma_wait3A_161] : memref<160x96xf32, #tpu.memory_space<vmem>> -> memref<160x96xf32, #tpu.memory_space<vmem>>
      %dma_wait3A_163 = arith.constant 0 : i32
      %dma_wait3A_164 = tpu.memref_slice %arg22[%add3A_21, %dma_wait3A_163] : memref<10000x96xf32, #tpu.memory_space<vmem_shared>> -> memref<160x96xf32, #tpu.memory_space<vmem_shared>>
      %dma_wait3A_165 = arith.constant 0 : i32
      %dma_wait3A_166 = tpu.memref_slice %arg22[%add3A_21, %dma_wait3A_165] : memref<10000x96xf32, #tpu.memory_space<vmem_shared>> -> memref<160x96xf32, #tpu.memory_space<vmem_shared>>
      %dma_wait3A_167 = arith.constant 0 : i32
      %dma_wait3A_168 = arith.constant 0 : i32
      %dma_wait3A_169 = tpu.memref_slice %arg10[%dma_wait3A_167, %dma_wait3A_168] : memref<160x96xf32, #tpu.memory_space<vmem>> -> memref<160x96xf32, #tpu.memory_space<vmem>>
      tpu.wait_dma2 semaphore(%run_scoped3A : memref<!tpu.dma_semaphore, #tpu.memory_space<semaphore_mem>>) src(%dma_wait3A_169 : memref<160x96xf32, #tpu.memory_space<vmem>>) dst(%dma_wait3A_166 : memref<160x96xf32, #tpu.memory_space<vmem_shared>>)
      tpu.yield
    }) : () -> ()
    %mul3A_22 = arith.constant 624 : i32
    %mul3A_23 = arith.muli %arg1, %mul3A_22 : i32
    %add3A_24 = arith.constant 256 : i32
    %add3A_25 = arith.addi %mul3A_23, %add3A_24 : i32
    %add3A_26 = arith.constant 160 : i32
    %add3A_27 = arith.addi %add3A_25, %add3A_26 : i32
    "tpu.region"() ({
      %run_scoped3A = tpu.sem_alloc : memref<!tpu.dma_semaphore, #tpu.memory_space<semaphore_mem>>
      %dma_start3A = arith.constant 0 : i32
      %dma_start3A_152 = arith.constant 0 : i32
      %dma_start3A_153 = tpu.memref_slice %arg10[%dma_start3A, %dma_start3A_152] : memref<160x96xf32, #tpu.memory_space<vmem>> -> memref<96x96xf32, #tpu.memory_space<vmem>>
      %dma_start3A_154 = arith.constant 0 : i32
      %dma_start3A_155 = tpu.memref_slice %arg22[%add3A_27, %dma_start3A_154] : memref<10000x96xf32, #tpu.memory_space<vmem_shared>> -> memref<96x96xf32, #tpu.memory_space<vmem_shared>>
      %dma_start3A_156 = arith.constant 0 : i32
      %dma_start3A_157 = tpu.memref_slice %arg22[%add3A_27, %dma_start3A_156] : memref<10000x96xf32, #tpu.memory_space<vmem_shared>> -> memref<96x96xf32, #tpu.memory_space<vmem_shared>>
      %dma_start3A_158 = arith.constant 0 : i32
      %dma_start3A_159 = arith.constant 0 : i32
      %dma_start3A_160 = tpu.memref_slice %arg10[%dma_start3A_158, %dma_start3A_159] : memref<160x96xf32, #tpu.memory_space<vmem>> -> memref<96x96xf32, #tpu.memory_space<vmem>>
      tpu.enqueue_dma source(%dma_start3A_160 : memref<96x96xf32, #tpu.memory_space<vmem>>) target(%dma_start3A_157 : memref<96x96xf32, #tpu.memory_space<vmem_shared>>) target_semaphore(%run_scoped3A : memref<!tpu.dma_semaphore, #tpu.memory_space<semaphore_mem>>)
      %dma_wait3A = arith.constant 0 : i32
      %dma_wait3A_161 = arith.constant 0 : i32
      %dma_wait3A_162 = tpu.memref_slice %arg10[%dma_wait3A, %dma_wait3A_161] : memref<160x96xf32, #tpu.memory_space<vmem>> -> memref<96x96xf32, #tpu.memory_space<vmem>>
      %dma_wait3A_163 = arith.constant 0 : i32
      %dma_wait3A_164 = tpu.memref_slice %arg22[%add3A_27, %dma_wait3A_163] : memref<10000x96xf32, #tpu.memory_space<vmem_shared>> -> memref<96x96xf32, #tpu.memory_space<vmem_shared>>
      %dma_wait3A_165 = arith.constant 0 : i32
      %dma_wait3A_166 = tpu.memref_slice %arg22[%add3A_27, %dma_wait3A_165] : memref<10000x96xf32, #tpu.memory_space<vmem_shared>> -> memref<96x96xf32, #tpu.memory_space<vmem_shared>>
      %dma_wait3A_167 = arith.constant 0 : i32
      %dma_wait3A_168 = arith.constant 0 : i32
      %dma_wait3A_169 = tpu.memref_slice %arg10[%dma_wait3A_167, %dma_wait3A_168] : memref<160x96xf32, #tpu.memory_space<vmem>> -> memref<96x96xf32, #tpu.memory_space<vmem>>
      tpu.wait_dma2 semaphore(%run_scoped3A : memref<!tpu.dma_semaphore, #tpu.memory_space<semaphore_mem>>) src(%dma_wait3A_169 : memref<96x96xf32, #tpu.memory_space<vmem>>) dst(%dma_wait3A_166 : memref<96x96xf32, #tpu.memory_space<vmem_shared>>)
      tpu.yield
    }) : () -> ()
    %mul3A_28 = arith.constant 624 : i32
    %mul3A_29 = arith.muli %arg1, %mul3A_28 : i32
    %add3A_30 = arith.constant 512 : i32
    %add3A_31 = arith.addi %mul3A_29, %add3A_30 : i32
    %add3A_32 = arith.constant 0 : i32
    %add3A_33 = arith.addi %add3A_31, %add3A_32 : i32
    "tpu.region"() ({
      %run_scoped3A = tpu.sem_alloc : memref<!tpu.dma_semaphore, #tpu.memory_space<semaphore_mem>>
      %dma_start3A = arith.constant 0 : i32
      %dma_start3A_152 = arith.constant 0 : i32
      %dma_start3A_153 = tpu.memref_slice %arg10[%dma_start3A, %dma_start3A_152] : memref<160x96xf32, #tpu.memory_space<vmem>> -> memref<112x96xf32, #tpu.memory_space<vmem>>
      %dma_start3A_154 = arith.constant 0 : i32
      %dma_start3A_155 = tpu.memref_slice %arg22[%add3A_33, %dma_start3A_154] : memref<10000x96xf32, #tpu.memory_space<vmem_shared>> -> memref<112x96xf32, #tpu.memory_space<vmem_shared>>
      %dma_start3A_156 = arith.constant 0 : i32
      %dma_start3A_157 = tpu.memref_slice %arg22[%add3A_33, %dma_start3A_156] : memref<10000x96xf32, #tpu.memory_space<vmem_shared>> -> memref<112x96xf32, #tpu.memory_space<vmem_shared>>
      %dma_start3A_158 = arith.constant 0 : i32
      %dma_start3A_159 = arith.constant 0 : i32
      %dma_start3A_160 = tpu.memref_slice %arg10[%dma_start3A_158, %dma_start3A_159] : memref<160x96xf32, #tpu.memory_space<vmem>> -> memref<112x96xf32, #tpu.memory_space<vmem>>
      tpu.enqueue_dma source(%dma_start3A_160 : memref<112x96xf32, #tpu.memory_space<vmem>>) target(%dma_start3A_157 : memref<112x96xf32, #tpu.memory_space<vmem_shared>>) target_semaphore(%run_scoped3A : memref<!tpu.dma_semaphore, #tpu.memory_space<semaphore_mem>>)
      %dma_wait3A = arith.constant 0 : i32
      %dma_wait3A_161 = arith.constant 0 : i32
      %dma_wait3A_162 = tpu.memref_slice %arg10[%dma_wait3A, %dma_wait3A_161] : memref<160x96xf32, #tpu.memory_space<vmem>> -> memref<112x96xf32, #tpu.memory_space<vmem>>
      %dma_wait3A_163 = arith.constant 0 : i32
      %dma_wait3A_164 = tpu.memref_slice %arg22[%add3A_33, %dma_wait3A_163] : memref<10000x96xf32, #tpu.memory_space<vmem_shared>> -> memref<112x96xf32, #tpu.memory_space<vmem_shared>>
      %dma_wait3A_165 = arith.constant 0 : i32
      %dma_wait3A_166 = tpu.memref_slice %arg22[%add3A_33, %dma_wait3A_165] : memref<10000x96xf32, #tpu.memory_space<vmem_shared>> -> memref<112x96xf32, #tpu.memory_space<vmem_shared>>
      %dma_wait3A_167 = arith.constant 0 : i32
      %dma_wait3A_168 = arith.constant 0 : i32
      %dma_wait3A_169 = tpu.memref_slice %arg10[%dma_wait3A_167, %dma_wait3A_168] : memref<160x96xf32, #tpu.memory_space<vmem>> -> memref<112x96xf32, #tpu.memory_space<vmem>>
      tpu.wait_dma2 semaphore(%run_scoped3A : memref<!tpu.dma_semaphore, #tpu.memory_space<semaphore_mem>>) src(%dma_wait3A_169 : memref<112x96xf32, #tpu.memory_space<vmem>>) dst(%dma_wait3A_166 : memref<112x96xf32, #tpu.memory_space<vmem_shared>>)
      tpu.yield
    }) : () -> ()
    %eq3A = arith.constant 15 : i32
    %eq3A_34 = arith.cmpi eq, %arg1, %eq3A : i32
    %convert_element_type3A = arith.extui %eq3A_34 : i1 to i32
    %cond3A = arith.constant 0 : i32
    %cond3A_35 = arith.cmpi ne, %convert_element_type3A, %cond3A : i32
    scf.if %cond3A_35 {
      "tpu.region"() ({
        %run_scoped3A = tpu.sem_alloc : memref<!tpu.dma_semaphore, #tpu.memory_space<semaphore_mem>>
        %dma_start3A = arith.constant 0 : i32
        %dma_start3A_152 = arith.constant 0 : i32
        %dma_start3A_153 = tpu.memref_slice %arg10[%dma_start3A, %dma_start3A_152] : memref<160x96xf32, #tpu.memory_space<vmem>> -> memref<16x96xf32, #tpu.memory_space<vmem>>
        %dma_start3A_154 = arith.constant 9984 : i32
        %dma_start3A_155 = arith.constant 0 : i32
        %dma_start3A_156 = tpu.memref_slice %arg22[%dma_start3A_154, %dma_start3A_155] : memref<10000x96xf32, #tpu.memory_space<vmem_shared>> -> memref<16x96xf32, #tpu.memory_space<vmem_shared>>
        %dma_start3A_157 = arith.constant 9984 : i32
        %dma_start3A_158 = arith.constant 0 : i32
        %dma_start3A_159 = tpu.memref_slice %arg22[%dma_start3A_157, %dma_start3A_158] : memref<10000x96xf32, #tpu.memory_space<vmem_shared>> -> memref<16x96xf32, #tpu.memory_space<vmem_shared>>
        %dma_start3A_160 = arith.constant 0 : i32
        %dma_start3A_161 = arith.constant 0 : i32
        %dma_start3A_162 = tpu.memref_slice %arg10[%dma_start3A_160, %dma_start3A_161] : memref<160x96xf32, #tpu.memory_space<vmem>> -> memref<16x96xf32, #tpu.memory_space<vmem>>
        tpu.enqueue_dma source(%dma_start3A_162 : memref<16x96xf32, #tpu.memory_space<vmem>>) target(%dma_start3A_159 : memref<16x96xf32, #tpu.memory_space<vmem_shared>>) target_semaphore(%run_scoped3A : memref<!tpu.dma_semaphore, #tpu.memory_space<semaphore_mem>>)
        %dma_wait3A = arith.constant 0 : i32
        %dma_wait3A_163 = arith.constant 0 : i32
        %dma_wait3A_164 = tpu.memref_slice %arg10[%dma_wait3A, %dma_wait3A_163] : memref<160x96xf32, #tpu.memory_space<vmem>> -> memref<16x96xf32, #tpu.memory_space<vmem>>
        %dma_wait3A_165 = arith.constant 9984 : i32
        %dma_wait3A_166 = arith.constant 0 : i32
        %dma_wait3A_167 = tpu.memref_slice %arg22[%dma_wait3A_165, %dma_wait3A_166] : memref<10000x96xf32, #tpu.memory_space<vmem_shared>> -> memref<16x96xf32, #tpu.memory_space<vmem_shared>>
        %dma_wait3A_168 = arith.constant 9984 : i32
        %dma_wait3A_169 = arith.constant 0 : i32
        %dma_wait3A_170 = tpu.memref_slice %arg22[%dma_wait3A_168, %dma_wait3A_169] : memref<10000x96xf32, #tpu.memory_space<vmem_shared>> -> memref<16x96xf32, #tpu.memory_space<vmem_shared>>
        %dma_wait3A_171 = arith.constant 0 : i32
        %dma_wait3A_172 = arith.constant 0 : i32
        %dma_wait3A_173 = tpu.memref_slice %arg10[%dma_wait3A_171, %dma_wait3A_172] : memref<160x96xf32, #tpu.memory_space<vmem>> -> memref<16x96xf32, #tpu.memory_space<vmem>>
        tpu.wait_dma2 semaphore(%run_scoped3A : memref<!tpu.dma_semaphore, #tpu.memory_space<semaphore_mem>>) src(%dma_wait3A_173 : memref<16x96xf32, #tpu.memory_space<vmem>>) dst(%dma_wait3A_170 : memref<16x96xf32, #tpu.memory_space<vmem_shared>>)
        tpu.yield
      }) : () -> ()
    } else {
    }
    %barrier3A = arith.constant 0 : index
    tpu.barrier barrier_id(%barrier3A)
    %sub3A = arith.constant 1000 : i32
    %sub3A_36 = arith.subi %sub3A, %arg1 : i32
    %add3A_37 = arith.constant 16 : i32
    %add3A_38 = arith.addi %sub3A_36, %add3A_37 : i32
    %sub3A_39 = arith.constant 1 : i32
    %sub3A_40 = arith.subi %add3A_38, %sub3A_39 : i32
    %jit3A = arith.constant 16 : i32
    %div3A = arith.divsi %sub3A_40, %jit3A : i32
    %sign3A = arith.constant 0 : i32
    %sign3A_41 = arith.cmpi sgt, %sub3A_40, %sign3A : i32
    %sign3A_42 = arith.extui %sign3A_41 : i1 to i32
    %sign3A_43 = arith.constant 0 : i32
    %sign3A_44 = arith.cmpi slt, %sub3A_40, %sign3A_43 : i32
    %sign3A_45 = arith.extui %sign3A_44 : i1 to i32
    %sign3A_46 = arith.subi %sign3A_42, %sign3A_45 : i32
    %sign3A_47 = arith.constant 0 : i32
    %sign3A_48 = arith.cmpi sgt, %jit3A, %sign3A_47 : i32
    %sign3A_49 = arith.extui %sign3A_48 : i1 to i32
    %sign3A_50 = arith.constant 0 : i32
    %sign3A_51 = arith.cmpi slt, %jit3A, %sign3A_50 : i32
    %sign3A_52 = arith.extui %sign3A_51 : i1 to i32
    %sign3A_53 = arith.subi %sign3A_49, %sign3A_52 : i32
    %ne3A = arith.cmpi ne, %sign3A_46, %sign3A_53 : i32
    %rem3A = arith.remsi %sub3A_40, %jit3A : i32
    %ne3A_54 = arith.constant 0 : i32
    %ne3A_55 = arith.cmpi ne, %rem3A, %ne3A_54 : i32
    %and3A = arith.andi %ne3A, %ne3A_55 : i1
    %sub3A_56 = arith.constant 1 : i32
    %sub3A_57 = arith.subi %div3A, %sub3A_56 : i32
    %select_n3A = arith.select %and3A, %sub3A_57, %div3A : i32
    %gt3A = arith.constant 0 : i32
    %gt3A_58 = arith.cmpi sgt, %select_n3A, %gt3A : i32
    %convert_element_type3A_59 = arith.extui %gt3A_58 : i1 to i32
    %cond3A_60 = arith.constant 0 : i32
    %cond3A_61 = arith.cmpi ne, %convert_element_type3A_59, %cond3A_60 : i32
    scf.if %cond3A_61 {
      %add3A_152 = arith.constant 0 : i32
      %add3A_153 = arith.addi %arg1, %add3A_152 : i32
      %mul3A_154 = arith.constant 160 : i32
      %mul3A_155 = arith.muli %add3A_153, %mul3A_154 : i32
      "tpu.region"() ({
        %run_scoped3A = tpu.sem_alloc : memref<!tpu.dma_semaphore, #tpu.memory_space<semaphore_mem>>
        %dma_start3A = tpu.memref_slice %arg2[%mul3A_155] : memref<160000xi32, #tpu.memory_space<hbm>> -> memref<160xi32, #tpu.memory_space<hbm>>
        %dma_start3A_166 = tpu.memref_slice %arg2[%mul3A_155] : memref<160000xi32, #tpu.memory_space<hbm>> -> memref<160xi32, #tpu.memory_space<hbm>>
        tpu.enqueue_dma source(%dma_start3A_166 : memref<160xi32, #tpu.memory_space<hbm>>) target(%arg14 : memref<160xi32, #tpu.memory_space<vmem>>) target_semaphore(%run_scoped3A : memref<!tpu.dma_semaphore, #tpu.memory_space<semaphore_mem>>)
        %dma_wait3A = tpu.memref_slice %arg2[%mul3A_155] : memref<160000xi32, #tpu.memory_space<hbm>> -> memref<160xi32, #tpu.memory_space<hbm>>
        %dma_wait3A_167 = tpu.memref_slice %arg2[%mul3A_155] : memref<160000xi32, #tpu.memory_space<hbm>> -> memref<160xi32, #tpu.memory_space<hbm>>
        tpu.wait_dma2 semaphore(%run_scoped3A : memref<!tpu.dma_semaphore, #tpu.memory_space<semaphore_mem>>) src(%dma_wait3A_167 : memref<160xi32, #tpu.memory_space<hbm>>) dst(%arg14 : memref<160xi32, #tpu.memory_space<vmem>>)
        tpu.yield
      }) : () -> ()
      "tpu.region"() ({
        %run_scoped3A = tpu.sem_alloc : memref<!tpu.dma_semaphore, #tpu.memory_space<semaphore_mem>>
        %dma_start3A = tpu.memref_slice %arg3[%mul3A_155] : memref<160000xi32, #tpu.memory_space<hbm>> -> memref<160xi32, #tpu.memory_space<hbm>>
        %dma_start3A_166 = tpu.memref_slice %arg3[%mul3A_155] : memref<160000xi32, #tpu.memory_space<hbm>> -> memref<160xi32, #tpu.memory_space<hbm>>
        tpu.enqueue_dma source(%dma_start3A_166 : memref<160xi32, #tpu.memory_space<hbm>>) target(%arg16 : memref<160xi32, #tpu.memory_space<vmem>>) target_semaphore(%run_scoped3A : memref<!tpu.dma_semaphore, #tpu.memory_space<semaphore_mem>>)
        %dma_wait3A = tpu.memref_slice %arg3[%mul3A_155] : memref<160000xi32, #tpu.memory_space<hbm>> -> memref<160xi32, #tpu.memory_space<hbm>>
        %dma_wait3A_167 = tpu.memref_slice %arg3[%mul3A_155] : memref<160000xi32, #tpu.memory_space<hbm>> -> memref<160xi32, #tpu.memory_space<hbm>>
        tpu.wait_dma2 semaphore(%run_scoped3A : memref<!tpu.dma_semaphore, #tpu.memory_space<semaphore_mem>>) src(%dma_wait3A_167 : memref<160xi32, #tpu.memory_space<hbm>>) dst(%arg16 : memref<160xi32, #tpu.memory_space<vmem>>)
        tpu.yield
      }) : () -> ()
      %eq3A_156 = arith.constant 0 : i32
      %eq3A_157 = arith.cmpi eq, %arg0, %eq3A_156 : i32
      %convert_element_type3A_158 = arith.extui %eq3A_157 : i1 to i32
      %cond3A_159 = arith.constant 0 : i32
      %cond3A_160 = arith.cmpi ne, %convert_element_type3A_158, %cond3A_159 : i32
      scf.if %cond3A_160 {
        %dma_start3A = arith.constant 0 : i32
        %dma_start3A_166 = arith.constant 0 : i32
        %dma_start3A_167 = tpu.memref_slice %arg4[%dma_start3A, %dma_start3A_166] : memref<10000x96xf32, #tpu.memory_space<hbm>> -> memref<10000x96xf32, #tpu.memory_space<hbm>>
        tpu.enqueue_indirect_dma source(%dma_start3A_167 : memref<10000x96xf32, #tpu.memory_space<hbm>>) target(%arg10 : memref<160x96xf32, #tpu.memory_space<vmem>>) offsets(%arg14 : memref<160xi32, #tpu.memory_space<vmem>>) semaphore(%arg18 : memref<!tpu.dma_semaphore, #tpu.memory_space<semaphore_mem>>)
        %dma_start3A_168 = arith.constant 0 : i32
        %dma_start3A_169 = tpu.memref_slice %arg6[%mul3A_155, %dma_start3A_168] : memref<160000x96xf32, #tpu.memory_space<hbm>> -> memref<160x96xf32, #tpu.memory_space<hbm>>
        %dma_start3A_170 = arith.constant 0 : i32
        %dma_start3A_171 = tpu.memref_slice %arg6[%mul3A_155, %dma_start3A_170] : memref<160000x96xf32, #tpu.memory_space<hbm>> -> memref<160x96xf32, #tpu.memory_space<hbm>>
        tpu.enqueue_dma source(%dma_start3A_171 : memref<160x96xf32, #tpu.memory_space<hbm>>) target(%arg12 : memref<160x96xf32, #tpu.memory_space<vmem>>) target_semaphore(%arg20 : memref<!tpu.dma_semaphore, #tpu.memory_space<semaphore_mem>>)
      } else {
      }
      %eq3A_161 = arith.constant 1 : i32
      %eq3A_162 = arith.cmpi eq, %arg0, %eq3A_161 : i32
      %convert_element_type3A_163 = arith.extui %eq3A_162 : i1 to i32
      %cond3A_164 = arith.constant 0 : i32
      %cond3A_165 = arith.cmpi ne, %convert_element_type3A_163, %cond3A_164 : i32
      scf.if %cond3A_165 {
        %dma_start3A = arith.constant 0 : i32
        %dma_start3A_166 = arith.constant 0 : i32
        %dma_start3A_167 = tpu.memref_slice %arg5[%dma_start3A, %dma_start3A_166] : memref<10000x96xf32, #tpu.memory_space<hbm>> -> memref<10000x96xf32, #tpu.memory_space<hbm>>
        tpu.enqueue_indirect_dma source(%dma_start3A_167 : memref<10000x96xf32, #tpu.memory_space<hbm>>) target(%arg10 : memref<160x96xf32, #tpu.memory_space<vmem>>) offsets(%arg14 : memref<160xi32, #tpu.memory_space<vmem>>) semaphore(%arg18 : memref<!tpu.dma_semaphore, #tpu.memory_space<semaphore_mem>>)
        %dma_start3A_168 = arith.constant 0 : i32
        %dma_start3A_169 = tpu.memref_slice %arg7[%mul3A_155, %dma_start3A_168] : memref<160000x96xf32, #tpu.memory_space<hbm>> -> memref<160x96xf32, #tpu.memory_space<hbm>>
        %dma_start3A_170 = arith.constant 0 : i32
        %dma_start3A_171 = tpu.memref_slice %arg7[%mul3A_155, %dma_start3A_170] : memref<160000x96xf32, #tpu.memory_space<hbm>> -> memref<160x96xf32, #tpu.memory_space<hbm>>
        tpu.enqueue_dma source(%dma_start3A_171 : memref<160x96xf32, #tpu.memory_space<hbm>>) target(%arg12 : memref<160x96xf32, #tpu.memory_space<vmem>>) target_semaphore(%arg20 : memref<!tpu.dma_semaphore, #tpu.memory_space<semaphore_mem>>)
      } else {
      }
    } else {
    }
    %gt3A_62 = arith.constant 1 : i32
    %gt3A_63 = arith.cmpi sgt, %select_n3A, %gt3A_62 : i32
    %convert_element_type3A_64 = arith.extui %gt3A_63 : i1 to i32
    %cond3A_65 = arith.constant 0 : i32
    %cond3A_66 = arith.cmpi ne, %convert_element_type3A_64, %cond3A_65 : i32
    scf.if %cond3A_66 {
      %add3A_152 = arith.constant 16 : i32
      %add3A_153 = arith.addi %arg1, %add3A_152 : i32
      %mul3A_154 = arith.constant 160 : i32
      %mul3A_155 = arith.muli %add3A_153, %mul3A_154 : i32
      "tpu.region"() ({
        %run_scoped3A = tpu.sem_alloc : memref<!tpu.dma_semaphore, #tpu.memory_space<semaphore_mem>>
        %dma_start3A = tpu.memref_slice %arg2[%mul3A_155] : memref<160000xi32, #tpu.memory_space<hbm>> -> memref<160xi32, #tpu.memory_space<hbm>>
        %dma_start3A_166 = tpu.memref_slice %arg2[%mul3A_155] : memref<160000xi32, #tpu.memory_space<hbm>> -> memref<160xi32, #tpu.memory_space<hbm>>
        tpu.enqueue_dma source(%dma_start3A_166 : memref<160xi32, #tpu.memory_space<hbm>>) target(%arg15 : memref<160xi32, #tpu.memory_space<vmem>>) target_semaphore(%run_scoped3A : memref<!tpu.dma_semaphore, #tpu.memory_space<semaphore_mem>>)
        %dma_wait3A = tpu.memref_slice %arg2[%mul3A_155] : memref<160000xi32, #tpu.memory_space<hbm>> -> memref<160xi32, #tpu.memory_space<hbm>>
        %dma_wait3A_167 = tpu.memref_slice %arg2[%mul3A_155] : memref<160000xi32, #tpu.memory_space<hbm>> -> memref<160xi32, #tpu.memory_space<hbm>>
        tpu.wait_dma2 semaphore(%run_scoped3A : memref<!tpu.dma_semaphore, #tpu.memory_space<semaphore_mem>>) src(%dma_wait3A_167 : memref<160xi32, #tpu.memory_space<hbm>>) dst(%arg15 : memref<160xi32, #tpu.memory_space<vmem>>)
        tpu.yield
      }) : () -> ()
      "tpu.region"() ({
        %run_scoped3A = tpu.sem_alloc : memref<!tpu.dma_semaphore, #tpu.memory_space<semaphore_mem>>
        %dma_start3A = tpu.memref_slice %arg3[%mul3A_155] : memref<160000xi32, #tpu.memory_space<hbm>> -> memref<160xi32, #tpu.memory_space<hbm>>
        %dma_start3A_166 = tpu.memref_slice %arg3[%mul3A_155] : memref<160000xi32, #tpu.memory_space<hbm>> -> memref<160xi32, #tpu.memory_space<hbm>>
        tpu.enqueue_dma source(%dma_start3A_166 : memref<160xi32, #tpu.memory_space<hbm>>) target(%arg17 : memref<160xi32, #tpu.memory_space<vmem>>) target_semaphore(%run_scoped3A : memref<!tpu.dma_semaphore, #tpu.memory_space<semaphore_mem>>)
        %dma_wait3A = tpu.memref_slice %arg3[%mul3A_155] : memref<160000xi32, #tpu.memory_space<hbm>> -> memref<160xi32, #tpu.memory_space<hbm>>
        %dma_wait3A_167 = tpu.memref_slice %arg3[%mul3A_155] : memref<160000xi32, #tpu.memory_space<hbm>> -> memref<160xi32, #tpu.memory_space<hbm>>
        tpu.wait_dma2 semaphore(%run_scoped3A : memref<!tpu.dma_semaphore, #tpu.memory_space<semaphore_mem>>) src(%dma_wait3A_167 : memref<160xi32, #tpu.memory_space<hbm>>) dst(%arg17 : memref<160xi32, #tpu.memory_space<vmem>>)
        tpu.yield
      }) : () -> ()
      %eq3A_156 = arith.constant 0 : i32
      %eq3A_157 = arith.cmpi eq, %arg0, %eq3A_156 : i32
      %convert_element_type3A_158 = arith.extui %eq3A_157 : i1 to i32
      %cond3A_159 = arith.constant 0 : i32
      %cond3A_160 = arith.cmpi ne, %convert_element_type3A_158, %cond3A_159 : i32
      scf.if %cond3A_160 {
        %dma_start3A = arith.constant 0 : i32
        %dma_start3A_166 = arith.constant 0 : i32
        %dma_start3A_167 = tpu.memref_slice %arg4[%dma_start3A, %dma_start3A_166] : memref<10000x96xf32, #tpu.memory_space<hbm>> -> memref<10000x96xf32, #tpu.memory_space<hbm>>
        tpu.enqueue_indirect_dma source(%dma_start3A_167 : memref<10000x96xf32, #tpu.memory_space<hbm>>) target(%arg11 : memref<160x96xf32, #tpu.memory_space<vmem>>) offsets(%arg15 : memref<160xi32, #tpu.memory_space<vmem>>) semaphore(%arg19 : memref<!tpu.dma_semaphore, #tpu.memory_space<semaphore_mem>>)
        %dma_start3A_168 = arith.constant 0 : i32
        %dma_start3A_169 = tpu.memref_slice %arg6[%mul3A_155, %dma_start3A_168] : memref<160000x96xf32, #tpu.memory_space<hbm>> -> memref<160x96xf32, #tpu.memory_space<hbm>>
        %dma_start3A_170 = arith.constant 0 : i32
        %dma_start3A_171 = tpu.memref_slice %arg6[%mul3A_155, %dma_start3A_170] : memref<160000x96xf32, #tpu.memory_space<hbm>> -> memref<160x96xf32, #tpu.memory_space<hbm>>
        tpu.enqueue_dma source(%dma_start3A_171 : memref<160x96xf32, #tpu.memory_space<hbm>>) target(%arg13 : memref<160x96xf32, #tpu.memory_space<vmem>>) target_semaphore(%arg21 : memref<!tpu.dma_semaphore, #tpu.memory_space<semaphore_mem>>)
      } else {
      }
      %eq3A_161 = arith.constant 1 : i32
      %eq3A_162 = arith.cmpi eq, %arg0, %eq3A_161 : i32
      %convert_element_type3A_163 = arith.extui %eq3A_162 : i1 to i32
      %cond3A_164 = arith.constant 0 : i32
      %cond3A_165 = arith.cmpi ne, %convert_element_type3A_163, %cond3A_164 : i32
      scf.if %cond3A_165 {
        %dma_start3A = arith.constant 0 : i32
        %dma_start3A_166 = arith.constant 0 : i32
        %dma_start3A_167 = tpu.memref_slice %arg5[%dma_start3A, %dma_start3A_166] : memref<10000x96xf32, #tpu.memory_space<hbm>> -> memref<10000x96xf32, #tpu.memory_space<hbm>>
        tpu.enqueue_indirect_dma source(%dma_start3A_167 : memref<10000x96xf32, #tpu.memory_space<hbm>>) target(%arg11 : memref<160x96xf32, #tpu.memory_space<vmem>>) offsets(%arg15 : memref<160xi32, #tpu.memory_space<vmem>>) semaphore(%arg19 : memref<!tpu.dma_semaphore, #tpu.memory_space<semaphore_mem>>)
        %dma_start3A_168 = arith.constant 0 : i32
        %dma_start3A_169 = tpu.memref_slice %arg7[%mul3A_155, %dma_start3A_168] : memref<160000x96xf32, #tpu.memory_space<hbm>> -> memref<160x96xf32, #tpu.memory_space<hbm>>
        %dma_start3A_170 = arith.constant 0 : i32
        %dma_start3A_171 = tpu.memref_slice %arg7[%mul3A_155, %dma_start3A_170] : memref<160000x96xf32, #tpu.memory_space<hbm>> -> memref<160x96xf32, #tpu.memory_space<hbm>>
        tpu.enqueue_dma source(%dma_start3A_171 : memref<160x96xf32, #tpu.memory_space<hbm>>) target(%arg13 : memref<160x96xf32, #tpu.memory_space<vmem>>) target_semaphore(%arg21 : memref<!tpu.dma_semaphore, #tpu.memory_space<semaphore_mem>>)
      } else {
      }
    } else {
    }
    %add3A_67 = arith.constant 1 : i32
    %add3A_68 = arith.addi %select_n3A, %add3A_67 : i32
    %jit3A_69 = arith.constant 2 : i32
    %div3A_70 = arith.divsi %add3A_68, %jit3A_69 : i32
    %sign3A_71 = arith.constant 0 : i32
    %sign3A_72 = arith.cmpi sgt, %add3A_68, %sign3A_71 : i32
    %sign3A_73 = arith.extui %sign3A_72 : i1 to i32
    %sign3A_74 = arith.constant 0 : i32
    %sign3A_75 = arith.cmpi slt, %add3A_68, %sign3A_74 : i32
    %sign3A_76 = arith.extui %sign3A_75 : i1 to i32
    %sign3A_77 = arith.subi %sign3A_73, %sign3A_76 : i32
    %sign3A_78 = arith.constant 0 : i32
    %sign3A_79 = arith.cmpi sgt, %jit3A_69, %sign3A_78 : i32
    %sign3A_80 = arith.extui %sign3A_79 : i1 to i32
    %sign3A_81 = arith.constant 0 : i32
    %sign3A_82 = arith.cmpi slt, %jit3A_69, %sign3A_81 : i32
    %sign3A_83 = arith.extui %sign3A_82 : i1 to i32
    %sign3A_84 = arith.subi %sign3A_80, %sign3A_83 : i32
    %ne3A_85 = arith.cmpi ne, %sign3A_77, %sign3A_84 : i32
    %rem3A_86 = arith.remsi %add3A_68, %jit3A_69 : i32
    %ne3A_87 = arith.constant 0 : i32
    %ne3A_88 = arith.cmpi ne, %rem3A_86, %ne3A_87 : i32
    %and3A_89 = arith.andi %ne3A_85, %ne3A_88 : i1
    %sub3A_90 = arith.constant 1 : i32
    %sub3A_91 = arith.subi %div3A_70, %sub3A_90 : i32
    %select_n3A_92 = arith.select %and3A_89, %sub3A_91, %div3A_70 : i32
    %while3A = arith.constant 0 : i32
    %while3A_93 = arith.constant 0 : i32
    %while3A_94 = arith.subi %select_n3A_92, %while3A : i32
    %while3A_95 = arith.addi %while3A, %while3A_94 : i32
    %while3A_96 = arith.constant 1 : i32
    %while3A_97 = arith.divsi %while3A_94, %while3A_96 : i32
    %while3A_98 = arith.muli %while3A_97, %while3A_96 : i32
    %while3A_99 = arith.addi %while3A, %while3A_98 : i32
    %while3A_100 = arith.constant 1 : i32
    %while3A_101 = scf.for %while3A_152 = %while3A to %while3A_99 step %while3A_100 iter_args(%while3A_153 = %while3A_93) -> (i32)  : i32 {
      %mul3A_154 = arith.constant 2 : i32
      %mul3A_155 = arith.muli %mul3A_154, %while3A_152 : i32
      %add3A_156 = arith.constant 0 : i32
      %add3A_157 = arith.addi %mul3A_155, %add3A_156 : i32
      %lt3A = arith.cmpi slt, %add3A_157, %select_n3A : i32
      %convert_element_type3A_158 = arith.extui %lt3A : i1 to i32
      %cond3A_159 = arith.constant 0 : i32
      %cond3A_160 = arith.cmpi ne, %convert_element_type3A_158, %cond3A_159 : i32
      scf.if %cond3A_160 {
        %dma_wait3A = arith.constant 0 : i32
        %dma_wait3A_170 = arith.constant 0 : i32
        %dma_wait3A_171 = tpu.memref_slice %arg4[%dma_wait3A, %dma_wait3A_170] : memref<10000x96xf32, #tpu.memory_space<hbm>> -> memref<10000x96xf32, #tpu.memory_space<hbm>>
        tpu.wait_indirect_dma semaphore(%arg18 : memref<!tpu.dma_semaphore, #tpu.memory_space<semaphore_mem>>) src(%dma_wait3A_171 : memref<10000x96xf32, #tpu.memory_space<hbm>>) dst(%arg10 : memref<160x96xf32, #tpu.memory_space<vmem>>)
        %dma_wait3A_172 = arith.constant 0 : i32
        %dma_wait3A_173 = arith.constant 0 : i32
        %dma_wait3A_174 = tpu.memref_slice %arg6[%dma_wait3A_172, %dma_wait3A_173] : memref<160000x96xf32, #tpu.memory_space<hbm>> -> memref<160x96xf32, #tpu.memory_space<hbm>>
        %dma_wait3A_175 = arith.constant 0 : i32
        %dma_wait3A_176 = arith.constant 0 : i32
        %dma_wait3A_177 = tpu.memref_slice %arg6[%dma_wait3A_175, %dma_wait3A_176] : memref<160000x96xf32, #tpu.memory_space<hbm>> -> memref<160x96xf32, #tpu.memory_space<hbm>>
        tpu.wait_dma2 semaphore(%arg20 : memref<!tpu.dma_semaphore, #tpu.memory_space<semaphore_mem>>) src(%dma_wait3A_177 : memref<160x96xf32, #tpu.memory_space<hbm>>) dst(%arg12 : memref<160x96xf32, #tpu.memory_space<vmem>>)
        %scan3A_178 = arith.constant 0 : i32
        %scan3A_179 = arith.constant 0 : i32
        %scan3A_180 = arith.constant 160 : i32
        %scan3A_181 = arith.addi %scan3A_179, %scan3A_180 : i32
        %scan3A_182 = arith.constant 1 : i32
        %scan3A_183 = scf.for %scan3A_191 = %scan3A_179 to %scan3A_181 step %scan3A_182 iter_args(%scan3A_192 = %scan3A_178) -> (i32)  : i32 {
          %get3A = arith.index_cast %scan3A_191 : i32 to index
          %get3A_193 = arith.constant 0 : index
          %get3A_194 = tpu.vector_load %arg10[%get3A, %get3A_193] {strides = array<i32>} : memref<160x96xf32, #tpu.memory_space<vmem>>, vector<16xf32>,
          %get3A_195 = arith.index_cast %scan3A_191 : i32 to index
          %get3A_196 = arith.constant 0 : index
          %get3A_197 = tpu.vector_load %arg12[%get3A_195, %get3A_196] {strides = array<i32>} : memref<160x96xf32, #tpu.memory_space<vmem>>, vector<16xf32>,
          %mul3A_198 = arith.mulf %get3A_194, %get3A_197 : vector<16xf32>
          %swap3A = arith.index_cast %scan3A_191 : i32 to index
          %swap3A_199 = arith.constant 0 : index
          %swap3A_200 = tpu.vector_load %arg10[%swap3A, %swap3A_199] {strides = array<i32>} : memref<160x96xf32, #tpu.memory_space<vmem>>, vector<16xf32>,
          tpu.vector_store %arg10[%swap3A, %swap3A_199], %mul3A_198 {strides = array<i32>} : memref<160x96xf32, #tpu.memory_space<vmem>>, vector<16xf32>,
          %get3A_201 = arith.index_cast %scan3A_191 : i32 to index
          %get3A_202 = arith.constant 16 : index
          %get3A_203 = tpu.vector_load %arg10[%get3A_201, %get3A_202] {strides = array<i32>} : memref<160x96xf32, #tpu.memory_space<vmem>>, vector<16xf32>,
          %get3A_204 = arith.index_cast %scan3A_191 : i32 to index
          %get3A_205 = arith.constant 16 : index
          %get3A_206 = tpu.vector_load %arg12[%get3A_204, %get3A_205] {strides = array<i32>} : memref<160x96xf32, #tpu.memory_space<vmem>>, vector<16xf32>,
          %mul3A_207 = arith.mulf %get3A_203, %get3A_206 : vector<16xf32>
          %swap3A_208 = arith.index_cast %scan3A_191 : i32 to index
          %swap3A_209 = arith.constant 16 : index
          %swap3A_210 = tpu.vector_load %arg10[%swap3A_208, %swap3A_209] {strides = array<i32>} : memref<160x96xf32, #tpu.memory_space<vmem>>, vector<16xf32>,
          tpu.vector_store %arg10[%swap3A_208, %swap3A_209], %mul3A_207 {strides = array<i32>} : memref<160x96xf32, #tpu.memory_space<vmem>>, vector<16xf32>,
          %get3A_211 = arith.index_cast %scan3A_191 : i32 to index
          %get3A_212 = arith.constant 32 : index
          %get3A_213 = tpu.vector_load %arg10[%get3A_211, %get3A_212] {strides = array<i32>} : memref<160x96xf32, #tpu.memory_space<vmem>>, vector<16xf32>,
          %get3A_214 = arith.index_cast %scan3A_191 : i32 to index
          %get3A_215 = arith.constant 32 : index
          %get3A_216 = tpu.vector_load %arg12[%get3A_214, %get3A_215] {strides = array<i32>} : memref<160x96xf32, #tpu.memory_space<vmem>>, vector<16xf32>,
          %mul3A_217 = arith.mulf %get3A_213, %get3A_216 : vector<16xf32>
          %swap3A_218 = arith.index_cast %scan3A_191 : i32 to index
          %swap3A_219 = arith.constant 32 : index
          %swap3A_220 = tpu.vector_load %arg10[%swap3A_218, %swap3A_219] {strides = array<i32>} : memref<160x96xf32, #tpu.memory_space<vmem>>, vector<16xf32>,
          tpu.vector_store %arg10[%swap3A_218, %swap3A_219], %mul3A_217 {strides = array<i32>} : memref<160x96xf32, #tpu.memory_space<vmem>>, vector<16xf32>,
          %get3A_221 = arith.index_cast %scan3A_191 : i32 to index
          %get3A_222 = arith.constant 48 : index
          %get3A_223 = tpu.vector_load %arg10[%get3A_221, %get3A_222] {strides = array<i32>} : memref<160x96xf32, #tpu.memory_space<vmem>>, vector<16xf32>,
          %get3A_224 = arith.index_cast %scan3A_191 : i32 to index
          %get3A_225 = arith.constant 48 : index
          %get3A_226 = tpu.vector_load %arg12[%get3A_224, %get3A_225] {strides = array<i32>} : memref<160x96xf32, #tpu.memory_space<vmem>>, vector<16xf32>,
          %mul3A_227 = arith.mulf %get3A_223, %get3A_226 : vector<16xf32>
          %swap3A_228 = arith.index_cast %scan3A_191 : i32 to index
          %swap3A_229 = arith.constant 48 : index
          %swap3A_230 = tpu.vector_load %arg10[%swap3A_228, %swap3A_229] {strides = array<i32>} : memref<160x96xf32, #tpu.memory_space<vmem>>, vector<16xf32>,
          tpu.vector_store %arg10[%swap3A_228, %swap3A_229], %mul3A_227 {strides = array<i32>} : memref<160x96xf32, #tpu.memory_space<vmem>>, vector<16xf32>,
          %get3A_231 = arith.index_cast %scan3A_191 : i32 to index
          %get3A_232 = arith.constant 64 : index
          %get3A_233 = tpu.vector_load %arg10[%get3A_231, %get3A_232] {strides = array<i32>} : memref<160x96xf32, #tpu.memory_space<vmem>>, vector<16xf32>,
          %get3A_234 = arith.index_cast %scan3A_191 : i32 to index
          %get3A_235 = arith.constant 64 : index
          %get3A_236 = tpu.vector_load %arg12[%get3A_234, %get3A_235] {strides = array<i32>} : memref<160x96xf32, #tpu.memory_space<vmem>>, vector<16xf32>,
          %mul3A_237 = arith.mulf %get3A_233, %get3A_236 : vector<16xf32>
          %swap3A_238 = arith.index_cast %scan3A_191 : i32 to index
          %swap3A_239 = arith.constant 64 : index
          %swap3A_240 = tpu.vector_load %arg10[%swap3A_238, %swap3A_239] {strides = array<i32>} : memref<160x96xf32, #tpu.memory_space<vmem>>, vector<16xf32>,
          tpu.vector_store %arg10[%swap3A_238, %swap3A_239], %mul3A_237 {strides = array<i32>} : memref<160x96xf32, #tpu.memory_space<vmem>>, vector<16xf32>,
          %get3A_241 = arith.index_cast %scan3A_191 : i32 to index
          %get3A_242 = arith.constant 80 : index
          %get3A_243 = tpu.vector_load %arg10[%get3A_241, %get3A_242] {strides = array<i32>} : memref<160x96xf32, #tpu.memory_space<vmem>>, vector<16xf32>,
          %get3A_244 = arith.index_cast %scan3A_191 : i32 to index
          %get3A_245 = arith.constant 80 : index
          %get3A_246 = tpu.vector_load %arg12[%get3A_244, %get3A_245] {strides = array<i32>} : memref<160x96xf32, #tpu.memory_space<vmem>>, vector<16xf32>,
          %mul3A_247 = arith.mulf %get3A_243, %get3A_246 : vector<16xf32>
          %swap3A_248 = arith.index_cast %scan3A_191 : i32 to index
          %swap3A_249 = arith.constant 80 : index
          %swap3A_250 = tpu.vector_load %arg10[%swap3A_248, %swap3A_249] {strides = array<i32>} : memref<160x96xf32, #tpu.memory_space<vmem>>, vector<16xf32>,
          tpu.vector_store %arg10[%swap3A_248, %swap3A_249], %mul3A_247 {strides = array<i32>} : memref<160x96xf32, #tpu.memory_space<vmem>>, vector<16xf32>,
          %scan3A_251 = arith.constant 0 : i32
          scf.yield %scan3A_251 : i32
        }
        %scan3A_184 = arith.constant 160 : i32
        "tpu.region"() ({
          %run_scoped3A = tpu.sem_alloc : memref<!tpu.dma_semaphore, #tpu.memory_space<semaphore_mem>>
          %dma_start3A = arith.constant 0 : i32
          %dma_start3A_191 = arith.constant 0 : i32
          %dma_start3A_192 = tpu.memref_slice %arg22[%dma_start3A, %dma_start3A_191] : memref<10000x96xf32, #tpu.memory_space<vmem_shared>> -> memref<10000x96xf32, #tpu.memory_space<vmem_shared>>
          tpu.enqueue_indirect_dma source(%arg10 : memref<160x96xf32, #tpu.memory_space<vmem>>) target(%dma_start3A_192 : memref<10000x96xf32, #tpu.memory_space<vmem_shared>>) offsets(%arg16 : memref<160xi32, #tpu.memory_space<vmem>>) semaphore(%run_scoped3A : memref<!tpu.dma_semaphore, #tpu.memory_space<semaphore_mem>>) {add = true}
          %dma_wait3A_193 = arith.constant 0 : i32
          %dma_wait3A_194 = arith.constant 0 : i32
          %dma_wait3A_195 = tpu.memref_slice %arg22[%dma_wait3A_193, %dma_wait3A_194] : memref<10000x96xf32, #tpu.memory_space<vmem_shared>> -> memref<10000x96xf32, #tpu.memory_space<vmem_shared>>
          tpu.wait_indirect_dma semaphore(%run_scoped3A : memref<!tpu.dma_semaphore, #tpu.memory_space<semaphore_mem>>) src(%arg10 : memref<160x96xf32, #tpu.memory_space<vmem>>) dst(%dma_wait3A_195 : memref<10000x96xf32, #tpu.memory_space<vmem_shared>>)
          tpu.yield
        }) : () -> ()
        %add3A_185 = arith.constant 2 : i32
        %add3A_186 = arith.addi %add3A_157, %add3A_185 : i32
        %lt3A_187 = arith.cmpi slt, %add3A_186, %select_n3A : i32
        %convert_element_type3A_188 = arith.extui %lt3A_187 : i1 to i32
        %cond3A_189 = arith.constant 0 : i32
        %cond3A_190 = arith.cmpi ne, %convert_element_type3A_188, %cond3A_189 : i32
        scf.if %cond3A_190 {
          %add3A_191 = arith.constant 2 : i32
          %add3A_192 = arith.addi %add3A_157, %add3A_191 : i32
          %mul3A_193 = arith.constant 16 : i32
          %mul3A_194 = arith.muli %add3A_192, %mul3A_193 : i32
          %add3A_195 = arith.addi %arg1, %mul3A_194 : i32
          %mul3A_196 = arith.constant 160 : i32
          %mul3A_197 = arith.muli %add3A_195, %mul3A_196 : i32
          "tpu.region"() ({
            %run_scoped3A = tpu.sem_alloc : memref<!tpu.dma_semaphore, #tpu.memory_space<semaphore_mem>>
            %dma_start3A = tpu.memref_slice %arg2[%mul3A_197] : memref<160000xi32, #tpu.memory_space<hbm>> -> memref<160xi32, #tpu.memory_space<hbm>>
            %dma_start3A_208 = tpu.memref_slice %arg2[%mul3A_197] : memref<160000xi32, #tpu.memory_space<hbm>> -> memref<160xi32, #tpu.memory_space<hbm>>
            tpu.enqueue_dma source(%dma_start3A_208 : memref<160xi32, #tpu.memory_space<hbm>>) target(%arg14 : memref<160xi32, #tpu.memory_space<vmem>>) target_semaphore(%run_scoped3A : memref<!tpu.dma_semaphore, #tpu.memory_space<semaphore_mem>>)
            %dma_wait3A_209 = tpu.memref_slice %arg2[%mul3A_197] : memref<160000xi32, #tpu.memory_space<hbm>> -> memref<160xi32, #tpu.memory_space<hbm>>
            %dma_wait3A_210 = tpu.memref_slice %arg2[%mul3A_197] : memref<160000xi32, #tpu.memory_space<hbm>> -> memref<160xi32, #tpu.memory_space<hbm>>
            tpu.wait_dma2 semaphore(%run_scoped3A : memref<!tpu.dma_semaphore, #tpu.memory_space<semaphore_mem>>) src(%dma_wait3A_210 : memref<160xi32, #tpu.memory_space<hbm>>) dst(%arg14 : memref<160xi32, #tpu.memory_space<vmem>>)
            tpu.yield
          }) : () -> ()
          "tpu.region"() ({
            %run_scoped3A = tpu.sem_alloc : memref<!tpu.dma_semaphore, #tpu.memory_space<semaphore_mem>>
            %dma_start3A = tpu.memref_slice %arg3[%mul3A_197] : memref<160000xi32, #tpu.memory_space<hbm>> -> memref<160xi32, #tpu.memory_space<hbm>>
            %dma_start3A_208 = tpu.memref_slice %arg3[%mul3A_197] : memref<160000xi32, #tpu.memory_space<hbm>> -> memref<160xi32, #tpu.memory_space<hbm>>
            tpu.enqueue_dma source(%dma_start3A_208 : memref<160xi32, #tpu.memory_space<hbm>>) target(%arg16 : memref<160xi32, #tpu.memory_space<vmem>>) target_semaphore(%run_scoped3A : memref<!tpu.dma_semaphore, #tpu.memory_space<semaphore_mem>>)
            %dma_wait3A_209 = tpu.memref_slice %arg3[%mul3A_197] : memref<160000xi32, #tpu.memory_space<hbm>> -> memref<160xi32, #tpu.memory_space<hbm>>
            %dma_wait3A_210 = tpu.memref_slice %arg3[%mul3A_197] : memref<160000xi32, #tpu.memory_space<hbm>> -> memref<160xi32, #tpu.memory_space<hbm>>
            tpu.wait_dma2 semaphore(%run_scoped3A : memref<!tpu.dma_semaphore, #tpu.memory_space<semaphore_mem>>) src(%dma_wait3A_210 : memref<160xi32, #tpu.memory_space<hbm>>) dst(%arg16 : memref<160xi32, #tpu.memory_space<vmem>>)
            tpu.yield
          }) : () -> ()
          %eq3A_198 = arith.constant 0 : i32
          %eq3A_199 = arith.cmpi eq, %arg0, %eq3A_198 : i32
          %convert_element_type3A_200 = arith.extui %eq3A_199 : i1 to i32
          %cond3A_201 = arith.constant 0 : i32
          %cond3A_202 = arith.cmpi ne, %convert_element_type3A_200, %cond3A_201 : i32
          scf.if %cond3A_202 {
            %dma_start3A = arith.constant 0 : i32
            %dma_start3A_208 = arith.constant 0 : i32
            %dma_start3A_209 = tpu.memref_slice %arg4[%dma_start3A, %dma_start3A_208] : memref<10000x96xf32, #tpu.memory_space<hbm>> -> memref<10000x96xf32, #tpu.memory_space<hbm>>
            tpu.enqueue_indirect_dma source(%dma_start3A_209 : memref<10000x96xf32, #tpu.memory_space<hbm>>) target(%arg10 : memref<160x96xf32, #tpu.memory_space<vmem>>) offsets(%arg14 : memref<160xi32, #tpu.memory_space<vmem>>) semaphore(%arg18 : memref<!tpu.dma_semaphore, #tpu.memory_space<semaphore_mem>>)
            %dma_start3A_210 = arith.constant 0 : i32
            %dma_start3A_211 = tpu.memref_slice %arg6[%mul3A_197, %dma_start3A_210] : memref<160000x96xf32, #tpu.memory_space<hbm>> -> memref<160x96xf32, #tpu.memory_space<hbm>>
            %dma_start3A_212 = arith.constant 0 : i32
            %dma_start3A_213 = tpu.memref_slice %arg6[%mul3A_197, %dma_start3A_212] : memref<160000x96xf32, #tpu.memory_space<hbm>> -> memref<160x96xf32, #tpu.memory_space<hbm>>
            tpu.enqueue_dma source(%dma_start3A_213 : memref<160x96xf32, #tpu.memory_space<hbm>>) target(%arg12 : memref<160x96xf32, #tpu.memory_space<vmem>>) target_semaphore(%arg20 : memref<!tpu.dma_semaphore, #tpu.memory_space<semaphore_mem>>)
          } else {
          }
          %eq3A_203 = arith.constant 1 : i32
          %eq3A_204 = arith.cmpi eq, %arg0, %eq3A_203 : i32
          %convert_element_type3A_205 = arith.extui %eq3A_204 : i1 to i32
          %cond3A_206 = arith.constant 0 : i32
          %cond3A_207 = arith.cmpi ne, %convert_element_type3A_205, %cond3A_206 : i32
          scf.if %cond3A_207 {
            %dma_start3A = arith.constant 0 : i32
            %dma_start3A_208 = arith.constant 0 : i32
            %dma_start3A_209 = tpu.memref_slice %arg5[%dma_start3A, %dma_start3A_208] : memref<10000x96xf32, #tpu.memory_space<hbm>> -> memref<10000x96xf32, #tpu.memory_space<hbm>>
            tpu.enqueue_indirect_dma source(%dma_start3A_209 : memref<10000x96xf32, #tpu.memory_space<hbm>>) target(%arg10 : memref<160x96xf32, #tpu.memory_space<vmem>>) offsets(%arg14 : memref<160xi32, #tpu.memory_space<vmem>>) semaphore(%arg18 : memref<!tpu.dma_semaphore, #tpu.memory_space<semaphore_mem>>)
            %dma_start3A_210 = arith.constant 0 : i32
            %dma_start3A_211 = tpu.memref_slice %arg7[%mul3A_197, %dma_start3A_210] : memref<160000x96xf32, #tpu.memory_space<hbm>> -> memref<160x96xf32, #tpu.memory_space<hbm>>
            %dma_start3A_212 = arith.constant 0 : i32
            %dma_start3A_213 = tpu.memref_slice %arg7[%mul3A_197, %dma_start3A_212] : memref<160000x96xf32, #tpu.memory_space<hbm>> -> memref<160x96xf32, #tpu.memory_space<hbm>>
            tpu.enqueue_dma source(%dma_start3A_213 : memref<160x96xf32, #tpu.memory_space<hbm>>) target(%arg12 : memref<160x96xf32, #tpu.memory_space<vmem>>) target_semaphore(%arg20 : memref<!tpu.dma_semaphore, #tpu.memory_space<semaphore_mem>>)
          } else {
          }
        } else {
        }
      } else {
      }
      %mul3A_161 = arith.constant 2 : i32
      %mul3A_162 = arith.muli %mul3A_161, %while3A_152 : i32
      %add3A_163 = arith.constant 1 : i32
      %add3A_164 = arith.addi %mul3A_162, %add3A_163 : i32
      %lt3A_165 = arith.cmpi slt, %add3A_164, %select_n3A : i32
      %convert_element_type3A_166 = arith.extui %lt3A_165 : i1 to i32
      %cond3A_167 = arith.constant 0 : i32
      %cond3A_168 = arith.cmpi ne, %convert_element_type3A_166, %cond3A_167 : i32
      scf.if %cond3A_168 {
        %dma_wait3A = arith.constant 0 : i32
        %dma_wait3A_170 = arith.constant 0 : i32
        %dma_wait3A_171 = tpu.memref_slice %arg4[%dma_wait3A, %dma_wait3A_170] : memref<10000x96xf32, #tpu.memory_space<hbm>> -> memref<10000x96xf32, #tpu.memory_space<hbm>>
        tpu.wait_indirect_dma semaphore(%arg19 : memref<!tpu.dma_semaphore, #tpu.memory_space<semaphore_mem>>) src(%dma_wait3A_171 : memref<10000x96xf32, #tpu.memory_space<hbm>>) dst(%arg11 : memref<160x96xf32, #tpu.memory_space<vmem>>)
        %dma_wait3A_172 = arith.constant 0 : i32
        %dma_wait3A_173 = arith.constant 0 : i32
        %dma_wait3A_174 = tpu.memref_slice %arg6[%dma_wait3A_172, %dma_wait3A_173] : memref<160000x96xf32, #tpu.memory_space<hbm>> -> memref<160x96xf32, #tpu.memory_space<hbm>>
        %dma_wait3A_175 = arith.constant 0 : i32
        %dma_wait3A_176 = arith.constant 0 : i32
        %dma_wait3A_177 = tpu.memref_slice %arg6[%dma_wait3A_175, %dma_wait3A_176] : memref<160000x96xf32, #tpu.memory_space<hbm>> -> memref<160x96xf32, #tpu.memory_space<hbm>>
        tpu.wait_dma2 semaphore(%arg21 : memref<!tpu.dma_semaphore, #tpu.memory_space<semaphore_mem>>) src(%dma_wait3A_177 : memref<160x96xf32, #tpu.memory_space<hbm>>) dst(%arg13 : memref<160x96xf32, #tpu.memory_space<vmem>>)
        %scan3A_178 = arith.constant 0 : i32
        %scan3A_179 = arith.constant 0 : i32
        %scan3A_180 = arith.constant 160 : i32
        %scan3A_181 = arith.addi %scan3A_179, %scan3A_180 : i32
        %scan3A_182 = arith.constant 1 : i32
        %scan3A_183 = scf.for %scan3A_191 = %scan3A_179 to %scan3A_181 step %scan3A_182 iter_args(%scan3A_192 = %scan3A_178) -> (i32)  : i32 {
          %get3A = arith.index_cast %scan3A_191 : i32 to index
          %get3A_193 = arith.constant 0 : index
          %get3A_194 = tpu.vector_load %arg11[%get3A, %get3A_193] {strides = array<i32>} : memref<160x96xf32, #tpu.memory_space<vmem>>, vector<16xf32>,
          %get3A_195 = arith.index_cast %scan3A_191 : i32 to index
          %get3A_196 = arith.constant 0 : index
          %get3A_197 = tpu.vector_load %arg13[%get3A_195, %get3A_196] {strides = array<i32>} : memref<160x96xf32, #tpu.memory_space<vmem>>, vector<16xf32>,
          %mul3A_198 = arith.mulf %get3A_194, %get3A_197 : vector<16xf32>
          %swap3A = arith.index_cast %scan3A_191 : i32 to index
          %swap3A_199 = arith.constant 0 : index
          %swap3A_200 = tpu.vector_load %arg11[%swap3A, %swap3A_199] {strides = array<i32>} : memref<160x96xf32, #tpu.memory_space<vmem>>, vector<16xf32>,
          tpu.vector_store %arg11[%swap3A, %swap3A_199], %mul3A_198 {strides = array<i32>} : memref<160x96xf32, #tpu.memory_space<vmem>>, vector<16xf32>,
          %get3A_201 = arith.index_cast %scan3A_191 : i32 to index
          %get3A_202 = arith.constant 16 : index
          %get3A_203 = tpu.vector_load %arg11[%get3A_201, %get3A_202] {strides = array<i32>} : memref<160x96xf32, #tpu.memory_space<vmem>>, vector<16xf32>,
          %get3A_204 = arith.index_cast %scan3A_191 : i32 to index
          %get3A_205 = arith.constant 16 : index
          %get3A_206 = tpu.vector_load %arg13[%get3A_204, %get3A_205] {strides = array<i32>} : memref<160x96xf32, #tpu.memory_space<vmem>>, vector<16xf32>,
          %mul3A_207 = arith.mulf %get3A_203, %get3A_206 : vector<16xf32>
          %swap3A_208 = arith.index_cast %scan3A_191 : i32 to index
          %swap3A_209 = arith.constant 16 : index
          %swap3A_210 = tpu.vector_load %arg11[%swap3A_208, %swap3A_209] {strides = array<i32>} : memref<160x96xf32, #tpu.memory_space<vmem>>, vector<16xf32>,
          tpu.vector_store %arg11[%swap3A_208, %swap3A_209], %mul3A_207 {strides = array<i32>} : memref<160x96xf32, #tpu.memory_space<vmem>>, vector<16xf32>,
          %get3A_211 = arith.index_cast %scan3A_191 : i32 to index
          %get3A_212 = arith.constant 32 : index
          %get3A_213 = tpu.vector_load %arg11[%get3A_211, %get3A_212] {strides = array<i32>} : memref<160x96xf32, #tpu.memory_space<vmem>>, vector<16xf32>,
          %get3A_214 = arith.index_cast %scan3A_191 : i32 to index
          %get3A_215 = arith.constant 32 : index
          %get3A_216 = tpu.vector_load %arg13[%get3A_214, %get3A_215] {strides = array<i32>} : memref<160x96xf32, #tpu.memory_space<vmem>>, vector<16xf32>,
          %mul3A_217 = arith.mulf %get3A_213, %get3A_216 : vector<16xf32>
          %swap3A_218 = arith.index_cast %scan3A_191 : i32 to index
          %swap3A_219 = arith.constant 32 : index
          %swap3A_220 = tpu.vector_load %arg11[%swap3A_218, %swap3A_219] {strides = array<i32>} : memref<160x96xf32, #tpu.memory_space<vmem>>, vector<16xf32>,
          tpu.vector_store %arg11[%swap3A_218, %swap3A_219], %mul3A_217 {strides = array<i32>} : memref<160x96xf32, #tpu.memory_space<vmem>>, vector<16xf32>,
          %get3A_221 = arith.index_cast %scan3A_191 : i32 to index
          %get3A_222 = arith.constant 48 : index
          %get3A_223 = tpu.vector_load %arg11[%get3A_221, %get3A_222] {strides = array<i32>} : memref<160x96xf32, #tpu.memory_space<vmem>>, vector<16xf32>,
          %get3A_224 = arith.index_cast %scan3A_191 : i32 to index
          %get3A_225 = arith.constant 48 : index
          %get3A_226 = tpu.vector_load %arg13[%get3A_224, %get3A_225] {strides = array<i32>} : memref<160x96xf32, #tpu.memory_space<vmem>>, vector<16xf32>,
          %mul3A_227 = arith.mulf %get3A_223, %get3A_226 : vector<16xf32>
          %swap3A_228 = arith.index_cast %scan3A_191 : i32 to index
          %swap3A_229 = arith.constant 48 : index
          %swap3A_230 = tpu.vector_load %arg11[%swap3A_228, %swap3A_229] {strides = array<i32>} : memref<160x96xf32, #tpu.memory_space<vmem>>, vector<16xf32>,
          tpu.vector_store %arg11[%swap3A_228, %swap3A_229], %mul3A_227 {strides = array<i32>} : memref<160x96xf32, #tpu.memory_space<vmem>>, vector<16xf32>,
          %get3A_231 = arith.index_cast %scan3A_191 : i32 to index
          %get3A_232 = arith.constant 64 : index
          %get3A_233 = tpu.vector_load %arg11[%get3A_231, %get3A_232] {strides = array<i32>} : memref<160x96xf32, #tpu.memory_space<vmem>>, vector<16xf32>,
          %get3A_234 = arith.index_cast %scan3A_191 : i32 to index
          %get3A_235 = arith.constant 64 : index
          %get3A_236 = tpu.vector_load %arg13[%get3A_234, %get3A_235] {strides = array<i32>} : memref<160x96xf32, #tpu.memory_space<vmem>>, vector<16xf32>,
          %mul3A_237 = arith.mulf %get3A_233, %get3A_236 : vector<16xf32>
          %swap3A_238 = arith.index_cast %scan3A_191 : i32 to index
          %swap3A_239 = arith.constant 64 : index
          %swap3A_240 = tpu.vector_load %arg11[%swap3A_238, %swap3A_239] {strides = array<i32>} : memref<160x96xf32, #tpu.memory_space<vmem>>, vector<16xf32>,
          tpu.vector_store %arg11[%swap3A_238, %swap3A_239], %mul3A_237 {strides = array<i32>} : memref<160x96xf32, #tpu.memory_space<vmem>>, vector<16xf32>,
          %get3A_241 = arith.index_cast %scan3A_191 : i32 to index
          %get3A_242 = arith.constant 80 : index
          %get3A_243 = tpu.vector_load %arg11[%get3A_241, %get3A_242] {strides = array<i32>} : memref<160x96xf32, #tpu.memory_space<vmem>>, vector<16xf32>,
          %get3A_244 = arith.index_cast %scan3A_191 : i32 to index
          %get3A_245 = arith.constant 80 : index
          %get3A_246 = tpu.vector_load %arg13[%get3A_244, %get3A_245] {strides = array<i32>} : memref<160x96xf32, #tpu.memory_space<vmem>>, vector<16xf32>,
          %mul3A_247 = arith.mulf %get3A_243, %get3A_246 : vector<16xf32>
          %swap3A_248 = arith.index_cast %scan3A_191 : i32 to index
          %swap3A_249 = arith.constant 80 : index
          %swap3A_250 = tpu.vector_load %arg11[%swap3A_248, %swap3A_249] {strides = array<i32>} : memref<160x96xf32, #tpu.memory_space<vmem>>, vector<16xf32>,
          tpu.vector_store %arg11[%swap3A_248, %swap3A_249], %mul3A_247 {strides = array<i32>} : memref<160x96xf32, #tpu.memory_space<vmem>>, vector<16xf32>,
          %scan3A_251 = arith.constant 0 : i32
          scf.yield %scan3A_251 : i32
        }
        %scan3A_184 = arith.constant 160 : i32
        "tpu.region"() ({
          %run_scoped3A = tpu.sem_alloc : memref<!tpu.dma_semaphore, #tpu.memory_space<semaphore_mem>>
          %dma_start3A = arith.constant 0 : i32
          %dma_start3A_191 = arith.constant 0 : i32
          %dma_start3A_192 = tpu.memref_slice %arg22[%dma_start3A, %dma_start3A_191] : memref<10000x96xf32, #tpu.memory_space<vmem_shared>> -> memref<10000x96xf32, #tpu.memory_space<vmem_shared>>
          tpu.enqueue_indirect_dma source(%arg11 : memref<160x96xf32, #tpu.memory_space<vmem>>) target(%dma_start3A_192 : memref<10000x96xf32, #tpu.memory_space<vmem_shared>>) offsets(%arg17 : memref<160xi32, #tpu.memory_space<vmem>>) semaphore(%run_scoped3A : memref<!tpu.dma_semaphore, #tpu.memory_space<semaphore_mem>>) {add = true}
          %dma_wait3A_193 = arith.constant 0 : i32
          %dma_wait3A_194 = arith.constant 0 : i32
          %dma_wait3A_195 = tpu.memref_slice %arg22[%dma_wait3A_193, %dma_wait3A_194] : memref<10000x96xf32, #tpu.memory_space<vmem_shared>> -> memref<10000x96xf32, #tpu.memory_space<vmem_shared>>
          tpu.wait_indirect_dma semaphore(%run_scoped3A : memref<!tpu.dma_semaphore, #tpu.memory_space<semaphore_mem>>) src(%arg11 : memref<160x96xf32, #tpu.memory_space<vmem>>) dst(%dma_wait3A_195 : memref<10000x96xf32, #tpu.memory_space<vmem_shared>>)
          tpu.yield
        }) : () -> ()
        %add3A_185 = arith.constant 2 : i32
        %add3A_186 = arith.addi %add3A_164, %add3A_185 : i32
        %lt3A_187 = arith.cmpi slt, %add3A_186, %select_n3A : i32
        %convert_element_type3A_188 = arith.extui %lt3A_187 : i1 to i32
        %cond3A_189 = arith.constant 0 : i32
        %cond3A_190 = arith.cmpi ne, %convert_element_type3A_188, %cond3A_189 : i32
        scf.if %cond3A_190 {
          %add3A_191 = arith.constant 2 : i32
          %add3A_192 = arith.addi %add3A_164, %add3A_191 : i32
          %mul3A_193 = arith.constant 16 : i32
          %mul3A_194 = arith.muli %add3A_192, %mul3A_193 : i32
          %add3A_195 = arith.addi %arg1, %mul3A_194 : i32
          %mul3A_196 = arith.constant 160 : i32
          %mul3A_197 = arith.muli %add3A_195, %mul3A_196 : i32
          "tpu.region"() ({
            %run_scoped3A = tpu.sem_alloc : memref<!tpu.dma_semaphore, #tpu.memory_space<semaphore_mem>>
            %dma_start3A = tpu.memref_slice %arg2[%mul3A_197] : memref<160000xi32, #tpu.memory_space<hbm>> -> memref<160xi32, #tpu.memory_space<hbm>>
            %dma_start3A_208 = tpu.memref_slice %arg2[%mul3A_197] : memref<160000xi32, #tpu.memory_space<hbm>> -> memref<160xi32, #tpu.memory_space<hbm>>
            tpu.enqueue_dma source(%dma_start3A_208 : memref<160xi32, #tpu.memory_space<hbm>>) target(%arg15 : memref<160xi32, #tpu.memory_space<vmem>>) target_semaphore(%run_scoped3A : memref<!tpu.dma_semaphore, #tpu.memory_space<semaphore_mem>>)
            %dma_wait3A_209 = tpu.memref_slice %arg2[%mul3A_197] : memref<160000xi32, #tpu.memory_space<hbm>> -> memref<160xi32, #tpu.memory_space<hbm>>
            %dma_wait3A_210 = tpu.memref_slice %arg2[%mul3A_197] : memref<160000xi32, #tpu.memory_space<hbm>> -> memref<160xi32, #tpu.memory_space<hbm>>
            tpu.wait_dma2 semaphore(%run_scoped3A : memref<!tpu.dma_semaphore, #tpu.memory_space<semaphore_mem>>) src(%dma_wait3A_210 : memref<160xi32, #tpu.memory_space<hbm>>) dst(%arg15 : memref<160xi32, #tpu.memory_space<vmem>>)
            tpu.yield
          }) : () -> ()
          "tpu.region"() ({
            %run_scoped3A = tpu.sem_alloc : memref<!tpu.dma_semaphore, #tpu.memory_space<semaphore_mem>>
            %dma_start3A = tpu.memref_slice %arg3[%mul3A_197] : memref<160000xi32, #tpu.memory_space<hbm>> -> memref<160xi32, #tpu.memory_space<hbm>>
            %dma_start3A_208 = tpu.memref_slice %arg3[%mul3A_197] : memref<160000xi32, #tpu.memory_space<hbm>> -> memref<160xi32, #tpu.memory_space<hbm>>
            tpu.enqueue_dma source(%dma_start3A_208 : memref<160xi32, #tpu.memory_space<hbm>>) target(%arg17 : memref<160xi32, #tpu.memory_space<vmem>>) target_semaphore(%run_scoped3A : memref<!tpu.dma_semaphore, #tpu.memory_space<semaphore_mem>>)
            %dma_wait3A_209 = tpu.memref_slice %arg3[%mul3A_197] : memref<160000xi32, #tpu.memory_space<hbm>> -> memref<160xi32, #tpu.memory_space<hbm>>
            %dma_wait3A_210 = tpu.memref_slice %arg3[%mul3A_197] : memref<160000xi32, #tpu.memory_space<hbm>> -> memref<160xi32, #tpu.memory_space<hbm>>
            tpu.wait_dma2 semaphore(%run_scoped3A : memref<!tpu.dma_semaphore, #tpu.memory_space<semaphore_mem>>) src(%dma_wait3A_210 : memref<160xi32, #tpu.memory_space<hbm>>) dst(%arg17 : memref<160xi32, #tpu.memory_space<vmem>>)
            tpu.yield
          }) : () -> ()
          %eq3A_198 = arith.constant 0 : i32
          %eq3A_199 = arith.cmpi eq, %arg0, %eq3A_198 : i32
          %convert_element_type3A_200 = arith.extui %eq3A_199 : i1 to i32
          %cond3A_201 = arith.constant 0 : i32
          %cond3A_202 = arith.cmpi ne, %convert_element_type3A_200, %cond3A_201 : i32
          scf.if %cond3A_202 {
            %dma_start3A = arith.constant 0 : i32
            %dma_start3A_208 = arith.constant 0 : i32
            %dma_start3A_209 = tpu.memref_slice %arg4[%dma_start3A, %dma_start3A_208] : memref<10000x96xf32, #tpu.memory_space<hbm>> -> memref<10000x96xf32, #tpu.memory_space<hbm>>
            tpu.enqueue_indirect_dma source(%dma_start3A_209 : memref<10000x96xf32, #tpu.memory_space<hbm>>) target(%arg11 : memref<160x96xf32, #tpu.memory_space<vmem>>) offsets(%arg15 : memref<160xi32, #tpu.memory_space<vmem>>) semaphore(%arg19 : memref<!tpu.dma_semaphore, #tpu.memory_space<semaphore_mem>>)
            %dma_start3A_210 = arith.constant 0 : i32
            %dma_start3A_211 = tpu.memref_slice %arg6[%mul3A_197, %dma_start3A_210] : memref<160000x96xf32, #tpu.memory_space<hbm>> -> memref<160x96xf32, #tpu.memory_space<hbm>>
            %dma_start3A_212 = arith.constant 0 : i32
            %dma_start3A_213 = tpu.memref_slice %arg6[%mul3A_197, %dma_start3A_212] : memref<160000x96xf32, #tpu.memory_space<hbm>> -> memref<160x96xf32, #tpu.memory_space<hbm>>
            tpu.enqueue_dma source(%dma_start3A_213 : memref<160x96xf32, #tpu.memory_space<hbm>>) target(%arg13 : memref<160x96xf32, #tpu.memory_space<vmem>>) target_semaphore(%arg21 : memref<!tpu.dma_semaphore, #tpu.memory_space<semaphore_mem>>)
          } else {
          }
          %eq3A_203 = arith.constant 1 : i32
          %eq3A_204 = arith.cmpi eq, %arg0, %eq3A_203 : i32
          %convert_element_type3A_205 = arith.extui %eq3A_204 : i1 to i32
          %cond3A_206 = arith.constant 0 : i32
          %cond3A_207 = arith.cmpi ne, %convert_element_type3A_205, %cond3A_206 : i32
          scf.if %cond3A_207 {
            %dma_start3A = arith.constant 0 : i32
            %dma_start3A_208 = arith.constant 0 : i32
            %dma_start3A_209 = tpu.memref_slice %arg5[%dma_start3A, %dma_start3A_208] : memref<10000x96xf32, #tpu.memory_space<hbm>> -> memref<10000x96xf32, #tpu.memory_space<hbm>>
            tpu.enqueue_indirect_dma source(%dma_start3A_209 : memref<10000x96xf32, #tpu.memory_space<hbm>>) target(%arg11 : memref<160x96xf32, #tpu.memory_space<vmem>>) offsets(%arg15 : memref<160xi32, #tpu.memory_space<vmem>>) semaphore(%arg19 : memref<!tpu.dma_semaphore, #tpu.memory_space<semaphore_mem>>)
            %dma_start3A_210 = arith.constant 0 : i32
            %dma_start3A_211 = tpu.memref_slice %arg7[%mul3A_197, %dma_start3A_210] : memref<160000x96xf32, #tpu.memory_space<hbm>> -> memref<160x96xf32, #tpu.memory_space<hbm>>
            %dma_start3A_212 = arith.constant 0 : i32
            %dma_start3A_213 = tpu.memref_slice %arg7[%mul3A_197, %dma_start3A_212] : memref<160000x96xf32, #tpu.memory_space<hbm>> -> memref<160x96xf32, #tpu.memory_space<hbm>>
            tpu.enqueue_dma source(%dma_start3A_213 : memref<160x96xf32, #tpu.memory_space<hbm>>) target(%arg13 : memref<160x96xf32, #tpu.memory_space<vmem>>) target_semaphore(%arg21 : memref<!tpu.dma_semaphore, #tpu.memory_space<semaphore_mem>>)
          } else {
          }
        } else {
        }
      } else {
      }
      %while3A_169 = arith.constant 0 : i32
      scf.yield %while3A_169 : i32
    }
    %while3A_102 = arith.constant 1 : i32
    %while3A_103 = scf.for %while3A_152 = %while3A_99 to %while3A_95 step %while3A_102 iter_args(%while3A_153 = %while3A_101) -> (i32)  : i32 {
      %mul3A_154 = arith.constant 2 : i32
      %mul3A_155 = arith.muli %mul3A_154, %while3A_152 : i32
      %add3A_156 = arith.constant 0 : i32
      %add3A_157 = arith.addi %mul3A_155, %add3A_156 : i32
      %lt3A = arith.cmpi slt, %add3A_157, %select_n3A : i32
      %convert_element_type3A_158 = arith.extui %lt3A : i1 to i32
      %cond3A_159 = arith.constant 0 : i32
      %cond3A_160 = arith.cmpi ne, %convert_element_type3A_158, %cond3A_159 : i32
      scf.if %cond3A_160 {
        %dma_wait3A = arith.constant 0 : i32
        %dma_wait3A_170 = arith.constant 0 : i32
        %dma_wait3A_171 = tpu.memref_slice %arg4[%dma_wait3A, %dma_wait3A_170] : memref<10000x96xf32, #tpu.memory_space<hbm>> -> memref<10000x96xf32, #tpu.memory_space<hbm>>
        tpu.wait_indirect_dma semaphore(%arg18 : memref<!tpu.dma_semaphore, #tpu.memory_space<semaphore_mem>>) src(%dma_wait3A_171 : memref<10000x96xf32, #tpu.memory_space<hbm>>) dst(%arg10 : memref<160x96xf32, #tpu.memory_space<vmem>>)
        %dma_wait3A_172 = arith.constant 0 : i32
        %dma_wait3A_173 = arith.constant 0 : i32
        %dma_wait3A_174 = tpu.memref_slice %arg6[%dma_wait3A_172, %dma_wait3A_173] : memref<160000x96xf32, #tpu.memory_space<hbm>> -> memref<160x96xf32, #tpu.memory_space<hbm>>
        %dma_wait3A_175 = arith.constant 0 : i32
        %dma_wait3A_176 = arith.constant 0 : i32
        %dma_wait3A_177 = tpu.memref_slice %arg6[%dma_wait3A_175, %dma_wait3A_176] : memref<160000x96xf32, #tpu.memory_space<hbm>> -> memref<160x96xf32, #tpu.memory_space<hbm>>
        tpu.wait_dma2 semaphore(%arg20 : memref<!tpu.dma_semaphore, #tpu.memory_space<semaphore_mem>>) src(%dma_wait3A_177 : memref<160x96xf32, #tpu.memory_space<hbm>>) dst(%arg12 : memref<160x96xf32, #tpu.memory_space<vmem>>)
        %scan3A_178 = arith.constant 0 : i32
        %scan3A_179 = arith.constant 0 : i32
        %scan3A_180 = arith.constant 160 : i32
        %scan3A_181 = arith.addi %scan3A_179, %scan3A_180 : i32
        %scan3A_182 = arith.constant 1 : i32
        %scan3A_183 = scf.for %scan3A_191 = %scan3A_179 to %scan3A_181 step %scan3A_182 iter_args(%scan3A_192 = %scan3A_178) -> (i32)  : i32 {
          %get3A = arith.index_cast %scan3A_191 : i32 to index
          %get3A_193 = arith.constant 0 : index
          %get3A_194 = tpu.vector_load %arg10[%get3A, %get3A_193] {strides = array<i32>} : memref<160x96xf32, #tpu.memory_space<vmem>>, vector<16xf32>,
          %get3A_195 = arith.index_cast %scan3A_191 : i32 to index
          %get3A_196 = arith.constant 0 : index
          %get3A_197 = tpu.vector_load %arg12[%get3A_195, %get3A_196] {strides = array<i32>} : memref<160x96xf32, #tpu.memory_space<vmem>>, vector<16xf32>,
          %mul3A_198 = arith.mulf %get3A_194, %get3A_197 : vector<16xf32>
          %swap3A = arith.index_cast %scan3A_191 : i32 to index
          %swap3A_199 = arith.constant 0 : index
          %swap3A_200 = tpu.vector_load %arg10[%swap3A, %swap3A_199] {strides = array<i32>} : memref<160x96xf32, #tpu.memory_space<vmem>>, vector<16xf32>,
          tpu.vector_store %arg10[%swap3A, %swap3A_199], %mul3A_198 {strides = array<i32>} : memref<160x96xf32, #tpu.memory_space<vmem>>, vector<16xf32>,
          %get3A_201 = arith.index_cast %scan3A_191 : i32 to index
          %get3A_202 = arith.constant 16 : index
          %get3A_203 = tpu.vector_load %arg10[%get3A_201, %get3A_202] {strides = array<i32>} : memref<160x96xf32, #tpu.memory_space<vmem>>, vector<16xf32>,
          %get3A_204 = arith.index_cast %scan3A_191 : i32 to index
          %get3A_205 = arith.constant 16 : index
          %get3A_206 = tpu.vector_load %arg12[%get3A_204, %get3A_205] {strides = array<i32>} : memref<160x96xf32, #tpu.memory_space<vmem>>, vector<16xf32>,
          %mul3A_207 = arith.mulf %get3A_203, %get3A_206 : vector<16xf32>
          %swap3A_208 = arith.index_cast %scan3A_191 : i32 to index
          %swap3A_209 = arith.constant 16 : index
          %swap3A_210 = tpu.vector_load %arg10[%swap3A_208, %swap3A_209] {strides = array<i32>} : memref<160x96xf32, #tpu.memory_space<vmem>>, vector<16xf32>,
          tpu.vector_store %arg10[%swap3A_208, %swap3A_209], %mul3A_207 {strides = array<i32>} : memref<160x96xf32, #tpu.memory_space<vmem>>, vector<16xf32>,
          %get3A_211 = arith.index_cast %scan3A_191 : i32 to index
          %get3A_212 = arith.constant 32 : index
          %get3A_213 = tpu.vector_load %arg10[%get3A_211, %get3A_212] {strides = array<i32>} : memref<160x96xf32, #tpu.memory_space<vmem>>, vector<16xf32>,
          %get3A_214 = arith.index_cast %scan3A_191 : i32 to index
          %get3A_215 = arith.constant 32 : index
          %get3A_216 = tpu.vector_load %arg12[%get3A_214, %get3A_215] {strides = array<i32>} : memref<160x96xf32, #tpu.memory_space<vmem>>, vector<16xf32>,
          %mul3A_217 = arith.mulf %get3A_213, %get3A_216 : vector<16xf32>
          %swap3A_218 = arith.index_cast %scan3A_191 : i32 to index
          %swap3A_219 = arith.constant 32 : index
          %swap3A_220 = tpu.vector_load %arg10[%swap3A_218, %swap3A_219] {strides = array<i32>} : memref<160x96xf32, #tpu.memory_space<vmem>>, vector<16xf32>,
          tpu.vector_store %arg10[%swap3A_218, %swap3A_219], %mul3A_217 {strides = array<i32>} : memref<160x96xf32, #tpu.memory_space<vmem>>, vector<16xf32>,
          %get3A_221 = arith.index_cast %scan3A_191 : i32 to index
          %get3A_222 = arith.constant 48 : index
          %get3A_223 = tpu.vector_load %arg10[%get3A_221, %get3A_222] {strides = array<i32>} : memref<160x96xf32, #tpu.memory_space<vmem>>, vector<16xf32>,
          %get3A_224 = arith.index_cast %scan3A_191 : i32 to index
          %get3A_225 = arith.constant 48 : index
          %get3A_226 = tpu.vector_load %arg12[%get3A_224, %get3A_225] {strides = array<i32>} : memref<160x96xf32, #tpu.memory_space<vmem>>, vector<16xf32>,
          %mul3A_227 = arith.mulf %get3A_223, %get3A_226 : vector<16xf32>
          %swap3A_228 = arith.index_cast %scan3A_191 : i32 to index
          %swap3A_229 = arith.constant 48 : index
          %swap3A_230 = tpu.vector_load %arg10[%swap3A_228, %swap3A_229] {strides = array<i32>} : memref<160x96xf32, #tpu.memory_space<vmem>>, vector<16xf32>,
          tpu.vector_store %arg10[%swap3A_228, %swap3A_229], %mul3A_227 {strides = array<i32>} : memref<160x96xf32, #tpu.memory_space<vmem>>, vector<16xf32>,
          %get3A_231 = arith.index_cast %scan3A_191 : i32 to index
          %get3A_232 = arith.constant 64 : index
          %get3A_233 = tpu.vector_load %arg10[%get3A_231, %get3A_232] {strides = array<i32>} : memref<160x96xf32, #tpu.memory_space<vmem>>, vector<16xf32>,
          %get3A_234 = arith.index_cast %scan3A_191 : i32 to index
          %get3A_235 = arith.constant 64 : index
          %get3A_236 = tpu.vector_load %arg12[%get3A_234, %get3A_235] {strides = array<i32>} : memref<160x96xf32, #tpu.memory_space<vmem>>, vector<16xf32>,
          %mul3A_237 = arith.mulf %get3A_233, %get3A_236 : vector<16xf32>
          %swap3A_238 = arith.index_cast %scan3A_191 : i32 to index
          %swap3A_239 = arith.constant 64 : index
          %swap3A_240 = tpu.vector_load %arg10[%swap3A_238, %swap3A_239] {strides = array<i32>} : memref<160x96xf32, #tpu.memory_space<vmem>>, vector<16xf32>,
          tpu.vector_store %arg10[%swap3A_238, %swap3A_239], %mul3A_237 {strides = array<i32>} : memref<160x96xf32, #tpu.memory_space<vmem>>, vector<16xf32>,
          %get3A_241 = arith.index_cast %scan3A_191 : i32 to index
          %get3A_242 = arith.constant 80 : index
          %get3A_243 = tpu.vector_load %arg10[%get3A_241, %get3A_242] {strides = array<i32>} : memref<160x96xf32, #tpu.memory_space<vmem>>, vector<16xf32>,
          %get3A_244 = arith.index_cast %scan3A_191 : i32 to index
          %get3A_245 = arith.constant 80 : index
          %get3A_246 = tpu.vector_load %arg12[%get3A_244, %get3A_245] {strides = array<i32>} : memref<160x96xf32, #tpu.memory_space<vmem>>, vector<16xf32>,
          %mul3A_247 = arith.mulf %get3A_243, %get3A_246 : vector<16xf32>
          %swap3A_248 = arith.index_cast %scan3A_191 : i32 to index
          %swap3A_249 = arith.constant 80 : index
          %swap3A_250 = tpu.vector_load %arg10[%swap3A_248, %swap3A_249] {strides = array<i32>} : memref<160x96xf32, #tpu.memory_space<vmem>>, vector<16xf32>,
          tpu.vector_store %arg10[%swap3A_248, %swap3A_249], %mul3A_247 {strides = array<i32>} : memref<160x96xf32, #tpu.memory_space<vmem>>, vector<16xf32>,
          %scan3A_251 = arith.constant 0 : i32
          scf.yield %scan3A_251 : i32
        }
        %scan3A_184 = arith.constant 160 : i32
        "tpu.region"() ({
          %run_scoped3A = tpu.sem_alloc : memref<!tpu.dma_semaphore, #tpu.memory_space<semaphore_mem>>
          %dma_start3A = arith.constant 0 : i32
          %dma_start3A_191 = arith.constant 0 : i32
          %dma_start3A_192 = tpu.memref_slice %arg22[%dma_start3A, %dma_start3A_191] : memref<10000x96xf32, #tpu.memory_space<vmem_shared>> -> memref<10000x96xf32, #tpu.memory_space<vmem_shared>>
          tpu.enqueue_indirect_dma source(%arg10 : memref<160x96xf32, #tpu.memory_space<vmem>>) target(%dma_start3A_192 : memref<10000x96xf32, #tpu.memory_space<vmem_shared>>) offsets(%arg16 : memref<160xi32, #tpu.memory_space<vmem>>) semaphore(%run_scoped3A : memref<!tpu.dma_semaphore, #tpu.memory_space<semaphore_mem>>) {add = true}
          %dma_wait3A_193 = arith.constant 0 : i32
          %dma_wait3A_194 = arith.constant 0 : i32
          %dma_wait3A_195 = tpu.memref_slice %arg22[%dma_wait3A_193, %dma_wait3A_194] : memref<10000x96xf32, #tpu.memory_space<vmem_shared>> -> memref<10000x96xf32, #tpu.memory_space<vmem_shared>>
          tpu.wait_indirect_dma semaphore(%run_scoped3A : memref<!tpu.dma_semaphore, #tpu.memory_space<semaphore_mem>>) src(%arg10 : memref<160x96xf32, #tpu.memory_space<vmem>>) dst(%dma_wait3A_195 : memref<10000x96xf32, #tpu.memory_space<vmem_shared>>)
          tpu.yield
        }) : () -> ()
        %add3A_185 = arith.constant 2 : i32
        %add3A_186 = arith.addi %add3A_157, %add3A_185 : i32
        %lt3A_187 = arith.cmpi slt, %add3A_186, %select_n3A : i32
        %convert_element_type3A_188 = arith.extui %lt3A_187 : i1 to i32
        %cond3A_189 = arith.constant 0 : i32
        %cond3A_190 = arith.cmpi ne, %convert_element_type3A_188, %cond3A_189 : i32
        scf.if %cond3A_190 {
          %add3A_191 = arith.constant 2 : i32
          %add3A_192 = arith.addi %add3A_157, %add3A_191 : i32
          %mul3A_193 = arith.constant 16 : i32
          %mul3A_194 = arith.muli %add3A_192, %mul3A_193 : i32
          %add3A_195 = arith.addi %arg1, %mul3A_194 : i32
          %mul3A_196 = arith.constant 160 : i32
          %mul3A_197 = arith.muli %add3A_195, %mul3A_196 : i32
          "tpu.region"() ({
            %run_scoped3A = tpu.sem_alloc : memref<!tpu.dma_semaphore, #tpu.memory_space<semaphore_mem>>
            %dma_start3A = tpu.memref_slice %arg2[%mul3A_197] : memref<160000xi32, #tpu.memory_space<hbm>> -> memref<160xi32, #tpu.memory_space<hbm>>
            %dma_start3A_208 = tpu.memref_slice %arg2[%mul3A_197] : memref<160000xi32, #tpu.memory_space<hbm>> -> memref<160xi32, #tpu.memory_space<hbm>>
            tpu.enqueue_dma source(%dma_start3A_208 : memref<160xi32, #tpu.memory_space<hbm>>) target(%arg14 : memref<160xi32, #tpu.memory_space<vmem>>) target_semaphore(%run_scoped3A : memref<!tpu.dma_semaphore, #tpu.memory_space<semaphore_mem>>)
            %dma_wait3A_209 = tpu.memref_slice %arg2[%mul3A_197] : memref<160000xi32, #tpu.memory_space<hbm>> -> memref<160xi32, #tpu.memory_space<hbm>>
            %dma_wait3A_210 = tpu.memref_slice %arg2[%mul3A_197] : memref<160000xi32, #tpu.memory_space<hbm>> -> memref<160xi32, #tpu.memory_space<hbm>>
            tpu.wait_dma2 semaphore(%run_scoped3A : memref<!tpu.dma_semaphore, #tpu.memory_space<semaphore_mem>>) src(%dma_wait3A_210 : memref<160xi32, #tpu.memory_space<hbm>>) dst(%arg14 : memref<160xi32, #tpu.memory_space<vmem>>)
            tpu.yield
          }) : () -> ()
          "tpu.region"() ({
            %run_scoped3A = tpu.sem_alloc : memref<!tpu.dma_semaphore, #tpu.memory_space<semaphore_mem>>
            %dma_start3A = tpu.memref_slice %arg3[%mul3A_197] : memref<160000xi32, #tpu.memory_space<hbm>> -> memref<160xi32, #tpu.memory_space<hbm>>
            %dma_start3A_208 = tpu.memref_slice %arg3[%mul3A_197] : memref<160000xi32, #tpu.memory_space<hbm>> -> memref<160xi32, #tpu.memory_space<hbm>>
            tpu.enqueue_dma source(%dma_start3A_208 : memref<160xi32, #tpu.memory_space<hbm>>) target(%arg16 : memref<160xi32, #tpu.memory_space<vmem>>) target_semaphore(%run_scoped3A : memref<!tpu.dma_semaphore, #tpu.memory_space<semaphore_mem>>)
            %dma_wait3A_209 = tpu.memref_slice %arg3[%mul3A_197] : memref<160000xi32, #tpu.memory_space<hbm>> -> memref<160xi32, #tpu.memory_space<hbm>>
            %dma_wait3A_210 = tpu.memref_slice %arg3[%mul3A_197] : memref<160000xi32, #tpu.memory_space<hbm>> -> memref<160xi32, #tpu.memory_space<hbm>>
            tpu.wait_dma2 semaphore(%run_scoped3A : memref<!tpu.dma_semaphore, #tpu.memory_space<semaphore_mem>>) src(%dma_wait3A_210 : memref<160xi32, #tpu.memory_space<hbm>>) dst(%arg16 : memref<160xi32, #tpu.memory_space<vmem>>)
            tpu.yield
          }) : () -> ()
          %eq3A_198 = arith.constant 0 : i32
          %eq3A_199 = arith.cmpi eq, %arg0, %eq3A_198 : i32
          %convert_element_type3A_200 = arith.extui %eq3A_199 : i1 to i32
          %cond3A_201 = arith.constant 0 : i32
          %cond3A_202 = arith.cmpi ne, %convert_element_type3A_200, %cond3A_201 : i32
          scf.if %cond3A_202 {
            %dma_start3A = arith.constant 0 : i32
            %dma_start3A_208 = arith.constant 0 : i32
            %dma_start3A_209 = tpu.memref_slice %arg4[%dma_start3A, %dma_start3A_208] : memref<10000x96xf32, #tpu.memory_space<hbm>> -> memref<10000x96xf32, #tpu.memory_space<hbm>>
            tpu.enqueue_indirect_dma source(%dma_start3A_209 : memref<10000x96xf32, #tpu.memory_space<hbm>>) target(%arg10 : memref<160x96xf32, #tpu.memory_space<vmem>>) offsets(%arg14 : memref<160xi32, #tpu.memory_space<vmem>>) semaphore(%arg18 : memref<!tpu.dma_semaphore, #tpu.memory_space<semaphore_mem>>)
            %dma_start3A_210 = arith.constant 0 : i32
            %dma_start3A_211 = tpu.memref_slice %arg6[%mul3A_197, %dma_start3A_210] : memref<160000x96xf32, #tpu.memory_space<hbm>> -> memref<160x96xf32, #tpu.memory_space<hbm>>
            %dma_start3A_212 = arith.constant 0 : i32
            %dma_start3A_213 = tpu.memref_slice %arg6[%mul3A_197, %dma_start3A_212] : memref<160000x96xf32, #tpu.memory_space<hbm>> -> memref<160x96xf32, #tpu.memory_space<hbm>>
            tpu.enqueue_dma source(%dma_start3A_213 : memref<160x96xf32, #tpu.memory_space<hbm>>) target(%arg12 : memref<160x96xf32, #tpu.memory_space<vmem>>) target_semaphore(%arg20 : memref<!tpu.dma_semaphore, #tpu.memory_space<semaphore_mem>>)
          } else {
          }
          %eq3A_203 = arith.constant 1 : i32
          %eq3A_204 = arith.cmpi eq, %arg0, %eq3A_203 : i32
          %convert_element_type3A_205 = arith.extui %eq3A_204 : i1 to i32
          %cond3A_206 = arith.constant 0 : i32
          %cond3A_207 = arith.cmpi ne, %convert_element_type3A_205, %cond3A_206 : i32
          scf.if %cond3A_207 {
            %dma_start3A = arith.constant 0 : i32
            %dma_start3A_208 = arith.constant 0 : i32
            %dma_start3A_209 = tpu.memref_slice %arg5[%dma_start3A, %dma_start3A_208] : memref<10000x96xf32, #tpu.memory_space<hbm>> -> memref<10000x96xf32, #tpu.memory_space<hbm>>
            tpu.enqueue_indirect_dma source(%dma_start3A_209 : memref<10000x96xf32, #tpu.memory_space<hbm>>) target(%arg10 : memref<160x96xf32, #tpu.memory_space<vmem>>) offsets(%arg14 : memref<160xi32, #tpu.memory_space<vmem>>) semaphore(%arg18 : memref<!tpu.dma_semaphore, #tpu.memory_space<semaphore_mem>>)
            %dma_start3A_210 = arith.constant 0 : i32
            %dma_start3A_211 = tpu.memref_slice %arg7[%mul3A_197, %dma_start3A_210] : memref<160000x96xf32, #tpu.memory_space<hbm>> -> memref<160x96xf32, #tpu.memory_space<hbm>>
            %dma_start3A_212 = arith.constant 0 : i32
            %dma_start3A_213 = tpu.memref_slice %arg7[%mul3A_197, %dma_start3A_212] : memref<160000x96xf32, #tpu.memory_space<hbm>> -> memref<160x96xf32, #tpu.memory_space<hbm>>
            tpu.enqueue_dma source(%dma_start3A_213 : memref<160x96xf32, #tpu.memory_space<hbm>>) target(%arg12 : memref<160x96xf32, #tpu.memory_space<vmem>>) target_semaphore(%arg20 : memref<!tpu.dma_semaphore, #tpu.memory_space<semaphore_mem>>)
          } else {
          }
        } else {
        }
      } else {
      }
      %mul3A_161 = arith.constant 2 : i32
      %mul3A_162 = arith.muli %mul3A_161, %while3A_152 : i32
      %add3A_163 = arith.constant 1 : i32
      %add3A_164 = arith.addi %mul3A_162, %add3A_163 : i32
      %lt3A_165 = arith.cmpi slt, %add3A_164, %select_n3A : i32
      %convert_element_type3A_166 = arith.extui %lt3A_165 : i1 to i32
      %cond3A_167 = arith.constant 0 : i32
      %cond3A_168 = arith.cmpi ne, %convert_element_type3A_166, %cond3A_167 : i32
      scf.if %cond3A_168 {
        %dma_wait3A = arith.constant 0 : i32
        %dma_wait3A_170 = arith.constant 0 : i32
        %dma_wait3A_171 = tpu.memref_slice %arg4[%dma_wait3A, %dma_wait3A_170] : memref<10000x96xf32, #tpu.memory_space<hbm>> -> memref<10000x96xf32, #tpu.memory_space<hbm>>
        tpu.wait_indirect_dma semaphore(%arg19 : memref<!tpu.dma_semaphore, #tpu.memory_space<semaphore_mem>>) src(%dma_wait3A_171 : memref<10000x96xf32, #tpu.memory_space<hbm>>) dst(%arg11 : memref<160x96xf32, #tpu.memory_space<vmem>>)
        %dma_wait3A_172 = arith.constant 0 : i32
        %dma_wait3A_173 = arith.constant 0 : i32
        %dma_wait3A_174 = tpu.memref_slice %arg6[%dma_wait3A_172, %dma_wait3A_173] : memref<160000x96xf32, #tpu.memory_space<hbm>> -> memref<160x96xf32, #tpu.memory_space<hbm>>
        %dma_wait3A_175 = arith.constant 0 : i32
        %dma_wait3A_176 = arith.constant 0 : i32
        %dma_wait3A_177 = tpu.memref_slice %arg6[%dma_wait3A_175, %dma_wait3A_176] : memref<160000x96xf32, #tpu.memory_space<hbm>> -> memref<160x96xf32, #tpu.memory_space<hbm>>
        tpu.wait_dma2 semaphore(%arg21 : memref<!tpu.dma_semaphore, #tpu.memory_space<semaphore_mem>>) src(%dma_wait3A_177 : memref<160x96xf32, #tpu.memory_space<hbm>>) dst(%arg13 : memref<160x96xf32, #tpu.memory_space<vmem>>)
        %scan3A_178 = arith.constant 0 : i32
        %scan3A_179 = arith.constant 0 : i32
        %scan3A_180 = arith.constant 160 : i32
        %scan3A_181 = arith.addi %scan3A_179, %scan3A_180 : i32
        %scan3A_182 = arith.constant 1 : i32
        %scan3A_183 = scf.for %scan3A_191 = %scan3A_179 to %scan3A_181 step %scan3A_182 iter_args(%scan3A_192 = %scan3A_178) -> (i32)  : i32 {
          %get3A = arith.index_cast %scan3A_191 : i32 to index
          %get3A_193 = arith.constant 0 : index
          %get3A_194 = tpu.vector_load %arg11[%get3A, %get3A_193] {strides = array<i32>} : memref<160x96xf32, #tpu.memory_space<vmem>>, vector<16xf32>,
          %get3A_195 = arith.index_cast %scan3A_191 : i32 to index
          %get3A_196 = arith.constant 0 : index
          %get3A_197 = tpu.vector_load %arg13[%get3A_195, %get3A_196] {strides = array<i32>} : memref<160x96xf32, #tpu.memory_space<vmem>>, vector<16xf32>,
          %mul3A_198 = arith.mulf %get3A_194, %get3A_197 : vector<16xf32>
          %swap3A = arith.index_cast %scan3A_191 : i32 to index
          %swap3A_199 = arith.constant 0 : index
          %swap3A_200 = tpu.vector_load %arg11[%swap3A, %swap3A_199] {strides = array<i32>} : memref<160x96xf32, #tpu.memory_space<vmem>>, vector<16xf32>,
          tpu.vector_store %arg11[%swap3A, %swap3A_199], %mul3A_198 {strides = array<i32>} : memref<160x96xf32, #tpu.memory_space<vmem>>, vector<16xf32>,
          %get3A_201 = arith.index_cast %scan3A_191 : i32 to index
          %get3A_202 = arith.constant 16 : index
          %get3A_203 = tpu.vector_load %arg11[%get3A_201, %get3A_202] {strides = array<i32>} : memref<160x96xf32, #tpu.memory_space<vmem>>, vector<16xf32>,
          %get3A_204 = arith.index_cast %scan3A_191 : i32 to index
          %get3A_205 = arith.constant 16 : index
          %get3A_206 = tpu.vector_load %arg13[%get3A_204, %get3A_205] {strides = array<i32>} : memref<160x96xf32, #tpu.memory_space<vmem>>, vector<16xf32>,
          %mul3A_207 = arith.mulf %get3A_203, %get3A_206 : vector<16xf32>
          %swap3A_208 = arith.index_cast %scan3A_191 : i32 to index
          %swap3A_209 = arith.constant 16 : index
          %swap3A_210 = tpu.vector_load %arg11[%swap3A_208, %swap3A_209] {strides = array<i32>} : memref<160x96xf32, #tpu.memory_space<vmem>>, vector<16xf32>,
          tpu.vector_store %arg11[%swap3A_208, %swap3A_209], %mul3A_207 {strides = array<i32>} : memref<160x96xf32, #tpu.memory_space<vmem>>, vector<16xf32>,
          %get3A_211 = arith.index_cast %scan3A_191 : i32 to index
          %get3A_212 = arith.constant 32 : index
          %get3A_213 = tpu.vector_load %arg11[%get3A_211, %get3A_212] {strides = array<i32>} : memref<160x96xf32, #tpu.memory_space<vmem>>, vector<16xf32>,
          %get3A_214 = arith.index_cast %scan3A_191 : i32 to index
          %get3A_215 = arith.constant 32 : index
          %get3A_216 = tpu.vector_load %arg13[%get3A_214, %get3A_215] {strides = array<i32>} : memref<160x96xf32, #tpu.memory_space<vmem>>, vector<16xf32>,
          %mul3A_217 = arith.mulf %get3A_213, %get3A_216 : vector<16xf32>
          %swap3A_218 = arith.index_cast %scan3A_191 : i32 to index
          %swap3A_219 = arith.constant 32 : index
          %swap3A_220 = tpu.vector_load %arg11[%swap3A_218, %swap3A_219] {strides = array<i32>} : memref<160x96xf32, #tpu.memory_space<vmem>>, vector<16xf32>,
          tpu.vector_store %arg11[%swap3A_218, %swap3A_219], %mul3A_217 {strides = array<i32>} : memref<160x96xf32, #tpu.memory_space<vmem>>, vector<16xf32>,
          %get3A_221 = arith.index_cast %scan3A_191 : i32 to index
          %get3A_222 = arith.constant 48 : index
          %get3A_223 = tpu.vector_load %arg11[%get3A_221, %get3A_222] {strides = array<i32>} : memref<160x96xf32, #tpu.memory_space<vmem>>, vector<16xf32>,
          %get3A_224 = arith.index_cast %scan3A_191 : i32 to index
          %get3A_225 = arith.constant 48 : index
          %get3A_226 = tpu.vector_load %arg13[%get3A_224, %get3A_225] {strides = array<i32>} : memref<160x96xf32, #tpu.memory_space<vmem>>, vector<16xf32>,
          %mul3A_227 = arith.mulf %get3A_223, %get3A_226 : vector<16xf32>
          %swap3A_228 = arith.index_cast %scan3A_191 : i32 to index
          %swap3A_229 = arith.constant 48 : index
          %swap3A_230 = tpu.vector_load %arg11[%swap3A_228, %swap3A_229] {strides = array<i32>} : memref<160x96xf32, #tpu.memory_space<vmem>>, vector<16xf32>,
          tpu.vector_store %arg11[%swap3A_228, %swap3A_229], %mul3A_227 {strides = array<i32>} : memref<160x96xf32, #tpu.memory_space<vmem>>, vector<16xf32>,
          %get3A_231 = arith.index_cast %scan3A_191 : i32 to index
          %get3A_232 = arith.constant 64 : index
          %get3A_233 = tpu.vector_load %arg11[%get3A_231, %get3A_232] {strides = array<i32>} : memref<160x96xf32, #tpu.memory_space<vmem>>, vector<16xf32>,
          %get3A_234 = arith.index_cast %scan3A_191 : i32 to index
          %get3A_235 = arith.constant 64 : index
          %get3A_236 = tpu.vector_load %arg13[%get3A_234, %get3A_235] {strides = array<i32>} : memref<160x96xf32, #tpu.memory_space<vmem>>, vector<16xf32>,
          %mul3A_237 = arith.mulf %get3A_233, %get3A_236 : vector<16xf32>
          %swap3A_238 = arith.index_cast %scan3A_191 : i32 to index
          %swap3A_239 = arith.constant 64 : index
          %swap3A_240 = tpu.vector_load %arg11[%swap3A_238, %swap3A_239] {strides = array<i32>} : memref<160x96xf32, #tpu.memory_space<vmem>>, vector<16xf32>,
          tpu.vector_store %arg11[%swap3A_238, %swap3A_239], %mul3A_237 {strides = array<i32>} : memref<160x96xf32, #tpu.memory_space<vmem>>, vector<16xf32>,
          %get3A_241 = arith.index_cast %scan3A_191 : i32 to index
          %get3A_242 = arith.constant 80 : index
          %get3A_243 = tpu.vector_load %arg11[%get3A_241, %get3A_242] {strides = array<i32>} : memref<160x96xf32, #tpu.memory_space<vmem>>, vector<16xf32>,
          %get3A_244 = arith.index_cast %scan3A_191 : i32 to index
          %get3A_245 = arith.constant 80 : index
          %get3A_246 = tpu.vector_load %arg13[%get3A_244, %get3A_245] {strides = array<i32>} : memref<160x96xf32, #tpu.memory_space<vmem>>, vector<16xf32>,
          %mul3A_247 = arith.mulf %get3A_243, %get3A_246 : vector<16xf32>
          %swap3A_248 = arith.index_cast %scan3A_191 : i32 to index
          %swap3A_249 = arith.constant 80 : index
          %swap3A_250 = tpu.vector_load %arg11[%swap3A_248, %swap3A_249] {strides = array<i32>} : memref<160x96xf32, #tpu.memory_space<vmem>>, vector<16xf32>,
          tpu.vector_store %arg11[%swap3A_248, %swap3A_249], %mul3A_247 {strides = array<i32>} : memref<160x96xf32, #tpu.memory_space<vmem>>, vector<16xf32>,
          %scan3A_251 = arith.constant 0 : i32
          scf.yield %scan3A_251 : i32
        }
        %scan3A_184 = arith.constant 160 : i32
        "tpu.region"() ({
          %run_scoped3A = tpu.sem_alloc : memref<!tpu.dma_semaphore, #tpu.memory_space<semaphore_mem>>
          %dma_start3A = arith.constant 0 : i32
          %dma_start3A_191 = arith.constant 0 : i32
          %dma_start3A_192 = tpu.memref_slice %arg22[%dma_start3A, %dma_start3A_191] : memref<10000x96xf32, #tpu.memory_space<vmem_shared>> -> memref<10000x96xf32, #tpu.memory_space<vmem_shared>>
          tpu.enqueue_indirect_dma source(%arg11 : memref<160x96xf32, #tpu.memory_space<vmem>>) target(%dma_start3A_192 : memref<10000x96xf32, #tpu.memory_space<vmem_shared>>) offsets(%arg17 : memref<160xi32, #tpu.memory_space<vmem>>) semaphore(%run_scoped3A : memref<!tpu.dma_semaphore, #tpu.memory_space<semaphore_mem>>) {add = true}
          %dma_wait3A_193 = arith.constant 0 : i32
          %dma_wait3A_194 = arith.constant 0 : i32
          %dma_wait3A_195 = tpu.memref_slice %arg22[%dma_wait3A_193, %dma_wait3A_194] : memref<10000x96xf32, #tpu.memory_space<vmem_shared>> -> memref<10000x96xf32, #tpu.memory_space<vmem_shared>>
          tpu.wait_indirect_dma semaphore(%run_scoped3A : memref<!tpu.dma_semaphore, #tpu.memory_space<semaphore_mem>>) src(%arg11 : memref<160x96xf32, #tpu.memory_space<vmem>>) dst(%dma_wait3A_195 : memref<10000x96xf32, #tpu.memory_space<vmem_shared>>)
          tpu.yield
        }) : () -> ()
        %add3A_185 = arith.constant 2 : i32
        %add3A_186 = arith.addi %add3A_164, %add3A_185 : i32
        %lt3A_187 = arith.cmpi slt, %add3A_186, %select_n3A : i32
        %convert_element_type3A_188 = arith.extui %lt3A_187 : i1 to i32
        %cond3A_189 = arith.constant 0 : i32
        %cond3A_190 = arith.cmpi ne, %convert_element_type3A_188, %cond3A_189 : i32
        scf.if %cond3A_190 {
          %add3A_191 = arith.constant 2 : i32
          %add3A_192 = arith.addi %add3A_164, %add3A_191 : i32
          %mul3A_193 = arith.constant 16 : i32
          %mul3A_194 = arith.muli %add3A_192, %mul3A_193 : i32
          %add3A_195 = arith.addi %arg1, %mul3A_194 : i32
          %mul3A_196 = arith.constant 160 : i32
          %mul3A_197 = arith.muli %add3A_195, %mul3A_196 : i32
          "tpu.region"() ({
            %run_scoped3A = tpu.sem_alloc : memref<!tpu.dma_semaphore, #tpu.memory_space<semaphore_mem>>
            %dma_start3A = tpu.memref_slice %arg2[%mul3A_197] : memref<160000xi32, #tpu.memory_space<hbm>> -> memref<160xi32, #tpu.memory_space<hbm>>
            %dma_start3A_208 = tpu.memref_slice %arg2[%mul3A_197] : memref<160000xi32, #tpu.memory_space<hbm>> -> memref<160xi32, #tpu.memory_space<hbm>>
            tpu.enqueue_dma source(%dma_start3A_208 : memref<160xi32, #tpu.memory_space<hbm>>) target(%arg15 : memref<160xi32, #tpu.memory_space<vmem>>) target_semaphore(%run_scoped3A : memref<!tpu.dma_semaphore, #tpu.memory_space<semaphore_mem>>)
            %dma_wait3A_209 = tpu.memref_slice %arg2[%mul3A_197] : memref<160000xi32, #tpu.memory_space<hbm>> -> memref<160xi32, #tpu.memory_space<hbm>>
            %dma_wait3A_210 = tpu.memref_slice %arg2[%mul3A_197] : memref<160000xi32, #tpu.memory_space<hbm>> -> memref<160xi32, #tpu.memory_space<hbm>>
            tpu.wait_dma2 semaphore(%run_scoped3A : memref<!tpu.dma_semaphore, #tpu.memory_space<semaphore_mem>>) src(%dma_wait3A_210 : memref<160xi32, #tpu.memory_space<hbm>>) dst(%arg15 : memref<160xi32, #tpu.memory_space<vmem>>)
            tpu.yield
          }) : () -> ()
          "tpu.region"() ({
            %run_scoped3A = tpu.sem_alloc : memref<!tpu.dma_semaphore, #tpu.memory_space<semaphore_mem>>
            %dma_start3A = tpu.memref_slice %arg3[%mul3A_197] : memref<160000xi32, #tpu.memory_space<hbm>> -> memref<160xi32, #tpu.memory_space<hbm>>
            %dma_start3A_208 = tpu.memref_slice %arg3[%mul3A_197] : memref<160000xi32, #tpu.memory_space<hbm>> -> memref<160xi32, #tpu.memory_space<hbm>>
            tpu.enqueue_dma source(%dma_start3A_208 : memref<160xi32, #tpu.memory_space<hbm>>) target(%arg17 : memref<160xi32, #tpu.memory_space<vmem>>) target_semaphore(%run_scoped3A : memref<!tpu.dma_semaphore, #tpu.memory_space<semaphore_mem>>)
            %dma_wait3A_209 = tpu.memref_slice %arg3[%mul3A_197] : memref<160000xi32, #tpu.memory_space<hbm>> -> memref<160xi32, #tpu.memory_space<hbm>>
            %dma_wait3A_210 = tpu.memref_slice %arg3[%mul3A_197] : memref<160000xi32, #tpu.memory_space<hbm>> -> memref<160xi32, #tpu.memory_space<hbm>>
            tpu.wait_dma2 semaphore(%run_scoped3A : memref<!tpu.dma_semaphore, #tpu.memory_space<semaphore_mem>>) src(%dma_wait3A_210 : memref<160xi32, #tpu.memory_space<hbm>>) dst(%arg17 : memref<160xi32, #tpu.memory_space<vmem>>)
            tpu.yield
          }) : () -> ()
          %eq3A_198 = arith.constant 0 : i32
          %eq3A_199 = arith.cmpi eq, %arg0, %eq3A_198 : i32
          %convert_element_type3A_200 = arith.extui %eq3A_199 : i1 to i32
          %cond3A_201 = arith.constant 0 : i32
          %cond3A_202 = arith.cmpi ne, %convert_element_type3A_200, %cond3A_201 : i32
          scf.if %cond3A_202 {
            %dma_start3A = arith.constant 0 : i32
            %dma_start3A_208 = arith.constant 0 : i32
            %dma_start3A_209 = tpu.memref_slice %arg4[%dma_start3A, %dma_start3A_208] : memref<10000x96xf32, #tpu.memory_space<hbm>> -> memref<10000x96xf32, #tpu.memory_space<hbm>>
            tpu.enqueue_indirect_dma source(%dma_start3A_209 : memref<10000x96xf32, #tpu.memory_space<hbm>>) target(%arg11 : memref<160x96xf32, #tpu.memory_space<vmem>>) offsets(%arg15 : memref<160xi32, #tpu.memory_space<vmem>>) semaphore(%arg19 : memref<!tpu.dma_semaphore, #tpu.memory_space<semaphore_mem>>)
            %dma_start3A_210 = arith.constant 0 : i32
            %dma_start3A_211 = tpu.memref_slice %arg6[%mul3A_197, %dma_start3A_210] : memref<160000x96xf32, #tpu.memory_space<hbm>> -> memref<160x96xf32, #tpu.memory_space<hbm>>
            %dma_start3A_212 = arith.constant 0 : i32
            %dma_start3A_213 = tpu.memref_slice %arg6[%mul3A_197, %dma_start3A_212] : memref<160000x96xf32, #tpu.memory_space<hbm>> -> memref<160x96xf32, #tpu.memory_space<hbm>>
            tpu.enqueue_dma source(%dma_start3A_213 : memref<160x96xf32, #tpu.memory_space<hbm>>) target(%arg13 : memref<160x96xf32, #tpu.memory_space<vmem>>) target_semaphore(%arg21 : memref<!tpu.dma_semaphore, #tpu.memory_space<semaphore_mem>>)
          } else {
          }
          %eq3A_203 = arith.constant 1 : i32
          %eq3A_204 = arith.cmpi eq, %arg0, %eq3A_203 : i32
          %convert_element_type3A_205 = arith.extui %eq3A_204 : i1 to i32
          %cond3A_206 = arith.constant 0 : i32
          %cond3A_207 = arith.cmpi ne, %convert_element_type3A_205, %cond3A_206 : i32
          scf.if %cond3A_207 {
            %dma_start3A = arith.constant 0 : i32
            %dma_start3A_208 = arith.constant 0 : i32
            %dma_start3A_209 = tpu.memref_slice %arg5[%dma_start3A, %dma_start3A_208] : memref<10000x96xf32, #tpu.memory_space<hbm>> -> memref<10000x96xf32, #tpu.memory_space<hbm>>
            tpu.enqueue_indirect_dma source(%dma_start3A_209 : memref<10000x96xf32, #tpu.memory_space<hbm>>) target(%arg11 : memref<160x96xf32, #tpu.memory_space<vmem>>) offsets(%arg15 : memref<160xi32, #tpu.memory_space<vmem>>) semaphore(%arg19 : memref<!tpu.dma_semaphore, #tpu.memory_space<semaphore_mem>>)
            %dma_start3A_210 = arith.constant 0 : i32
            %dma_start3A_211 = tpu.memref_slice %arg7[%mul3A_197, %dma_start3A_210] : memref<160000x96xf32, #tpu.memory_space<hbm>> -> memref<160x96xf32, #tpu.memory_space<hbm>>
            %dma_start3A_212 = arith.constant 0 : i32
            %dma_start3A_213 = tpu.memref_slice %arg7[%mul3A_197, %dma_start3A_212] : memref<160000x96xf32, #tpu.memory_space<hbm>> -> memref<160x96xf32, #tpu.memory_space<hbm>>
            tpu.enqueue_dma source(%dma_start3A_213 : memref<160x96xf32, #tpu.memory_space<hbm>>) target(%arg13 : memref<160x96xf32, #tpu.memory_space<vmem>>) target_semaphore(%arg21 : memref<!tpu.dma_semaphore, #tpu.memory_space<semaphore_mem>>)
          } else {
          }
        } else {
        }
      } else {
      }
      %while3A_169 = arith.constant 0 : i32
      scf.yield %while3A_169 : i32
    }
    %barrier3A_104 = arith.constant 0 : index
    tpu.barrier barrier_id(%barrier3A_104)
    %mul3A_105 = arith.constant 624 : i32
    %mul3A_106 = arith.muli %arg1, %mul3A_105 : i32
    %add3A_107 = arith.constant 0 : i32
    %add3A_108 = arith.addi %mul3A_106, %add3A_107 : i32
    %eq3A_109 = arith.constant 0 : i32
    %eq3A_110 = arith.cmpi eq, %arg0, %eq3A_109 : i32
    %convert_element_type3A_111 = arith.extui %eq3A_110 : i1 to i32
    %cond3A_112 = arith.constant 0 : i32
    %cond3A_113 = arith.cmpi ne, %convert_element_type3A_111, %cond3A_112 : i32
    scf.if %cond3A_113 {
      "tpu.region"() ({
        %run_scoped3A = tpu.sem_alloc : memref<!tpu.dma_semaphore, #tpu.memory_space<semaphore_mem>>
        %dma_start3A = arith.constant 0 : i32
        %dma_start3A_152 = tpu.memref_slice %arg8[%add3A_108, %dma_start3A] : memref<10000x96xf32, #tpu.memory_space<hbm>> -> memref<256x96xf32, #tpu.memory_space<hbm>>
        %dma_start3A_153 = arith.constant 0 : i32
        %dma_start3A_154 = tpu.memref_slice %arg22[%add3A_108, %dma_start3A_153] : memref<10000x96xf32, #tpu.memory_space<vmem_shared>> -> memref<256x96xf32, #tpu.memory_space<vmem_shared>>
        tpu.enqueue_dma source(%dma_start3A_154 : memref<256x96xf32, #tpu.memory_space<vmem_shared>>) target(%dma_start3A_152 : memref<256x96xf32, #tpu.memory_space<hbm>>) target_semaphore(%run_scoped3A : memref<!tpu.dma_semaphore, #tpu.memory_space<semaphore_mem>>)
        %dma_wait3A = arith.constant 0 : i32
        %dma_wait3A_155 = tpu.memref_slice %arg8[%add3A_108, %dma_wait3A] : memref<10000x96xf32, #tpu.memory_space<hbm>> -> memref<256x96xf32, #tpu.memory_space<hbm>>
        %dma_wait3A_156 = arith.constant 0 : i32
        %dma_wait3A_157 = tpu.memref_slice %arg22[%add3A_108, %dma_wait3A_156] : memref<10000x96xf32, #tpu.memory_space<vmem_shared>> -> memref<256x96xf32, #tpu.memory_space<vmem_shared>>
        tpu.wait_dma2 semaphore(%run_scoped3A : memref<!tpu.dma_semaphore, #tpu.memory_space<semaphore_mem>>) src(%dma_wait3A_157 : memref<256x96xf32, #tpu.memory_space<vmem_shared>>) dst(%dma_wait3A_155 : memref<256x96xf32, #tpu.memory_space<hbm>>)
        tpu.yield
      }) : () -> ()
    } else {
    }
    %eq3A_114 = arith.constant 1 : i32
    %eq3A_115 = arith.cmpi eq, %arg0, %eq3A_114 : i32
    %convert_element_type3A_116 = arith.extui %eq3A_115 : i1 to i32
    %cond3A_117 = arith.constant 0 : i32
    %cond3A_118 = arith.cmpi ne, %convert_element_type3A_116, %cond3A_117 : i32
    scf.if %cond3A_118 {
      "tpu.region"() ({
        %run_scoped3A = tpu.sem_alloc : memref<!tpu.dma_semaphore, #tpu.memory_space<semaphore_mem>>
        %dma_start3A = arith.constant 0 : i32
        %dma_start3A_152 = tpu.memref_slice %arg9[%add3A_108, %dma_start3A] : memref<10000x96xf32, #tpu.memory_space<hbm>> -> memref<256x96xf32, #tpu.memory_space<hbm>>
        %dma_start3A_153 = arith.constant 0 : i32
        %dma_start3A_154 = tpu.memref_slice %arg22[%add3A_108, %dma_start3A_153] : memref<10000x96xf32, #tpu.memory_space<vmem_shared>> -> memref<256x96xf32, #tpu.memory_space<vmem_shared>>
        tpu.enqueue_dma source(%dma_start3A_154 : memref<256x96xf32, #tpu.memory_space<vmem_shared>>) target(%dma_start3A_152 : memref<256x96xf32, #tpu.memory_space<hbm>>) target_semaphore(%run_scoped3A : memref<!tpu.dma_semaphore, #tpu.memory_space<semaphore_mem>>)
        %dma_wait3A = arith.constant 0 : i32
        %dma_wait3A_155 = tpu.memref_slice %arg9[%add3A_108, %dma_wait3A] : memref<10000x96xf32, #tpu.memory_space<hbm>> -> memref<256x96xf32, #tpu.memory_space<hbm>>
        %dma_wait3A_156 = arith.constant 0 : i32
        %dma_wait3A_157 = tpu.memref_slice %arg22[%add3A_108, %dma_wait3A_156] : memref<10000x96xf32, #tpu.memory_space<vmem_shared>> -> memref<256x96xf32, #tpu.memory_space<vmem_shared>>
        tpu.wait_dma2 semaphore(%run_scoped3A : memref<!tpu.dma_semaphore, #tpu.memory_space<semaphore_mem>>) src(%dma_wait3A_157 : memref<256x96xf32, #tpu.memory_space<vmem_shared>>) dst(%dma_wait3A_155 : memref<256x96xf32, #tpu.memory_space<hbm>>)
        tpu.yield
      }) : () -> ()
    } else {
    }
    %mul3A_119 = arith.constant 624 : i32
    %mul3A_120 = arith.muli %arg1, %mul3A_119 : i32
    %add3A_121 = arith.constant 256 : i32
    %add3A_122 = arith.addi %mul3A_120, %add3A_121 : i32
    %eq3A_123 = arith.constant 0 : i32
    %eq3A_124 = arith.cmpi eq, %arg0, %eq3A_123 : i32
    %convert_element_type3A_125 = arith.extui %eq3A_124 : i1 to i32
    %cond3A_126 = arith.constant 0 : i32
    %cond3A_127 = arith.cmpi ne, %convert_element_type3A_125, %cond3A_126 : i32
    scf.if %cond3A_127 {
      "tpu.region"() ({
        %run_scoped3A = tpu.sem_alloc : memref<!tpu.dma_semaphore, #tpu.memory_space<semaphore_mem>>
        %dma_start3A = arith.constant 0 : i32
        %dma_start3A_152 = tpu.memref_slice %arg8[%add3A_122, %dma_start3A] : memref<10000x96xf32, #tpu.memory_space<hbm>> -> memref<256x96xf32, #tpu.memory_space<hbm>>
        %dma_start3A_153 = arith.constant 0 : i32
        %dma_start3A_154 = tpu.memref_slice %arg22[%add3A_122, %dma_start3A_153] : memref<10000x96xf32, #tpu.memory_space<vmem_shared>> -> memref<256x96xf32, #tpu.memory_space<vmem_shared>>
        tpu.enqueue_dma source(%dma_start3A_154 : memref<256x96xf32, #tpu.memory_space<vmem_shared>>) target(%dma_start3A_152 : memref<256x96xf32, #tpu.memory_space<hbm>>) target_semaphore(%run_scoped3A : memref<!tpu.dma_semaphore, #tpu.memory_space<semaphore_mem>>)
        %dma_wait3A = arith.constant 0 : i32
        %dma_wait3A_155 = tpu.memref_slice %arg8[%add3A_122, %dma_wait3A] : memref<10000x96xf32, #tpu.memory_space<hbm>> -> memref<256x96xf32, #tpu.memory_space<hbm>>
        %dma_wait3A_156 = arith.constant 0 : i32
        %dma_wait3A_157 = tpu.memref_slice %arg22[%add3A_122, %dma_wait3A_156] : memref<10000x96xf32, #tpu.memory_space<vmem_shared>> -> memref<256x96xf32, #tpu.memory_space<vmem_shared>>
        tpu.wait_dma2 semaphore(%run_scoped3A : memref<!tpu.dma_semaphore, #tpu.memory_space<semaphore_mem>>) src(%dma_wait3A_157 : memref<256x96xf32, #tpu.memory_space<vmem_shared>>) dst(%dma_wait3A_155 : memref<256x96xf32, #tpu.memory_space<hbm>>)
        tpu.yield
      }) : () -> ()
    } else {
    }
    %eq3A_128 = arith.constant 1 : i32
    %eq3A_129 = arith.cmpi eq, %arg0, %eq3A_128 : i32
    %convert_element_type3A_130 = arith.extui %eq3A_129 : i1 to i32
    %cond3A_131 = arith.constant 0 : i32
    %cond3A_132 = arith.cmpi ne, %convert_element_type3A_130, %cond3A_131 : i32
    scf.if %cond3A_132 {
      "tpu.region"() ({
        %run_scoped3A = tpu.sem_alloc : memref<!tpu.dma_semaphore, #tpu.memory_space<semaphore_mem>>
        %dma_start3A = arith.constant 0 : i32
        %dma_start3A_152 = tpu.memref_slice %arg9[%add3A_122, %dma_start3A] : memref<10000x96xf32, #tpu.memory_space<hbm>> -> memref<256x96xf32, #tpu.memory_space<hbm>>
        %dma_start3A_153 = arith.constant 0 : i32
        %dma_start3A_154 = tpu.memref_slice %arg22[%add3A_122, %dma_start3A_153] : memref<10000x96xf32, #tpu.memory_space<vmem_shared>> -> memref<256x96xf32, #tpu.memory_space<vmem_shared>>
        tpu.enqueue_dma source(%dma_start3A_154 : memref<256x96xf32, #tpu.memory_space<vmem_shared>>) target(%dma_start3A_152 : memref<256x96xf32, #tpu.memory_space<hbm>>) target_semaphore(%run_scoped3A : memref<!tpu.dma_semaphore, #tpu.memory_space<semaphore_mem>>)
        %dma_wait3A = arith.constant 0 : i32
        %dma_wait3A_155 = tpu.memref_slice %arg9[%add3A_122, %dma_wait3A] : memref<10000x96xf32, #tpu.memory_space<hbm>> -> memref<256x96xf32, #tpu.memory_space<hbm>>
        %dma_wait3A_156 = arith.constant 0 : i32
        %dma_wait3A_157 = tpu.memref_slice %arg22[%add3A_122, %dma_wait3A_156] : memref<10000x96xf32, #tpu.memory_space<vmem_shared>> -> memref<256x96xf32, #tpu.memory_space<vmem_shared>>
        tpu.wait_dma2 semaphore(%run_scoped3A : memref<!tpu.dma_semaphore, #tpu.memory_space<semaphore_mem>>) src(%dma_wait3A_157 : memref<256x96xf32, #tpu.memory_space<vmem_shared>>) dst(%dma_wait3A_155 : memref<256x96xf32, #tpu.memory_space<hbm>>)
        tpu.yield
      }) : () -> ()
    } else {
    }
    %mul3A_133 = arith.constant 624 : i32
    %mul3A_134 = arith.muli %arg1, %mul3A_133 : i32
    %add3A_135 = arith.constant 512 : i32
    %add3A_136 = arith.addi %mul3A_134, %add3A_135 : i32
    %eq3A_137 = arith.constant 0 : i32
    %eq3A_138 = arith.cmpi eq, %arg0, %eq3A_137 : i32
    %convert_element_type3A_139 = arith.extui %eq3A_138 : i1 to i32
    %cond3A_140 = arith.constant 0 : i32
    %cond3A_141 = arith.cmpi ne, %convert_element_type3A_139, %cond3A_140 : i32
    scf.if %cond3A_141 {
      "tpu.region"() ({
        %run_scoped3A = tpu.sem_alloc : memref<!tpu.dma_semaphore, #tpu.memory_space<semaphore_mem>>
        %dma_start3A = arith.constant 0 : i32
        %dma_start3A_152 = tpu.memref_slice %arg8[%add3A_136, %dma_start3A] : memref<10000x96xf32, #tpu.memory_space<hbm>> -> memref<112x96xf32, #tpu.memory_space<hbm>>
        %dma_start3A_153 = arith.constant 0 : i32
        %dma_start3A_154 = tpu.memref_slice %arg22[%add3A_136, %dma_start3A_153] : memref<10000x96xf32, #tpu.memory_space<vmem_shared>> -> memref<112x96xf32, #tpu.memory_space<vmem_shared>>
        tpu.enqueue_dma source(%dma_start3A_154 : memref<112x96xf32, #tpu.memory_space<vmem_shared>>) target(%dma_start3A_152 : memref<112x96xf32, #tpu.memory_space<hbm>>) target_semaphore(%run_scoped3A : memref<!tpu.dma_semaphore, #tpu.memory_space<semaphore_mem>>)
        %dma_wait3A = arith.constant 0 : i32
        %dma_wait3A_155 = tpu.memref_slice %arg8[%add3A_136, %dma_wait3A] : memref<10000x96xf32, #tpu.memory_space<hbm>> -> memref<112x96xf32, #tpu.memory_space<hbm>>
        %dma_wait3A_156 = arith.constant 0 : i32
        %dma_wait3A_157 = tpu.memref_slice %arg22[%add3A_136, %dma_wait3A_156] : memref<10000x96xf32, #tpu.memory_space<vmem_shared>> -> memref<112x96xf32, #tpu.memory_space<vmem_shared>>
        tpu.wait_dma2 semaphore(%run_scoped3A : memref<!tpu.dma_semaphore, #tpu.memory_space<semaphore_mem>>) src(%dma_wait3A_157 : memref<112x96xf32, #tpu.memory_space<vmem_shared>>) dst(%dma_wait3A_155 : memref<112x96xf32, #tpu.memory_space<hbm>>)
        tpu.yield
      }) : () -> ()
    } else {
    }
    %eq3A_142 = arith.constant 1 : i32
    %eq3A_143 = arith.cmpi eq, %arg0, %eq3A_142 : i32
    %convert_element_type3A_144 = arith.extui %eq3A_143 : i1 to i32
    %cond3A_145 = arith.constant 0 : i32
    %cond3A_146 = arith.cmpi ne, %convert_element_type3A_144, %cond3A_145 : i32
    scf.if %cond3A_146 {
      "tpu.region"() ({
        %run_scoped3A = tpu.sem_alloc : memref<!tpu.dma_semaphore, #tpu.memory_space<semaphore_mem>>
        %dma_start3A = arith.constant 0 : i32
        %dma_start3A_152 = tpu.memref_slice %arg9[%add3A_136, %dma_start3A] : memref<10000x96xf32, #tpu.memory_space<hbm>> -> memref<112x96xf32, #tpu.memory_space<hbm>>
        %dma_start3A_153 = arith.constant 0 : i32
        %dma_start3A_154 = tpu.memref_slice %arg22[%add3A_136, %dma_start3A_153] : memref<10000x96xf32, #tpu.memory_space<vmem_shared>> -> memref<112x96xf32, #tpu.memory_space<vmem_shared>>
        tpu.enqueue_dma source(%dma_start3A_154 : memref<112x96xf32, #tpu.memory_space<vmem_shared>>) target(%dma_start3A_152 : memref<112x96xf32, #tpu.memory_space<hbm>>) target_semaphore(%run_scoped3A : memref<!tpu.dma_semaphore, #tpu.memory_space<semaphore_mem>>)
        %dma_wait3A = arith.constant 0 : i32
        %dma_wait3A_155 = tpu.memref_slice %arg9[%add3A_136, %dma_wait3A] : memref<10000x96xf32, #tpu.memory_space<hbm>> -> memref<112x96xf32, #tpu.memory_space<hbm>>
        %dma_wait3A_156 = arith.constant 0 : i32
        %dma_wait3A_157 = tpu.memref_slice %arg22[%add3A_136, %dma_wait3A_156] : memref<10000x96xf32, #tpu.memory_space<vmem_shared>> -> memref<112x96xf32, #tpu.memory_space<vmem_shared>>
        tpu.wait_dma2 semaphore(%run_scoped3A : memref<!tpu.dma_semaphore, #tpu.memory_space<semaphore_mem>>) src(%dma_wait3A_157 : memref<112x96xf32, #tpu.memory_space<vmem_shared>>) dst(%dma_wait3A_155 : memref<112x96xf32, #tpu.memory_space<hbm>>)
        tpu.yield
      }) : () -> ()
    } else {
    }
    %eq3A_147 = arith.constant 15 : i32
    %eq3A_148 = arith.cmpi eq, %arg1, %eq3A_147 : i32
    %convert_element_type3A_149 = arith.extui %eq3A_148 : i1 to i32
    %cond3A_150 = arith.constant 0 : i32
    %cond3A_151 = arith.cmpi ne, %convert_element_type3A_149, %cond3A_150 : i32
    scf.if %cond3A_151 {
      %eq3A_152 = arith.constant 0 : i32
      %eq3A_153 = arith.cmpi eq, %arg0, %eq3A_152 : i32
      %convert_element_type3A_154 = arith.extui %eq3A_153 : i1 to i32
      %cond3A_155 = arith.constant 0 : i32
      %cond3A_156 = arith.cmpi ne, %convert_element_type3A_154, %cond3A_155 : i32
      scf.if %cond3A_156 {
        "tpu.region"() ({
          %run_scoped3A = tpu.sem_alloc : memref<!tpu.dma_semaphore, #tpu.memory_space<semaphore_mem>>
          %dma_start3A = arith.constant 9984 : i32
          %dma_start3A_162 = arith.constant 0 : i32
          %dma_start3A_163 = tpu.memref_slice %arg8[%dma_start3A, %dma_start3A_162] : memref<10000x96xf32, #tpu.memory_space<hbm>> -> memref<16x96xf32, #tpu.memory_space<hbm>>
          %dma_start3A_164 = arith.constant 9984 : i32
          %dma_start3A_165 = arith.constant 0 : i32
          %dma_start3A_166 = tpu.memref_slice %arg22[%dma_start3A_164, %dma_start3A_165] : memref<10000x96xf32, #tpu.memory_space<vmem_shared>> -> memref<16x96xf32, #tpu.memory_space<vmem_shared>>
          tpu.enqueue_dma source(%dma_start3A_166 : memref<16x96xf32, #tpu.memory_space<vmem_shared>>) target(%dma_start3A_163 : memref<16x96xf32, #tpu.memory_space<hbm>>) target_semaphore(%run_scoped3A : memref<!tpu.dma_semaphore, #tpu.memory_space<semaphore_mem>>)
          %dma_wait3A = arith.constant 9984 : i32
          %dma_wait3A_167 = arith.constant 0 : i32
          %dma_wait3A_168 = tpu.memref_slice %arg8[%dma_wait3A, %dma_wait3A_167] : memref<10000x96xf32, #tpu.memory_space<hbm>> -> memref<16x96xf32, #tpu.memory_space<hbm>>
          %dma_wait3A_169 = arith.constant 9984 : i32
          %dma_wait3A_170 = arith.constant 0 : i32
          %dma_wait3A_171 = tpu.memref_slice %arg22[%dma_wait3A_169, %dma_wait3A_170] : memref<10000x96xf32, #tpu.memory_space<vmem_shared>> -> memref<16x96xf32, #tpu.memory_space<vmem_shared>>
          tpu.wait_dma2 semaphore(%run_scoped3A : memref<!tpu.dma_semaphore, #tpu.memory_space<semaphore_mem>>) src(%dma_wait3A_171 : memref<16x96xf32, #tpu.memory_space<vmem_shared>>) dst(%dma_wait3A_168 : memref<16x96xf32, #tpu.memory_space<hbm>>)
          tpu.yield
        }) : () -> ()
      } else {
      }
      %eq3A_157 = arith.constant 1 : i32
      %eq3A_158 = arith.cmpi eq, %arg0, %eq3A_157 : i32
      %convert_element_type3A_159 = arith.extui %eq3A_158 : i1 to i32
      %cond3A_160 = arith.constant 0 : i32
      %cond3A_161 = arith.cmpi ne, %convert_element_type3A_159, %cond3A_160 : i32
      scf.if %cond3A_161 {
        "tpu.region"() ({
          %run_scoped3A = tpu.sem_alloc : memref<!tpu.dma_semaphore, #tpu.memory_space<semaphore_mem>>
          %dma_start3A = arith.constant 9984 : i32
          %dma_start3A_162 = arith.constant 0 : i32
          %dma_start3A_163 = tpu.memref_slice %arg9[%dma_start3A, %dma_start3A_162] : memref<10000x96xf32, #tpu.memory_space<hbm>> -> memref<16x96xf32, #tpu.memory_space<hbm>>
          %dma_start3A_164 = arith.constant 9984 : i32
          %dma_start3A_165 = arith.constant 0 : i32
          %dma_start3A_166 = tpu.memref_slice %arg22[%dma_start3A_164, %dma_start3A_165] : memref<10000x96xf32, #tpu.memory_space<vmem_shared>> -> memref<16x96xf32, #tpu.memory_space<vmem_shared>>
          tpu.enqueue_dma source(%dma_start3A_166 : memref<16x96xf32, #tpu.memory_space<vmem_shared>>) target(%dma_start3A_163 : memref<16x96xf32, #tpu.memory_space<hbm>>) target_semaphore(%run_scoped3A : memref<!tpu.dma_semaphore, #tpu.memory_space<semaphore_mem>>)
          %dma_wait3A = arith.constant 9984 : i32
          %dma_wait3A_167 = arith.constant 0 : i32
          %dma_wait3A_168 = tpu.memref_slice %arg9[%dma_wait3A, %dma_wait3A_167] : memref<10000x96xf32, #tpu.memory_space<hbm>> -> memref<16x96xf32, #tpu.memory_space<hbm>>
          %dma_wait3A_169 = arith.constant 9984 : i32
          %dma_wait3A_170 = arith.constant 0 : i32
          %dma_wait3A_171 = tpu.memref_slice %arg22[%dma_wait3A_169, %dma_wait3A_170] : memref<10000x96xf32, #tpu.memory_space<vmem_shared>> -> memref<16x96xf32, #tpu.memory_space<vmem_shared>>
          tpu.wait_dma2 semaphore(%run_scoped3A : memref<!tpu.dma_semaphore, #tpu.memory_space<semaphore_mem>>) src(%dma_wait3A_171 : memref<16x96xf32, #tpu.memory_space<vmem_shared>>) dst(%dma_wait3A_168 : memref<16x96xf32, #tpu.memory_space<hbm>>)
          tpu.yield
        }) : () -> ()
      } else {
      }
    } else {
    }
    return
  }
}

#map = affine_map<(d0, d1) -> (0)>
#map1 = affine_map<(d0, d1) -> (0, 0)>
module attributes {stable_mosaic.version = 14 : i64} {
  func.func @_sc3_body(%arg0: i32, %arg1: i32, %arg2: memref<160000xi32, #tpu.memory_space<hbm>>, %arg3: memref<160000xi32, #tpu.memory_space<hbm>>, %arg4: memref<10000x96xf32, #tpu.memory_space<hbm>>, %arg5: memref<10000x96xf32, #tpu.memory_space<hbm>>, %arg6: memref<160000x96xf32, #tpu.memory_space<hbm>>, %arg7: memref<160000x96xf32, #tpu.memory_space<hbm>>, %arg8: memref<10000x96xf32, #tpu.memory_space<hbm>>, %arg9: memref<10000x96xf32, #tpu.memory_space<hbm>>, %arg10: memref<160x96xf32, #tpu.memory_space<vmem>>, %arg11: memref<160x96xf32, #tpu.memory_space<vmem>>, %arg12: memref<160x96xf32, #tpu.memory_space<vmem>>, %arg13: memref<160x96xf32, #tpu.memory_space<vmem>>, %arg14: memref<160xi32, #tpu.memory_space<vmem>>, %arg15: memref<160xi32, #tpu.memory_space<vmem>>, %arg16: memref<160xi32, #tpu.memory_space<vmem>>, %arg17: memref<160xi32, #tpu.memory_space<vmem>>, %arg18: memref<!tpu.dma_semaphore, #tpu.memory_space<semaphore_mem>>, %arg19: memref<!tpu.dma_semaphore, #tpu.memory_space<semaphore_mem>>, %arg20: memref<!tpu.dma_semaphore, #tpu.memory_space<semaphore_mem>>, %arg21: memref<!tpu.dma_semaphore, #tpu.memory_space<semaphore_mem>>, %arg22: memref<10000x96xf32, #tpu.memory_space<vmem_shared>>) attributes {dimension_semantics = [#tpu.dimension_semantics<core_parallel>, #tpu.dimension_semantics<subcore_parallel>], iteration_bounds = array<i64: 2, 16>, scalar_prefetch = 0 : i64, scratch_operands = 13 : i64, tpu.core_type = #tpu.core_type<sc_vector_subcore>, window_params = [{transform_indices = #map}, {transform_indices = #map}, {transform_indices = #map1}, {transform_indices = #map1}, {transform_indices = #map1}, {transform_indices = #map1}, {transform_indices = #map1}, {transform_indices = #map1}]} {
    %scan3A = arith.constant 0 : i32
    %scan3A_0 = arith.constant 0 : i32
    %scan3A_1 = arith.constant 160 : i32
    %scan3A_2 = arith.addi %scan3A_0, %scan3A_1 : i32
    %scan3A_3 = arith.constant 1 : i32
    %scan3A_4 = scf.for %scan3A_152 = %scan3A_0 to %scan3A_2 step %scan3A_3 iter_args(%scan3A_153 = %scan3A) -> (i32)  : i32 {
      %broadcast_in_dim3A = arith.constant 0.000000e+00 : f32
      %broadcast_in_dim3A_154 = vector.broadcast %broadcast_in_dim3A : f32 to vector<16xf32>
      %swap3A = arith.index_cast %scan3A_152 : i32 to index
      %swap3A_155 = arith.constant 0 : index
      %swap3A_156 = tpu.vector_load %arg10[%swap3A, %swap3A_155] {strides = array<i32>} : memref<160x96xf32, #tpu.memory_space<vmem>>, vector<16xf32>,
      tpu.vector_store %arg10[%swap3A, %swap3A_155], %broadcast_in_dim3A_154 {strides = array<i32>} : memref<160x96xf32, #tpu.memory_space<vmem>>, vector<16xf32>,
      %broadcast_in_dim3A_157 = arith.constant 0.000000e+00 : f32
      %broadcast_in_dim3A_158 = vector.broadcast %broadcast_in_dim3A_157 : f32 to vector<16xf32>
      %swap3A_159 = arith.index_cast %scan3A_152 : i32 to index
      %swap3A_160 = arith.constant 16 : index
      %swap3A_161 = tpu.vector_load %arg10[%swap3A_159, %swap3A_160] {strides = array<i32>} : memref<160x96xf32, #tpu.memory_space<vmem>>, vector<16xf32>,
      tpu.vector_store %arg10[%swap3A_159, %swap3A_160], %broadcast_in_dim3A_158 {strides = array<i32>} : memref<160x96xf32, #tpu.memory_space<vmem>>, vector<16xf32>,
      %broadcast_in_dim3A_162 = arith.constant 0.000000e+00 : f32
      %broadcast_in_dim3A_163 = vector.broadcast %broadcast_in_dim3A_162 : f32 to vector<16xf32>
      %swap3A_164 = arith.index_cast %scan3A_152 : i32 to index
      %swap3A_165 = arith.constant 32 : index
      %swap3A_166 = tpu.vector_load %arg10[%swap3A_164, %swap3A_165] {strides = array<i32>} : memref<160x96xf32, #tpu.memory_space<vmem>>, vector<16xf32>,
      tpu.vector_store %arg10[%swap3A_164, %swap3A_165], %broadcast_in_dim3A_163 {strides = array<i32>} : memref<160x96xf32, #tpu.memory_space<vmem>>, vector<16xf32>,
      %broadcast_in_dim3A_167 = arith.constant 0.000000e+00 : f32
      %broadcast_in_dim3A_168 = vector.broadcast %broadcast_in_dim3A_167 : f32 to vector<16xf32>
      %swap3A_169 = arith.index_cast %scan3A_152 : i32 to index
      %swap3A_170 = arith.constant 48 : index
      %swap3A_171 = tpu.vector_load %arg10[%swap3A_169, %swap3A_170] {strides = array<i32>} : memref<160x96xf32, #tpu.memory_space<vmem>>, vector<16xf32>,
      tpu.vector_store %arg10[%swap3A_169, %swap3A_170], %broadcast_in_dim3A_168 {strides = array<i32>} : memref<160x96xf32, #tpu.memory_space<vmem>>, vector<16xf32>,
      %broadcast_in_dim3A_172 = arith.constant 0.000000e+00 : f32
      %broadcast_in_dim3A_173 = vector.broadcast %broadcast_in_dim3A_172 : f32 to vector<16xf32>
      %swap3A_174 = arith.index_cast %scan3A_152 : i32 to index
      %swap3A_175 = arith.constant 64 : index
      %swap3A_176 = tpu.vector_load %arg10[%swap3A_174, %swap3A_175] {strides = array<i32>} : memref<160x96xf32, #tpu.memory_space<vmem>>, vector<16xf32>,
      tpu.vector_store %arg10[%swap3A_174, %swap3A_175], %broadcast_in_dim3A_173 {strides = array<i32>} : memref<160x96xf32, #tpu.memory_space<vmem>>, vector<16xf32>,
      %broadcast_in_dim3A_177 = arith.constant 0.000000e+00 : f32
      %broadcast_in_dim3A_178 = vector.broadcast %broadcast_in_dim3A_177 : f32 to vector<16xf32>
      %swap3A_179 = arith.index_cast %scan3A_152 : i32 to index
      %swap3A_180 = arith.constant 80 : index
      %swap3A_181 = tpu.vector_load %arg10[%swap3A_179, %swap3A_180] {strides = array<i32>} : memref<160x96xf32, #tpu.memory_space<vmem>>, vector<16xf32>,
      tpu.vector_store %arg10[%swap3A_179, %swap3A_180], %broadcast_in_dim3A_178 {strides = array<i32>} : memref<160x96xf32, #tpu.memory_space<vmem>>, vector<16xf32>,
      %scan3A_182 = arith.constant 0 : i32
      scf.yield %scan3A_182 : i32
    }
    %scan3A_5 = arith.constant 160 : i32
    %mul3A = arith.constant 624 : i32
    %mul3A_6 = arith.muli %arg1, %mul3A : i32
    %add3A = arith.constant 0 : i32
    %add3A_7 = arith.addi %mul3A_6, %add3A : i32
    %add3A_8 = arith.constant 0 : i32
    %add3A_9 = arith.addi %add3A_7, %add3A_8 : i32
    "tpu.region"() ({
      %run_scoped3A = tpu.sem_alloc : memref<!tpu.dma_semaphore, #tpu.memory_space<semaphore_mem>>
      %dma_start3A = arith.constant 0 : i32
      %dma_start3A_152 = arith.constant 0 : i32
      %dma_start3A_153 = tpu.memref_slice %arg10[%dma_start3A, %dma_start3A_152] : memref<160x96xf32, #tpu.memory_space<vmem>> -> memref<160x96xf32, #tpu.memory_space<vmem>>
      %dma_start3A_154 = arith.constant 0 : i32
      %dma_start3A_155 = tpu.memref_slice %arg22[%add3A_9, %dma_start3A_154] : memref<10000x96xf32, #tpu.memory_space<vmem_shared>> -> memref<160x96xf32, #tpu.memory_space<vmem_shared>>
      %dma_start3A_156 = arith.constant 0 : i32
      %dma_start3A_157 = tpu.memref_slice %arg22[%add3A_9, %dma_start3A_156] : memref<10000x96xf32, #tpu.memory_space<vmem_shared>> -> memref<160x96xf32, #tpu.memory_space<vmem_shared>>
      %dma_start3A_158 = arith.constant 0 : i32
      %dma_start3A_159 = arith.constant 0 : i32
      %dma_start3A_160 = tpu.memref_slice %arg10[%dma_start3A_158, %dma_start3A_159] : memref<160x96xf32, #tpu.memory_space<vmem>> -> memref<160x96xf32, #tpu.memory_space<vmem>>
      tpu.enqueue_dma source(%dma_start3A_160 : memref<160x96xf32, #tpu.memory_space<vmem>>) target(%dma_start3A_157 : memref<160x96xf32, #tpu.memory_space<vmem_shared>>) target_semaphore(%run_scoped3A : memref<!tpu.dma_semaphore, #tpu.memory_space<semaphore_mem>>)
      %dma_wait3A = arith.constant 0 : i32
      %dma_wait3A_161 = arith.constant 0 : i32
      %dma_wait3A_162 = tpu.memref_slice %arg10[%dma_wait3A, %dma_wait3A_161] : memref<160x96xf32, #tpu.memory_space<vmem>> -> memref<160x96xf32, #tpu.memory_space<vmem>>
      %dma_wait3A_163 = arith.constant 0 : i32
      %dma_wait3A_164 = tpu.memref_slice %arg22[%add3A_9, %dma_wait3A_163] : memref<10000x96xf32, #tpu.memory_space<vmem_shared>> -> memref<160x96xf32, #tpu.memory_space<vmem_shared>>
      %dma_wait3A_165 = arith.constant 0 : i32
      %dma_wait3A_166 = tpu.memref_slice %arg22[%add3A_9, %dma_wait3A_165] : memref<10000x96xf32, #tpu.memory_space<vmem_shared>> -> memref<160x96xf32, #tpu.memory_space<vmem_shared>>
      %dma_wait3A_167 = arith.constant 0 : i32
      %dma_wait3A_168 = arith.constant 0 : i32
      %dma_wait3A_169 = tpu.memref_slice %arg10[%dma_wait3A_167, %dma_wait3A_168] : memref<160x96xf32, #tpu.memory_space<vmem>> -> memref<160x96xf32, #tpu.memory_space<vmem>>
      tpu.wait_dma2 semaphore(%run_scoped3A : memref<!tpu.dma_semaphore, #tpu.memory_space<semaphore_mem>>) src(%dma_wait3A_169 : memref<160x96xf32, #tpu.memory_space<vmem>>) dst(%dma_wait3A_166 : memref<160x96xf32, #tpu.memory_space<vmem_shared>>)
      tpu.yield
    }) : () -> ()
    %mul3A_10 = arith.constant 624 : i32
    %mul3A_11 = arith.muli %arg1, %mul3A_10 : i32
    %add3A_12 = arith.constant 0 : i32
    %add3A_13 = arith.addi %mul3A_11, %add3A_12 : i32
    %add3A_14 = arith.constant 160 : i32
    %add3A_15 = arith.addi %add3A_13, %add3A_14 : i32
    "tpu.region"() ({
      %run_scoped3A = tpu.sem_alloc : memref<!tpu.dma_semaphore, #tpu.memory_space<semaphore_mem>>
      %dma_start3A = arith.constant 0 : i32
      %dma_start3A_152 = arith.constant 0 : i32
      %dma_start3A_153 = tpu.memref_slice %arg10[%dma_start3A, %dma_start3A_152] : memref<160x96xf32, #tpu.memory_space<vmem>> -> memref<96x96xf32, #tpu.memory_space<vmem>>
      %dma_start3A_154 = arith.constant 0 : i32
      %dma_start3A_155 = tpu.memref_slice %arg22[%add3A_15, %dma_start3A_154] : memref<10000x96xf32, #tpu.memory_space<vmem_shared>> -> memref<96x96xf32, #tpu.memory_space<vmem_shared>>
      %dma_start3A_156 = arith.constant 0 : i32
      %dma_start3A_157 = tpu.memref_slice %arg22[%add3A_15, %dma_start3A_156] : memref<10000x96xf32, #tpu.memory_space<vmem_shared>> -> memref<96x96xf32, #tpu.memory_space<vmem_shared>>
      %dma_start3A_158 = arith.constant 0 : i32
      %dma_start3A_159 = arith.constant 0 : i32
      %dma_start3A_160 = tpu.memref_slice %arg10[%dma_start3A_158, %dma_start3A_159] : memref<160x96xf32, #tpu.memory_space<vmem>> -> memref<96x96xf32, #tpu.memory_space<vmem>>
      tpu.enqueue_dma source(%dma_start3A_160 : memref<96x96xf32, #tpu.memory_space<vmem>>) target(%dma_start3A_157 : memref<96x96xf32, #tpu.memory_space<vmem_shared>>) target_semaphore(%run_scoped3A : memref<!tpu.dma_semaphore, #tpu.memory_space<semaphore_mem>>)
      %dma_wait3A = arith.constant 0 : i32
      %dma_wait3A_161 = arith.constant 0 : i32
      %dma_wait3A_162 = tpu.memref_slice %arg10[%dma_wait3A, %dma_wait3A_161] : memref<160x96xf32, #tpu.memory_space<vmem>> -> memref<96x96xf32, #tpu.memory_space<vmem>>
      %dma_wait3A_163 = arith.constant 0 : i32
      %dma_wait3A_164 = tpu.memref_slice %arg22[%add3A_15, %dma_wait3A_163] : memref<10000x96xf32, #tpu.memory_space<vmem_shared>> -> memref<96x96xf32, #tpu.memory_space<vmem_shared>>
      %dma_wait3A_165 = arith.constant 0 : i32
      %dma_wait3A_166 = tpu.memref_slice %arg22[%add3A_15, %dma_wait3A_165] : memref<10000x96xf32, #tpu.memory_space<vmem_shared>> -> memref<96x96xf32, #tpu.memory_space<vmem_shared>>
      %dma_wait3A_167 = arith.constant 0 : i32
      %dma_wait3A_168 = arith.constant 0 : i32
      %dma_wait3A_169 = tpu.memref_slice %arg10[%dma_wait3A_167, %dma_wait3A_168] : memref<160x96xf32, #tpu.memory_space<vmem>> -> memref<96x96xf32, #tpu.memory_space<vmem>>
      tpu.wait_dma2 semaphore(%run_scoped3A : memref<!tpu.dma_semaphore, #tpu.memory_space<semaphore_mem>>) src(%dma_wait3A_169 : memref<96x96xf32, #tpu.memory_space<vmem>>) dst(%dma_wait3A_166 : memref<96x96xf32, #tpu.memory_space<vmem_shared>>)
      tpu.yield
    }) : () -> ()
    %mul3A_16 = arith.constant 624 : i32
    %mul3A_17 = arith.muli %arg1, %mul3A_16 : i32
    %add3A_18 = arith.constant 256 : i32
    %add3A_19 = arith.addi %mul3A_17, %add3A_18 : i32
    %add3A_20 = arith.constant 0 : i32
    %add3A_21 = arith.addi %add3A_19, %add3A_20 : i32
    "tpu.region"() ({
      %run_scoped3A = tpu.sem_alloc : memref<!tpu.dma_semaphore, #tpu.memory_space<semaphore_mem>>
      %dma_start3A = arith.constant 0 : i32
      %dma_start3A_152 = arith.constant 0 : i32
      %dma_start3A_153 = tpu.memref_slice %arg10[%dma_start3A, %dma_start3A_152] : memref<160x96xf32, #tpu.memory_space<vmem>> -> memref<160x96xf32, #tpu.memory_space<vmem>>
      %dma_start3A_154 = arith.constant 0 : i32
      %dma_start3A_155 = tpu.memref_slice %arg22[%add3A_21, %dma_start3A_154] : memref<10000x96xf32, #tpu.memory_space<vmem_shared>> -> memref<160x96xf32, #tpu.memory_space<vmem_shared>>
      %dma_start3A_156 = arith.constant 0 : i32
      %dma_start3A_157 = tpu.memref_slice %arg22[%add3A_21, %dma_start3A_156] : memref<10000x96xf32, #tpu.memory_space<vmem_shared>> -> memref<160x96xf32, #tpu.memory_space<vmem_shared>>
      %dma_start3A_158 = arith.constant 0 : i32
      %dma_start3A_159 = arith.constant 0 : i32
      %dma_start3A_160 = tpu.memref_slice %arg10[%dma_start3A_158, %dma_start3A_159] : memref<160x96xf32, #tpu.memory_space<vmem>> -> memref<160x96xf32, #tpu.memory_space<vmem>>
      tpu.enqueue_dma source(%dma_start3A_160 : memref<160x96xf32, #tpu.memory_space<vmem>>) target(%dma_start3A_157 : memref<160x96xf32, #tpu.memory_space<vmem_shared>>) target_semaphore(%run_scoped3A : memref<!tpu.dma_semaphore, #tpu.memory_space<semaphore_mem>>)
      %dma_wait3A = arith.constant 0 : i32
      %dma_wait3A_161 = arith.constant 0 : i32
      %dma_wait3A_162 = tpu.memref_slice %arg10[%dma_wait3A, %dma_wait3A_161] : memref<160x96xf32, #tpu.memory_space<vmem>> -> memref<160x96xf32, #tpu.memory_space<vmem>>
      %dma_wait3A_163 = arith.constant 0 : i32
      %dma_wait3A_164 = tpu.memref_slice %arg22[%add3A_21, %dma_wait3A_163] : memref<10000x96xf32, #tpu.memory_space<vmem_shared>> -> memref<160x96xf32, #tpu.memory_space<vmem_shared>>
      %dma_wait3A_165 = arith.constant 0 : i32
      %dma_wait3A_166 = tpu.memref_slice %arg22[%add3A_21, %dma_wait3A_165] : memref<10000x96xf32, #tpu.memory_space<vmem_shared>> -> memref<160x96xf32, #tpu.memory_space<vmem_shared>>
      %dma_wait3A_167 = arith.constant 0 : i32
      %dma_wait3A_168 = arith.constant 0 : i32
      %dma_wait3A_169 = tpu.memref_slice %arg10[%dma_wait3A_167, %dma_wait3A_168] : memref<160x96xf32, #tpu.memory_space<vmem>> -> memref<160x96xf32, #tpu.memory_space<vmem>>
      tpu.wait_dma2 semaphore(%run_scoped3A : memref<!tpu.dma_semaphore, #tpu.memory_space<semaphore_mem>>) src(%dma_wait3A_169 : memref<160x96xf32, #tpu.memory_space<vmem>>) dst(%dma_wait3A_166 : memref<160x96xf32, #tpu.memory_space<vmem_shared>>)
      tpu.yield
    }) : () -> ()
    %mul3A_22 = arith.constant 624 : i32
    %mul3A_23 = arith.muli %arg1, %mul3A_22 : i32
    %add3A_24 = arith.constant 256 : i32
    %add3A_25 = arith.addi %mul3A_23, %add3A_24 : i32
    %add3A_26 = arith.constant 160 : i32
    %add3A_27 = arith.addi %add3A_25, %add3A_26 : i32
    "tpu.region"() ({
      %run_scoped3A = tpu.sem_alloc : memref<!tpu.dma_semaphore, #tpu.memory_space<semaphore_mem>>
      %dma_start3A = arith.constant 0 : i32
      %dma_start3A_152 = arith.constant 0 : i32
      %dma_start3A_153 = tpu.memref_slice %arg10[%dma_start3A, %dma_start3A_152] : memref<160x96xf32, #tpu.memory_space<vmem>> -> memref<96x96xf32, #tpu.memory_space<vmem>>
      %dma_start3A_154 = arith.constant 0 : i32
      %dma_start3A_155 = tpu.memref_slice %arg22[%add3A_27, %dma_start3A_154] : memref<10000x96xf32, #tpu.memory_space<vmem_shared>> -> memref<96x96xf32, #tpu.memory_space<vmem_shared>>
      %dma_start3A_156 = arith.constant 0 : i32
      %dma_start3A_157 = tpu.memref_slice %arg22[%add3A_27, %dma_start3A_156] : memref<10000x96xf32, #tpu.memory_space<vmem_shared>> -> memref<96x96xf32, #tpu.memory_space<vmem_shared>>
      %dma_start3A_158 = arith.constant 0 : i32
      %dma_start3A_159 = arith.constant 0 : i32
      %dma_start3A_160 = tpu.memref_slice %arg10[%dma_start3A_158, %dma_start3A_159] : memref<160x96xf32, #tpu.memory_space<vmem>> -> memref<96x96xf32, #tpu.memory_space<vmem>>
      tpu.enqueue_dma source(%dma_start3A_160 : memref<96x96xf32, #tpu.memory_space<vmem>>) target(%dma_start3A_157 : memref<96x96xf32, #tpu.memory_space<vmem_shared>>) target_semaphore(%run_scoped3A : memref<!tpu.dma_semaphore, #tpu.memory_space<semaphore_mem>>)
      %dma_wait3A = arith.constant 0 : i32
      %dma_wait3A_161 = arith.constant 0 : i32
      %dma_wait3A_162 = tpu.memref_slice %arg10[%dma_wait3A, %dma_wait3A_161] : memref<160x96xf32, #tpu.memory_space<vmem>> -> memref<96x96xf32, #tpu.memory_space<vmem>>
      %dma_wait3A_163 = arith.constant 0 : i32
      %dma_wait3A_164 = tpu.memref_slice %arg22[%add3A_27, %dma_wait3A_163] : memref<10000x96xf32, #tpu.memory_space<vmem_shared>> -> memref<96x96xf32, #tpu.memory_space<vmem_shared>>
      %dma_wait3A_165 = arith.constant 0 : i32
      %dma_wait3A_166 = tpu.memref_slice %arg22[%add3A_27, %dma_wait3A_165] : memref<10000x96xf32, #tpu.memory_space<vmem_shared>> -> memref<96x96xf32, #tpu.memory_space<vmem_shared>>
      %dma_wait3A_167 = arith.constant 0 : i32
      %dma_wait3A_168 = arith.constant 0 : i32
      %dma_wait3A_169 = tpu.memref_slice %arg10[%dma_wait3A_167, %dma_wait3A_168] : memref<160x96xf32, #tpu.memory_space<vmem>> -> memref<96x96xf32, #tpu.memory_space<vmem>>
      tpu.wait_dma2 semaphore(%run_scoped3A : memref<!tpu.dma_semaphore, #tpu.memory_space<semaphore_mem>>) src(%dma_wait3A_169 : memref<96x96xf32, #tpu.memory_space<vmem>>) dst(%dma_wait3A_166 : memref<96x96xf32, #tpu.memory_space<vmem_shared>>)
      tpu.yield
    }) : () -> ()
    %mul3A_28 = arith.constant 624 : i32
    %mul3A_29 = arith.muli %arg1, %mul3A_28 : i32
    %add3A_30 = arith.constant 512 : i32
    %add3A_31 = arith.addi %mul3A_29, %add3A_30 : i32
    %add3A_32 = arith.constant 0 : i32
    %add3A_33 = arith.addi %add3A_31, %add3A_32 : i32
    "tpu.region"() ({
      %run_scoped3A = tpu.sem_alloc : memref<!tpu.dma_semaphore, #tpu.memory_space<semaphore_mem>>
      %dma_start3A = arith.constant 0 : i32
      %dma_start3A_152 = arith.constant 0 : i32
      %dma_start3A_153 = tpu.memref_slice %arg10[%dma_start3A, %dma_start3A_152] : memref<160x96xf32, #tpu.memory_space<vmem>> -> memref<112x96xf32, #tpu.memory_space<vmem>>
      %dma_start3A_154 = arith.constant 0 : i32
      %dma_start3A_155 = tpu.memref_slice %arg22[%add3A_33, %dma_start3A_154] : memref<10000x96xf32, #tpu.memory_space<vmem_shared>> -> memref<112x96xf32, #tpu.memory_space<vmem_shared>>
      %dma_start3A_156 = arith.constant 0 : i32
      %dma_start3A_157 = tpu.memref_slice %arg22[%add3A_33, %dma_start3A_156] : memref<10000x96xf32, #tpu.memory_space<vmem_shared>> -> memref<112x96xf32, #tpu.memory_space<vmem_shared>>
      %dma_start3A_158 = arith.constant 0 : i32
      %dma_start3A_159 = arith.constant 0 : i32
      %dma_start3A_160 = tpu.memref_slice %arg10[%dma_start3A_158, %dma_start3A_159] : memref<160x96xf32, #tpu.memory_space<vmem>> -> memref<112x96xf32, #tpu.memory_space<vmem>>
      tpu.enqueue_dma source(%dma_start3A_160 : memref<112x96xf32, #tpu.memory_space<vmem>>) target(%dma_start3A_157 : memref<112x96xf32, #tpu.memory_space<vmem_shared>>) target_semaphore(%run_scoped3A : memref<!tpu.dma_semaphore, #tpu.memory_space<semaphore_mem>>)
      %dma_wait3A = arith.constant 0 : i32
      %dma_wait3A_161 = arith.constant 0 : i32
      %dma_wait3A_162 = tpu.memref_slice %arg10[%dma_wait3A, %dma_wait3A_161] : memref<160x96xf32, #tpu.memory_space<vmem>> -> memref<112x96xf32, #tpu.memory_space<vmem>>
      %dma_wait3A_163 = arith.constant 0 : i32
      %dma_wait3A_164 = tpu.memref_slice %arg22[%add3A_33, %dma_wait3A_163] : memref<10000x96xf32, #tpu.memory_space<vmem_shared>> -> memref<112x96xf32, #tpu.memory_space<vmem_shared>>
      %dma_wait3A_165 = arith.constant 0 : i32
      %dma_wait3A_166 = tpu.memref_slice %arg22[%add3A_33, %dma_wait3A_165] : memref<10000x96xf32, #tpu.memory_space<vmem_shared>> -> memref<112x96xf32, #tpu.memory_space<vmem_shared>>
      %dma_wait3A_167 = arith.constant 0 : i32
      %dma_wait3A_168 = arith.constant 0 : i32
      %dma_wait3A_169 = tpu.memref_slice %arg10[%dma_wait3A_167, %dma_wait3A_168] : memref<160x96xf32, #tpu.memory_space<vmem>> -> memref<112x96xf32, #tpu.memory_space<vmem>>
      tpu.wait_dma2 semaphore(%run_scoped3A : memref<!tpu.dma_semaphore, #tpu.memory_space<semaphore_mem>>) src(%dma_wait3A_169 : memref<112x96xf32, #tpu.memory_space<vmem>>) dst(%dma_wait3A_166 : memref<112x96xf32, #tpu.memory_space<vmem_shared>>)
      tpu.yield
    }) : () -> ()
    %eq3A = arith.constant 15 : i32
    %eq3A_34 = arith.cmpi eq, %arg1, %eq3A : i32
    %convert_element_type3A = arith.extui %eq3A_34 : i1 to i32
    %cond3A = arith.constant 0 : i32
    %cond3A_35 = arith.cmpi ne, %convert_element_type3A, %cond3A : i32
    scf.if %cond3A_35 {
      "tpu.region"() ({
        %run_scoped3A = tpu.sem_alloc : memref<!tpu.dma_semaphore, #tpu.memory_space<semaphore_mem>>
        %dma_start3A = arith.constant 0 : i32
        %dma_start3A_152 = arith.constant 0 : i32
        %dma_start3A_153 = tpu.memref_slice %arg10[%dma_start3A, %dma_start3A_152] : memref<160x96xf32, #tpu.memory_space<vmem>> -> memref<16x96xf32, #tpu.memory_space<vmem>>
        %dma_start3A_154 = arith.constant 9984 : i32
        %dma_start3A_155 = arith.constant 0 : i32
        %dma_start3A_156 = tpu.memref_slice %arg22[%dma_start3A_154, %dma_start3A_155] : memref<10000x96xf32, #tpu.memory_space<vmem_shared>> -> memref<16x96xf32, #tpu.memory_space<vmem_shared>>
        %dma_start3A_157 = arith.constant 9984 : i32
        %dma_start3A_158 = arith.constant 0 : i32
        %dma_start3A_159 = tpu.memref_slice %arg22[%dma_start3A_157, %dma_start3A_158] : memref<10000x96xf32, #tpu.memory_space<vmem_shared>> -> memref<16x96xf32, #tpu.memory_space<vmem_shared>>
        %dma_start3A_160 = arith.constant 0 : i32
        %dma_start3A_161 = arith.constant 0 : i32
        %dma_start3A_162 = tpu.memref_slice %arg10[%dma_start3A_160, %dma_start3A_161] : memref<160x96xf32, #tpu.memory_space<vmem>> -> memref<16x96xf32, #tpu.memory_space<vmem>>
        tpu.enqueue_dma source(%dma_start3A_162 : memref<16x96xf32, #tpu.memory_space<vmem>>) target(%dma_start3A_159 : memref<16x96xf32, #tpu.memory_space<vmem_shared>>) target_semaphore(%run_scoped3A : memref<!tpu.dma_semaphore, #tpu.memory_space<semaphore_mem>>)
        %dma_wait3A = arith.constant 0 : i32
        %dma_wait3A_163 = arith.constant 0 : i32
        %dma_wait3A_164 = tpu.memref_slice %arg10[%dma_wait3A, %dma_wait3A_163] : memref<160x96xf32, #tpu.memory_space<vmem>> -> memref<16x96xf32, #tpu.memory_space<vmem>>
        %dma_wait3A_165 = arith.constant 9984 : i32
        %dma_wait3A_166 = arith.constant 0 : i32
        %dma_wait3A_167 = tpu.memref_slice %arg22[%dma_wait3A_165, %dma_wait3A_166] : memref<10000x96xf32, #tpu.memory_space<vmem_shared>> -> memref<16x96xf32, #tpu.memory_space<vmem_shared>>
        %dma_wait3A_168 = arith.constant 9984 : i32
        %dma_wait3A_169 = arith.constant 0 : i32
        %dma_wait3A_170 = tpu.memref_slice %arg22[%dma_wait3A_168, %dma_wait3A_169] : memref<10000x96xf32, #tpu.memory_space<vmem_shared>> -> memref<16x96xf32, #tpu.memory_space<vmem_shared>>
        %dma_wait3A_171 = arith.constant 0 : i32
        %dma_wait3A_172 = arith.constant 0 : i32
        %dma_wait3A_173 = tpu.memref_slice %arg10[%dma_wait3A_171, %dma_wait3A_172] : memref<160x96xf32, #tpu.memory_space<vmem>> -> memref<16x96xf32, #tpu.memory_space<vmem>>
        tpu.wait_dma2 semaphore(%run_scoped3A : memref<!tpu.dma_semaphore, #tpu.memory_space<semaphore_mem>>) src(%dma_wait3A_173 : memref<16x96xf32, #tpu.memory_space<vmem>>) dst(%dma_wait3A_170 : memref<16x96xf32, #tpu.memory_space<vmem_shared>>)
        tpu.yield
      }) : () -> ()
    } else {
    }
    %barrier3A = arith.constant 0 : index
    tpu.barrier barrier_id(%barrier3A)
    %sub3A = arith.constant 1000 : i32
    %sub3A_36 = arith.subi %sub3A, %arg1 : i32
    %add3A_37 = arith.constant 16 : i32
    %add3A_38 = arith.addi %sub3A_36, %add3A_37 : i32
    %sub3A_39 = arith.constant 1 : i32
    %sub3A_40 = arith.subi %add3A_38, %sub3A_39 : i32
    %jit3A = arith.constant 16 : i32
    %div3A = arith.divsi %sub3A_40, %jit3A : i32
    %sign3A = arith.constant 0 : i32
    %sign3A_41 = arith.cmpi sgt, %sub3A_40, %sign3A : i32
    %sign3A_42 = arith.extui %sign3A_41 : i1 to i32
    %sign3A_43 = arith.constant 0 : i32
    %sign3A_44 = arith.cmpi slt, %sub3A_40, %sign3A_43 : i32
    %sign3A_45 = arith.extui %sign3A_44 : i1 to i32
    %sign3A_46 = arith.subi %sign3A_42, %sign3A_45 : i32
    %sign3A_47 = arith.constant 0 : i32
    %sign3A_48 = arith.cmpi sgt, %jit3A, %sign3A_47 : i32
    %sign3A_49 = arith.extui %sign3A_48 : i1 to i32
    %sign3A_50 = arith.constant 0 : i32
    %sign3A_51 = arith.cmpi slt, %jit3A, %sign3A_50 : i32
    %sign3A_52 = arith.extui %sign3A_51 : i1 to i32
    %sign3A_53 = arith.subi %sign3A_49, %sign3A_52 : i32
    %ne3A = arith.cmpi ne, %sign3A_46, %sign3A_53 : i32
    %rem3A = arith.remsi %sub3A_40, %jit3A : i32
    %ne3A_54 = arith.constant 0 : i32
    %ne3A_55 = arith.cmpi ne, %rem3A, %ne3A_54 : i32
    %and3A = arith.andi %ne3A, %ne3A_55 : i1
    %sub3A_56 = arith.constant 1 : i32
    %sub3A_57 = arith.subi %div3A, %sub3A_56 : i32
    %select_n3A = arith.select %and3A, %sub3A_57, %div3A : i32
    %gt3A = arith.constant 0 : i32
    %gt3A_58 = arith.cmpi sgt, %select_n3A, %gt3A : i32
    %convert_element_type3A_59 = arith.extui %gt3A_58 : i1 to i32
    %cond3A_60 = arith.constant 0 : i32
    %cond3A_61 = arith.cmpi ne, %convert_element_type3A_59, %cond3A_60 : i32
    scf.if %cond3A_61 {
      %add3A_152 = arith.constant 0 : i32
      %add3A_153 = arith.addi %arg1, %add3A_152 : i32
      %mul3A_154 = arith.constant 160 : i32
      %mul3A_155 = arith.muli %add3A_153, %mul3A_154 : i32
      "tpu.region"() ({
        %run_scoped3A = tpu.sem_alloc : memref<!tpu.dma_semaphore, #tpu.memory_space<semaphore_mem>>
        %dma_start3A = tpu.memref_slice %arg2[%mul3A_155] : memref<160000xi32, #tpu.memory_space<hbm>> -> memref<160xi32, #tpu.memory_space<hbm>>
        %dma_start3A_166 = tpu.memref_slice %arg2[%mul3A_155] : memref<160000xi32, #tpu.memory_space<hbm>> -> memref<160xi32, #tpu.memory_space<hbm>>
        tpu.enqueue_dma source(%dma_start3A_166 : memref<160xi32, #tpu.memory_space<hbm>>) target(%arg14 : memref<160xi32, #tpu.memory_space<vmem>>) target_semaphore(%run_scoped3A : memref<!tpu.dma_semaphore, #tpu.memory_space<semaphore_mem>>)
        %dma_wait3A = tpu.memref_slice %arg2[%mul3A_155] : memref<160000xi32, #tpu.memory_space<hbm>> -> memref<160xi32, #tpu.memory_space<hbm>>
        %dma_wait3A_167 = tpu.memref_slice %arg2[%mul3A_155] : memref<160000xi32, #tpu.memory_space<hbm>> -> memref<160xi32, #tpu.memory_space<hbm>>
        tpu.wait_dma2 semaphore(%run_scoped3A : memref<!tpu.dma_semaphore, #tpu.memory_space<semaphore_mem>>) src(%dma_wait3A_167 : memref<160xi32, #tpu.memory_space<hbm>>) dst(%arg14 : memref<160xi32, #tpu.memory_space<vmem>>)
        tpu.yield
      }) : () -> ()
      "tpu.region"() ({
        %run_scoped3A = tpu.sem_alloc : memref<!tpu.dma_semaphore, #tpu.memory_space<semaphore_mem>>
        %dma_start3A = tpu.memref_slice %arg3[%mul3A_155] : memref<160000xi32, #tpu.memory_space<hbm>> -> memref<160xi32, #tpu.memory_space<hbm>>
        %dma_start3A_166 = tpu.memref_slice %arg3[%mul3A_155] : memref<160000xi32, #tpu.memory_space<hbm>> -> memref<160xi32, #tpu.memory_space<hbm>>
        tpu.enqueue_dma source(%dma_start3A_166 : memref<160xi32, #tpu.memory_space<hbm>>) target(%arg16 : memref<160xi32, #tpu.memory_space<vmem>>) target_semaphore(%run_scoped3A : memref<!tpu.dma_semaphore, #tpu.memory_space<semaphore_mem>>)
        %dma_wait3A = tpu.memref_slice %arg3[%mul3A_155] : memref<160000xi32, #tpu.memory_space<hbm>> -> memref<160xi32, #tpu.memory_space<hbm>>
        %dma_wait3A_167 = tpu.memref_slice %arg3[%mul3A_155] : memref<160000xi32, #tpu.memory_space<hbm>> -> memref<160xi32, #tpu.memory_space<hbm>>
        tpu.wait_dma2 semaphore(%run_scoped3A : memref<!tpu.dma_semaphore, #tpu.memory_space<semaphore_mem>>) src(%dma_wait3A_167 : memref<160xi32, #tpu.memory_space<hbm>>) dst(%arg16 : memref<160xi32, #tpu.memory_space<vmem>>)
        tpu.yield
      }) : () -> ()
      %eq3A_156 = arith.constant 0 : i32
      %eq3A_157 = arith.cmpi eq, %arg0, %eq3A_156 : i32
      %convert_element_type3A_158 = arith.extui %eq3A_157 : i1 to i32
      %cond3A_159 = arith.constant 0 : i32
      %cond3A_160 = arith.cmpi ne, %convert_element_type3A_158, %cond3A_159 : i32
      scf.if %cond3A_160 {
        %dma_start3A = arith.constant 0 : i32
        %dma_start3A_166 = arith.constant 0 : i32
        %dma_start3A_167 = tpu.memref_slice %arg4[%dma_start3A, %dma_start3A_166] : memref<10000x96xf32, #tpu.memory_space<hbm>> -> memref<10000x96xf32, #tpu.memory_space<hbm>>
        tpu.enqueue_indirect_dma source(%dma_start3A_167 : memref<10000x96xf32, #tpu.memory_space<hbm>>) target(%arg10 : memref<160x96xf32, #tpu.memory_space<vmem>>) offsets(%arg14 : memref<160xi32, #tpu.memory_space<vmem>>) semaphore(%arg18 : memref<!tpu.dma_semaphore, #tpu.memory_space<semaphore_mem>>)
        %dma_start3A_168 = arith.constant 0 : i32
        %dma_start3A_169 = tpu.memref_slice %arg6[%mul3A_155, %dma_start3A_168] : memref<160000x96xf32, #tpu.memory_space<hbm>> -> memref<160x96xf32, #tpu.memory_space<hbm>>
        %dma_start3A_170 = arith.constant 0 : i32
        %dma_start3A_171 = tpu.memref_slice %arg6[%mul3A_155, %dma_start3A_170] : memref<160000x96xf32, #tpu.memory_space<hbm>> -> memref<160x96xf32, #tpu.memory_space<hbm>>
        tpu.enqueue_dma source(%dma_start3A_171 : memref<160x96xf32, #tpu.memory_space<hbm>>) target(%arg12 : memref<160x96xf32, #tpu.memory_space<vmem>>) target_semaphore(%arg20 : memref<!tpu.dma_semaphore, #tpu.memory_space<semaphore_mem>>)
      } else {
      }
      %eq3A_161 = arith.constant 1 : i32
      %eq3A_162 = arith.cmpi eq, %arg0, %eq3A_161 : i32
      %convert_element_type3A_163 = arith.extui %eq3A_162 : i1 to i32
      %cond3A_164 = arith.constant 0 : i32
      %cond3A_165 = arith.cmpi ne, %convert_element_type3A_163, %cond3A_164 : i32
      scf.if %cond3A_165 {
        %dma_start3A = arith.constant 0 : i32
        %dma_start3A_166 = arith.constant 0 : i32
        %dma_start3A_167 = tpu.memref_slice %arg5[%dma_start3A, %dma_start3A_166] : memref<10000x96xf32, #tpu.memory_space<hbm>> -> memref<10000x96xf32, #tpu.memory_space<hbm>>
        tpu.enqueue_indirect_dma source(%dma_start3A_167 : memref<10000x96xf32, #tpu.memory_space<hbm>>) target(%arg10 : memref<160x96xf32, #tpu.memory_space<vmem>>) offsets(%arg14 : memref<160xi32, #tpu.memory_space<vmem>>) semaphore(%arg18 : memref<!tpu.dma_semaphore, #tpu.memory_space<semaphore_mem>>)
        %dma_start3A_168 = arith.constant 0 : i32
        %dma_start3A_169 = tpu.memref_slice %arg7[%mul3A_155, %dma_start3A_168] : memref<160000x96xf32, #tpu.memory_space<hbm>> -> memref<160x96xf32, #tpu.memory_space<hbm>>
        %dma_start3A_170 = arith.constant 0 : i32
        %dma_start3A_171 = tpu.memref_slice %arg7[%mul3A_155, %dma_start3A_170] : memref<160000x96xf32, #tpu.memory_space<hbm>> -> memref<160x96xf32, #tpu.memory_space<hbm>>
        tpu.enqueue_dma source(%dma_start3A_171 : memref<160x96xf32, #tpu.memory_space<hbm>>) target(%arg12 : memref<160x96xf32, #tpu.memory_space<vmem>>) target_semaphore(%arg20 : memref<!tpu.dma_semaphore, #tpu.memory_space<semaphore_mem>>)
      } else {
      }
    } else {
    }
    %gt3A_62 = arith.constant 1 : i32
    %gt3A_63 = arith.cmpi sgt, %select_n3A, %gt3A_62 : i32
    %convert_element_type3A_64 = arith.extui %gt3A_63 : i1 to i32
    %cond3A_65 = arith.constant 0 : i32
    %cond3A_66 = arith.cmpi ne, %convert_element_type3A_64, %cond3A_65 : i32
    scf.if %cond3A_66 {
      %add3A_152 = arith.constant 16 : i32
      %add3A_153 = arith.addi %arg1, %add3A_152 : i32
      %mul3A_154 = arith.constant 160 : i32
      %mul3A_155 = arith.muli %add3A_153, %mul3A_154 : i32
      "tpu.region"() ({
        %run_scoped3A = tpu.sem_alloc : memref<!tpu.dma_semaphore, #tpu.memory_space<semaphore_mem>>
        %dma_start3A = tpu.memref_slice %arg2[%mul3A_155] : memref<160000xi32, #tpu.memory_space<hbm>> -> memref<160xi32, #tpu.memory_space<hbm>>
        %dma_start3A_166 = tpu.memref_slice %arg2[%mul3A_155] : memref<160000xi32, #tpu.memory_space<hbm>> -> memref<160xi32, #tpu.memory_space<hbm>>
        tpu.enqueue_dma source(%dma_start3A_166 : memref<160xi32, #tpu.memory_space<hbm>>) target(%arg15 : memref<160xi32, #tpu.memory_space<vmem>>) target_semaphore(%run_scoped3A : memref<!tpu.dma_semaphore, #tpu.memory_space<semaphore_mem>>)
        %dma_wait3A = tpu.memref_slice %arg2[%mul3A_155] : memref<160000xi32, #tpu.memory_space<hbm>> -> memref<160xi32, #tpu.memory_space<hbm>>
        %dma_wait3A_167 = tpu.memref_slice %arg2[%mul3A_155] : memref<160000xi32, #tpu.memory_space<hbm>> -> memref<160xi32, #tpu.memory_space<hbm>>
        tpu.wait_dma2 semaphore(%run_scoped3A : memref<!tpu.dma_semaphore, #tpu.memory_space<semaphore_mem>>) src(%dma_wait3A_167 : memref<160xi32, #tpu.memory_space<hbm>>) dst(%arg15 : memref<160xi32, #tpu.memory_space<vmem>>)
        tpu.yield
      }) : () -> ()
      "tpu.region"() ({
        %run_scoped3A = tpu.sem_alloc : memref<!tpu.dma_semaphore, #tpu.memory_space<semaphore_mem>>
        %dma_start3A = tpu.memref_slice %arg3[%mul3A_155] : memref<160000xi32, #tpu.memory_space<hbm>> -> memref<160xi32, #tpu.memory_space<hbm>>
        %dma_start3A_166 = tpu.memref_slice %arg3[%mul3A_155] : memref<160000xi32, #tpu.memory_space<hbm>> -> memref<160xi32, #tpu.memory_space<hbm>>
        tpu.enqueue_dma source(%dma_start3A_166 : memref<160xi32, #tpu.memory_space<hbm>>) target(%arg17 : memref<160xi32, #tpu.memory_space<vmem>>) target_semaphore(%run_scoped3A : memref<!tpu.dma_semaphore, #tpu.memory_space<semaphore_mem>>)
        %dma_wait3A = tpu.memref_slice %arg3[%mul3A_155] : memref<160000xi32, #tpu.memory_space<hbm>> -> memref<160xi32, #tpu.memory_space<hbm>>
        %dma_wait3A_167 = tpu.memref_slice %arg3[%mul3A_155] : memref<160000xi32, #tpu.memory_space<hbm>> -> memref<160xi32, #tpu.memory_space<hbm>>
        tpu.wait_dma2 semaphore(%run_scoped3A : memref<!tpu.dma_semaphore, #tpu.memory_space<semaphore_mem>>) src(%dma_wait3A_167 : memref<160xi32, #tpu.memory_space<hbm>>) dst(%arg17 : memref<160xi32, #tpu.memory_space<vmem>>)
        tpu.yield
      }) : () -> ()
      %eq3A_156 = arith.constant 0 : i32
      %eq3A_157 = arith.cmpi eq, %arg0, %eq3A_156 : i32
      %convert_element_type3A_158 = arith.extui %eq3A_157 : i1 to i32
      %cond3A_159 = arith.constant 0 : i32
      %cond3A_160 = arith.cmpi ne, %convert_element_type3A_158, %cond3A_159 : i32
      scf.if %cond3A_160 {
        %dma_start3A = arith.constant 0 : i32
        %dma_start3A_166 = arith.constant 0 : i32
        %dma_start3A_167 = tpu.memref_slice %arg4[%dma_start3A, %dma_start3A_166] : memref<10000x96xf32, #tpu.memory_space<hbm>> -> memref<10000x96xf32, #tpu.memory_space<hbm>>
        tpu.enqueue_indirect_dma source(%dma_start3A_167 : memref<10000x96xf32, #tpu.memory_space<hbm>>) target(%arg11 : memref<160x96xf32, #tpu.memory_space<vmem>>) offsets(%arg15 : memref<160xi32, #tpu.memory_space<vmem>>) semaphore(%arg19 : memref<!tpu.dma_semaphore, #tpu.memory_space<semaphore_mem>>)
        %dma_start3A_168 = arith.constant 0 : i32
        %dma_start3A_169 = tpu.memref_slice %arg6[%mul3A_155, %dma_start3A_168] : memref<160000x96xf32, #tpu.memory_space<hbm>> -> memref<160x96xf32, #tpu.memory_space<hbm>>
        %dma_start3A_170 = arith.constant 0 : i32
        %dma_start3A_171 = tpu.memref_slice %arg6[%mul3A_155, %dma_start3A_170] : memref<160000x96xf32, #tpu.memory_space<hbm>> -> memref<160x96xf32, #tpu.memory_space<hbm>>
        tpu.enqueue_dma source(%dma_start3A_171 : memref<160x96xf32, #tpu.memory_space<hbm>>) target(%arg13 : memref<160x96xf32, #tpu.memory_space<vmem>>) target_semaphore(%arg21 : memref<!tpu.dma_semaphore, #tpu.memory_space<semaphore_mem>>)
      } else {
      }
      %eq3A_161 = arith.constant 1 : i32
      %eq3A_162 = arith.cmpi eq, %arg0, %eq3A_161 : i32
      %convert_element_type3A_163 = arith.extui %eq3A_162 : i1 to i32
      %cond3A_164 = arith.constant 0 : i32
      %cond3A_165 = arith.cmpi ne, %convert_element_type3A_163, %cond3A_164 : i32
      scf.if %cond3A_165 {
        %dma_start3A = arith.constant 0 : i32
        %dma_start3A_166 = arith.constant 0 : i32
        %dma_start3A_167 = tpu.memref_slice %arg5[%dma_start3A, %dma_start3A_166] : memref<10000x96xf32, #tpu.memory_space<hbm>> -> memref<10000x96xf32, #tpu.memory_space<hbm>>
        tpu.enqueue_indirect_dma source(%dma_start3A_167 : memref<10000x96xf32, #tpu.memory_space<hbm>>) target(%arg11 : memref<160x96xf32, #tpu.memory_space<vmem>>) offsets(%arg15 : memref<160xi32, #tpu.memory_space<vmem>>) semaphore(%arg19 : memref<!tpu.dma_semaphore, #tpu.memory_space<semaphore_mem>>)
        %dma_start3A_168 = arith.constant 0 : i32
        %dma_start3A_169 = tpu.memref_slice %arg7[%mul3A_155, %dma_start3A_168] : memref<160000x96xf32, #tpu.memory_space<hbm>> -> memref<160x96xf32, #tpu.memory_space<hbm>>
        %dma_start3A_170 = arith.constant 0 : i32
        %dma_start3A_171 = tpu.memref_slice %arg7[%mul3A_155, %dma_start3A_170] : memref<160000x96xf32, #tpu.memory_space<hbm>> -> memref<160x96xf32, #tpu.memory_space<hbm>>
        tpu.enqueue_dma source(%dma_start3A_171 : memref<160x96xf32, #tpu.memory_space<hbm>>) target(%arg13 : memref<160x96xf32, #tpu.memory_space<vmem>>) target_semaphore(%arg21 : memref<!tpu.dma_semaphore, #tpu.memory_space<semaphore_mem>>)
      } else {
      }
    } else {
    }
    %add3A_67 = arith.constant 1 : i32
    %add3A_68 = arith.addi %select_n3A, %add3A_67 : i32
    %jit3A_69 = arith.constant 2 : i32
    %div3A_70 = arith.divsi %add3A_68, %jit3A_69 : i32
    %sign3A_71 = arith.constant 0 : i32
    %sign3A_72 = arith.cmpi sgt, %add3A_68, %sign3A_71 : i32
    %sign3A_73 = arith.extui %sign3A_72 : i1 to i32
    %sign3A_74 = arith.constant 0 : i32
    %sign3A_75 = arith.cmpi slt, %add3A_68, %sign3A_74 : i32
    %sign3A_76 = arith.extui %sign3A_75 : i1 to i32
    %sign3A_77 = arith.subi %sign3A_73, %sign3A_76 : i32
    %sign3A_78 = arith.constant 0 : i32
    %sign3A_79 = arith.cmpi sgt, %jit3A_69, %sign3A_78 : i32
    %sign3A_80 = arith.extui %sign3A_79 : i1 to i32
    %sign3A_81 = arith.constant 0 : i32
    %sign3A_82 = arith.cmpi slt, %jit3A_69, %sign3A_81 : i32
    %sign3A_83 = arith.extui %sign3A_82 : i1 to i32
    %sign3A_84 = arith.subi %sign3A_80, %sign3A_83 : i32
    %ne3A_85 = arith.cmpi ne, %sign3A_77, %sign3A_84 : i32
    %rem3A_86 = arith.remsi %add3A_68, %jit3A_69 : i32
    %ne3A_87 = arith.constant 0 : i32
    %ne3A_88 = arith.cmpi ne, %rem3A_86, %ne3A_87 : i32
    %and3A_89 = arith.andi %ne3A_85, %ne3A_88 : i1
    %sub3A_90 = arith.constant 1 : i32
    %sub3A_91 = arith.subi %div3A_70, %sub3A_90 : i32
    %select_n3A_92 = arith.select %and3A_89, %sub3A_91, %div3A_70 : i32
    %while3A = arith.constant 0 : i32
    %while3A_93 = arith.constant 0 : i32
    %while3A_94 = arith.subi %select_n3A_92, %while3A : i32
    %while3A_95 = arith.addi %while3A, %while3A_94 : i32
    %while3A_96 = arith.constant 1 : i32
    %while3A_97 = arith.divsi %while3A_94, %while3A_96 : i32
    %while3A_98 = arith.muli %while3A_97, %while3A_96 : i32
    %while3A_99 = arith.addi %while3A, %while3A_98 : i32
    %while3A_100 = arith.constant 1 : i32
    %while3A_101 = scf.for %while3A_152 = %while3A to %while3A_99 step %while3A_100 iter_args(%while3A_153 = %while3A_93) -> (i32)  : i32 {
      %mul3A_154 = arith.constant 2 : i32
      %mul3A_155 = arith.muli %mul3A_154, %while3A_152 : i32
      %add3A_156 = arith.constant 0 : i32
      %add3A_157 = arith.addi %mul3A_155, %add3A_156 : i32
      %lt3A = arith.cmpi slt, %add3A_157, %select_n3A : i32
      %convert_element_type3A_158 = arith.extui %lt3A : i1 to i32
      %cond3A_159 = arith.constant 0 : i32
      %cond3A_160 = arith.cmpi ne, %convert_element_type3A_158, %cond3A_159 : i32
      scf.if %cond3A_160 {
        %dma_wait3A = arith.constant 0 : i32
        %dma_wait3A_170 = arith.constant 0 : i32
        %dma_wait3A_171 = tpu.memref_slice %arg4[%dma_wait3A, %dma_wait3A_170] : memref<10000x96xf32, #tpu.memory_space<hbm>> -> memref<10000x96xf32, #tpu.memory_space<hbm>>
        tpu.wait_indirect_dma semaphore(%arg18 : memref<!tpu.dma_semaphore, #tpu.memory_space<semaphore_mem>>) src(%dma_wait3A_171 : memref<10000x96xf32, #tpu.memory_space<hbm>>) dst(%arg10 : memref<160x96xf32, #tpu.memory_space<vmem>>)
        %dma_wait3A_172 = arith.constant 0 : i32
        %dma_wait3A_173 = arith.constant 0 : i32
        %dma_wait3A_174 = tpu.memref_slice %arg6[%dma_wait3A_172, %dma_wait3A_173] : memref<160000x96xf32, #tpu.memory_space<hbm>> -> memref<160x96xf32, #tpu.memory_space<hbm>>
        %dma_wait3A_175 = arith.constant 0 : i32
        %dma_wait3A_176 = arith.constant 0 : i32
        %dma_wait3A_177 = tpu.memref_slice %arg6[%dma_wait3A_175, %dma_wait3A_176] : memref<160000x96xf32, #tpu.memory_space<hbm>> -> memref<160x96xf32, #tpu.memory_space<hbm>>
        tpu.wait_dma2 semaphore(%arg20 : memref<!tpu.dma_semaphore, #tpu.memory_space<semaphore_mem>>) src(%dma_wait3A_177 : memref<160x96xf32, #tpu.memory_space<hbm>>) dst(%arg12 : memref<160x96xf32, #tpu.memory_space<vmem>>)
        %scan3A_178 = arith.constant 0 : i32
        %scan3A_179 = arith.constant 0 : i32
        %scan3A_180 = arith.constant 160 : i32
        %scan3A_181 = arith.addi %scan3A_179, %scan3A_180 : i32
        %scan3A_182 = arith.constant 1 : i32
        %scan3A_183 = scf.for %scan3A_191 = %scan3A_179 to %scan3A_181 step %scan3A_182 iter_args(%scan3A_192 = %scan3A_178) -> (i32)  : i32 {
          %get3A = arith.index_cast %scan3A_191 : i32 to index
          %get3A_193 = arith.constant 0 : index
          %get3A_194 = tpu.vector_load %arg10[%get3A, %get3A_193] {strides = array<i32>} : memref<160x96xf32, #tpu.memory_space<vmem>>, vector<16xf32>,
          %get3A_195 = arith.index_cast %scan3A_191 : i32 to index
          %get3A_196 = arith.constant 0 : index
          %get3A_197 = tpu.vector_load %arg12[%get3A_195, %get3A_196] {strides = array<i32>} : memref<160x96xf32, #tpu.memory_space<vmem>>, vector<16xf32>,
          %mul3A_198 = arith.mulf %get3A_194, %get3A_197 : vector<16xf32>
          %swap3A = arith.index_cast %scan3A_191 : i32 to index
          %swap3A_199 = arith.constant 0 : index
          %swap3A_200 = tpu.vector_load %arg10[%swap3A, %swap3A_199] {strides = array<i32>} : memref<160x96xf32, #tpu.memory_space<vmem>>, vector<16xf32>,
          tpu.vector_store %arg10[%swap3A, %swap3A_199], %mul3A_198 {strides = array<i32>} : memref<160x96xf32, #tpu.memory_space<vmem>>, vector<16xf32>,
          %get3A_201 = arith.index_cast %scan3A_191 : i32 to index
          %get3A_202 = arith.constant 16 : index
          %get3A_203 = tpu.vector_load %arg10[%get3A_201, %get3A_202] {strides = array<i32>} : memref<160x96xf32, #tpu.memory_space<vmem>>, vector<16xf32>,
          %get3A_204 = arith.index_cast %scan3A_191 : i32 to index
          %get3A_205 = arith.constant 16 : index
          %get3A_206 = tpu.vector_load %arg12[%get3A_204, %get3A_205] {strides = array<i32>} : memref<160x96xf32, #tpu.memory_space<vmem>>, vector<16xf32>,
          %mul3A_207 = arith.mulf %get3A_203, %get3A_206 : vector<16xf32>
          %swap3A_208 = arith.index_cast %scan3A_191 : i32 to index
          %swap3A_209 = arith.constant 16 : index
          %swap3A_210 = tpu.vector_load %arg10[%swap3A_208, %swap3A_209] {strides = array<i32>} : memref<160x96xf32, #tpu.memory_space<vmem>>, vector<16xf32>,
          tpu.vector_store %arg10[%swap3A_208, %swap3A_209], %mul3A_207 {strides = array<i32>} : memref<160x96xf32, #tpu.memory_space<vmem>>, vector<16xf32>,
          %get3A_211 = arith.index_cast %scan3A_191 : i32 to index
          %get3A_212 = arith.constant 32 : index
          %get3A_213 = tpu.vector_load %arg10[%get3A_211, %get3A_212] {strides = array<i32>} : memref<160x96xf32, #tpu.memory_space<vmem>>, vector<16xf32>,
          %get3A_214 = arith.index_cast %scan3A_191 : i32 to index
          %get3A_215 = arith.constant 32 : index
          %get3A_216 = tpu.vector_load %arg12[%get3A_214, %get3A_215] {strides = array<i32>} : memref<160x96xf32, #tpu.memory_space<vmem>>, vector<16xf32>,
          %mul3A_217 = arith.mulf %get3A_213, %get3A_216 : vector<16xf32>
          %swap3A_218 = arith.index_cast %scan3A_191 : i32 to index
          %swap3A_219 = arith.constant 32 : index
          %swap3A_220 = tpu.vector_load %arg10[%swap3A_218, %swap3A_219] {strides = array<i32>} : memref<160x96xf32, #tpu.memory_space<vmem>>, vector<16xf32>,
          tpu.vector_store %arg10[%swap3A_218, %swap3A_219], %mul3A_217 {strides = array<i32>} : memref<160x96xf32, #tpu.memory_space<vmem>>, vector<16xf32>,
          %get3A_221 = arith.index_cast %scan3A_191 : i32 to index
          %get3A_222 = arith.constant 48 : index
          %get3A_223 = tpu.vector_load %arg10[%get3A_221, %get3A_222] {strides = array<i32>} : memref<160x96xf32, #tpu.memory_space<vmem>>, vector<16xf32>,
          %get3A_224 = arith.index_cast %scan3A_191 : i32 to index
          %get3A_225 = arith.constant 48 : index
          %get3A_226 = tpu.vector_load %arg12[%get3A_224, %get3A_225] {strides = array<i32>} : memref<160x96xf32, #tpu.memory_space<vmem>>, vector<16xf32>,
          %mul3A_227 = arith.mulf %get3A_223, %get3A_226 : vector<16xf32>
          %swap3A_228 = arith.index_cast %scan3A_191 : i32 to index
          %swap3A_229 = arith.constant 48 : index
          %swap3A_230 = tpu.vector_load %arg10[%swap3A_228, %swap3A_229] {strides = array<i32>} : memref<160x96xf32, #tpu.memory_space<vmem>>, vector<16xf32>,
          tpu.vector_store %arg10[%swap3A_228, %swap3A_229], %mul3A_227 {strides = array<i32>} : memref<160x96xf32, #tpu.memory_space<vmem>>, vector<16xf32>,
          %get3A_231 = arith.index_cast %scan3A_191 : i32 to index
          %get3A_232 = arith.constant 64 : index
          %get3A_233 = tpu.vector_load %arg10[%get3A_231, %get3A_232] {strides = array<i32>} : memref<160x96xf32, #tpu.memory_space<vmem>>, vector<16xf32>,
          %get3A_234 = arith.index_cast %scan3A_191 : i32 to index
          %get3A_235 = arith.constant 64 : index
          %get3A_236 = tpu.vector_load %arg12[%get3A_234, %get3A_235] {strides = array<i32>} : memref<160x96xf32, #tpu.memory_space<vmem>>, vector<16xf32>,
          %mul3A_237 = arith.mulf %get3A_233, %get3A_236 : vector<16xf32>
          %swap3A_238 = arith.index_cast %scan3A_191 : i32 to index
          %swap3A_239 = arith.constant 64 : index
          %swap3A_240 = tpu.vector_load %arg10[%swap3A_238, %swap3A_239] {strides = array<i32>} : memref<160x96xf32, #tpu.memory_space<vmem>>, vector<16xf32>,
          tpu.vector_store %arg10[%swap3A_238, %swap3A_239], %mul3A_237 {strides = array<i32>} : memref<160x96xf32, #tpu.memory_space<vmem>>, vector<16xf32>,
          %get3A_241 = arith.index_cast %scan3A_191 : i32 to index
          %get3A_242 = arith.constant 80 : index
          %get3A_243 = tpu.vector_load %arg10[%get3A_241, %get3A_242] {strides = array<i32>} : memref<160x96xf32, #tpu.memory_space<vmem>>, vector<16xf32>,
          %get3A_244 = arith.index_cast %scan3A_191 : i32 to index
          %get3A_245 = arith.constant 80 : index
          %get3A_246 = tpu.vector_load %arg12[%get3A_244, %get3A_245] {strides = array<i32>} : memref<160x96xf32, #tpu.memory_space<vmem>>, vector<16xf32>,
          %mul3A_247 = arith.mulf %get3A_243, %get3A_246 : vector<16xf32>
          %swap3A_248 = arith.index_cast %scan3A_191 : i32 to index
          %swap3A_249 = arith.constant 80 : index
          %swap3A_250 = tpu.vector_load %arg10[%swap3A_248, %swap3A_249] {strides = array<i32>} : memref<160x96xf32, #tpu.memory_space<vmem>>, vector<16xf32>,
          tpu.vector_store %arg10[%swap3A_248, %swap3A_249], %mul3A_247 {strides = array<i32>} : memref<160x96xf32, #tpu.memory_space<vmem>>, vector<16xf32>,
          %scan3A_251 = arith.constant 0 : i32
          scf.yield %scan3A_251 : i32
        }
        %scan3A_184 = arith.constant 160 : i32
        "tpu.region"() ({
          %run_scoped3A = tpu.sem_alloc : memref<!tpu.dma_semaphore, #tpu.memory_space<semaphore_mem>>
          %dma_start3A = arith.constant 0 : i32
          %dma_start3A_191 = arith.constant 0 : i32
          %dma_start3A_192 = tpu.memref_slice %arg22[%dma_start3A, %dma_start3A_191] : memref<10000x96xf32, #tpu.memory_space<vmem_shared>> -> memref<10000x96xf32, #tpu.memory_space<vmem_shared>>
          tpu.enqueue_indirect_dma source(%arg10 : memref<160x96xf32, #tpu.memory_space<vmem>>) target(%dma_start3A_192 : memref<10000x96xf32, #tpu.memory_space<vmem_shared>>) offsets(%arg16 : memref<160xi32, #tpu.memory_space<vmem>>) semaphore(%run_scoped3A : memref<!tpu.dma_semaphore, #tpu.memory_space<semaphore_mem>>) {add = true}
          %dma_wait3A_193 = arith.constant 0 : i32
          %dma_wait3A_194 = arith.constant 0 : i32
          %dma_wait3A_195 = tpu.memref_slice %arg22[%dma_wait3A_193, %dma_wait3A_194] : memref<10000x96xf32, #tpu.memory_space<vmem_shared>> -> memref<10000x96xf32, #tpu.memory_space<vmem_shared>>
          tpu.wait_indirect_dma semaphore(%run_scoped3A : memref<!tpu.dma_semaphore, #tpu.memory_space<semaphore_mem>>) src(%arg10 : memref<160x96xf32, #tpu.memory_space<vmem>>) dst(%dma_wait3A_195 : memref<10000x96xf32, #tpu.memory_space<vmem_shared>>)
          tpu.yield
        }) : () -> ()
        %add3A_185 = arith.constant 2 : i32
        %add3A_186 = arith.addi %add3A_157, %add3A_185 : i32
        %lt3A_187 = arith.cmpi slt, %add3A_186, %select_n3A : i32
        %convert_element_type3A_188 = arith.extui %lt3A_187 : i1 to i32
        %cond3A_189 = arith.constant 0 : i32
        %cond3A_190 = arith.cmpi ne, %convert_element_type3A_188, %cond3A_189 : i32
        scf.if %cond3A_190 {
          %add3A_191 = arith.constant 2 : i32
          %add3A_192 = arith.addi %add3A_157, %add3A_191 : i32
          %mul3A_193 = arith.constant 16 : i32
          %mul3A_194 = arith.muli %add3A_192, %mul3A_193 : i32
          %add3A_195 = arith.addi %arg1, %mul3A_194 : i32
          %mul3A_196 = arith.constant 160 : i32
          %mul3A_197 = arith.muli %add3A_195, %mul3A_196 : i32
          "tpu.region"() ({
            %run_scoped3A = tpu.sem_alloc : memref<!tpu.dma_semaphore, #tpu.memory_space<semaphore_mem>>
            %dma_start3A = tpu.memref_slice %arg2[%mul3A_197] : memref<160000xi32, #tpu.memory_space<hbm>> -> memref<160xi32, #tpu.memory_space<hbm>>
            %dma_start3A_208 = tpu.memref_slice %arg2[%mul3A_197] : memref<160000xi32, #tpu.memory_space<hbm>> -> memref<160xi32, #tpu.memory_space<hbm>>
            tpu.enqueue_dma source(%dma_start3A_208 : memref<160xi32, #tpu.memory_space<hbm>>) target(%arg14 : memref<160xi32, #tpu.memory_space<vmem>>) target_semaphore(%run_scoped3A : memref<!tpu.dma_semaphore, #tpu.memory_space<semaphore_mem>>)
            %dma_wait3A_209 = tpu.memref_slice %arg2[%mul3A_197] : memref<160000xi32, #tpu.memory_space<hbm>> -> memref<160xi32, #tpu.memory_space<hbm>>
            %dma_wait3A_210 = tpu.memref_slice %arg2[%mul3A_197] : memref<160000xi32, #tpu.memory_space<hbm>> -> memref<160xi32, #tpu.memory_space<hbm>>
            tpu.wait_dma2 semaphore(%run_scoped3A : memref<!tpu.dma_semaphore, #tpu.memory_space<semaphore_mem>>) src(%dma_wait3A_210 : memref<160xi32, #tpu.memory_space<hbm>>) dst(%arg14 : memref<160xi32, #tpu.memory_space<vmem>>)
            tpu.yield
          }) : () -> ()
          "tpu.region"() ({
            %run_scoped3A = tpu.sem_alloc : memref<!tpu.dma_semaphore, #tpu.memory_space<semaphore_mem>>
            %dma_start3A = tpu.memref_slice %arg3[%mul3A_197] : memref<160000xi32, #tpu.memory_space<hbm>> -> memref<160xi32, #tpu.memory_space<hbm>>
            %dma_start3A_208 = tpu.memref_slice %arg3[%mul3A_197] : memref<160000xi32, #tpu.memory_space<hbm>> -> memref<160xi32, #tpu.memory_space<hbm>>
            tpu.enqueue_dma source(%dma_start3A_208 : memref<160xi32, #tpu.memory_space<hbm>>) target(%arg16 : memref<160xi32, #tpu.memory_space<vmem>>) target_semaphore(%run_scoped3A : memref<!tpu.dma_semaphore, #tpu.memory_space<semaphore_mem>>)
            %dma_wait3A_209 = tpu.memref_slice %arg3[%mul3A_197] : memref<160000xi32, #tpu.memory_space<hbm>> -> memref<160xi32, #tpu.memory_space<hbm>>
            %dma_wait3A_210 = tpu.memref_slice %arg3[%mul3A_197] : memref<160000xi32, #tpu.memory_space<hbm>> -> memref<160xi32, #tpu.memory_space<hbm>>
            tpu.wait_dma2 semaphore(%run_scoped3A : memref<!tpu.dma_semaphore, #tpu.memory_space<semaphore_mem>>) src(%dma_wait3A_210 : memref<160xi32, #tpu.memory_space<hbm>>) dst(%arg16 : memref<160xi32, #tpu.memory_space<vmem>>)
            tpu.yield
          }) : () -> ()
          %eq3A_198 = arith.constant 0 : i32
          %eq3A_199 = arith.cmpi eq, %arg0, %eq3A_198 : i32
          %convert_element_type3A_200 = arith.extui %eq3A_199 : i1 to i32
          %cond3A_201 = arith.constant 0 : i32
          %cond3A_202 = arith.cmpi ne, %convert_element_type3A_200, %cond3A_201 : i32
          scf.if %cond3A_202 {
            %dma_start3A = arith.constant 0 : i32
            %dma_start3A_208 = arith.constant 0 : i32
            %dma_start3A_209 = tpu.memref_slice %arg4[%dma_start3A, %dma_start3A_208] : memref<10000x96xf32, #tpu.memory_space<hbm>> -> memref<10000x96xf32, #tpu.memory_space<hbm>>
            tpu.enqueue_indirect_dma source(%dma_start3A_209 : memref<10000x96xf32, #tpu.memory_space<hbm>>) target(%arg10 : memref<160x96xf32, #tpu.memory_space<vmem>>) offsets(%arg14 : memref<160xi32, #tpu.memory_space<vmem>>) semaphore(%arg18 : memref<!tpu.dma_semaphore, #tpu.memory_space<semaphore_mem>>)
            %dma_start3A_210 = arith.constant 0 : i32
            %dma_start3A_211 = tpu.memref_slice %arg6[%mul3A_197, %dma_start3A_210] : memref<160000x96xf32, #tpu.memory_space<hbm>> -> memref<160x96xf32, #tpu.memory_space<hbm>>
            %dma_start3A_212 = arith.constant 0 : i32
            %dma_start3A_213 = tpu.memref_slice %arg6[%mul3A_197, %dma_start3A_212] : memref<160000x96xf32, #tpu.memory_space<hbm>> -> memref<160x96xf32, #tpu.memory_space<hbm>>
            tpu.enqueue_dma source(%dma_start3A_213 : memref<160x96xf32, #tpu.memory_space<hbm>>) target(%arg12 : memref<160x96xf32, #tpu.memory_space<vmem>>) target_semaphore(%arg20 : memref<!tpu.dma_semaphore, #tpu.memory_space<semaphore_mem>>)
          } else {
          }
          %eq3A_203 = arith.constant 1 : i32
          %eq3A_204 = arith.cmpi eq, %arg0, %eq3A_203 : i32
          %convert_element_type3A_205 = arith.extui %eq3A_204 : i1 to i32
          %cond3A_206 = arith.constant 0 : i32
          %cond3A_207 = arith.cmpi ne, %convert_element_type3A_205, %cond3A_206 : i32
          scf.if %cond3A_207 {
            %dma_start3A = arith.constant 0 : i32
            %dma_start3A_208 = arith.constant 0 : i32
            %dma_start3A_209 = tpu.memref_slice %arg5[%dma_start3A, %dma_start3A_208] : memref<10000x96xf32, #tpu.memory_space<hbm>> -> memref<10000x96xf32, #tpu.memory_space<hbm>>
            tpu.enqueue_indirect_dma source(%dma_start3A_209 : memref<10000x96xf32, #tpu.memory_space<hbm>>) target(%arg10 : memref<160x96xf32, #tpu.memory_space<vmem>>) offsets(%arg14 : memref<160xi32, #tpu.memory_space<vmem>>) semaphore(%arg18 : memref<!tpu.dma_semaphore, #tpu.memory_space<semaphore_mem>>)
            %dma_start3A_210 = arith.constant 0 : i32
            %dma_start3A_211 = tpu.memref_slice %arg7[%mul3A_197, %dma_start3A_210] : memref<160000x96xf32, #tpu.memory_space<hbm>> -> memref<160x96xf32, #tpu.memory_space<hbm>>
            %dma_start3A_212 = arith.constant 0 : i32
            %dma_start3A_213 = tpu.memref_slice %arg7[%mul3A_197, %dma_start3A_212] : memref<160000x96xf32, #tpu.memory_space<hbm>> -> memref<160x96xf32, #tpu.memory_space<hbm>>
            tpu.enqueue_dma source(%dma_start3A_213 : memref<160x96xf32, #tpu.memory_space<hbm>>) target(%arg12 : memref<160x96xf32, #tpu.memory_space<vmem>>) target_semaphore(%arg20 : memref<!tpu.dma_semaphore, #tpu.memory_space<semaphore_mem>>)
          } else {
          }
        } else {
        }
      } else {
      }
      %mul3A_161 = arith.constant 2 : i32
      %mul3A_162 = arith.muli %mul3A_161, %while3A_152 : i32
      %add3A_163 = arith.constant 1 : i32
      %add3A_164 = arith.addi %mul3A_162, %add3A_163 : i32
      %lt3A_165 = arith.cmpi slt, %add3A_164, %select_n3A : i32
      %convert_element_type3A_166 = arith.extui %lt3A_165 : i1 to i32
      %cond3A_167 = arith.constant 0 : i32
      %cond3A_168 = arith.cmpi ne, %convert_element_type3A_166, %cond3A_167 : i32
      scf.if %cond3A_168 {
        %dma_wait3A = arith.constant 0 : i32
        %dma_wait3A_170 = arith.constant 0 : i32
        %dma_wait3A_171 = tpu.memref_slice %arg4[%dma_wait3A, %dma_wait3A_170] : memref<10000x96xf32, #tpu.memory_space<hbm>> -> memref<10000x96xf32, #tpu.memory_space<hbm>>
        tpu.wait_indirect_dma semaphore(%arg19 : memref<!tpu.dma_semaphore, #tpu.memory_space<semaphore_mem>>) src(%dma_wait3A_171 : memref<10000x96xf32, #tpu.memory_space<hbm>>) dst(%arg11 : memref<160x96xf32, #tpu.memory_space<vmem>>)
        %dma_wait3A_172 = arith.constant 0 : i32
        %dma_wait3A_173 = arith.constant 0 : i32
        %dma_wait3A_174 = tpu.memref_slice %arg6[%dma_wait3A_172, %dma_wait3A_173] : memref<160000x96xf32, #tpu.memory_space<hbm>> -> memref<160x96xf32, #tpu.memory_space<hbm>>
        %dma_wait3A_175 = arith.constant 0 : i32
        %dma_wait3A_176 = arith.constant 0 : i32
        %dma_wait3A_177 = tpu.memref_slice %arg6[%dma_wait3A_175, %dma_wait3A_176] : memref<160000x96xf32, #tpu.memory_space<hbm>> -> memref<160x96xf32, #tpu.memory_space<hbm>>
        tpu.wait_dma2 semaphore(%arg21 : memref<!tpu.dma_semaphore, #tpu.memory_space<semaphore_mem>>) src(%dma_wait3A_177 : memref<160x96xf32, #tpu.memory_space<hbm>>) dst(%arg13 : memref<160x96xf32, #tpu.memory_space<vmem>>)
        %scan3A_178 = arith.constant 0 : i32
        %scan3A_179 = arith.constant 0 : i32
        %scan3A_180 = arith.constant 160 : i32
        %scan3A_181 = arith.addi %scan3A_179, %scan3A_180 : i32
        %scan3A_182 = arith.constant 1 : i32
        %scan3A_183 = scf.for %scan3A_191 = %scan3A_179 to %scan3A_181 step %scan3A_182 iter_args(%scan3A_192 = %scan3A_178) -> (i32)  : i32 {
          %get3A = arith.index_cast %scan3A_191 : i32 to index
          %get3A_193 = arith.constant 0 : index
          %get3A_194 = tpu.vector_load %arg11[%get3A, %get3A_193] {strides = array<i32>} : memref<160x96xf32, #tpu.memory_space<vmem>>, vector<16xf32>,
          %get3A_195 = arith.index_cast %scan3A_191 : i32 to index
          %get3A_196 = arith.constant 0 : index
          %get3A_197 = tpu.vector_load %arg13[%get3A_195, %get3A_196] {strides = array<i32>} : memref<160x96xf32, #tpu.memory_space<vmem>>, vector<16xf32>,
          %mul3A_198 = arith.mulf %get3A_194, %get3A_197 : vector<16xf32>
          %swap3A = arith.index_cast %scan3A_191 : i32 to index
          %swap3A_199 = arith.constant 0 : index
          %swap3A_200 = tpu.vector_load %arg11[%swap3A, %swap3A_199] {strides = array<i32>} : memref<160x96xf32, #tpu.memory_space<vmem>>, vector<16xf32>,
          tpu.vector_store %arg11[%swap3A, %swap3A_199], %mul3A_198 {strides = array<i32>} : memref<160x96xf32, #tpu.memory_space<vmem>>, vector<16xf32>,
          %get3A_201 = arith.index_cast %scan3A_191 : i32 to index
          %get3A_202 = arith.constant 16 : index
          %get3A_203 = tpu.vector_load %arg11[%get3A_201, %get3A_202] {strides = array<i32>} : memref<160x96xf32, #tpu.memory_space<vmem>>, vector<16xf32>,
          %get3A_204 = arith.index_cast %scan3A_191 : i32 to index
          %get3A_205 = arith.constant 16 : index
          %get3A_206 = tpu.vector_load %arg13[%get3A_204, %get3A_205] {strides = array<i32>} : memref<160x96xf32, #tpu.memory_space<vmem>>, vector<16xf32>,
          %mul3A_207 = arith.mulf %get3A_203, %get3A_206 : vector<16xf32>
          %swap3A_208 = arith.index_cast %scan3A_191 : i32 to index
          %swap3A_209 = arith.constant 16 : index
          %swap3A_210 = tpu.vector_load %arg11[%swap3A_208, %swap3A_209] {strides = array<i32>} : memref<160x96xf32, #tpu.memory_space<vmem>>, vector<16xf32>,
          tpu.vector_store %arg11[%swap3A_208, %swap3A_209], %mul3A_207 {strides = array<i32>} : memref<160x96xf32, #tpu.memory_space<vmem>>, vector<16xf32>,
          %get3A_211 = arith.index_cast %scan3A_191 : i32 to index
          %get3A_212 = arith.constant 32 : index
          %get3A_213 = tpu.vector_load %arg11[%get3A_211, %get3A_212] {strides = array<i32>} : memref<160x96xf32, #tpu.memory_space<vmem>>, vector<16xf32>,
          %get3A_214 = arith.index_cast %scan3A_191 : i32 to index
          %get3A_215 = arith.constant 32 : index
          %get3A_216 = tpu.vector_load %arg13[%get3A_214, %get3A_215] {strides = array<i32>} : memref<160x96xf32, #tpu.memory_space<vmem>>, vector<16xf32>,
          %mul3A_217 = arith.mulf %get3A_213, %get3A_216 : vector<16xf32>
          %swap3A_218 = arith.index_cast %scan3A_191 : i32 to index
          %swap3A_219 = arith.constant 32 : index
          %swap3A_220 = tpu.vector_load %arg11[%swap3A_218, %swap3A_219] {strides = array<i32>} : memref<160x96xf32, #tpu.memory_space<vmem>>, vector<16xf32>,
          tpu.vector_store %arg11[%swap3A_218, %swap3A_219], %mul3A_217 {strides = array<i32>} : memref<160x96xf32, #tpu.memory_space<vmem>>, vector<16xf32>,
          %get3A_221 = arith.index_cast %scan3A_191 : i32 to index
          %get3A_222 = arith.constant 48 : index
          %get3A_223 = tpu.vector_load %arg11[%get3A_221, %get3A_222] {strides = array<i32>} : memref<160x96xf32, #tpu.memory_space<vmem>>, vector<16xf32>,
          %get3A_224 = arith.index_cast %scan3A_191 : i32 to index
          %get3A_225 = arith.constant 48 : index
          %get3A_226 = tpu.vector_load %arg13[%get3A_224, %get3A_225] {strides = array<i32>} : memref<160x96xf32, #tpu.memory_space<vmem>>, vector<16xf32>,
          %mul3A_227 = arith.mulf %get3A_223, %get3A_226 : vector<16xf32>
          %swap3A_228 = arith.index_cast %scan3A_191 : i32 to index
          %swap3A_229 = arith.constant 48 : index
          %swap3A_230 = tpu.vector_load %arg11[%swap3A_228, %swap3A_229] {strides = array<i32>} : memref<160x96xf32, #tpu.memory_space<vmem>>, vector<16xf32>,
          tpu.vector_store %arg11[%swap3A_228, %swap3A_229], %mul3A_227 {strides = array<i32>} : memref<160x96xf32, #tpu.memory_space<vmem>>, vector<16xf32>,
          %get3A_231 = arith.index_cast %scan3A_191 : i32 to index
          %get3A_232 = arith.constant 64 : index
          %get3A_233 = tpu.vector_load %arg11[%get3A_231, %get3A_232] {strides = array<i32>} : memref<160x96xf32, #tpu.memory_space<vmem>>, vector<16xf32>,
          %get3A_234 = arith.index_cast %scan3A_191 : i32 to index
          %get3A_235 = arith.constant 64 : index
          %get3A_236 = tpu.vector_load %arg13[%get3A_234, %get3A_235] {strides = array<i32>} : memref<160x96xf32, #tpu.memory_space<vmem>>, vector<16xf32>,
          %mul3A_237 = arith.mulf %get3A_233, %get3A_236 : vector<16xf32>
          %swap3A_238 = arith.index_cast %scan3A_191 : i32 to index
          %swap3A_239 = arith.constant 64 : index
          %swap3A_240 = tpu.vector_load %arg11[%swap3A_238, %swap3A_239] {strides = array<i32>} : memref<160x96xf32, #tpu.memory_space<vmem>>, vector<16xf32>,
          tpu.vector_store %arg11[%swap3A_238, %swap3A_239], %mul3A_237 {strides = array<i32>} : memref<160x96xf32, #tpu.memory_space<vmem>>, vector<16xf32>,
          %get3A_241 = arith.index_cast %scan3A_191 : i32 to index
          %get3A_242 = arith.constant 80 : index
          %get3A_243 = tpu.vector_load %arg11[%get3A_241, %get3A_242] {strides = array<i32>} : memref<160x96xf32, #tpu.memory_space<vmem>>, vector<16xf32>,
          %get3A_244 = arith.index_cast %scan3A_191 : i32 to index
          %get3A_245 = arith.constant 80 : index
          %get3A_246 = tpu.vector_load %arg13[%get3A_244, %get3A_245] {strides = array<i32>} : memref<160x96xf32, #tpu.memory_space<vmem>>, vector<16xf32>,
          %mul3A_247 = arith.mulf %get3A_243, %get3A_246 : vector<16xf32>
          %swap3A_248 = arith.index_cast %scan3A_191 : i32 to index
          %swap3A_249 = arith.constant 80 : index
          %swap3A_250 = tpu.vector_load %arg11[%swap3A_248, %swap3A_249] {strides = array<i32>} : memref<160x96xf32, #tpu.memory_space<vmem>>, vector<16xf32>,
          tpu.vector_store %arg11[%swap3A_248, %swap3A_249], %mul3A_247 {strides = array<i32>} : memref<160x96xf32, #tpu.memory_space<vmem>>, vector<16xf32>,
          %scan3A_251 = arith.constant 0 : i32
          scf.yield %scan3A_251 : i32
        }
        %scan3A_184 = arith.constant 160 : i32
        "tpu.region"() ({
          %run_scoped3A = tpu.sem_alloc : memref<!tpu.dma_semaphore, #tpu.memory_space<semaphore_mem>>
          %dma_start3A = arith.constant 0 : i32
          %dma_start3A_191 = arith.constant 0 : i32
          %dma_start3A_192 = tpu.memref_slice %arg22[%dma_start3A, %dma_start3A_191] : memref<10000x96xf32, #tpu.memory_space<vmem_shared>> -> memref<10000x96xf32, #tpu.memory_space<vmem_shared>>
          tpu.enqueue_indirect_dma source(%arg11 : memref<160x96xf32, #tpu.memory_space<vmem>>) target(%dma_start3A_192 : memref<10000x96xf32, #tpu.memory_space<vmem_shared>>) offsets(%arg17 : memref<160xi32, #tpu.memory_space<vmem>>) semaphore(%run_scoped3A : memref<!tpu.dma_semaphore, #tpu.memory_space<semaphore_mem>>) {add = true}
          %dma_wait3A_193 = arith.constant 0 : i32
          %dma_wait3A_194 = arith.constant 0 : i32
          %dma_wait3A_195 = tpu.memref_slice %arg22[%dma_wait3A_193, %dma_wait3A_194] : memref<10000x96xf32, #tpu.memory_space<vmem_shared>> -> memref<10000x96xf32, #tpu.memory_space<vmem_shared>>
          tpu.wait_indirect_dma semaphore(%run_scoped3A : memref<!tpu.dma_semaphore, #tpu.memory_space<semaphore_mem>>) src(%arg11 : memref<160x96xf32, #tpu.memory_space<vmem>>) dst(%dma_wait3A_195 : memref<10000x96xf32, #tpu.memory_space<vmem_shared>>)
          tpu.yield
        }) : () -> ()
        %add3A_185 = arith.constant 2 : i32
        %add3A_186 = arith.addi %add3A_164, %add3A_185 : i32
        %lt3A_187 = arith.cmpi slt, %add3A_186, %select_n3A : i32
        %convert_element_type3A_188 = arith.extui %lt3A_187 : i1 to i32
        %cond3A_189 = arith.constant 0 : i32
        %cond3A_190 = arith.cmpi ne, %convert_element_type3A_188, %cond3A_189 : i32
        scf.if %cond3A_190 {
          %add3A_191 = arith.constant 2 : i32
          %add3A_192 = arith.addi %add3A_164, %add3A_191 : i32
          %mul3A_193 = arith.constant 16 : i32
          %mul3A_194 = arith.muli %add3A_192, %mul3A_193 : i32
          %add3A_195 = arith.addi %arg1, %mul3A_194 : i32
          %mul3A_196 = arith.constant 160 : i32
          %mul3A_197 = arith.muli %add3A_195, %mul3A_196 : i32
          "tpu.region"() ({
            %run_scoped3A = tpu.sem_alloc : memref<!tpu.dma_semaphore, #tpu.memory_space<semaphore_mem>>
            %dma_start3A = tpu.memref_slice %arg2[%mul3A_197] : memref<160000xi32, #tpu.memory_space<hbm>> -> memref<160xi32, #tpu.memory_space<hbm>>
            %dma_start3A_208 = tpu.memref_slice %arg2[%mul3A_197] : memref<160000xi32, #tpu.memory_space<hbm>> -> memref<160xi32, #tpu.memory_space<hbm>>
            tpu.enqueue_dma source(%dma_start3A_208 : memref<160xi32, #tpu.memory_space<hbm>>) target(%arg15 : memref<160xi32, #tpu.memory_space<vmem>>) target_semaphore(%run_scoped3A : memref<!tpu.dma_semaphore, #tpu.memory_space<semaphore_mem>>)
            %dma_wait3A_209 = tpu.memref_slice %arg2[%mul3A_197] : memref<160000xi32, #tpu.memory_space<hbm>> -> memref<160xi32, #tpu.memory_space<hbm>>
            %dma_wait3A_210 = tpu.memref_slice %arg2[%mul3A_197] : memref<160000xi32, #tpu.memory_space<hbm>> -> memref<160xi32, #tpu.memory_space<hbm>>
            tpu.wait_dma2 semaphore(%run_scoped3A : memref<!tpu.dma_semaphore, #tpu.memory_space<semaphore_mem>>) src(%dma_wait3A_210 : memref<160xi32, #tpu.memory_space<hbm>>) dst(%arg15 : memref<160xi32, #tpu.memory_space<vmem>>)
            tpu.yield
          }) : () -> ()
          "tpu.region"() ({
            %run_scoped3A = tpu.sem_alloc : memref<!tpu.dma_semaphore, #tpu.memory_space<semaphore_mem>>
            %dma_start3A = tpu.memref_slice %arg3[%mul3A_197] : memref<160000xi32, #tpu.memory_space<hbm>> -> memref<160xi32, #tpu.memory_space<hbm>>
            %dma_start3A_208 = tpu.memref_slice %arg3[%mul3A_197] : memref<160000xi32, #tpu.memory_space<hbm>> -> memref<160xi32, #tpu.memory_space<hbm>>
            tpu.enqueue_dma source(%dma_start3A_208 : memref<160xi32, #tpu.memory_space<hbm>>) target(%arg17 : memref<160xi32, #tpu.memory_space<vmem>>) target_semaphore(%run_scoped3A : memref<!tpu.dma_semaphore, #tpu.memory_space<semaphore_mem>>)
            %dma_wait3A_209 = tpu.memref_slice %arg3[%mul3A_197] : memref<160000xi32, #tpu.memory_space<hbm>> -> memref<160xi32, #tpu.memory_space<hbm>>
            %dma_wait3A_210 = tpu.memref_slice %arg3[%mul3A_197] : memref<160000xi32, #tpu.memory_space<hbm>> -> memref<160xi32, #tpu.memory_space<hbm>>
            tpu.wait_dma2 semaphore(%run_scoped3A : memref<!tpu.dma_semaphore, #tpu.memory_space<semaphore_mem>>) src(%dma_wait3A_210 : memref<160xi32, #tpu.memory_space<hbm>>) dst(%arg17 : memref<160xi32, #tpu.memory_space<vmem>>)
            tpu.yield
          }) : () -> ()
          %eq3A_198 = arith.constant 0 : i32
          %eq3A_199 = arith.cmpi eq, %arg0, %eq3A_198 : i32
          %convert_element_type3A_200 = arith.extui %eq3A_199 : i1 to i32
          %cond3A_201 = arith.constant 0 : i32
          %cond3A_202 = arith.cmpi ne, %convert_element_type3A_200, %cond3A_201 : i32
          scf.if %cond3A_202 {
            %dma_start3A = arith.constant 0 : i32
            %dma_start3A_208 = arith.constant 0 : i32
            %dma_start3A_209 = tpu.memref_slice %arg4[%dma_start3A, %dma_start3A_208] : memref<10000x96xf32, #tpu.memory_space<hbm>> -> memref<10000x96xf32, #tpu.memory_space<hbm>>
            tpu.enqueue_indirect_dma source(%dma_start3A_209 : memref<10000x96xf32, #tpu.memory_space<hbm>>) target(%arg11 : memref<160x96xf32, #tpu.memory_space<vmem>>) offsets(%arg15 : memref<160xi32, #tpu.memory_space<vmem>>) semaphore(%arg19 : memref<!tpu.dma_semaphore, #tpu.memory_space<semaphore_mem>>)
            %dma_start3A_210 = arith.constant 0 : i32
            %dma_start3A_211 = tpu.memref_slice %arg6[%mul3A_197, %dma_start3A_210] : memref<160000x96xf32, #tpu.memory_space<hbm>> -> memref<160x96xf32, #tpu.memory_space<hbm>>
            %dma_start3A_212 = arith.constant 0 : i32
            %dma_start3A_213 = tpu.memref_slice %arg6[%mul3A_197, %dma_start3A_212] : memref<160000x96xf32, #tpu.memory_space<hbm>> -> memref<160x96xf32, #tpu.memory_space<hbm>>
            tpu.enqueue_dma source(%dma_start3A_213 : memref<160x96xf32, #tpu.memory_space<hbm>>) target(%arg13 : memref<160x96xf32, #tpu.memory_space<vmem>>) target_semaphore(%arg21 : memref<!tpu.dma_semaphore, #tpu.memory_space<semaphore_mem>>)
          } else {
          }
          %eq3A_203 = arith.constant 1 : i32
          %eq3A_204 = arith.cmpi eq, %arg0, %eq3A_203 : i32
          %convert_element_type3A_205 = arith.extui %eq3A_204 : i1 to i32
          %cond3A_206 = arith.constant 0 : i32
          %cond3A_207 = arith.cmpi ne, %convert_element_type3A_205, %cond3A_206 : i32
          scf.if %cond3A_207 {
            %dma_start3A = arith.constant 0 : i32
            %dma_start3A_208 = arith.constant 0 : i32
            %dma_start3A_209 = tpu.memref_slice %arg5[%dma_start3A, %dma_start3A_208] : memref<10000x96xf32, #tpu.memory_space<hbm>> -> memref<10000x96xf32, #tpu.memory_space<hbm>>
            tpu.enqueue_indirect_dma source(%dma_start3A_209 : memref<10000x96xf32, #tpu.memory_space<hbm>>) target(%arg11 : memref<160x96xf32, #tpu.memory_space<vmem>>) offsets(%arg15 : memref<160xi32, #tpu.memory_space<vmem>>) semaphore(%arg19 : memref<!tpu.dma_semaphore, #tpu.memory_space<semaphore_mem>>)
            %dma_start3A_210 = arith.constant 0 : i32
            %dma_start3A_211 = tpu.memref_slice %arg7[%mul3A_197, %dma_start3A_210] : memref<160000x96xf32, #tpu.memory_space<hbm>> -> memref<160x96xf32, #tpu.memory_space<hbm>>
            %dma_start3A_212 = arith.constant 0 : i32
            %dma_start3A_213 = tpu.memref_slice %arg7[%mul3A_197, %dma_start3A_212] : memref<160000x96xf32, #tpu.memory_space<hbm>> -> memref<160x96xf32, #tpu.memory_space<hbm>>
            tpu.enqueue_dma source(%dma_start3A_213 : memref<160x96xf32, #tpu.memory_space<hbm>>) target(%arg13 : memref<160x96xf32, #tpu.memory_space<vmem>>) target_semaphore(%arg21 : memref<!tpu.dma_semaphore, #tpu.memory_space<semaphore_mem>>)
          } else {
          }
        } else {
        }
      } else {
      }
      %while3A_169 = arith.constant 0 : i32
      scf.yield %while3A_169 : i32
    }
    %while3A_102 = arith.constant 1 : i32
    %while3A_103 = scf.for %while3A_152 = %while3A_99 to %while3A_95 step %while3A_102 iter_args(%while3A_153 = %while3A_101) -> (i32)  : i32 {
      %mul3A_154 = arith.constant 2 : i32
      %mul3A_155 = arith.muli %mul3A_154, %while3A_152 : i32
      %add3A_156 = arith.constant 0 : i32
      %add3A_157 = arith.addi %mul3A_155, %add3A_156 : i32
      %lt3A = arith.cmpi slt, %add3A_157, %select_n3A : i32
      %convert_element_type3A_158 = arith.extui %lt3A : i1 to i32
      %cond3A_159 = arith.constant 0 : i32
      %cond3A_160 = arith.cmpi ne, %convert_element_type3A_158, %cond3A_159 : i32
      scf.if %cond3A_160 {
        %dma_wait3A = arith.constant 0 : i32
        %dma_wait3A_170 = arith.constant 0 : i32
        %dma_wait3A_171 = tpu.memref_slice %arg4[%dma_wait3A, %dma_wait3A_170] : memref<10000x96xf32, #tpu.memory_space<hbm>> -> memref<10000x96xf32, #tpu.memory_space<hbm>>
        tpu.wait_indirect_dma semaphore(%arg18 : memref<!tpu.dma_semaphore, #tpu.memory_space<semaphore_mem>>) src(%dma_wait3A_171 : memref<10000x96xf32, #tpu.memory_space<hbm>>) dst(%arg10 : memref<160x96xf32, #tpu.memory_space<vmem>>)
        %dma_wait3A_172 = arith.constant 0 : i32
        %dma_wait3A_173 = arith.constant 0 : i32
        %dma_wait3A_174 = tpu.memref_slice %arg6[%dma_wait3A_172, %dma_wait3A_173] : memref<160000x96xf32, #tpu.memory_space<hbm>> -> memref<160x96xf32, #tpu.memory_space<hbm>>
        %dma_wait3A_175 = arith.constant 0 : i32
        %dma_wait3A_176 = arith.constant 0 : i32
        %dma_wait3A_177 = tpu.memref_slice %arg6[%dma_wait3A_175, %dma_wait3A_176] : memref<160000x96xf32, #tpu.memory_space<hbm>> -> memref<160x96xf32, #tpu.memory_space<hbm>>
        tpu.wait_dma2 semaphore(%arg20 : memref<!tpu.dma_semaphore, #tpu.memory_space<semaphore_mem>>) src(%dma_wait3A_177 : memref<160x96xf32, #tpu.memory_space<hbm>>) dst(%arg12 : memref<160x96xf32, #tpu.memory_space<vmem>>)
        %scan3A_178 = arith.constant 0 : i32
        %scan3A_179 = arith.constant 0 : i32
        %scan3A_180 = arith.constant 160 : i32
        %scan3A_181 = arith.addi %scan3A_179, %scan3A_180 : i32
        %scan3A_182 = arith.constant 1 : i32
        %scan3A_183 = scf.for %scan3A_191 = %scan3A_179 to %scan3A_181 step %scan3A_182 iter_args(%scan3A_192 = %scan3A_178) -> (i32)  : i32 {
          %get3A = arith.index_cast %scan3A_191 : i32 to index
          %get3A_193 = arith.constant 0 : index
          %get3A_194 = tpu.vector_load %arg10[%get3A, %get3A_193] {strides = array<i32>} : memref<160x96xf32, #tpu.memory_space<vmem>>, vector<16xf32>,
          %get3A_195 = arith.index_cast %scan3A_191 : i32 to index
          %get3A_196 = arith.constant 0 : index
          %get3A_197 = tpu.vector_load %arg12[%get3A_195, %get3A_196] {strides = array<i32>} : memref<160x96xf32, #tpu.memory_space<vmem>>, vector<16xf32>,
          %mul3A_198 = arith.mulf %get3A_194, %get3A_197 : vector<16xf32>
          %swap3A = arith.index_cast %scan3A_191 : i32 to index
          %swap3A_199 = arith.constant 0 : index
          %swap3A_200 = tpu.vector_load %arg10[%swap3A, %swap3A_199] {strides = array<i32>} : memref<160x96xf32, #tpu.memory_space<vmem>>, vector<16xf32>,
          tpu.vector_store %arg10[%swap3A, %swap3A_199], %mul3A_198 {strides = array<i32>} : memref<160x96xf32, #tpu.memory_space<vmem>>, vector<16xf32>,
          %get3A_201 = arith.index_cast %scan3A_191 : i32 to index
          %get3A_202 = arith.constant 16 : index
          %get3A_203 = tpu.vector_load %arg10[%get3A_201, %get3A_202] {strides = array<i32>} : memref<160x96xf32, #tpu.memory_space<vmem>>, vector<16xf32>,
          %get3A_204 = arith.index_cast %scan3A_191 : i32 to index
          %get3A_205 = arith.constant 16 : index
          %get3A_206 = tpu.vector_load %arg12[%get3A_204, %get3A_205] {strides = array<i32>} : memref<160x96xf32, #tpu.memory_space<vmem>>, vector<16xf32>,
          %mul3A_207 = arith.mulf %get3A_203, %get3A_206 : vector<16xf32>
          %swap3A_208 = arith.index_cast %scan3A_191 : i32 to index
          %swap3A_209 = arith.constant 16 : index
          %swap3A_210 = tpu.vector_load %arg10[%swap3A_208, %swap3A_209] {strides = array<i32>} : memref<160x96xf32, #tpu.memory_space<vmem>>, vector<16xf32>,
          tpu.vector_store %arg10[%swap3A_208, %swap3A_209], %mul3A_207 {strides = array<i32>} : memref<160x96xf32, #tpu.memory_space<vmem>>, vector<16xf32>,
          %get3A_211 = arith.index_cast %scan3A_191 : i32 to index
          %get3A_212 = arith.constant 32 : index
          %get3A_213 = tpu.vector_load %arg10[%get3A_211, %get3A_212] {strides = array<i32>} : memref<160x96xf32, #tpu.memory_space<vmem>>, vector<16xf32>,
          %get3A_214 = arith.index_cast %scan3A_191 : i32 to index
          %get3A_215 = arith.constant 32 : index
          %get3A_216 = tpu.vector_load %arg12[%get3A_214, %get3A_215] {strides = array<i32>} : memref<160x96xf32, #tpu.memory_space<vmem>>, vector<16xf32>,
          %mul3A_217 = arith.mulf %get3A_213, %get3A_216 : vector<16xf32>
          %swap3A_218 = arith.index_cast %scan3A_191 : i32 to index
          %swap3A_219 = arith.constant 32 : index
          %swap3A_220 = tpu.vector_load %arg10[%swap3A_218, %swap3A_219] {strides = array<i32>} : memref<160x96xf32, #tpu.memory_space<vmem>>, vector<16xf32>,
          tpu.vector_store %arg10[%swap3A_218, %swap3A_219], %mul3A_217 {strides = array<i32>} : memref<160x96xf32, #tpu.memory_space<vmem>>, vector<16xf32>,
          %get3A_221 = arith.index_cast %scan3A_191 : i32 to index
          %get3A_222 = arith.constant 48 : index
          %get3A_223 = tpu.vector_load %arg10[%get3A_221, %get3A_222] {strides = array<i32>} : memref<160x96xf32, #tpu.memory_space<vmem>>, vector<16xf32>,
          %get3A_224 = arith.index_cast %scan3A_191 : i32 to index
          %get3A_225 = arith.constant 48 : index
          %get3A_226 = tpu.vector_load %arg12[%get3A_224, %get3A_225] {strides = array<i32>} : memref<160x96xf32, #tpu.memory_space<vmem>>, vector<16xf32>,
          %mul3A_227 = arith.mulf %get3A_223, %get3A_226 : vector<16xf32>
          %swap3A_228 = arith.index_cast %scan3A_191 : i32 to index
          %swap3A_229 = arith.constant 48 : index
          %swap3A_230 = tpu.vector_load %arg10[%swap3A_228, %swap3A_229] {strides = array<i32>} : memref<160x96xf32, #tpu.memory_space<vmem>>, vector<16xf32>,
          tpu.vector_store %arg10[%swap3A_228, %swap3A_229], %mul3A_227 {strides = array<i32>} : memref<160x96xf32, #tpu.memory_space<vmem>>, vector<16xf32>,
          %get3A_231 = arith.index_cast %scan3A_191 : i32 to index
          %get3A_232 = arith.constant 64 : index
          %get3A_233 = tpu.vector_load %arg10[%get3A_231, %get3A_232] {strides = array<i32>} : memref<160x96xf32, #tpu.memory_space<vmem>>, vector<16xf32>,
          %get3A_234 = arith.index_cast %scan3A_191 : i32 to index
          %get3A_235 = arith.constant 64 : index
          %get3A_236 = tpu.vector_load %arg12[%get3A_234, %get3A_235] {strides = array<i32>} : memref<160x96xf32, #tpu.memory_space<vmem>>, vector<16xf32>,
          %mul3A_237 = arith.mulf %get3A_233, %get3A_236 : vector<16xf32>
          %swap3A_238 = arith.index_cast %scan3A_191 : i32 to index
          %swap3A_239 = arith.constant 64 : index
          %swap3A_240 = tpu.vector_load %arg10[%swap3A_238, %swap3A_239] {strides = array<i32>} : memref<160x96xf32, #tpu.memory_space<vmem>>, vector<16xf32>,
          tpu.vector_store %arg10[%swap3A_238, %swap3A_239], %mul3A_237 {strides = array<i32>} : memref<160x96xf32, #tpu.memory_space<vmem>>, vector<16xf32>,
          %get3A_241 = arith.index_cast %scan3A_191 : i32 to index
          %get3A_242 = arith.constant 80 : index
          %get3A_243 = tpu.vector_load %arg10[%get3A_241, %get3A_242] {strides = array<i32>} : memref<160x96xf32, #tpu.memory_space<vmem>>, vector<16xf32>,
          %get3A_244 = arith.index_cast %scan3A_191 : i32 to index
          %get3A_245 = arith.constant 80 : index
          %get3A_246 = tpu.vector_load %arg12[%get3A_244, %get3A_245] {strides = array<i32>} : memref<160x96xf32, #tpu.memory_space<vmem>>, vector<16xf32>,
          %mul3A_247 = arith.mulf %get3A_243, %get3A_246 : vector<16xf32>
          %swap3A_248 = arith.index_cast %scan3A_191 : i32 to index
          %swap3A_249 = arith.constant 80 : index
          %swap3A_250 = tpu.vector_load %arg10[%swap3A_248, %swap3A_249] {strides = array<i32>} : memref<160x96xf32, #tpu.memory_space<vmem>>, vector<16xf32>,
          tpu.vector_store %arg10[%swap3A_248, %swap3A_249], %mul3A_247 {strides = array<i32>} : memref<160x96xf32, #tpu.memory_space<vmem>>, vector<16xf32>,
          %scan3A_251 = arith.constant 0 : i32
          scf.yield %scan3A_251 : i32
        }
        %scan3A_184 = arith.constant 160 : i32
        "tpu.region"() ({
          %run_scoped3A = tpu.sem_alloc : memref<!tpu.dma_semaphore, #tpu.memory_space<semaphore_mem>>
          %dma_start3A = arith.constant 0 : i32
          %dma_start3A_191 = arith.constant 0 : i32
          %dma_start3A_192 = tpu.memref_slice %arg22[%dma_start3A, %dma_start3A_191] : memref<10000x96xf32, #tpu.memory_space<vmem_shared>> -> memref<10000x96xf32, #tpu.memory_space<vmem_shared>>
          tpu.enqueue_indirect_dma source(%arg10 : memref<160x96xf32, #tpu.memory_space<vmem>>) target(%dma_start3A_192 : memref<10000x96xf32, #tpu.memory_space<vmem_shared>>) offsets(%arg16 : memref<160xi32, #tpu.memory_space<vmem>>) semaphore(%run_scoped3A : memref<!tpu.dma_semaphore, #tpu.memory_space<semaphore_mem>>) {add = true}
          %dma_wait3A_193 = arith.constant 0 : i32
          %dma_wait3A_194 = arith.constant 0 : i32
          %dma_wait3A_195 = tpu.memref_slice %arg22[%dma_wait3A_193, %dma_wait3A_194] : memref<10000x96xf32, #tpu.memory_space<vmem_shared>> -> memref<10000x96xf32, #tpu.memory_space<vmem_shared>>
          tpu.wait_indirect_dma semaphore(%run_scoped3A : memref<!tpu.dma_semaphore, #tpu.memory_space<semaphore_mem>>) src(%arg10 : memref<160x96xf32, #tpu.memory_space<vmem>>) dst(%dma_wait3A_195 : memref<10000x96xf32, #tpu.memory_space<vmem_shared>>)
          tpu.yield
        }) : () -> ()
        %add3A_185 = arith.constant 2 : i32
        %add3A_186 = arith.addi %add3A_157, %add3A_185 : i32
        %lt3A_187 = arith.cmpi slt, %add3A_186, %select_n3A : i32
        %convert_element_type3A_188 = arith.extui %lt3A_187 : i1 to i32
        %cond3A_189 = arith.constant 0 : i32
        %cond3A_190 = arith.cmpi ne, %convert_element_type3A_188, %cond3A_189 : i32
        scf.if %cond3A_190 {
          %add3A_191 = arith.constant 2 : i32
          %add3A_192 = arith.addi %add3A_157, %add3A_191 : i32
          %mul3A_193 = arith.constant 16 : i32
          %mul3A_194 = arith.muli %add3A_192, %mul3A_193 : i32
          %add3A_195 = arith.addi %arg1, %mul3A_194 : i32
          %mul3A_196 = arith.constant 160 : i32
          %mul3A_197 = arith.muli %add3A_195, %mul3A_196 : i32
          "tpu.region"() ({
            %run_scoped3A = tpu.sem_alloc : memref<!tpu.dma_semaphore, #tpu.memory_space<semaphore_mem>>
            %dma_start3A = tpu.memref_slice %arg2[%mul3A_197] : memref<160000xi32, #tpu.memory_space<hbm>> -> memref<160xi32, #tpu.memory_space<hbm>>
            %dma_start3A_208 = tpu.memref_slice %arg2[%mul3A_197] : memref<160000xi32, #tpu.memory_space<hbm>> -> memref<160xi32, #tpu.memory_space<hbm>>
            tpu.enqueue_dma source(%dma_start3A_208 : memref<160xi32, #tpu.memory_space<hbm>>) target(%arg14 : memref<160xi32, #tpu.memory_space<vmem>>) target_semaphore(%run_scoped3A : memref<!tpu.dma_semaphore, #tpu.memory_space<semaphore_mem>>)
            %dma_wait3A_209 = tpu.memref_slice %arg2[%mul3A_197] : memref<160000xi32, #tpu.memory_space<hbm>> -> memref<160xi32, #tpu.memory_space<hbm>>
            %dma_wait3A_210 = tpu.memref_slice %arg2[%mul3A_197] : memref<160000xi32, #tpu.memory_space<hbm>> -> memref<160xi32, #tpu.memory_space<hbm>>
            tpu.wait_dma2 semaphore(%run_scoped3A : memref<!tpu.dma_semaphore, #tpu.memory_space<semaphore_mem>>) src(%dma_wait3A_210 : memref<160xi32, #tpu.memory_space<hbm>>) dst(%arg14 : memref<160xi32, #tpu.memory_space<vmem>>)
            tpu.yield
          }) : () -> ()
          "tpu.region"() ({
            %run_scoped3A = tpu.sem_alloc : memref<!tpu.dma_semaphore, #tpu.memory_space<semaphore_mem>>
            %dma_start3A = tpu.memref_slice %arg3[%mul3A_197] : memref<160000xi32, #tpu.memory_space<hbm>> -> memref<160xi32, #tpu.memory_space<hbm>>
            %dma_start3A_208 = tpu.memref_slice %arg3[%mul3A_197] : memref<160000xi32, #tpu.memory_space<hbm>> -> memref<160xi32, #tpu.memory_space<hbm>>
            tpu.enqueue_dma source(%dma_start3A_208 : memref<160xi32, #tpu.memory_space<hbm>>) target(%arg16 : memref<160xi32, #tpu.memory_space<vmem>>) target_semaphore(%run_scoped3A : memref<!tpu.dma_semaphore, #tpu.memory_space<semaphore_mem>>)
            %dma_wait3A_209 = tpu.memref_slice %arg3[%mul3A_197] : memref<160000xi32, #tpu.memory_space<hbm>> -> memref<160xi32, #tpu.memory_space<hbm>>
            %dma_wait3A_210 = tpu.memref_slice %arg3[%mul3A_197] : memref<160000xi32, #tpu.memory_space<hbm>> -> memref<160xi32, #tpu.memory_space<hbm>>
            tpu.wait_dma2 semaphore(%run_scoped3A : memref<!tpu.dma_semaphore, #tpu.memory_space<semaphore_mem>>) src(%dma_wait3A_210 : memref<160xi32, #tpu.memory_space<hbm>>) dst(%arg16 : memref<160xi32, #tpu.memory_space<vmem>>)
            tpu.yield
          }) : () -> ()
          %eq3A_198 = arith.constant 0 : i32
          %eq3A_199 = arith.cmpi eq, %arg0, %eq3A_198 : i32
          %convert_element_type3A_200 = arith.extui %eq3A_199 : i1 to i32
          %cond3A_201 = arith.constant 0 : i32
          %cond3A_202 = arith.cmpi ne, %convert_element_type3A_200, %cond3A_201 : i32
          scf.if %cond3A_202 {
            %dma_start3A = arith.constant 0 : i32
            %dma_start3A_208 = arith.constant 0 : i32
            %dma_start3A_209 = tpu.memref_slice %arg4[%dma_start3A, %dma_start3A_208] : memref<10000x96xf32, #tpu.memory_space<hbm>> -> memref<10000x96xf32, #tpu.memory_space<hbm>>
            tpu.enqueue_indirect_dma source(%dma_start3A_209 : memref<10000x96xf32, #tpu.memory_space<hbm>>) target(%arg10 : memref<160x96xf32, #tpu.memory_space<vmem>>) offsets(%arg14 : memref<160xi32, #tpu.memory_space<vmem>>) semaphore(%arg18 : memref<!tpu.dma_semaphore, #tpu.memory_space<semaphore_mem>>)
            %dma_start3A_210 = arith.constant 0 : i32
            %dma_start3A_211 = tpu.memref_slice %arg6[%mul3A_197, %dma_start3A_210] : memref<160000x96xf32, #tpu.memory_space<hbm>> -> memref<160x96xf32, #tpu.memory_space<hbm>>
            %dma_start3A_212 = arith.constant 0 : i32
            %dma_start3A_213 = tpu.memref_slice %arg6[%mul3A_197, %dma_start3A_212] : memref<160000x96xf32, #tpu.memory_space<hbm>> -> memref<160x96xf32, #tpu.memory_space<hbm>>
            tpu.enqueue_dma source(%dma_start3A_213 : memref<160x96xf32, #tpu.memory_space<hbm>>) target(%arg12 : memref<160x96xf32, #tpu.memory_space<vmem>>) target_semaphore(%arg20 : memref<!tpu.dma_semaphore, #tpu.memory_space<semaphore_mem>>)
          } else {
          }
          %eq3A_203 = arith.constant 1 : i32
          %eq3A_204 = arith.cmpi eq, %arg0, %eq3A_203 : i32
          %convert_element_type3A_205 = arith.extui %eq3A_204 : i1 to i32
          %cond3A_206 = arith.constant 0 : i32
          %cond3A_207 = arith.cmpi ne, %convert_element_type3A_205, %cond3A_206 : i32
          scf.if %cond3A_207 {
            %dma_start3A = arith.constant 0 : i32
            %dma_start3A_208 = arith.constant 0 : i32
            %dma_start3A_209 = tpu.memref_slice %arg5[%dma_start3A, %dma_start3A_208] : memref<10000x96xf32, #tpu.memory_space<hbm>> -> memref<10000x96xf32, #tpu.memory_space<hbm>>
            tpu.enqueue_indirect_dma source(%dma_start3A_209 : memref<10000x96xf32, #tpu.memory_space<hbm>>) target(%arg10 : memref<160x96xf32, #tpu.memory_space<vmem>>) offsets(%arg14 : memref<160xi32, #tpu.memory_space<vmem>>) semaphore(%arg18 : memref<!tpu.dma_semaphore, #tpu.memory_space<semaphore_mem>>)
            %dma_start3A_210 = arith.constant 0 : i32
            %dma_start3A_211 = tpu.memref_slice %arg7[%mul3A_197, %dma_start3A_210] : memref<160000x96xf32, #tpu.memory_space<hbm>> -> memref<160x96xf32, #tpu.memory_space<hbm>>
            %dma_start3A_212 = arith.constant 0 : i32
            %dma_start3A_213 = tpu.memref_slice %arg7[%mul3A_197, %dma_start3A_212] : memref<160000x96xf32, #tpu.memory_space<hbm>> -> memref<160x96xf32, #tpu.memory_space<hbm>>
            tpu.enqueue_dma source(%dma_start3A_213 : memref<160x96xf32, #tpu.memory_space<hbm>>) target(%arg12 : memref<160x96xf32, #tpu.memory_space<vmem>>) target_semaphore(%arg20 : memref<!tpu.dma_semaphore, #tpu.memory_space<semaphore_mem>>)
          } else {
          }
        } else {
        }
      } else {
      }
      %mul3A_161 = arith.constant 2 : i32
      %mul3A_162 = arith.muli %mul3A_161, %while3A_152 : i32
      %add3A_163 = arith.constant 1 : i32
      %add3A_164 = arith.addi %mul3A_162, %add3A_163 : i32
      %lt3A_165 = arith.cmpi slt, %add3A_164, %select_n3A : i32
      %convert_element_type3A_166 = arith.extui %lt3A_165 : i1 to i32
      %cond3A_167 = arith.constant 0 : i32
      %cond3A_168 = arith.cmpi ne, %convert_element_type3A_166, %cond3A_167 : i32
      scf.if %cond3A_168 {
        %dma_wait3A = arith.constant 0 : i32
        %dma_wait3A_170 = arith.constant 0 : i32
        %dma_wait3A_171 = tpu.memref_slice %arg4[%dma_wait3A, %dma_wait3A_170] : memref<10000x96xf32, #tpu.memory_space<hbm>> -> memref<10000x96xf32, #tpu.memory_space<hbm>>
        tpu.wait_indirect_dma semaphore(%arg19 : memref<!tpu.dma_semaphore, #tpu.memory_space<semaphore_mem>>) src(%dma_wait3A_171 : memref<10000x96xf32, #tpu.memory_space<hbm>>) dst(%arg11 : memref<160x96xf32, #tpu.memory_space<vmem>>)
        %dma_wait3A_172 = arith.constant 0 : i32
        %dma_wait3A_173 = arith.constant 0 : i32
        %dma_wait3A_174 = tpu.memref_slice %arg6[%dma_wait3A_172, %dma_wait3A_173] : memref<160000x96xf32, #tpu.memory_space<hbm>> -> memref<160x96xf32, #tpu.memory_space<hbm>>
        %dma_wait3A_175 = arith.constant 0 : i32
        %dma_wait3A_176 = arith.constant 0 : i32
        %dma_wait3A_177 = tpu.memref_slice %arg6[%dma_wait3A_175, %dma_wait3A_176] : memref<160000x96xf32, #tpu.memory_space<hbm>> -> memref<160x96xf32, #tpu.memory_space<hbm>>
        tpu.wait_dma2 semaphore(%arg21 : memref<!tpu.dma_semaphore, #tpu.memory_space<semaphore_mem>>) src(%dma_wait3A_177 : memref<160x96xf32, #tpu.memory_space<hbm>>) dst(%arg13 : memref<160x96xf32, #tpu.memory_space<vmem>>)
        %scan3A_178 = arith.constant 0 : i32
        %scan3A_179 = arith.constant 0 : i32
        %scan3A_180 = arith.constant 160 : i32
        %scan3A_181 = arith.addi %scan3A_179, %scan3A_180 : i32
        %scan3A_182 = arith.constant 1 : i32
        %scan3A_183 = scf.for %scan3A_191 = %scan3A_179 to %scan3A_181 step %scan3A_182 iter_args(%scan3A_192 = %scan3A_178) -> (i32)  : i32 {
          %get3A = arith.index_cast %scan3A_191 : i32 to index
          %get3A_193 = arith.constant 0 : index
          %get3A_194 = tpu.vector_load %arg11[%get3A, %get3A_193] {strides = array<i32>} : memref<160x96xf32, #tpu.memory_space<vmem>>, vector<16xf32>,
          %get3A_195 = arith.index_cast %scan3A_191 : i32 to index
          %get3A_196 = arith.constant 0 : index
          %get3A_197 = tpu.vector_load %arg13[%get3A_195, %get3A_196] {strides = array<i32>} : memref<160x96xf32, #tpu.memory_space<vmem>>, vector<16xf32>,
          %mul3A_198 = arith.mulf %get3A_194, %get3A_197 : vector<16xf32>
          %swap3A = arith.index_cast %scan3A_191 : i32 to index
          %swap3A_199 = arith.constant 0 : index
          %swap3A_200 = tpu.vector_load %arg11[%swap3A, %swap3A_199] {strides = array<i32>} : memref<160x96xf32, #tpu.memory_space<vmem>>, vector<16xf32>,
          tpu.vector_store %arg11[%swap3A, %swap3A_199], %mul3A_198 {strides = array<i32>} : memref<160x96xf32, #tpu.memory_space<vmem>>, vector<16xf32>,
          %get3A_201 = arith.index_cast %scan3A_191 : i32 to index
          %get3A_202 = arith.constant 16 : index
          %get3A_203 = tpu.vector_load %arg11[%get3A_201, %get3A_202] {strides = array<i32>} : memref<160x96xf32, #tpu.memory_space<vmem>>, vector<16xf32>,
          %get3A_204 = arith.index_cast %scan3A_191 : i32 to index
          %get3A_205 = arith.constant 16 : index
          %get3A_206 = tpu.vector_load %arg13[%get3A_204, %get3A_205] {strides = array<i32>} : memref<160x96xf32, #tpu.memory_space<vmem>>, vector<16xf32>,
          %mul3A_207 = arith.mulf %get3A_203, %get3A_206 : vector<16xf32>
          %swap3A_208 = arith.index_cast %scan3A_191 : i32 to index
          %swap3A_209 = arith.constant 16 : index
          %swap3A_210 = tpu.vector_load %arg11[%swap3A_208, %swap3A_209] {strides = array<i32>} : memref<160x96xf32, #tpu.memory_space<vmem>>, vector<16xf32>,
          tpu.vector_store %arg11[%swap3A_208, %swap3A_209], %mul3A_207 {strides = array<i32>} : memref<160x96xf32, #tpu.memory_space<vmem>>, vector<16xf32>,
          %get3A_211 = arith.index_cast %scan3A_191 : i32 to index
          %get3A_212 = arith.constant 32 : index
          %get3A_213 = tpu.vector_load %arg11[%get3A_211, %get3A_212] {strides = array<i32>} : memref<160x96xf32, #tpu.memory_space<vmem>>, vector<16xf32>,
          %get3A_214 = arith.index_cast %scan3A_191 : i32 to index
          %get3A_215 = arith.constant 32 : index
          %get3A_216 = tpu.vector_load %arg13[%get3A_214, %get3A_215] {strides = array<i32>} : memref<160x96xf32, #tpu.memory_space<vmem>>, vector<16xf32>,
          %mul3A_217 = arith.mulf %get3A_213, %get3A_216 : vector<16xf32>
          %swap3A_218 = arith.index_cast %scan3A_191 : i32 to index
          %swap3A_219 = arith.constant 32 : index
          %swap3A_220 = tpu.vector_load %arg11[%swap3A_218, %swap3A_219] {strides = array<i32>} : memref<160x96xf32, #tpu.memory_space<vmem>>, vector<16xf32>,
          tpu.vector_store %arg11[%swap3A_218, %swap3A_219], %mul3A_217 {strides = array<i32>} : memref<160x96xf32, #tpu.memory_space<vmem>>, vector<16xf32>,
          %get3A_221 = arith.index_cast %scan3A_191 : i32 to index
          %get3A_222 = arith.constant 48 : index
          %get3A_223 = tpu.vector_load %arg11[%get3A_221, %get3A_222] {strides = array<i32>} : memref<160x96xf32, #tpu.memory_space<vmem>>, vector<16xf32>,
          %get3A_224 = arith.index_cast %scan3A_191 : i32 to index
          %get3A_225 = arith.constant 48 : index
          %get3A_226 = tpu.vector_load %arg13[%get3A_224, %get3A_225] {strides = array<i32>} : memref<160x96xf32, #tpu.memory_space<vmem>>, vector<16xf32>,
          %mul3A_227 = arith.mulf %get3A_223, %get3A_226 : vector<16xf32>
          %swap3A_228 = arith.index_cast %scan3A_191 : i32 to index
          %swap3A_229 = arith.constant 48 : index
          %swap3A_230 = tpu.vector_load %arg11[%swap3A_228, %swap3A_229] {strides = array<i32>} : memref<160x96xf32, #tpu.memory_space<vmem>>, vector<16xf32>,
          tpu.vector_store %arg11[%swap3A_228, %swap3A_229], %mul3A_227 {strides = array<i32>} : memref<160x96xf32, #tpu.memory_space<vmem>>, vector<16xf32>,
          %get3A_231 = arith.index_cast %scan3A_191 : i32 to index
          %get3A_232 = arith.constant 64 : index
          %get3A_233 = tpu.vector_load %arg11[%get3A_231, %get3A_232] {strides = array<i32>} : memref<160x96xf32, #tpu.memory_space<vmem>>, vector<16xf32>,
          %get3A_234 = arith.index_cast %scan3A_191 : i32 to index
          %get3A_235 = arith.constant 64 : index
          %get3A_236 = tpu.vector_load %arg13[%get3A_234, %get3A_235] {strides = array<i32>} : memref<160x96xf32, #tpu.memory_space<vmem>>, vector<16xf32>,
          %mul3A_237 = arith.mulf %get3A_233, %get3A_236 : vector<16xf32>
          %swap3A_238 = arith.index_cast %scan3A_191 : i32 to index
          %swap3A_239 = arith.constant 64 : index
          %swap3A_240 = tpu.vector_load %arg11[%swap3A_238, %swap3A_239] {strides = array<i32>} : memref<160x96xf32, #tpu.memory_space<vmem>>, vector<16xf32>,
          tpu.vector_store %arg11[%swap3A_238, %swap3A_239], %mul3A_237 {strides = array<i32>} : memref<160x96xf32, #tpu.memory_space<vmem>>, vector<16xf32>,
          %get3A_241 = arith.index_cast %scan3A_191 : i32 to index
          %get3A_242 = arith.constant 80 : index
          %get3A_243 = tpu.vector_load %arg11[%get3A_241, %get3A_242] {strides = array<i32>} : memref<160x96xf32, #tpu.memory_space<vmem>>, vector<16xf32>,
          %get3A_244 = arith.index_cast %scan3A_191 : i32 to index
          %get3A_245 = arith.constant 80 : index
          %get3A_246 = tpu.vector_load %arg13[%get3A_244, %get3A_245] {strides = array<i32>} : memref<160x96xf32, #tpu.memory_space<vmem>>, vector<16xf32>,
          %mul3A_247 = arith.mulf %get3A_243, %get3A_246 : vector<16xf32>
          %swap3A_248 = arith.index_cast %scan3A_191 : i32 to index
          %swap3A_249 = arith.constant 80 : index
          %swap3A_250 = tpu.vector_load %arg11[%swap3A_248, %swap3A_249] {strides = array<i32>} : memref<160x96xf32, #tpu.memory_space<vmem>>, vector<16xf32>,
          tpu.vector_store %arg11[%swap3A_248, %swap3A_249], %mul3A_247 {strides = array<i32>} : memref<160x96xf32, #tpu.memory_space<vmem>>, vector<16xf32>,
          %scan3A_251 = arith.constant 0 : i32
          scf.yield %scan3A_251 : i32
        }
        %scan3A_184 = arith.constant 160 : i32
        "tpu.region"() ({
          %run_scoped3A = tpu.sem_alloc : memref<!tpu.dma_semaphore, #tpu.memory_space<semaphore_mem>>
          %dma_start3A = arith.constant 0 : i32
          %dma_start3A_191 = arith.constant 0 : i32
          %dma_start3A_192 = tpu.memref_slice %arg22[%dma_start3A, %dma_start3A_191] : memref<10000x96xf32, #tpu.memory_space<vmem_shared>> -> memref<10000x96xf32, #tpu.memory_space<vmem_shared>>
          tpu.enqueue_indirect_dma source(%arg11 : memref<160x96xf32, #tpu.memory_space<vmem>>) target(%dma_start3A_192 : memref<10000x96xf32, #tpu.memory_space<vmem_shared>>) offsets(%arg17 : memref<160xi32, #tpu.memory_space<vmem>>) semaphore(%run_scoped3A : memref<!tpu.dma_semaphore, #tpu.memory_space<semaphore_mem>>) {add = true}
          %dma_wait3A_193 = arith.constant 0 : i32
          %dma_wait3A_194 = arith.constant 0 : i32
          %dma_wait3A_195 = tpu.memref_slice %arg22[%dma_wait3A_193, %dma_wait3A_194] : memref<10000x96xf32, #tpu.memory_space<vmem_shared>> -> memref<10000x96xf32, #tpu.memory_space<vmem_shared>>
          tpu.wait_indirect_dma semaphore(%run_scoped3A : memref<!tpu.dma_semaphore, #tpu.memory_space<semaphore_mem>>) src(%arg11 : memref<160x96xf32, #tpu.memory_space<vmem>>) dst(%dma_wait3A_195 : memref<10000x96xf32, #tpu.memory_space<vmem_shared>>)
          tpu.yield
        }) : () -> ()
        %add3A_185 = arith.constant 2 : i32
        %add3A_186 = arith.addi %add3A_164, %add3A_185 : i32
        %lt3A_187 = arith.cmpi slt, %add3A_186, %select_n3A : i32
        %convert_element_type3A_188 = arith.extui %lt3A_187 : i1 to i32
        %cond3A_189 = arith.constant 0 : i32
        %cond3A_190 = arith.cmpi ne, %convert_element_type3A_188, %cond3A_189 : i32
        scf.if %cond3A_190 {
          %add3A_191 = arith.constant 2 : i32
          %add3A_192 = arith.addi %add3A_164, %add3A_191 : i32
          %mul3A_193 = arith.constant 16 : i32
          %mul3A_194 = arith.muli %add3A_192, %mul3A_193 : i32
          %add3A_195 = arith.addi %arg1, %mul3A_194 : i32
          %mul3A_196 = arith.constant 160 : i32
          %mul3A_197 = arith.muli %add3A_195, %mul3A_196 : i32
          "tpu.region"() ({
            %run_scoped3A = tpu.sem_alloc : memref<!tpu.dma_semaphore, #tpu.memory_space<semaphore_mem>>
            %dma_start3A = tpu.memref_slice %arg2[%mul3A_197] : memref<160000xi32, #tpu.memory_space<hbm>> -> memref<160xi32, #tpu.memory_space<hbm>>
            %dma_start3A_208 = tpu.memref_slice %arg2[%mul3A_197] : memref<160000xi32, #tpu.memory_space<hbm>> -> memref<160xi32, #tpu.memory_space<hbm>>
            tpu.enqueue_dma source(%dma_start3A_208 : memref<160xi32, #tpu.memory_space<hbm>>) target(%arg15 : memref<160xi32, #tpu.memory_space<vmem>>) target_semaphore(%run_scoped3A : memref<!tpu.dma_semaphore, #tpu.memory_space<semaphore_mem>>)
            %dma_wait3A_209 = tpu.memref_slice %arg2[%mul3A_197] : memref<160000xi32, #tpu.memory_space<hbm>> -> memref<160xi32, #tpu.memory_space<hbm>>
            %dma_wait3A_210 = tpu.memref_slice %arg2[%mul3A_197] : memref<160000xi32, #tpu.memory_space<hbm>> -> memref<160xi32, #tpu.memory_space<hbm>>
            tpu.wait_dma2 semaphore(%run_scoped3A : memref<!tpu.dma_semaphore, #tpu.memory_space<semaphore_mem>>) src(%dma_wait3A_210 : memref<160xi32, #tpu.memory_space<hbm>>) dst(%arg15 : memref<160xi32, #tpu.memory_space<vmem>>)
            tpu.yield
          }) : () -> ()
          "tpu.region"() ({
            %run_scoped3A = tpu.sem_alloc : memref<!tpu.dma_semaphore, #tpu.memory_space<semaphore_mem>>
            %dma_start3A = tpu.memref_slice %arg3[%mul3A_197] : memref<160000xi32, #tpu.memory_space<hbm>> -> memref<160xi32, #tpu.memory_space<hbm>>
            %dma_start3A_208 = tpu.memref_slice %arg3[%mul3A_197] : memref<160000xi32, #tpu.memory_space<hbm>> -> memref<160xi32, #tpu.memory_space<hbm>>
            tpu.enqueue_dma source(%dma_start3A_208 : memref<160xi32, #tpu.memory_space<hbm>>) target(%arg17 : memref<160xi32, #tpu.memory_space<vmem>>) target_semaphore(%run_scoped3A : memref<!tpu.dma_semaphore, #tpu.memory_space<semaphore_mem>>)
            %dma_wait3A_209 = tpu.memref_slice %arg3[%mul3A_197] : memref<160000xi32, #tpu.memory_space<hbm>> -> memref<160xi32, #tpu.memory_space<hbm>>
            %dma_wait3A_210 = tpu.memref_slice %arg3[%mul3A_197] : memref<160000xi32, #tpu.memory_space<hbm>> -> memref<160xi32, #tpu.memory_space<hbm>>
            tpu.wait_dma2 semaphore(%run_scoped3A : memref<!tpu.dma_semaphore, #tpu.memory_space<semaphore_mem>>) src(%dma_wait3A_210 : memref<160xi32, #tpu.memory_space<hbm>>) dst(%arg17 : memref<160xi32, #tpu.memory_space<vmem>>)
            tpu.yield
          }) : () -> ()
          %eq3A_198 = arith.constant 0 : i32
          %eq3A_199 = arith.cmpi eq, %arg0, %eq3A_198 : i32
          %convert_element_type3A_200 = arith.extui %eq3A_199 : i1 to i32
          %cond3A_201 = arith.constant 0 : i32
          %cond3A_202 = arith.cmpi ne, %convert_element_type3A_200, %cond3A_201 : i32
          scf.if %cond3A_202 {
            %dma_start3A = arith.constant 0 : i32
            %dma_start3A_208 = arith.constant 0 : i32
            %dma_start3A_209 = tpu.memref_slice %arg4[%dma_start3A, %dma_start3A_208] : memref<10000x96xf32, #tpu.memory_space<hbm>> -> memref<10000x96xf32, #tpu.memory_space<hbm>>
            tpu.enqueue_indirect_dma source(%dma_start3A_209 : memref<10000x96xf32, #tpu.memory_space<hbm>>) target(%arg11 : memref<160x96xf32, #tpu.memory_space<vmem>>) offsets(%arg15 : memref<160xi32, #tpu.memory_space<vmem>>) semaphore(%arg19 : memref<!tpu.dma_semaphore, #tpu.memory_space<semaphore_mem>>)
            %dma_start3A_210 = arith.constant 0 : i32
            %dma_start3A_211 = tpu.memref_slice %arg6[%mul3A_197, %dma_start3A_210] : memref<160000x96xf32, #tpu.memory_space<hbm>> -> memref<160x96xf32, #tpu.memory_space<hbm>>
            %dma_start3A_212 = arith.constant 0 : i32
            %dma_start3A_213 = tpu.memref_slice %arg6[%mul3A_197, %dma_start3A_212] : memref<160000x96xf32, #tpu.memory_space<hbm>> -> memref<160x96xf32, #tpu.memory_space<hbm>>
            tpu.enqueue_dma source(%dma_start3A_213 : memref<160x96xf32, #tpu.memory_space<hbm>>) target(%arg13 : memref<160x96xf32, #tpu.memory_space<vmem>>) target_semaphore(%arg21 : memref<!tpu.dma_semaphore, #tpu.memory_space<semaphore_mem>>)
          } else {
          }
          %eq3A_203 = arith.constant 1 : i32
          %eq3A_204 = arith.cmpi eq, %arg0, %eq3A_203 : i32
          %convert_element_type3A_205 = arith.extui %eq3A_204 : i1 to i32
          %cond3A_206 = arith.constant 0 : i32
          %cond3A_207 = arith.cmpi ne, %convert_element_type3A_205, %cond3A_206 : i32
          scf.if %cond3A_207 {
            %dma_start3A = arith.constant 0 : i32
            %dma_start3A_208 = arith.constant 0 : i32
            %dma_start3A_209 = tpu.memref_slice %arg5[%dma_start3A, %dma_start3A_208] : memref<10000x96xf32, #tpu.memory_space<hbm>> -> memref<10000x96xf32, #tpu.memory_space<hbm>>
            tpu.enqueue_indirect_dma source(%dma_start3A_209 : memref<10000x96xf32, #tpu.memory_space<hbm>>) target(%arg11 : memref<160x96xf32, #tpu.memory_space<vmem>>) offsets(%arg15 : memref<160xi32, #tpu.memory_space<vmem>>) semaphore(%arg19 : memref<!tpu.dma_semaphore, #tpu.memory_space<semaphore_mem>>)
            %dma_start3A_210 = arith.constant 0 : i32
            %dma_start3A_211 = tpu.memref_slice %arg7[%mul3A_197, %dma_start3A_210] : memref<160000x96xf32, #tpu.memory_space<hbm>> -> memref<160x96xf32, #tpu.memory_space<hbm>>
            %dma_start3A_212 = arith.constant 0 : i32
            %dma_start3A_213 = tpu.memref_slice %arg7[%mul3A_197, %dma_start3A_212] : memref<160000x96xf32, #tpu.memory_space<hbm>> -> memref<160x96xf32, #tpu.memory_space<hbm>>
            tpu.enqueue_dma source(%dma_start3A_213 : memref<160x96xf32, #tpu.memory_space<hbm>>) target(%arg13 : memref<160x96xf32, #tpu.memory_space<vmem>>) target_semaphore(%arg21 : memref<!tpu.dma_semaphore, #tpu.memory_space<semaphore_mem>>)
          } else {
          }
        } else {
        }
      } else {
      }
      %while3A_169 = arith.constant 0 : i32
      scf.yield %while3A_169 : i32
    }
    %barrier3A_104 = arith.constant 0 : index
    tpu.barrier barrier_id(%barrier3A_104)
    %mul3A_105 = arith.constant 624 : i32
    %mul3A_106 = arith.muli %arg1, %mul3A_105 : i32
    %add3A_107 = arith.constant 0 : i32
    %add3A_108 = arith.addi %mul3A_106, %add3A_107 : i32
    %eq3A_109 = arith.constant 0 : i32
    %eq3A_110 = arith.cmpi eq, %arg0, %eq3A_109 : i32
    %convert_element_type3A_111 = arith.extui %eq3A_110 : i1 to i32
    %cond3A_112 = arith.constant 0 : i32
    %cond3A_113 = arith.cmpi ne, %convert_element_type3A_111, %cond3A_112 : i32
    scf.if %cond3A_113 {
      "tpu.region"() ({
        %run_scoped3A = tpu.sem_alloc : memref<!tpu.dma_semaphore, #tpu.memory_space<semaphore_mem>>
        %dma_start3A = arith.constant 0 : i32
        %dma_start3A_152 = tpu.memref_slice %arg8[%add3A_108, %dma_start3A] : memref<10000x96xf32, #tpu.memory_space<hbm>> -> memref<256x96xf32, #tpu.memory_space<hbm>>
        %dma_start3A_153 = arith.constant 0 : i32
        %dma_start3A_154 = tpu.memref_slice %arg22[%add3A_108, %dma_start3A_153] : memref<10000x96xf32, #tpu.memory_space<vmem_shared>> -> memref<256x96xf32, #tpu.memory_space<vmem_shared>>
        tpu.enqueue_dma source(%dma_start3A_154 : memref<256x96xf32, #tpu.memory_space<vmem_shared>>) target(%dma_start3A_152 : memref<256x96xf32, #tpu.memory_space<hbm>>) target_semaphore(%run_scoped3A : memref<!tpu.dma_semaphore, #tpu.memory_space<semaphore_mem>>)
        %dma_wait3A = arith.constant 0 : i32
        %dma_wait3A_155 = tpu.memref_slice %arg8[%add3A_108, %dma_wait3A] : memref<10000x96xf32, #tpu.memory_space<hbm>> -> memref<256x96xf32, #tpu.memory_space<hbm>>
        %dma_wait3A_156 = arith.constant 0 : i32
        %dma_wait3A_157 = tpu.memref_slice %arg22[%add3A_108, %dma_wait3A_156] : memref<10000x96xf32, #tpu.memory_space<vmem_shared>> -> memref<256x96xf32, #tpu.memory_space<vmem_shared>>
        tpu.wait_dma2 semaphore(%run_scoped3A : memref<!tpu.dma_semaphore, #tpu.memory_space<semaphore_mem>>) src(%dma_wait3A_157 : memref<256x96xf32, #tpu.memory_space<vmem_shared>>) dst(%dma_wait3A_155 : memref<256x96xf32, #tpu.memory_space<hbm>>)
        tpu.yield
      }) : () -> ()
    } else {
    }
    %eq3A_114 = arith.constant 1 : i32
    %eq3A_115 = arith.cmpi eq, %arg0, %eq3A_114 : i32
    %convert_element_type3A_116 = arith.extui %eq3A_115 : i1 to i32
    %cond3A_117 = arith.constant 0 : i32
    %cond3A_118 = arith.cmpi ne, %convert_element_type3A_116, %cond3A_117 : i32
    scf.if %cond3A_118 {
      "tpu.region"() ({
        %run_scoped3A = tpu.sem_alloc : memref<!tpu.dma_semaphore, #tpu.memory_space<semaphore_mem>>
        %dma_start3A = arith.constant 0 : i32
        %dma_start3A_152 = tpu.memref_slice %arg9[%add3A_108, %dma_start3A] : memref<10000x96xf32, #tpu.memory_space<hbm>> -> memref<256x96xf32, #tpu.memory_space<hbm>>
        %dma_start3A_153 = arith.constant 0 : i32
        %dma_start3A_154 = tpu.memref_slice %arg22[%add3A_108, %dma_start3A_153] : memref<10000x96xf32, #tpu.memory_space<vmem_shared>> -> memref<256x96xf32, #tpu.memory_space<vmem_shared>>
        tpu.enqueue_dma source(%dma_start3A_154 : memref<256x96xf32, #tpu.memory_space<vmem_shared>>) target(%dma_start3A_152 : memref<256x96xf32, #tpu.memory_space<hbm>>) target_semaphore(%run_scoped3A : memref<!tpu.dma_semaphore, #tpu.memory_space<semaphore_mem>>)
        %dma_wait3A = arith.constant 0 : i32
        %dma_wait3A_155 = tpu.memref_slice %arg9[%add3A_108, %dma_wait3A] : memref<10000x96xf32, #tpu.memory_space<hbm>> -> memref<256x96xf32, #tpu.memory_space<hbm>>
        %dma_wait3A_156 = arith.constant 0 : i32
        %dma_wait3A_157 = tpu.memref_slice %arg22[%add3A_108, %dma_wait3A_156] : memref<10000x96xf32, #tpu.memory_space<vmem_shared>> -> memref<256x96xf32, #tpu.memory_space<vmem_shared>>
        tpu.wait_dma2 semaphore(%run_scoped3A : memref<!tpu.dma_semaphore, #tpu.memory_space<semaphore_mem>>) src(%dma_wait3A_157 : memref<256x96xf32, #tpu.memory_space<vmem_shared>>) dst(%dma_wait3A_155 : memref<256x96xf32, #tpu.memory_space<hbm>>)
        tpu.yield
      }) : () -> ()
    } else {
    }
    %mul3A_119 = arith.constant 624 : i32
    %mul3A_120 = arith.muli %arg1, %mul3A_119 : i32
    %add3A_121 = arith.constant 256 : i32
    %add3A_122 = arith.addi %mul3A_120, %add3A_121 : i32
    %eq3A_123 = arith.constant 0 : i32
    %eq3A_124 = arith.cmpi eq, %arg0, %eq3A_123 : i32
    %convert_element_type3A_125 = arith.extui %eq3A_124 : i1 to i32
    %cond3A_126 = arith.constant 0 : i32
    %cond3A_127 = arith.cmpi ne, %convert_element_type3A_125, %cond3A_126 : i32
    scf.if %cond3A_127 {
      "tpu.region"() ({
        %run_scoped3A = tpu.sem_alloc : memref<!tpu.dma_semaphore, #tpu.memory_space<semaphore_mem>>
        %dma_start3A = arith.constant 0 : i32
        %dma_start3A_152 = tpu.memref_slice %arg8[%add3A_122, %dma_start3A] : memref<10000x96xf32, #tpu.memory_space<hbm>> -> memref<256x96xf32, #tpu.memory_space<hbm>>
        %dma_start3A_153 = arith.constant 0 : i32
        %dma_start3A_154 = tpu.memref_slice %arg22[%add3A_122, %dma_start3A_153] : memref<10000x96xf32, #tpu.memory_space<vmem_shared>> -> memref<256x96xf32, #tpu.memory_space<vmem_shared>>
        tpu.enqueue_dma source(%dma_start3A_154 : memref<256x96xf32, #tpu.memory_space<vmem_shared>>) target(%dma_start3A_152 : memref<256x96xf32, #tpu.memory_space<hbm>>) target_semaphore(%run_scoped3A : memref<!tpu.dma_semaphore, #tpu.memory_space<semaphore_mem>>)
        %dma_wait3A = arith.constant 0 : i32
        %dma_wait3A_155 = tpu.memref_slice %arg8[%add3A_122, %dma_wait3A] : memref<10000x96xf32, #tpu.memory_space<hbm>> -> memref<256x96xf32, #tpu.memory_space<hbm>>
        %dma_wait3A_156 = arith.constant 0 : i32
        %dma_wait3A_157 = tpu.memref_slice %arg22[%add3A_122, %dma_wait3A_156] : memref<10000x96xf32, #tpu.memory_space<vmem_shared>> -> memref<256x96xf32, #tpu.memory_space<vmem_shared>>
        tpu.wait_dma2 semaphore(%run_scoped3A : memref<!tpu.dma_semaphore, #tpu.memory_space<semaphore_mem>>) src(%dma_wait3A_157 : memref<256x96xf32, #tpu.memory_space<vmem_shared>>) dst(%dma_wait3A_155 : memref<256x96xf32, #tpu.memory_space<hbm>>)
        tpu.yield
      }) : () -> ()
    } else {
    }
    %eq3A_128 = arith.constant 1 : i32
    %eq3A_129 = arith.cmpi eq, %arg0, %eq3A_128 : i32
    %convert_element_type3A_130 = arith.extui %eq3A_129 : i1 to i32
    %cond3A_131 = arith.constant 0 : i32
    %cond3A_132 = arith.cmpi ne, %convert_element_type3A_130, %cond3A_131 : i32
    scf.if %cond3A_132 {
      "tpu.region"() ({
        %run_scoped3A = tpu.sem_alloc : memref<!tpu.dma_semaphore, #tpu.memory_space<semaphore_mem>>
        %dma_start3A = arith.constant 0 : i32
        %dma_start3A_152 = tpu.memref_slice %arg9[%add3A_122, %dma_start3A] : memref<10000x96xf32, #tpu.memory_space<hbm>> -> memref<256x96xf32, #tpu.memory_space<hbm>>
        %dma_start3A_153 = arith.constant 0 : i32
        %dma_start3A_154 = tpu.memref_slice %arg22[%add3A_122, %dma_start3A_153] : memref<10000x96xf32, #tpu.memory_space<vmem_shared>> -> memref<256x96xf32, #tpu.memory_space<vmem_shared>>
        tpu.enqueue_dma source(%dma_start3A_154 : memref<256x96xf32, #tpu.memory_space<vmem_shared>>) target(%dma_start3A_152 : memref<256x96xf32, #tpu.memory_space<hbm>>) target_semaphore(%run_scoped3A : memref<!tpu.dma_semaphore, #tpu.memory_space<semaphore_mem>>)
        %dma_wait3A = arith.constant 0 : i32
        %dma_wait3A_155 = tpu.memref_slice %arg9[%add3A_122, %dma_wait3A] : memref<10000x96xf32, #tpu.memory_space<hbm>> -> memref<256x96xf32, #tpu.memory_space<hbm>>
        %dma_wait3A_156 = arith.constant 0 : i32
        %dma_wait3A_157 = tpu.memref_slice %arg22[%add3A_122, %dma_wait3A_156] : memref<10000x96xf32, #tpu.memory_space<vmem_shared>> -> memref<256x96xf32, #tpu.memory_space<vmem_shared>>
        tpu.wait_dma2 semaphore(%run_scoped3A : memref<!tpu.dma_semaphore, #tpu.memory_space<semaphore_mem>>) src(%dma_wait3A_157 : memref<256x96xf32, #tpu.memory_space<vmem_shared>>) dst(%dma_wait3A_155 : memref<256x96xf32, #tpu.memory_space<hbm>>)
        tpu.yield
      }) : () -> ()
    } else {
    }
    %mul3A_133 = arith.constant 624 : i32
    %mul3A_134 = arith.muli %arg1, %mul3A_133 : i32
    %add3A_135 = arith.constant 512 : i32
    %add3A_136 = arith.addi %mul3A_134, %add3A_135 : i32
    %eq3A_137 = arith.constant 0 : i32
    %eq3A_138 = arith.cmpi eq, %arg0, %eq3A_137 : i32
    %convert_element_type3A_139 = arith.extui %eq3A_138 : i1 to i32
    %cond3A_140 = arith.constant 0 : i32
    %cond3A_141 = arith.cmpi ne, %convert_element_type3A_139, %cond3A_140 : i32
    scf.if %cond3A_141 {
      "tpu.region"() ({
        %run_scoped3A = tpu.sem_alloc : memref<!tpu.dma_semaphore, #tpu.memory_space<semaphore_mem>>
        %dma_start3A = arith.constant 0 : i32
        %dma_start3A_152 = tpu.memref_slice %arg8[%add3A_136, %dma_start3A] : memref<10000x96xf32, #tpu.memory_space<hbm>> -> memref<112x96xf32, #tpu.memory_space<hbm>>
        %dma_start3A_153 = arith.constant 0 : i32
        %dma_start3A_154 = tpu.memref_slice %arg22[%add3A_136, %dma_start3A_153] : memref<10000x96xf32, #tpu.memory_space<vmem_shared>> -> memref<112x96xf32, #tpu.memory_space<vmem_shared>>
        tpu.enqueue_dma source(%dma_start3A_154 : memref<112x96xf32, #tpu.memory_space<vmem_shared>>) target(%dma_start3A_152 : memref<112x96xf32, #tpu.memory_space<hbm>>) target_semaphore(%run_scoped3A : memref<!tpu.dma_semaphore, #tpu.memory_space<semaphore_mem>>)
        %dma_wait3A = arith.constant 0 : i32
        %dma_wait3A_155 = tpu.memref_slice %arg8[%add3A_136, %dma_wait3A] : memref<10000x96xf32, #tpu.memory_space<hbm>> -> memref<112x96xf32, #tpu.memory_space<hbm>>
        %dma_wait3A_156 = arith.constant 0 : i32
        %dma_wait3A_157 = tpu.memref_slice %arg22[%add3A_136, %dma_wait3A_156] : memref<10000x96xf32, #tpu.memory_space<vmem_shared>> -> memref<112x96xf32, #tpu.memory_space<vmem_shared>>
        tpu.wait_dma2 semaphore(%run_scoped3A : memref<!tpu.dma_semaphore, #tpu.memory_space<semaphore_mem>>) src(%dma_wait3A_157 : memref<112x96xf32, #tpu.memory_space<vmem_shared>>) dst(%dma_wait3A_155 : memref<112x96xf32, #tpu.memory_space<hbm>>)
        tpu.yield
      }) : () -> ()
    } else {
    }
    %eq3A_142 = arith.constant 1 : i32
    %eq3A_143 = arith.cmpi eq, %arg0, %eq3A_142 : i32
    %convert_element_type3A_144 = arith.extui %eq3A_143 : i1 to i32
    %cond3A_145 = arith.constant 0 : i32
    %cond3A_146 = arith.cmpi ne, %convert_element_type3A_144, %cond3A_145 : i32
    scf.if %cond3A_146 {
      "tpu.region"() ({
        %run_scoped3A = tpu.sem_alloc : memref<!tpu.dma_semaphore, #tpu.memory_space<semaphore_mem>>
        %dma_start3A = arith.constant 0 : i32
        %dma_start3A_152 = tpu.memref_slice %arg9[%add3A_136, %dma_start3A] : memref<10000x96xf32, #tpu.memory_space<hbm>> -> memref<112x96xf32, #tpu.memory_space<hbm>>
        %dma_start3A_153 = arith.constant 0 : i32
        %dma_start3A_154 = tpu.memref_slice %arg22[%add3A_136, %dma_start3A_153] : memref<10000x96xf32, #tpu.memory_space<vmem_shared>> -> memref<112x96xf32, #tpu.memory_space<vmem_shared>>
        tpu.enqueue_dma source(%dma_start3A_154 : memref<112x96xf32, #tpu.memory_space<vmem_shared>>) target(%dma_start3A_152 : memref<112x96xf32, #tpu.memory_space<hbm>>) target_semaphore(%run_scoped3A : memref<!tpu.dma_semaphore, #tpu.memory_space<semaphore_mem>>)
        %dma_wait3A = arith.constant 0 : i32
        %dma_wait3A_155 = tpu.memref_slice %arg9[%add3A_136, %dma_wait3A] : memref<10000x96xf32, #tpu.memory_space<hbm>> -> memref<112x96xf32, #tpu.memory_space<hbm>>
        %dma_wait3A_156 = arith.constant 0 : i32
        %dma_wait3A_157 = tpu.memref_slice %arg22[%add3A_136, %dma_wait3A_156] : memref<10000x96xf32, #tpu.memory_space<vmem_shared>> -> memref<112x96xf32, #tpu.memory_space<vmem_shared>>
        tpu.wait_dma2 semaphore(%run_scoped3A : memref<!tpu.dma_semaphore, #tpu.memory_space<semaphore_mem>>) src(%dma_wait3A_157 : memref<112x96xf32, #tpu.memory_space<vmem_shared>>) dst(%dma_wait3A_155 : memref<112x96xf32, #tpu.memory_space<hbm>>)
        tpu.yield
      }) : () -> ()
    } else {
    }
    %eq3A_147 = arith.constant 15 : i32
    %eq3A_148 = arith.cmpi eq, %arg1, %eq3A_147 : i32
    %convert_element_type3A_149 = arith.extui %eq3A_148 : i1 to i32
    %cond3A_150 = arith.constant 0 : i32
    %cond3A_151 = arith.cmpi ne, %convert_element_type3A_149, %cond3A_150 : i32
    scf.if %cond3A_151 {
      %eq3A_152 = arith.constant 0 : i32
      %eq3A_153 = arith.cmpi eq, %arg0, %eq3A_152 : i32
      %convert_element_type3A_154 = arith.extui %eq3A_153 : i1 to i32
      %cond3A_155 = arith.constant 0 : i32
      %cond3A_156 = arith.cmpi ne, %convert_element_type3A_154, %cond3A_155 : i32
      scf.if %cond3A_156 {
        "tpu.region"() ({
          %run_scoped3A = tpu.sem_alloc : memref<!tpu.dma_semaphore, #tpu.memory_space<semaphore_mem>>
          %dma_start3A = arith.constant 9984 : i32
          %dma_start3A_162 = arith.constant 0 : i32
          %dma_start3A_163 = tpu.memref_slice %arg8[%dma_start3A, %dma_start3A_162] : memref<10000x96xf32, #tpu.memory_space<hbm>> -> memref<16x96xf32, #tpu.memory_space<hbm>>
          %dma_start3A_164 = arith.constant 9984 : i32
          %dma_start3A_165 = arith.constant 0 : i32
          %dma_start3A_166 = tpu.memref_slice %arg22[%dma_start3A_164, %dma_start3A_165] : memref<10000x96xf32, #tpu.memory_space<vmem_shared>> -> memref<16x96xf32, #tpu.memory_space<vmem_shared>>
          tpu.enqueue_dma source(%dma_start3A_166 : memref<16x96xf32, #tpu.memory_space<vmem_shared>>) target(%dma_start3A_163 : memref<16x96xf32, #tpu.memory_space<hbm>>) target_semaphore(%run_scoped3A : memref<!tpu.dma_semaphore, #tpu.memory_space<semaphore_mem>>)
          %dma_wait3A = arith.constant 9984 : i32
          %dma_wait3A_167 = arith.constant 0 : i32
          %dma_wait3A_168 = tpu.memref_slice %arg8[%dma_wait3A, %dma_wait3A_167] : memref<10000x96xf32, #tpu.memory_space<hbm>> -> memref<16x96xf32, #tpu.memory_space<hbm>>
          %dma_wait3A_169 = arith.constant 9984 : i32
          %dma_wait3A_170 = arith.constant 0 : i32
          %dma_wait3A_171 = tpu.memref_slice %arg22[%dma_wait3A_169, %dma_wait3A_170] : memref<10000x96xf32, #tpu.memory_space<vmem_shared>> -> memref<16x96xf32, #tpu.memory_space<vmem_shared>>
          tpu.wait_dma2 semaphore(%run_scoped3A : memref<!tpu.dma_semaphore, #tpu.memory_space<semaphore_mem>>) src(%dma_wait3A_171 : memref<16x96xf32, #tpu.memory_space<vmem_shared>>) dst(%dma_wait3A_168 : memref<16x96xf32, #tpu.memory_space<hbm>>)
          tpu.yield
        }) : () -> ()
      } else {
      }
      %eq3A_157 = arith.constant 1 : i32
      %eq3A_158 = arith.cmpi eq, %arg0, %eq3A_157 : i32
      %convert_element_type3A_159 = arith.extui %eq3A_158 : i1 to i32
      %cond3A_160 = arith.constant 0 : i32
      %cond3A_161 = arith.cmpi ne, %convert_element_type3A_159, %cond3A_160 : i32
      scf.if %cond3A_161 {
        "tpu.region"() ({
          %run_scoped3A = tpu.sem_alloc : memref<!tpu.dma_semaphore, #tpu.memory_space<semaphore_mem>>
          %dma_start3A = arith.constant 9984 : i32
          %dma_start3A_162 = arith.constant 0 : i32
          %dma_start3A_163 = tpu.memref_slice %arg9[%dma_start3A, %dma_start3A_162] : memref<10000x96xf32, #tpu.memory_space<hbm>> -> memref<16x96xf32, #tpu.memory_space<hbm>>
          %dma_start3A_164 = arith.constant 9984 : i32
          %dma_start3A_165 = arith.constant 0 : i32
          %dma_start3A_166 = tpu.memref_slice %arg22[%dma_start3A_164, %dma_start3A_165] : memref<10000x96xf32, #tpu.memory_space<vmem_shared>> -> memref<16x96xf32, #tpu.memory_space<vmem_shared>>
          tpu.enqueue_dma source(%dma_start3A_166 : memref<16x96xf32, #tpu.memory_space<vmem_shared>>) target(%dma_start3A_163 : memref<16x96xf32, #tpu.memory_space<hbm>>) target_semaphore(%run_scoped3A : memref<!tpu.dma_semaphore, #tpu.memory_space<semaphore_mem>>)
          %dma_wait3A = arith.constant 9984 : i32
          %dma_wait3A_167 = arith.constant 0 : i32
          %dma_wait3A_168 = tpu.memref_slice %arg9[%dma_wait3A, %dma_wait3A_167] : memref<10000x96xf32, #tpu.memory_space<hbm>> -> memref<16x96xf32, #tpu.memory_space<hbm>>
          %dma_wait3A_169 = arith.constant 9984 : i32
          %dma_wait3A_170 = arith.constant 0 : i32
          %dma_wait3A_171 = tpu.memref_slice %arg22[%dma_wait3A_169, %dma_wait3A_170] : memref<10000x96xf32, #tpu.memory_space<vmem_shared>> -> memref<16x96xf32, #tpu.memory_space<vmem_shared>>
          tpu.wait_dma2 semaphore(%run_scoped3A : memref<!tpu.dma_semaphore, #tpu.memory_space<semaphore_mem>>) src(%dma_wait3A_171 : memref<16x96xf32, #tpu.memory_space<vmem_shared>>) dst(%dma_wait3A_168 : memref<16x96xf32, #tpu.memory_space<hbm>>)
          tpu.yield
        }) : () -> ()
      } else {
      }
    } else {
    }
    return
  }
}

module attributes {stable_mosaic.version = 14 : i64} {
  func.func @_tc_a1(%arg0: i32, %arg1: memref<1000x128xf32, #tpu.memory_space<vmem>>, %arg2: memref<128x6xf32, #tpu.memory_space<vmem>>, %arg3: memref<1000x6xf32, #tpu.memory_space<vmem>>) attributes {dimension_semantics = [#tpu.dimension_semantics<arbitrary>], iteration_bounds = array<i64: 10>, scalar_prefetch = 0 : i64, scratch_operands = 0 : i64, tpu.core_type = #tpu.core_type<tc>, window_params = [{transform_indices = @transform_0, window_bounds = array<i64: 1000, 128>}, {pipeline_mode = #tpu.pipeline_mode<synchronous>, transform_indices = @transform_1, window_bounds = array<i64: 128, 6>}, {transform_indices = @transform_2, window_bounds = array<i64: 1000, 6>}]} {
    %get3A = arith.constant 0 : index
    %get3A_0 = arith.constant 0 : index
    %get3A_1 = vector.load %arg1[%get3A, %get3A_0] : memref<1000x128xf32, #tpu.memory_space<vmem>>, vector<1000x128xf32>
    %get3A_2 = arith.constant 0 : index
    %get3A_3 = arith.constant 0 : index
    %get3A_4 = vector.load %arg2[%get3A_2, %get3A_3] : memref<128x6xf32, #tpu.memory_space<vmem>>, vector<128x6xf32>
    %dot_general3A = arith.constant dense<0.000000e+00> : vector<1000x6xf32>
    %dot_general3A_5 = tpu.matmul %get3A_1, %get3A_4, %dot_general3A {dimension_numbers = #tpu.dot_dimension_numbers<[1], [0], [0], [1], [0, 0, 1, 1], [], []>, transpose_lhs_hint = false} : vector<1000x128xf32>, vector<128x6xf32>, vector<1000x6xf32> -> vector<1000x6xf32>
    %swap3A = arith.constant 0 : index
    %swap3A_6 = arith.constant 0 : index
    %swap3A_7 = vector.load %arg3[%swap3A, %swap3A_6] : memref<1000x6xf32, #tpu.memory_space<vmem>>, vector<1000x6xf32>
    tpu.vector_store %arg3[%swap3A, %swap3A_6], %dot_general3A_5 {strides = array<i32>} : memref<1000x6xf32, #tpu.memory_space<vmem>>, vector<1000x6xf32>,
    return
  }
  func.func @transform_0(%arg0: i32) -> (i32, i32) {
    %c0_i32 = arith.constant 0 : i32
    %c0_i32_0 = arith.constant 0 : i32
    return %arg0, %c0_i32 : i32, i32
  }
  func.func @transform_1(%arg0: i32) -> (i32, i32) {
    %c0_i32 = arith.constant 0 : i32
    %c0_i32_0 = arith.constant 0 : i32
    %c0_i32_1 = arith.constant 0 : i32
    return %c0_i32, %c0_i32_0 : i32, i32
  }
  func.func @transform_2(%arg0: i32) -> (i32, i32) {
    %c0_i32 = arith.constant 0 : i32
    %c0_i32_0 = arith.constant 0 : i32
    return %arg0, %c0_i32 : i32, i32
  }
}

module attributes {stable_mosaic.version = 14 : i64} {
  func.func @_tc_b(%arg0: i32, %arg1: memref<2000x16xf32, #tpu.memory_space<vmem>>, %arg2: memref<16x3xf32, #tpu.memory_space<vmem>>, %arg3: memref<2000x3xf32, #tpu.memory_space<vmem>>) attributes {dimension_semantics = [#tpu.dimension_semantics<arbitrary>], iteration_bounds = array<i64: 80>, scalar_prefetch = 0 : i64, scratch_operands = 0 : i64, tpu.core_type = #tpu.core_type<tc>, window_params = [{transform_indices = @transform_0, window_bounds = array<i64: 2000, 16>}, {pipeline_mode = #tpu.pipeline_mode<synchronous>, transform_indices = @transform_1, window_bounds = array<i64: 16, 3>}, {transform_indices = @transform_2, window_bounds = array<i64: 2000, 3>}]} {
    %get3A = arith.constant 0 : index
    %get3A_0 = arith.constant 0 : index
    %get3A_1 = vector.load %arg1[%get3A, %get3A_0] : memref<2000x16xf32, #tpu.memory_space<vmem>>, vector<2000x16xf32>
    %get3A_2 = arith.constant 0 : index
    %get3A_3 = arith.constant 0 : index
    %get3A_4 = vector.load %arg2[%get3A_2, %get3A_3] : memref<16x3xf32, #tpu.memory_space<vmem>>, vector<16x3xf32>
    %dot_general3A = arith.constant dense<0.000000e+00> : vector<2000x3xf32>
    %dot_general3A_5 = tpu.matmul %get3A_1, %get3A_4, %dot_general3A {dimension_numbers = #tpu.dot_dimension_numbers<[1], [0], [0], [1], [0, 0, 1, 1], [], []>, transpose_lhs_hint = false} : vector<2000x16xf32>, vector<16x3xf32>, vector<2000x3xf32> -> vector<2000x3xf32>
    %swap3A = arith.constant 0 : index
    %swap3A_6 = arith.constant 0 : index
    %swap3A_7 = vector.load %arg3[%swap3A, %swap3A_6] : memref<2000x3xf32, #tpu.memory_space<vmem>>, vector<2000x3xf32>
    tpu.vector_store %arg3[%swap3A, %swap3A_6], %dot_general3A_5 {strides = array<i32>} : memref<2000x3xf32, #tpu.memory_space<vmem>>, vector<2000x3xf32>,
    return
  }
  func.func @transform_0(%arg0: i32) -> (i32, i32) {
    %c0_i32 = arith.constant 0 : i32
    %c0_i32_0 = arith.constant 0 : i32
    return %arg0, %c0_i32 : i32, i32
  }
  func.func @transform_1(%arg0: i32) -> (i32, i32) {
    %c0_i32 = arith.constant 0 : i32
    %c0_i32_0 = arith.constant 0 : i32
    %c0_i32_1 = arith.constant 0 : i32
    return %c0_i32, %c0_i32_0 : i32, i32
  }
  func.func @transform_2(%arg0: i32) -> (i32, i32) {
    %c0_i32 = arith.constant 0 : i32
    %c0_i32_0 = arith.constant 0 : i32
    return %arg0, %c0_i32 : i32, i32
  }
}

module attributes {stable_mosaic.version = 14 : i64} {
  func.func @_tc_c(%arg0: i32, %arg1: memref<32x30000xf32, #tpu.memory_space<vmem>>, %arg2: memref<1x30000xf32, #tpu.memory_space<vmem>>) attributes {dimension_semantics = [#tpu.dimension_semantics<arbitrary>], iteration_bounds = array<i64: 1>, scalar_prefetch = 0 : i64, scratch_operands = 0 : i64, tpu.core_type = #tpu.core_type<tc>, window_params = [{pipeline_mode = #tpu.pipeline_mode<synchronous>, transform_indices = @transform_0, window_bounds = array<i64: 32, 30000>}, {pipeline_mode = #tpu.pipeline_mode<synchronous>, transform_indices = @transform_1, window_bounds = array<i64: 1, 30000>}]} {
    %get3A = arith.constant 0 : index
    %get3A_0 = arith.constant 0 : index
    %get3A_1 = vector.load %arg1[%get3A, %get3A_0] : memref<32x30000xf32, #tpu.memory_space<vmem>>, vector<32x30000xf32>
    %reduce_sum3A = arith.constant dense<0.000000e+00> : vector<30000xf32>
    %reduce_sum3A_2 = vector.multi_reduction <add>, %get3A_1, %reduce_sum3A [0] : vector<32x30000xf32> to vector<30000xf32>
    %broadcast_in_dim3A = vector.shape_cast %reduce_sum3A_2 : vector<30000xf32> to vector<1x30000xf32>
    %gt3A = arith.constant 0.000000e+00 : f32
    %gt3A_3 = vector.broadcast %gt3A : f32 to vector<1x30000xf32>
    %gt3A_4 = arith.cmpf ogt, %broadcast_in_dim3A, %gt3A_3 : vector<1x30000xf32>
    %div3A = arith.constant 1.000000e+00 : f32
    %div3A_5 = vector.broadcast %div3A : f32 to vector<1x30000xf32>
    %div3A_6 = arith.divf %div3A_5, %broadcast_in_dim3A : vector<1x30000xf32>
    %jit3A = arith.constant 0.000000e+00 : f32
    %broadcast_in_dim3A_7 = vector.broadcast %jit3A : f32 to vector<1x30000xf32>
    %select_n3A = arith.select %gt3A_4, %div3A_6, %broadcast_in_dim3A_7 : vector<1x30000xi1>, vector<1x30000xf32>
    %swap3A = arith.constant 0 : index
    %swap3A_8 = arith.constant 0 : index
    %swap3A_9 = vector.load %arg2[%swap3A, %swap3A_8] : memref<1x30000xf32, #tpu.memory_space<vmem>>, vector<1x30000xf32>
    tpu.vector_store %arg2[%swap3A, %swap3A_8], %select_n3A {strides = array<i32>} : memref<1x30000xf32, #tpu.memory_space<vmem>>, vector<1x30000xf32>,
    return
  }
  func.func @transform_0(%arg0: i32) -> (i32, i32) {
    %c0_i32 = arith.constant 0 : i32
    %c0_i32_0 = arith.constant 0 : i32
    %c0_i32_1 = arith.constant 0 : i32
    return %c0_i32, %c0_i32_0 : i32, i32
  }
  func.func @transform_1(%arg0: i32) -> (i32, i32) {
    %c0_i32 = arith.constant 0 : i32
    %c0_i32_0 = arith.constant 0 : i32
    %c0_i32_1 = arith.constant 0 : i32
    return %c0_i32, %c0_i32_0 : i32, i32
  }
}

module attributes {stable_mosaic.version = 14 : i64} {
  func.func @_tc_a2(%arg0: i32, %arg1: memref<1000x128xf32, #tpu.memory_space<vmem>>, %arg2: memref<128x384xf32, #tpu.memory_space<vmem>>, %arg3: memref<1000x96xf32, #tpu.memory_space<vmem>>, %arg4: memref<1000x96xf32, #tpu.memory_space<vmem>>, %arg5: memref<1000x96xf32, #tpu.memory_space<vmem>>, %arg6: memref<1000x96xf32, #tpu.memory_space<vmem>>) attributes {dimension_semantics = [#tpu.dimension_semantics<arbitrary>], iteration_bounds = array<i64: 10>, scalar_prefetch = 0 : i64, scratch_operands = 0 : i64, tpu.core_type = #tpu.core_type<tc>, window_params = [{transform_indices = @transform_0, window_bounds = array<i64: 1000, 128>}, {pipeline_mode = #tpu.pipeline_mode<synchronous>, transform_indices = @transform_1, window_bounds = array<i64: 128, 384>}, {transform_indices = @transform_2, window_bounds = array<i64: 1000, 96>}, {transform_indices = @transform_3, window_bounds = array<i64: 1000, 96>}, {transform_indices = @transform_4, window_bounds = array<i64: 1000, 96>}, {transform_indices = @transform_5, window_bounds = array<i64: 1000, 96>}]} {
    %get3A = arith.constant 0 : index
    %get3A_0 = arith.constant 0 : index
    %get3A_1 = vector.load %arg1[%get3A, %get3A_0] : memref<1000x128xf32, #tpu.memory_space<vmem>>, vector<1000x128xf32>
    %get3A_2 = arith.constant 0 : index
    %get3A_3 = arith.constant 0 : index
    %get3A_4 = vector.load %arg2[%get3A_2, %get3A_3] : memref<128x384xf32, #tpu.memory_space<vmem>>, vector<128x384xf32>
    %dot_general3A = arith.constant dense<0.000000e+00> : vector<1000x384xf32>
    %dot_general3A_5 = tpu.matmul %get3A_1, %get3A_4, %dot_general3A {dimension_numbers = #tpu.dot_dimension_numbers<[1], [0], [0], [1], [0, 0, 1, 1], [], []>, transpose_lhs_hint = false} : vector<1000x128xf32>, vector<128x384xf32>, vector<1000x384xf32> -> vector<1000x384xf32>
    %slice3A = vector.extract_strided_slice %dot_general3A_5 {offsets = [0, 0], sizes = [1000, 96], strides = [1, 1]} : vector<1000x384xf32> to vector<1000x96xf32>
    %swap3A = arith.constant 0 : index
    %swap3A_6 = arith.constant 0 : index
    %swap3A_7 = vector.load %arg3[%swap3A, %swap3A_6] : memref<1000x96xf32, #tpu.memory_space<vmem>>, vector<1000x96xf32>
    tpu.vector_store %arg3[%swap3A, %swap3A_6], %slice3A {strides = array<i32>} : memref<1000x96xf32, #tpu.memory_space<vmem>>, vector<1000x96xf32>,
    %slice3A_8 = vector.extract_strided_slice %dot_general3A_5 {offsets = [0, 96], sizes = [1000, 96], strides = [1, 1]} : vector<1000x384xf32> to vector<1000x96xf32>
    %swap3A_9 = arith.constant 0 : index
    %swap3A_10 = arith.constant 0 : index
    %swap3A_11 = vector.load %arg4[%swap3A_9, %swap3A_10] : memref<1000x96xf32, #tpu.memory_space<vmem>>, vector<1000x96xf32>
    tpu.vector_store %arg4[%swap3A_9, %swap3A_10], %slice3A_8 {strides = array<i32>} : memref<1000x96xf32, #tpu.memory_space<vmem>>, vector<1000x96xf32>,
    %slice3A_12 = vector.extract_strided_slice %dot_general3A_5 {offsets = [0, 192], sizes = [1000, 96], strides = [1, 1]} : vector<1000x384xf32> to vector<1000x96xf32>
    %swap3A_13 = arith.constant 0 : index
    %swap3A_14 = arith.constant 0 : index
    %swap3A_15 = vector.load %arg5[%swap3A_13, %swap3A_14] : memref<1000x96xf32, #tpu.memory_space<vmem>>, vector<1000x96xf32>
    tpu.vector_store %arg5[%swap3A_13, %swap3A_14], %slice3A_12 {strides = array<i32>} : memref<1000x96xf32, #tpu.memory_space<vmem>>, vector<1000x96xf32>,
    %slice3A_16 = vector.extract_strided_slice %dot_general3A_5 {offsets = [0, 288], sizes = [1000, 96], strides = [1, 1]} : vector<1000x384xf32> to vector<1000x96xf32>
    %swap3A_17 = arith.constant 0 : index
    %swap3A_18 = arith.constant 0 : index
    %swap3A_19 = vector.load %arg6[%swap3A_17, %swap3A_18] : memref<1000x96xf32, #tpu.memory_space<vmem>>, vector<1000x96xf32>
    tpu.vector_store %arg6[%swap3A_17, %swap3A_18], %slice3A_16 {strides = array<i32>} : memref<1000x96xf32, #tpu.memory_space<vmem>>, vector<1000x96xf32>,
    return
  }
  func.func @transform_0(%arg0: i32) -> (i32, i32) {
    %c0_i32 = arith.constant 0 : i32
    %c0_i32_0 = arith.constant 0 : i32
    return %arg0, %c0_i32 : i32, i32
  }
  func.func @transform_1(%arg0: i32) -> (i32, i32) {
    %c0_i32 = arith.constant 0 : i32
    %c0_i32_0 = arith.constant 0 : i32
    %c0_i32_1 = arith.constant 0 : i32
    return %c0_i32, %c0_i32_0 : i32, i32
  }
  func.func @transform_2(%arg0: i32) -> (i32, i32) {
    %c0_i32 = arith.constant 0 : i32
    %c0_i32_0 = arith.constant 0 : i32
    return %arg0, %c0_i32 : i32, i32
  }
  func.func @transform_3(%arg0: i32) -> (i32, i32) {
    %c0_i32 = arith.constant 0 : i32
    %c0_i32_0 = arith.constant 0 : i32
    return %arg0, %c0_i32 : i32, i32
  }
  func.func @transform_4(%arg0: i32) -> (i32, i32) {
    %c0_i32 = arith.constant 0 : i32
    %c0_i32_0 = arith.constant 0 : i32
    return %arg0, %c0_i32 : i32, i32
  }
  func.func @transform_5(%arg0: i32) -> (i32, i32) {
    %c0_i32 = arith.constant 0 : i32
    %c0_i32_0 = arith.constant 0 : i32
    return %arg0, %c0_i32 : i32, i32
  }
}

module attributes {stable_mosaic.version = 14 : i64} {
  func.func @_tc_d(%arg0: i32, %arg1: memref<1000x16xf32, #tpu.memory_space<vmem>>, %arg2: memref<1000x3xf32, #tpu.memory_space<vmem>>, %arg3: memref<16x384xf32, #tpu.memory_space<vmem>>, %arg4: memref<1000x96xf32, #tpu.memory_space<vmem>>, %arg5: memref<1000x96xf32, #tpu.memory_space<vmem>>, %arg6: memref<1000x96xf32, #tpu.memory_space<vmem>>, %arg7: memref<1000x96xf32, #tpu.memory_space<vmem>>) attributes {dimension_semantics = [#tpu.dimension_semantics<arbitrary>], iteration_bounds = array<i64: 160>, scalar_prefetch = 0 : i64, scratch_operands = 0 : i64, tpu.core_type = #tpu.core_type<tc>, window_params = [{transform_indices = @transform_0, window_bounds = array<i64: 1000, 16>}, {transform_indices = @transform_1, window_bounds = array<i64: 1000, 3>}, {pipeline_mode = #tpu.pipeline_mode<synchronous>, transform_indices = @transform_2, window_bounds = array<i64: 16, 384>}, {transform_indices = @transform_3, window_bounds = array<i64: 1000, 96>}, {transform_indices = @transform_4, window_bounds = array<i64: 1000, 96>}, {transform_indices = @transform_5, window_bounds = array<i64: 1000, 96>}, {transform_indices = @transform_6, window_bounds = array<i64: 1000, 96>}]} {
    %get3A = arith.constant 0 : index
    %get3A_0 = arith.constant 0 : index
    %get3A_1 = vector.load %arg1[%get3A, %get3A_0] : memref<1000x16xf32, #tpu.memory_space<vmem>>, vector<1000x16xf32>
    %get3A_2 = arith.constant 0 : index
    %get3A_3 = arith.constant 0 : index
    %get3A_4 = vector.load %arg2[%get3A_2, %get3A_3] : memref<1000x3xf32, #tpu.memory_space<vmem>>, vector<1000x3xf32>
    %broadcast_in_dim3A = vector.shape_cast %get3A_4 : vector<1000x3xf32> to vector<1000x3x1xf32>
    %broadcast_in_dim3A_5 = vector.shape_cast %broadcast_in_dim3A : vector<1000x3x1xf32> to vector<1000x3x1xf32>
    %broadcast_in_dim3A_6 = vector.broadcast %broadcast_in_dim3A_5 : vector<1000x3x1xf32> to vector<1000x3x128xf32>
    %reshape3A = vector.shape_cast %broadcast_in_dim3A_6 : vector<1000x3x128xf32> to vector<1000x384xf32>
    %get3A_7 = arith.constant 0 : index
    %get3A_8 = arith.constant 0 : index
    %get3A_9 = vector.load %arg3[%get3A_7, %get3A_8] : memref<16x384xf32, #tpu.memory_space<vmem>>, vector<16x384xf32>
    %dot_general3A = arith.constant dense<0.000000e+00> : vector<1000x384xf32>
    %dot_general3A_10 = tpu.matmul %get3A_1, %get3A_9, %dot_general3A {dimension_numbers = #tpu.dot_dimension_numbers<[1], [0], [0], [1], [0, 0, 1, 1], [], []>, transpose_lhs_hint = false} : vector<1000x16xf32>, vector<16x384xf32>, vector<1000x384xf32> -> vector<1000x384xf32>
    %mul3A = arith.mulf %dot_general3A_10, %reshape3A : vector<1000x384xf32>
    %slice3A = vector.extract_strided_slice %mul3A {offsets = [0, 0], sizes = [1000, 96], strides = [1, 1]} : vector<1000x384xf32> to vector<1000x96xf32>
    %swap3A = arith.constant 0 : index
    %swap3A_11 = arith.constant 0 : index
    %swap3A_12 = vector.load %arg4[%swap3A, %swap3A_11] : memref<1000x96xf32, #tpu.memory_space<vmem>>, vector<1000x96xf32>
    tpu.vector_store %arg4[%swap3A, %swap3A_11], %slice3A {strides = array<i32>} : memref<1000x96xf32, #tpu.memory_space<vmem>>, vector<1000x96xf32>,
    %slice3A_13 = vector.extract_strided_slice %mul3A {offsets = [0, 96], sizes = [1000, 96], strides = [1, 1]} : vector<1000x384xf32> to vector<1000x96xf32>
    %swap3A_14 = arith.constant 0 : index
    %swap3A_15 = arith.constant 0 : index
    %swap3A_16 = vector.load %arg5[%swap3A_14, %swap3A_15] : memref<1000x96xf32, #tpu.memory_space<vmem>>, vector<1000x96xf32>
    tpu.vector_store %arg5[%swap3A_14, %swap3A_15], %slice3A_13 {strides = array<i32>} : memref<1000x96xf32, #tpu.memory_space<vmem>>, vector<1000x96xf32>,
    %slice3A_17 = vector.extract_strided_slice %mul3A {offsets = [0, 192], sizes = [1000, 96], strides = [1, 1]} : vector<1000x384xf32> to vector<1000x96xf32>
    %swap3A_18 = arith.constant 0 : index
    %swap3A_19 = arith.constant 0 : index
    %swap3A_20 = vector.load %arg6[%swap3A_18, %swap3A_19] : memref<1000x96xf32, #tpu.memory_space<vmem>>, vector<1000x96xf32>
    tpu.vector_store %arg6[%swap3A_18, %swap3A_19], %slice3A_17 {strides = array<i32>} : memref<1000x96xf32, #tpu.memory_space<vmem>>, vector<1000x96xf32>,
    %slice3A_21 = vector.extract_strided_slice %mul3A {offsets = [0, 288], sizes = [1000, 96], strides = [1, 1]} : vector<1000x384xf32> to vector<1000x96xf32>
    %swap3A_22 = arith.constant 0 : index
    %swap3A_23 = arith.constant 0 : index
    %swap3A_24 = vector.load %arg7[%swap3A_22, %swap3A_23] : memref<1000x96xf32, #tpu.memory_space<vmem>>, vector<1000x96xf32>
    tpu.vector_store %arg7[%swap3A_22, %swap3A_23], %slice3A_21 {strides = array<i32>} : memref<1000x96xf32, #tpu.memory_space<vmem>>, vector<1000x96xf32>,
    return
  }
  func.func @transform_0(%arg0: i32) -> (i32, i32) {
    %c0_i32 = arith.constant 0 : i32
    %c0_i32_0 = arith.constant 0 : i32
    return %arg0, %c0_i32 : i32, i32
  }
  func.func @transform_1(%arg0: i32) -> (i32, i32) {
    %c0_i32 = arith.constant 0 : i32
    %c0_i32_0 = arith.constant 0 : i32
    return %arg0, %c0_i32 : i32, i32
  }
  func.func @transform_2(%arg0: i32) -> (i32, i32) {
    %c0_i32 = arith.constant 0 : i32
    %c0_i32_0 = arith.constant 0 : i32
    %c0_i32_1 = arith.constant 0 : i32
    return %c0_i32, %c0_i32_0 : i32, i32
  }
  func.func @transform_3(%arg0: i32) -> (i32, i32) {
    %c0_i32 = arith.constant 0 : i32
    %c0_i32_0 = arith.constant 0 : i32
    return %arg0, %c0_i32 : i32, i32
  }
  func.func @transform_4(%arg0: i32) -> (i32, i32) {
    %c0_i32 = arith.constant 0 : i32
    %c0_i32_0 = arith.constant 0 : i32
    return %arg0, %c0_i32 : i32, i32
  }
  func.func @transform_5(%arg0: i32) -> (i32, i32) {
    %c0_i32 = arith.constant 0 : i32
    %c0_i32_0 = arith.constant 0 : i32
    return %arg0, %c0_i32 : i32, i32
  }
  func.func @transform_6(%arg0: i32) -> (i32, i32) {
    %c0_i32 = arith.constant 0 : i32
    %c0_i32_0 = arith.constant 0 : i32
    return %arg0, %c0_i32 : i32, i32
  }
}

module attributes {stable_mosaic.version = 14 : i64} {
  func.func @_tc_e(%arg0: i32, %arg1: memref<1000x96xf32, #tpu.memory_space<vmem>>, %arg2: memref<1000x96xf32, #tpu.memory_space<vmem>>, %arg3: memref<1000x96xf32, #tpu.memory_space<vmem>>, %arg4: memref<1000x96xf32, #tpu.memory_space<vmem>>, %arg5: memref<384x128xf32, #tpu.memory_space<vmem>>, %arg6: memref<1x128xf32, #tpu.memory_space<vmem>>, %arg7: memref<1000x128xf32, #tpu.memory_space<vmem>>) attributes {dimension_semantics = [#tpu.dimension_semantics<arbitrary>], iteration_bounds = array<i64: 10>, scalar_prefetch = 0 : i64, scratch_operands = 0 : i64, tpu.core_type = #tpu.core_type<tc>, window_params = [{transform_indices = @transform_0, window_bounds = array<i64: 1000, 96>}, {transform_indices = @transform_1, window_bounds = array<i64: 1000, 96>}, {transform_indices = @transform_2, window_bounds = array<i64: 1000, 96>}, {transform_indices = @transform_3, window_bounds = array<i64: 1000, 96>}, {pipeline_mode = #tpu.pipeline_mode<synchronous>, transform_indices = @transform_4, window_bounds = array<i64: 384, 128>}, {pipeline_mode = #tpu.pipeline_mode<synchronous>, transform_indices = @transform_5, window_bounds = array<i64: 1, 128>}, {transform_indices = @transform_6, window_bounds = array<i64: 1000, 128>}]} {
    %get3A = arith.constant 0 : index
    %get3A_0 = arith.constant 0 : index
    %get3A_1 = vector.load %arg6[%get3A, %get3A_0] : memref<1x128xf32, #tpu.memory_space<vmem>>, vector<1x128xf32>
    %get3A_2 = arith.constant 0 : index
    %get3A_3 = arith.constant 0 : index
    %get3A_4 = vector.load %arg1[%get3A_2, %get3A_3] : memref<1000x96xf32, #tpu.memory_space<vmem>>, vector<1000x96xf32>
    %get3A_5 = arith.constant 0 : index
    %get3A_6 = arith.constant 0 : index
    %get3A_7 = vector.load %arg5[%get3A_5, %get3A_6] : memref<384x128xf32, #tpu.memory_space<vmem>>, vector<96x128xf32>
    %dot_general3A = arith.constant dense<0.000000e+00> : vector<1000x128xf32>
    %dot_general3A_8 = tpu.matmul %get3A_4, %get3A_7, %dot_general3A {dimension_numbers = #tpu.dot_dimension_numbers<[1], [0], [0], [1], [0, 0, 1, 1], [], []>, transpose_lhs_hint = false} : vector<1000x96xf32>, vector<96x128xf32>, vector<1000x128xf32> -> vector<1000x128xf32>
    %add3A = vector.broadcast %get3A_1 : vector<1x128xf32> to vector<1000x128xf32>
    %add3A_9 = arith.addf %add3A, %dot_general3A_8 : vector<1000x128xf32>
    %get3A_10 = arith.constant 0 : index
    %get3A_11 = arith.constant 0 : index
    %get3A_12 = vector.load %arg2[%get3A_10, %get3A_11] : memref<1000x96xf32, #tpu.memory_space<vmem>>, vector<1000x96xf32>
    %get3A_13 = arith.constant 96 : index
    %get3A_14 = arith.constant 0 : index
    %get3A_15 = vector.load %arg5[%get3A_13, %get3A_14] : memref<384x128xf32, #tpu.memory_space<vmem>>, vector<96x128xf32>
    %dot_general3A_16 = arith.constant dense<0.000000e+00> : vector<1000x128xf32>
    %dot_general3A_17 = tpu.matmul %get3A_12, %get3A_15, %dot_general3A_16 {dimension_numbers = #tpu.dot_dimension_numbers<[1], [0], [0], [1], [0, 0, 1, 1], [], []>, transpose_lhs_hint = false} : vector<1000x96xf32>, vector<96x128xf32>, vector<1000x128xf32> -> vector<1000x128xf32>
    %add3A_18 = arith.addf %add3A_9, %dot_general3A_17 : vector<1000x128xf32>
    %get3A_19 = arith.constant 0 : index
    %get3A_20 = arith.constant 0 : index
    %get3A_21 = vector.load %arg3[%get3A_19, %get3A_20] : memref<1000x96xf32, #tpu.memory_space<vmem>>, vector<1000x96xf32>
    %get3A_22 = arith.constant 192 : index
    %get3A_23 = arith.constant 0 : index
    %get3A_24 = vector.load %arg5[%get3A_22, %get3A_23] : memref<384x128xf32, #tpu.memory_space<vmem>>, vector<96x128xf32>
    %dot_general3A_25 = arith.constant dense<0.000000e+00> : vector<1000x128xf32>
    %dot_general3A_26 = tpu.matmul %get3A_21, %get3A_24, %dot_general3A_25 {dimension_numbers = #tpu.dot_dimension_numbers<[1], [0], [0], [1], [0, 0, 1, 1], [], []>, transpose_lhs_hint = false} : vector<1000x96xf32>, vector<96x128xf32>, vector<1000x128xf32> -> vector<1000x128xf32>
    %add3A_27 = arith.addf %add3A_18, %dot_general3A_26 : vector<1000x128xf32>
    %get3A_28 = arith.constant 0 : index
    %get3A_29 = arith.constant 0 : index
    %get3A_30 = vector.load %arg4[%get3A_28, %get3A_29] : memref<1000x96xf32, #tpu.memory_space<vmem>>, vector<1000x96xf32>
    %get3A_31 = arith.constant 288 : index
    %get3A_32 = arith.constant 0 : index
    %get3A_33 = vector.load %arg5[%get3A_31, %get3A_32] : memref<384x128xf32, #tpu.memory_space<vmem>>, vector<96x128xf32>
    %dot_general3A_34 = arith.constant dense<0.000000e+00> : vector<1000x128xf32>
    %dot_general3A_35 = tpu.matmul %get3A_30, %get3A_33, %dot_general3A_34 {dimension_numbers = #tpu.dot_dimension_numbers<[1], [0], [0], [1], [0, 0, 1, 1], [], []>, transpose_lhs_hint = false} : vector<1000x96xf32>, vector<96x128xf32>, vector<1000x128xf32> -> vector<1000x128xf32>
    %add3A_36 = arith.addf %add3A_27, %dot_general3A_35 : vector<1000x128xf32>
    %swap3A = arith.constant 0 : index
    %swap3A_37 = arith.constant 0 : index
    %swap3A_38 = vector.load %arg7[%swap3A, %swap3A_37] : memref<1000x128xf32, #tpu.memory_space<vmem>>, vector<1000x128xf32>
    tpu.vector_store %arg7[%swap3A, %swap3A_37], %add3A_36 {strides = array<i32>} : memref<1000x128xf32, #tpu.memory_space<vmem>>, vector<1000x128xf32>,
    return
  }
  func.func @transform_0(%arg0: i32) -> (i32, i32) {
    %c0_i32 = arith.constant 0 : i32
    %c0_i32_0 = arith.constant 0 : i32
    return %arg0, %c0_i32 : i32, i32
  }
  func.func @transform_1(%arg0: i32) -> (i32, i32) {
    %c0_i32 = arith.constant 0 : i32
    %c0_i32_0 = arith.constant 0 : i32
    return %arg0, %c0_i32 : i32, i32
  }
  func.func @transform_2(%arg0: i32) -> (i32, i32) {
    %c0_i32 = arith.constant 0 : i32
    %c0_i32_0 = arith.constant 0 : i32
    return %arg0, %c0_i32 : i32, i32
  }
  func.func @transform_3(%arg0: i32) -> (i32, i32) {
    %c0_i32 = arith.constant 0 : i32
    %c0_i32_0 = arith.constant 0 : i32
    return %arg0, %c0_i32 : i32, i32
  }
  func.func @transform_4(%arg0: i32) -> (i32, i32) {
    %c0_i32 = arith.constant 0 : i32
    %c0_i32_0 = arith.constant 0 : i32
    %c0_i32_1 = arith.constant 0 : i32
    return %c0_i32, %c0_i32_0 : i32, i32
  }
  func.func @transform_5(%arg0: i32) -> (i32, i32) {
    %c0_i32 = arith.constant 0 : i32
    %c0_i32_0 = arith.constant 0 : i32
    %c0_i32_1 = arith.constant 0 : i32
    return %c0_i32, %c0_i32_0 : i32, i32
  }
  func.func @transform_6(%arg0: i32) -> (i32, i32) {
    %c0_i32 = arith.constant 0 : i32
    %c0_i32_0 = arith.constant 0 : i32
    return %arg0, %c0_i32 : i32, i32
  }
}

</mosaic_0001>

<sc_bundles>
// kernel: kernel.12.cloned.1.call-start
scs
__scs_entry_jumppad:
0x0: {  	(pc) =	sbr.rel $0x88, $3  }
0x1: {  	(tag) =	ssettag $0x0;
	lr =	simm.s32 $0x1  }
0x2: {  	[smem:$0x3F99] =	sst lr;
	_ =	strace $0xD0000000  }
0x3: {  	_ = 	snop  }
0x4: {  	_ = 	snop  }
0x5: {  	_ = 	snop  }
0x6: {  	_ = 	snop  }
0x7: {  	_ = 	snop  }
__scs_overlays_trampoline_lowered:
0x8: {  	[smem:$0x3FA8] =	sst s0  }
0x9: {  	[smem:$0x3FA9] =	sst s1  }
0xa: {  	[smem:$0x3FAA] =	sst s2  }
0xb: {  	[smem:$0x3FAB] =	sst s3  }
0xc: {  	[smem:$0x3FAC] =	sst s4  }
0xd: {  	[smem:$0x3FAD] =	sst s5  }
0xe: {  	[smem:$0x3FAE] =	sst s6  }
0xf: {  	[smem:$0x3FAF] =	sst s7  }
0x10: {  	[smem:$0x3FB0] =	sst s8  }
0x11: {  	[smem:$0x3FB1] =	sst s9;
	s0 =	simm.s32 @!p0 $0x0  }
0x12: {  	s1 =	sld [smem:$0x3F97];
	s0 =	simm.s32 @p0 $0x1  }
0x13: {  	[smem:$0x3FB2] =	sst s0;
	s0 =	simm.s32 @!p1 $0x0  }
0x14: {  	s2 =	sld [smem:$0x3F96];
	s0 =	simm.s32 @p1 $0x1  }
0x15: {  	[smem:$0x3FB3] =	sst s0;
	s0 =	simm.s32 @!p2 $0x0  }
0x16: {  	s3 =	sld [smem:$0x3FDB];
	s0 =	simm.s32 @p2 $0x1  }
0x17: {  	s4 =	simm.s32 $0x1BF5;
	[smem:$0x3FB5] =	sst s0  }
0x18: {  	s0 =	sld [smem:$0x3F98];
	_ =	swait.ge [sflag:s4], $0x0  }
0x19: {  	s7 =	sld [smem:$0x3F99]  }
0x1a: {  	s8 =	sadd.s32 $0xFFFFE003, lr  }
0x1b: {  	s9 =	sadd.s32 $0xFFFFFEF7, lr;
	s5 =	simm.s32 $0xFFFFFFFF;
	p2 =	slt.u32 s8, $0xFFFFF086  }
0x1c: {  	p1 =	slt.u32 s9, $0xF7A;
	s5 =	simm.s32 @!p2 $0x0  }
0x1d: {  	s5 =	simm.s32 @p1 $0x1;
	p0 =	seq.s32 s7, s2  }
0x1e: {  	s7 =	smul.u32 @!p0 $0xF7A, s2;
	p2 =	seq.s32 @!p0 s5, $0x0  }
0x1f: {  	s9 =	smul.u32 $0xF7A, s1;
	s8 =	simm.s32 @!p0 $0x1BF5;
	p2 =	por !p2, p0  }
0x20: {  	[sflag:s8] =	ssyncset.s32 @!p0 $0xFFFFF086;
	s6 =	sadd.s32 @!p0 s3, s7;
	s7 =	simm.s32 @!p0 $0x108  }
0x21: {  	s3 =	sadd.s32 s3, s9;
	s6 =	sadd.s32 @!p0 $0x88, s6;
	s7 =	simm.s32 @p2 $0x1082  }
0x22: {  	[simem:s7], [sflag:s8] =	dma.local @!p0 [hbm:s6], $0xF7A  }
0x23: {  	s9 =	sor.u32 $0xD0000000, s2;
	s6 =	simm.s32 $0x108;
	_ =	swait.ge @!p0 [sflag:s8], $0x0  }
0x24: {  	s3 =	sadd.s32 $0x88, s3;
	s6 =	simm.s32 @!p1 $0x1082;
	[sflag:s4] =	ssyncset.s32 $0xFFFFF086  }
0x25: {  	[simem:s6], [sflag:s4] =	dma.local [hbm:s3], $0xF7A  }
0x26: {  	[smem:$0x3F99] =	sst s1;
	(tag) =	ssettag s2;
	_ =	strace s9  }
0x27: {  	s1 =	sld [smem:$0x3FA9]  }
0x28: {  	s2 =	sld [smem:$0x3FAA]  }
0x29: {  	s4 =	sld [smem:$0x3FAC]  }
0x2a: {  	p0 =	seq.s32 s5, $0x0;
	s5 =	sld [smem:$0x3FAD]  }
0x2b: {  	s6 =	sld [smem:$0x3FAE]  }
0x2c: {  	s7 =	sld [smem:$0x3FAF]  }
0x2d: {  	s3 =	simm.s32 $0x108;
	s8 =	sld [smem:$0x3FB0]  }
0x2e: {  	s3 =	simm.s32 @!p0 $0x1082;
	s9 =	sld [smem:$0x3FB1]  }
0x2f: {  	lr =	sadd.s32 s0, s3;
	s0 =	sld [smem:$0x3FA8]  }
0x30: {  	s3 =	sld [smem:$0x3FAB]  }
0x31: {  	[smem:$0x3FB4] =	sst s10  }
0x32: {  	s10 =	sld [smem:$0x3FB2];
	_ =	sdelay $0x3  }
0x33: {  	p0 =	seq.s32 s10, $0x1;
	s10 =	sld [smem:$0x3FB4];
	_ =	sdelay $0x3  }
0x34: {  	[smem:$0x3FB4] =	sst s10  }
0x35: {  	s10 =	sld [smem:$0x3FB3];
	_ =	sdelay $0x3  }
0x36: {  	p1 =	seq.s32 s10, $0x1;
	s10 =	sld [smem:$0x3FB4];
	_ =	sdelay $0x3  }
0x37: {  	[smem:$0x3FB4] =	sst s10  }
0x38: {  	s10 =	sld [smem:$0x3FB5]  }
0x39: {  	_ = 	snop;
	(pc) =	sbr.ind lr, $3  }
0x3a: {  	_ = 	snop  }
0x3b: {  	_ = 	snop  }
0x3c: {  	p2 =	seq.s32 s10, $0x1;
	s10 =	sld [smem:$0x3FB4]  }
0x3d: {  	_ =	shalt  }
0x3e: {  	_ =	shalt  }
0x3f: {  	_ =	shalt  }
0x40: {  	_ =	shalt  }
0x41: {  	_ =	shalt  }
0x42: {  	_ =	shalt  }
0x43: {  	_ =	shalt  }
0x44: {  	_ =	shalt  }
0x45: {  	_ =	shalt  }
0x46: {  	_ =	shalt  }
0x47: {  	_ =	shalt  }
0x48: {  	_ =	shalt  }
0x49: {  	_ =	shalt  }
0x4a: {  	_ =	shalt  }
0x4b: {  	_ =	shalt  }
0x4c: {  	_ =	shalt  }
0x4d: {  	_ =	shalt  }
0x4e: {  	_ =	shalt  }
0x4f: {  	_ =	shalt  }
0x50: {  	_ =	shalt  }
0x51: {  	_ =	shalt  }
0x52: {  	_ =	shalt  }
0x53: {  	_ =	shalt  }
0x54: {  	_ =	shalt  }
0x55: {  	_ =	shalt  }
0x56: {  	_ =	shalt  }
0x57: {  	_ =	shalt  }
0x58: {  	_ =	shalt  }
0x59: {  	_ =	shalt  }
0x5a: {  	_ =	shalt  }
0x5b: {  	_ =	shalt  }
0x5c: {  	_ =	shalt  }
0x5d: {  	_ =	shalt  }
0x5e: {  	_ =	shalt  }
0x5f: {  	_ =	shalt  }
0x60: {  	_ =	shalt  }
0x61: {  	_ =	shalt  }
0x62: {  	_ =	shalt  }
0x63: {  	_ =	shalt  }
0x64: {  	_ =	shalt  }
0x65: {  	_ =	shalt  }
0x66: {  	_ =	shalt  }
0x67: {  	_ =	shalt  }
0x68: {  	_ =	shalt  }
0x69: {  	_ =	shalt  }
0x6a: {  	_ =	shalt  }
0x6b: {  	_ =	shalt  }
0x6c: {  	_ =	shalt  }
0x6d: {  	_ =	shalt  }
0x6e: {  	_ =	shalt  }
0x6f: {  	_ =	shalt  }
0x70: {  	_ =	shalt  }
0x71: {  	_ =	shalt  }
0x72: {  	_ =	shalt  }
0x73: {  	_ =	shalt  }
0x74: {  	_ =	shalt  }
0x75: {  	_ =	shalt  }
0x76: {  	_ =	shalt  }
0x77: {  	_ =	shalt  }
0x78: {  	_ =	shalt  }
0x79: {  	_ =	shalt  }
0x7a: {  	_ =	shalt  }
0x7b: {  	_ =	shalt  }
0x7c: {  	_ =	shalt  }
0x7d: {  	_ =	shalt  }
0x7e: {  	_ =	shalt  }
0x7f: {  	_ =	shalt  }
0x80: {  	_ =	shalt  }
0x81: {  	_ =	shalt  }
0x82: {  	_ =	shalt  }
0x83: {  	_ =	shalt  }
0x84: {  	_ =	shalt  }
0x85: {  	_ =	shalt  }
0x86: {  	_ =	shalt  }
0x87: {  	_ =	shalt  }
.Lfunc_end0:
.L_simem_size_0:
called_computation_lowered:
.L_overlay_start_0:
0x88: {  	s2 =	sld [smem:$0x3FD9]  }
0x89: {  	s3 =	sld [smem:$0x3FFE];
	_ =	sdelay $0x1  }
0x8a: {  	s1 =	srdreg.scid  }
0x8b: {  	s0 =	sand.u32 $0x1, s1  }
0x8c: {  	s17 =	sshll.u32 s0, $0xA;
	s2 =	sadd.s32 s3, s2  }
0x8d: {  	s2 =	sadd.s32 s2, s17  }
0x8e: {  	[smem:$0x3FC0] =	sst s2  }
0x8f: {  	_ = 	snop  }
0x90: {  	s2 =	sld [smem:$0x3FD0];
	(tm) =	ssettm $0x1  }
0x91: {  	s18 =	sld [smem:$0x3FFB];
	_ =	sdelay $0x3  }
0x92: {  	_ =	strace s18  }
0x93: {  	s3 =	sld [smem:$0x3FFC];
	_ =	sdelay $0x3  }
0x94: {  	_ =	strace s3  }
0x95: {  	s3 =	sld [smem:$0x3FFD];
	_ =	sdelay $0x3  }
0x96: {  	_ =	strace s3  }
0x97: {  	_ =	strace $0x8FFFFFFF  }
0x98: {  	s19 =	sld [smem:$0x3FDB];
	_ =	sdelay $0x1  }
0x99: {  	s4 =	simm.s32 $_scs_section_size  }
0x9a: {  	s5 =	simm.s32 $_size__tile_overlayer_lowered;
	s6 =	simm.s32 $_tile_overlayer_lowered  }
0x9b: {  	s22 =	simm.s32 $0x1BFF;
	s21 =	sshll.u32 s6, $0x1;
	s3 =	sadd.s32 s4, s19  }
0x9c: {  	s7 =	simm.s32 $0x0;
	s20 =	sshll.u32 s5, $0x1;
	s5 =	sadd.s32 s21, s3  }
0x9d: {  	[timem:s7], [sflag:s22] =	dma.local [hbm:s5], s20  }
0x9e: {  	_ =	swait.ge [sflag:s22], s20  }
0x9f: {  	s4 =	ssub.s32 $0x0, s20;
	[sflag:s22] =	ssyncset.done $0x0  }
0xa0: {  	[sflag:s22] =	ssyncadd.s32 s4;
	_ =	sdelay $0x1  }
0xa1: {  	s23 =	simm.s32 $0x1B8B  }
0xa2: {  	_ =	swait.ge [sflag:s23], $0x1  }
0xa3: {  	[sflag:s23] =	ssyncset.done $0x0  }
0xa4: {  	s25 =	simm.s32 $0x1B8E;
	s24 =	sld [smem:$0x3FFE];
	[sflag:s23] =	ssyncadd.s32 $0xFFFFFFFF  }
0xa5: {  	s26 =	simm.s32 $execute0_lowered;
	[smem:$0x3FD2] =	sst s25  }
0xa6: {  	s5 =	sshll.u32 s26, $0x1;
	_ =	strace $0x80000046;
	[dreg:$0x1] =	wrdreg $0xFFFFFFFF  }
0xa7: {  	s28 =	simm.s32 $_size_execute0_lowered;
	s3 =	sadd.s32 s3, s5;
	[dreg:$0x0] =	wrdreg $0x0  }
0xa8: {  	s5 =	sshll.u32 s28, $0x1;
	[dreg:$0x2] =	wrdreg s3  }
0xa9: {  	[dreg:$0x3] =	wrdreg s5  }
0xaa: {  	[dreg:$0x4] =	wrdreg $0xC0  }
0xab: {  	_ =	task [dreg:s7], $0x5FFFF  }
0xac: {  	[dreg:$0x1] =	wrdreg $0xFFFFFFFF  }
0xad: {  	[dreg:$0x0] =	wrdreg $0x60  }
0xae: {  	[dreg:$0x2] =	wrdreg s24  }
0xaf: {  	[dreg:$0x3] =	wrdreg s2  }
0xb0: {  	[dreg:$0x4] =	wrdreg $0x9  }
0xb1: {  	_ =	task.clear_ibuf [dreg:s7], $0x5FFFF;
	_ =	strace $0x90000046  }
0xb2: {  	s29 =	simm.s32 $0x9;
	_ =	strace $0x80000048  }
0xb3: {  	_ =	swait.ge [sflag:s29], $0x1  }
0xb4: {  	[sflag:s29] =	ssyncadd.s32 $0xFFFFFFFF  }
0xb5: {  	_ =	strace $0x90000048  }
0xb6: {  	_ =	sfence  }
0xb7: {  	s30 =	sld [smem:$0x0];
	_ =	sdelay $0x2  }
0xb8: {  	s31 =	sshll.u32 s1, $0xD;
	s1 =	sshrl.u32 s1, $0x2  }
0xb9: {  	s3 =	sand.u32 $0x4000, s31;
	s1 =	sadd.s32 s1, s30  }
0xba: {  	s0 =	sor.u32 s3, s0;
	s1 =	sshll.u32 s1, $0x11  }
0xbb: {  	s0 =	sor.u32 s1, s0  }
0xbc: {  	s0 =	sadd.s32 $0x8F2B, s0  }
0xbd: {  	[sflag:s0] =	ssyncadd.remote.s32 $0x1  }
0xbe: {  	_ =	sfence.sel $0xFFFF  }
0xbf: {  	[dreg:$0x0] =	wrdreg $0xFFFFFFFF;
	(pc) =	sbr.abs _section_cstart, $3  }
0xc0: {  	[dreg:$0x1] =	wrdreg $0xFFFFFFFF  }
0xc1: {  	_ =	task.clear_ibuf [dreg:s7], $0x2FFFF;
	_ =	strace $0x9FFFFFFF  }
0xc2: {  	(tm) =	ssettm $0x7FFFFFFF  }
0xc3: {  	_ =	shalt  }
tec
execute0_lowered:
.L_overlay_start_1:
0x0: {  	(tag) =	ssettag $0x1  }
0x1: {  	s8 =	rddreg [dreg:$0x0]  }
0x2: {  	s9 =	rddreg [dreg:$0x1]  }
0x3: {  	s0 =	rddreg [dreg:$0x2];
	s2 =	simm.s32 $0x0;
	s4 =	srdreg.scid  }
0x4: {  	s1 =	stileid.u32;
	s14 =	simm.s32 $0x16F30;
	s15 =	simm.s32 $0xEA60  }
0x5: {  	s16 =	simm.s32 $0x0;
	[smem:$0x7FF] =	sst s2;
	s3 =	sadd.s32 $0xA400, s8  }
0x6: {  	v1 =	vimm.s32 $0x52741630;
	s10 =	sand.u32 $0x1, s4;
	s6 =	sshll.u32 s1, $0x1;
	s5 =	sadd.s32 $0x4F1400, s8  }
0x7: {  	v0 =	vlaneseq.u32;
	v3 =	vimm.s32 $0x74163052;
	s4 =	sadd.s32 $0x5400, s8;
	s7 =	sadd.s32 $0x280400, s8;
	s8 =	sadd.s32 $0x3600, s8  }
0x8: {  	v0 =	vmul.u32 $0x3, v0;
	v2 =	vunpack.c.l.s4.s8 v1;
	v1 =	vimm.s32 $0x63052741;
	_ =	strace $0x80000047;
	s6 =	sor.u32 s10, s6;
	s10 =	ssub.s32 $0x2, s10  }
0x9: {  	v6 =	vunpack.c.l.s4.s8 v3;
	v4 =	vunpack.c.l.s4.s8 v1;
	s11 =	smul.u32 $0xEA6, s6;
	s12 =	sshrl.u32 s10, $0x1;
	s13 =	ssub.s32 $0xE7, s6  }
0xa: {  	v1 =	vimm.f32 $0.0e+00;
	v2 =	vunpack.c.0.s8.s32 v2;
	v3 =	vadd.s32 $0x1, v0;
	s12 =	ssub.s32 s10, s12;
	s10 =	sshrl.u32 s13, $0x5;
	s13 =	simm.s32 $0x165D0  }
0xb: {  	v5 =	vadd.s32 $0x2, v0;
	v6 =	vunpack.c.0.s8.s32 v6;
	v4 =	vunpack.c.0.s8.s32 v4;
	s9 =	sadd.s32 s9, s11;
	s11 =	smax.u32 s12, $0x1;
	s12 =	simm.s32 $0x1  }
.LBB2_1:
0xc: {  	[tilespmem:s2], [sflag:$0x1] =	stream.linear.gather [hbm4b:s8+s2], $0xEA60, $0x38;
	[tilespmem:$0x17890] =	vst v63  }
0xd: {  	_ =	swait.ge [sflag:s12], $0xEA60  }
0xe: {  	[sflag:s12] =	ssyncset.done $0x0  }
0xf: {  	s17 =	simm.s32 $0x40;
	s18 =	simm.s32 $0x0;
	[sflag:s12] =	ssyncadd.s32 $0xFFFF15A0  }
.LBB2_2:
0x10: {  	p0 =	sne.s32 s17, $0x1D480;
	[tilespmem:s18+$0xEA60] =	vst v1;
	s18 =	smov.u32 s17;
	s17 =	sadd.s32 $0x40, s17  }
.Ltmp0:
0x11: {  	(pc) =	sbr.rel @p0 .LBB2_2-.Ltmp0, $2  }
0x12: {  	_ =	sdelay $0x2  }
0x13: {  	s18 =	sshra.s32 s18, $0x2  }
0x14: {  	[tilespmem:s18+$0xEA60] =	vst v1;
	s17 =	simm.s32 $0x0;
	s18 =	simm.s32 $0x0  }
.LBB2_4:
0x15: {  	s19 =	sshll.u32 s18, $0x5  }
0x16: {  	s21 =	sor.u32 s6, s19  }
0x17: {  	s19 =	smul.u32 $0x320, s21;
	_ =	sdelay $0x1  }
0x18: {  	s20 =	sshrl.u32 s19, $0x3  }
0x19: {  	s19 =	simm.s32 $0x15F90;
	s22 =	sadd.s32 s3, s20  }
0x1a: {  	[tilespmem:s19], [sflag:$0x1] =	stream.linear.gather [hbm4b:s22+s17], $0x320, $0x38;
	[tilespmem:$0x17890] =	vst v63  }
0x1b: {  	_ =	swait.ge [sflag:s12], $0x320  }
0x1c: {  	s21 =	smul.u32 $0x960, s21;
	[sflag:s12] =	ssyncset.done $0x0  }
0x1d: {  	s30 =	sadd.s32 s4, s20;
	s20 =	simm.s32 $0x162B0;
	[sflag:s12] =	ssyncadd.s32 $0xFFFFFCE0  }
0x1e: {  	[tilespmem:s20], [sflag:$0x1] =	stream.linear.gather [hbm4b:s30+s17], $0x320, $0x38;
	[tilespmem:$0x17890] =	vst v63  }
0x1f: {  	_ =	swait.ge [sflag:s12], $0x320  }
0x20: {  	s21 =	sshrl.u32 s21, $0x3;
	[sflag:s12] =	ssyncset.done $0x0  }
0x21: {  	s31 =	sadd.s32 s5, s21;
	[sflag:s12] =	ssyncadd.s32 $0xFFFFFCE0  }
0x22: {  	[tilespmem:s13], [sflag:$0x1] =	stream.linear.gather [hbm4b:s31+s17], $0x960, $0x38;
	[tilespmem:$0x17890] =	vst v63  }
0x23: {  	_ =	swait.ge [sflag:s12], $0x960  }
0x24: {  	[sflag:s12] =	ssyncset.done $0x0  }
0x25: {  	[sflag:s12] =	ssyncadd.s32 $0xFFFFF6A0  }
0x26: {  	v7 =	vld [tilespmem:s20+$0x0]  }
0x27: {  	v8 =	vld [tilespmem:s19+$0x0];
	_ =	sdelay $0x1  }
0x28: {  	v9 =	vmov s17  }
0x29: {  	v9 =	vmul.u32 $0x3, v9;
	_ =	sdelay $0x1  }
0x2a: {  	v9 =	vbroadcast v9, $0x0;
	v10 =	vmul.u32 $0x6, v7;
	v8 =	vmul.u32 $0x6, v8;
	_ =	sdelay $0x1  }
0x2b: {  	v12 =	vadd.s32 v0, v9;
	v11 =	vadd.s32 $0x3, v10  }
0x2c: {  	v12 =	vand.u32 $0xFFFFFFF8, v12  }
0x2d: {  	v12 =	vor.u32 v2, v12;
	_ =	sdelay $0x1  }
0x2e: {  	v13 =	vld.idx.msk [tilespmem:v8+s2+$0x0], $0xffff  }
0x2f: {  	v11 =	vld.idx.msk [tilespmem:v11+s2+$0x0], $0xffff;
	_ =	sdelay $0x1  }
0x30: {  	v14 =	vld.idx.msk [tilespmem:v12+s13+$0x0], $0xffff;
	_ =	sdelay $0x2  }
0x31: {  	v11 =	vadd.f32 v11, v13;
	_ =	sdelay $0x1  }
0x32: {  	v11 =	vadd.f32 v14, v11;
	_ =	sdelay $0x1  }
0x33: {  	v56 =	vmul.f32 $2.000000030e-01, v11  }
0x34: {  	vm0 =	vge.f32 v11, $0.0e+00  }
0x35: {  	v11 =	vsel vm0, v11, v56  }
0x36: {  	v11 =	vmul.f32 $1.442695020e+00, v11;
	_ =	sdelay $0x1  }
0x37: {  	(erf) = vpow2.f32 v11;
	_ =	sdelay $0x4  }
0x38: {  	v11 =	vmul.u32 $0x3, v7;
	_ =	sdelay $0x1  }
0x39: {  	v7 =	vor.u32 $0x1, v8  }
0x3a: {  	v57 =	vadd.s32 v3, v9;
	v58 =	vadd.s32 $0x4, v10  }
0x3b: {  	v13 =	vand.u32 $0xFFFFFFF8, v57;
	v15 =	vpop (erf)  }
0x3c: {  	v59 =	vor.u32 v4, v13;
	[tilespmem:v12+s14+$0x0] =	vst.idx.msk $0xffff, v15  }
0x3d: {  	[tilespmem:v11+s15+$0x0] =	vst.idx.add.f32.msk $0xffff, v15  }
0x3e: {  	v7 =	vld.idx.msk [tilespmem:v7+s2+$0x0], $0xffff  }
0x3f: {  	v60 =	vld.idx.msk [tilespmem:v58+s2+$0x0], $0xffff;
	_ =	sdelay $0x1  }
0x40: {  	v61 =	vld.idx.msk [tilespmem:v59+s13+$0x0], $0xffff;
	_ =	sdelay $0x2  }
0x41: {  	v7 =	vadd.f32 v60, v7;
	_ =	sdelay $0x1  }
0x42: {  	v7 =	vadd.f32 v61, v7;
	_ =	sdelay $0x1  }
0x43: {  	v62 =	vmul.f32 $2.000000030e-01, v7  }
0x44: {  	vm14 =	vge.f32 v7, $0.0e+00  }
0x45: {  	v7 =	vsel vm14, v7, v62  }
0x46: {  	v7 =	vmul.f32 $1.442695020e+00, v7;
	_ =	sdelay $0x1  }
0x47: {  	(erf) = vpow2.f32 v7;
	_ =	sdelay $0x5  }
0x48: {  	v63 =	vadd.s32 $0x1, v11  }
0x49: {  	v8 =	vadd.s32 $0x2, v8  }
0x4a: {  	v7 =	vadd.s32 v5, v9;
	v9 =	vadd.s32 $0x5, v10  }
0x4b: {  	v7 =	vand.u32 $0xFFFFFFF8, v7;
	v10 =	vpop (erf)  }
0x4c: {  	v7 =	vor.u32 v6, v7;
	[tilespmem:v59+s14+$0x0] =	vst.idx.msk $0xffff, v10  }
0x4d: {  	[tilespmem:v63+s15+$0x0] =	vst.idx.add.f32.msk $0xffff, v10  }
0x4e: {  	v8 =	vld.idx.msk [tilespmem:v8+s2+$0x0], $0xffff  }
0x4f: {  	v9 =	vld.idx.msk [tilespmem:v9+s2+$0x0], $0xffff;
	_ =	sdelay $0x1  }
0x50: {  	v10 =	vld.idx.msk [tilespmem:v7+s13+$0x0], $0xffff;
	_ =	sdelay $0x2  }
0x51: {  	v8 =	vadd.f32 v9, v8;
	_ =	sdelay $0x1  }
0x52: {  	v8 =	vadd.f32 v10, v8;
	_ =	sdelay $0x1  }
0x53: {  	v9 =	vmul.f32 $2.000000030e-01, v8  }
0x54: {  	vm15 =	vge.f32 v8, $0.0e+00  }
0x55: {  	v8 =	vsel vm15, v8, v9  }
0x56: {  	v8 =	vmul.f32 $1.442695020e+00, v8;
	_ =	sdelay $0x1  }
0x57: {  	(erf) = vpow2.f32 v8;
	_ =	sdelay $0x5  }
0x58: {  	s22 =	simm.s32 $0x10;
	v8 =	vadd.s32 $0x2, v11  }
.LBB2_5:
0x59: {  	_ = 	snop  }
0x5a: {  	p0 =	sne.s32 s22, $0x310;
	s19 =	sadd.s32 $0x10, s19;
	s20 =	sadd.s32 $0x10, s20  }
0x5b: {  	s23 =	smov.u32 s22;
	s22 =	sadd.s32 $0x10, s22;
	v9 =	vpop (erf)  }
0x5c: {  	[tilespmem:v7+s14+$0x0] =	vst.idx.msk $0xffff, v9  }
0x5d: {  	[tilespmem:v8+s15+$0x0] =	vst.idx.add.f32.msk $0xffff, v9  }
0x5e: {  	v7 =	vld [tilespmem:s20+$0x0]  }
0x5f: {  	v8 =	vld [tilespmem:s19+$0x0];
	_ =	sdelay $0x1  }
0x60: {  	v9 =	vmov s23  }
0x61: {  	v9 =	vmul.u32 $0x3, v9  }
0x62: {  	v10 =	vmul.u32 $0x6, v7  }
0x63: {  	v9 =	vbroadcast v9, $0x0;
	v8 =	vmul.u32 $0x6, v8  }
0x64: {  	v11 =	vadd.s32 $0x3, v10  }
0x65: {  	v12 =	vadd.s32 v0, v9;
	v13 =	vadd.s32 v3, v9;
	v9 =	vadd.s32 v5, v9  }
0x66: {  	v12 =	vand.u32 $0xFFFFFFF8, v12;
	v13 =	vand.u32 $0xFFFFFFF8, v13;
	v9 =	vand.u32 $0xFFFFFFF8, v9  }
0x67: {  	v12 =	vor.u32 v2, v12;
	_ =	sdelay $0x1  }
0x68: {  	v11 =	vld.idx.msk [tilespmem:v11+s2+$0x0], $0xffff  }
0x69: {  	v14 =	vld.idx.msk [tilespmem:v8+s2+$0x0], $0xffff;
	_ =	sdelay $0x1  }
0x6a: {  	v15 =	vld.idx.msk [tilespmem:v12+s13+$0x0], $0xffff;
	_ =	sdelay $0x3  }
0x6b: {  	v11 =	vadd.f32 v11, v14;
	_ =	sdelay $0x1  }
0x6c: {  	v11 =	vadd.f32 v15, v11;
	_ =	sdelay $0x1  }
0x6d: {  	v14 =	vmul.f32 $2.000000030e-01, v11  }
0x6e: {  	vm0 =	vge.f32 v11, $0.0e+00  }
0x6f: {  	v11 =	vsel vm0, v11, v14  }
0x70: {  	v11 =	vmul.f32 $1.442695020e+00, v11;
	_ =	sdelay $0x1  }
0x71: {  	(erf) = vpow2.f32 v11;
	_ =	sdelay $0x4  }
0x72: {  	v11 =	vmul.u32 $0x3, v7;
	_ =	sdelay $0x1  }
0x73: {  	v7 =	vor.u32 $0x1, v8  }
0x74: {  	v14 =	vadd.s32 $0x4, v10  }
0x75: {  	v15 =	vpop (erf)  }
0x76: {  	[tilespmem:v12+s14+$0x0] =	vst.idx.msk $0xffff, v15;
	v12 =	vor.u32 v4, v13  }
0x77: {  	[tilespmem:v11+s15+$0x0] =	vst.idx.add.f32.msk $0xffff, v15  }
0x78: {  	v7 =	vld.idx.msk [tilespmem:v7+s2+$0x0], $0xffff  }
0x79: {  	v13 =	vld.idx.msk [tilespmem:v14+s2+$0x0], $0xffff;
	_ =	sdelay $0x1  }
0x7a: {  	v14 =	vld.idx.msk [tilespmem:v12+s13+$0x0], $0xffff;
	_ =	sdelay $0x3  }
0x7b: {  	v7 =	vadd.f32 v13, v7;
	_ =	sdelay $0x1  }
0x7c: {  	v7 =	vadd.f32 v14, v7;
	_ =	sdelay $0x1  }
0x7d: {  	v13 =	vmul.f32 $2.000000030e-01, v7  }
0x7e: {  	vm0 =	vge.f32 v7, $0.0e+00  }
0x7f: {  	v7 =	vsel vm0, v7, v13  }
0x80: {  	v7 =	vmul.f32 $1.442695020e+00, v7;
	_ =	sdelay $0x1  }
0x81: {  	(erf) = vpow2.f32 v7;
	_ =	sdelay $0x5  }
0x82: {  	v13 =	vadd.s32 $0x1, v11  }
0x83: {  	v8 =	vadd.s32 $0x2, v8  }
0x84: {  	v10 =	vadd.s32 $0x5, v10  }
0x85: {  	v7 =	vor.u32 v6, v9;
	v9 =	vpop (erf)  }
0x86: {  	[tilespmem:v12+s14+$0x0] =	vst.idx.msk $0xffff, v9  }
0x87: {  	[tilespmem:v13+s15+$0x0] =	vst.idx.add.f32.msk $0xffff, v9  }
0x88: {  	v8 =	vld.idx.msk [tilespmem:v8+s2+$0x0], $0xffff  }
0x89: {  	v9 =	vld.idx.msk [tilespmem:v10+s2+$0x0], $0xffff  }
0x8a: {  	v10 =	vld.idx.msk [tilespmem:v7+s13+$0x0], $0xffff;
	_ =	sdelay $0x4  }
0x8b: {  	v8 =	vadd.f32 v9, v8;
	_ =	sdelay $0x1  }
0x8c: {  	v8 =	vadd.f32 v10, v8;
	_ =	sdelay $0x1  }
0x8d: {  	v9 =	vmul.f32 $2.000000030e-01, v8  }
0x8e: {  	vm0 =	vge.f32 v8, $0.0e+00  }
0x8f: {  	v8 =	vsel vm0, v8, v9  }
0x90: {  	v8 =	vmul.f32 $1.442695020e+00, v8;
	_ =	sdelay $0x1  }
0x91: {  	(erf) = vpow2.f32 v8;
	_ =	sdelay $0x1  }
.Ltmp1:
0x92: {  	(pc) =	sbr.rel @p0 .LBB2_5-.Ltmp1, $2  }
0x93: {  	_ =	sdelay $0x2  }
0x94: {  	v8 =	vadd.s32 $0x2, v11  }
0x95: {  	_ =	sdelay $0x2  }
0x96: {  	s18 =	sadd.s32 $0x1, s18;
	v9 =	vpop (erf)  }
0x97: {  	p0 =	sne.s32 s18, s10;
	[tilespmem:v7+s14+$0x0] =	vst.idx.msk $0xffff, v9  }
.Ltmp2:
0x98: {  	s19 =	sadd.s32 s7, s21;
	[tilespmem:v8+s15+$0x0] =	vst.idx.add.f32.msk $0xffff, v9;
	(pc) =	sbr.rel @p0 .LBB2_4-.Ltmp2, $4  }
0x99: {  	[hbm4b:s19+s2] =	stream.linear.scatter [tilespmem:s14], [sflag:$0x1], $0x960, $0x38;
	[tilespmem:$0x17890] =	vst v63  }
0x9a: {  	_ =	swait.ge [sflag:s12], $0x960  }
0x9b: {  	[sflag:s12] =	ssyncset.done $0x0  }
0x9c: {  	[sflag:s12] =	ssyncadd.s32 $0xFFFFF6A0  }
0x9d: {  	s16 =	sadd.s32 $0x1, s16  }
0x9e: {  	p0 =	sne.s32 s16, s11  }
.Ltmp3:
0x9f: {  	_ = 	snop;
	(pc) =	sbr.rel @p0 .LBB2_1-.Ltmp3, $4  }
0xa0: {  	[hbm4b:s9+s2] =	stream.linear.scatter [tilespmem:s15], [sflag:$0x1], $0x7530, $0x38;
	[tilespmem:$0x17890] =	vst v63  }
0xa1: {  	_ =	swait.ge [sflag:s12], $0x7530  }
0xa2: {  	[sflag:s12] =	ssyncset.done $0x0  }
0xa3: {  	[sflag:s12] =	ssyncadd.s32 $0xFFFF8AD0  }
0xa4: {  	_ =	sfence.sel $0x180000  }
0xa5: {  	[bflag:$0x0] =	sbarrier.arrive $0xFFFF  }
0xa6: {  	p0 =	sne.s32 s1, $0x0;
	_ =	strace $0x90000047  }
0xa7: {  	s0 =	sadd.s32 @!p0 $0x100000, s0;
	[bflag:$0x2] =	sbarrier.arrive $0xFFFF  }
0xa8: {  	[sflag:s0] =	ssyncadd.tile.s32 @!p0 $0x1;
	_ =	shalt  }
.Lfunc_end2:
_tile_overlayer_lowered:
.L_overlay_start_2:
0xa9: {  	(tag) =	ssettag $0x2  }
0xaa: {  	s0 =	rddreg [dreg:$0x0];
	s2 =	stileid.u32  }
0xab: {  	s1 =	rddreg [dreg:$0x1];
	p0 =	sne.s32 s2, $0x0  }
0xac: {  	s3 =	rddreg [dreg:$0x2];
	[bflag:$0x3] =	sbarrier.arrive $0xFFFF;
	s2 =	simm.s32 @!p0 $0x1C01  }
0xad: {  	[timem:s3], [sflag:s2] =	dma.local @!p0 [hbm:s0], s1  }
0xae: {  	s0 =	simm.s32 @!p0 $0x1  }
0xaf: {  	_ =	swait.ge @!p0 [sflag:s0], s1  }
0xb0: {  	s1 =	ssub.s32 @!p0 $0x0, s1;
	[sflag:s0] =	ssyncset.done @!p0 $0x0  }
0xb1: {  	[sflag:s0] =	ssyncadd.s32 @!p0 s1  }
0xb2: {  	[bflag:$0x3] =	sbarrier.arrive $0xFFFF  }
0xb3: {  	_ =	shalt  }

// kernel: kernel.15.cloned.1.call-start
scs
__scs_entry_jumppad:
0x0: {  	(pc) =	sbr.rel $0x88, $3  }
0x1: {  	(tag) =	ssettag $0x0;
	lr =	simm.s32 $0x1  }
0x2: {  	[smem:$0x3F99] =	sst lr;
	_ =	strace $0xD0000000  }
0x3: {  	_ = 	snop  }
0x4: {  	_ = 	snop  }
0x5: {  	_ = 	snop  }
0x6: {  	_ = 	snop  }
0x7: {  	_ = 	snop  }
__scs_overlays_trampoline_lowered:
0x8: {  	[smem:$0x3FA8] =	sst s0  }
0x9: {  	[smem:$0x3FA9] =	sst s1  }
0xa: {  	[smem:$0x3FAA] =	sst s2  }
0xb: {  	[smem:$0x3FAB] =	sst s3  }
0xc: {  	[smem:$0x3FAC] =	sst s4  }
0xd: {  	[smem:$0x3FAD] =	sst s5  }
0xe: {  	[smem:$0x3FAE] =	sst s6  }
0xf: {  	[smem:$0x3FAF] =	sst s7  }
0x10: {  	[smem:$0x3FB0] =	sst s8  }
0x11: {  	[smem:$0x3FB1] =	sst s9;
	s0 =	simm.s32 @!p0 $0x0  }
0x12: {  	s1 =	sld [smem:$0x3F97];
	s0 =	simm.s32 @p0 $0x1  }
0x13: {  	[smem:$0x3FB2] =	sst s0;
	s0 =	simm.s32 @!p1 $0x0  }
0x14: {  	s2 =	sld [smem:$0x3F96];
	s0 =	simm.s32 @p1 $0x1  }
0x15: {  	[smem:$0x3FB3] =	sst s0;
	s0 =	simm.s32 @!p2 $0x0  }
0x16: {  	s3 =	sld [smem:$0x3FDB];
	s0 =	simm.s32 @p2 $0x1  }
0x17: {  	s4 =	simm.s32 $0x1BF5;
	[smem:$0x3FB5] =	sst s0  }
0x18: {  	s0 =	sld [smem:$0x3F98];
	_ =	swait.ge [sflag:s4], $0x0  }
0x19: {  	s7 =	sld [smem:$0x3F99]  }
0x1a: {  	s8 =	sadd.s32 $0xFFFFE003, lr  }
0x1b: {  	s9 =	sadd.s32 $0xFFFFFEF7, lr;
	s5 =	simm.s32 $0xFFFFFFFF;
	p2 =	slt.u32 s8, $0xFFFFF086  }
0x1c: {  	p1 =	slt.u32 s9, $0xF7A;
	s5 =	simm.s32 @!p2 $0x0  }
0x1d: {  	s5 =	simm.s32 @p1 $0x1;
	p0 =	seq.s32 s7, s2  }
0x1e: {  	s7 =	smul.u32 @!p0 $0xF7A, s2;
	p2 =	seq.s32 @!p0 s5, $0x0  }
0x1f: {  	s9 =	smul.u32 $0xF7A, s1;
	s8 =	simm.s32 @!p0 $0x1BF5;
	p2 =	por !p2, p0  }
0x20: {  	[sflag:s8] =	ssyncset.s32 @!p0 $0xFFFFF086;
	s6 =	sadd.s32 @!p0 s3, s7;
	s7 =	simm.s32 @!p0 $0x108  }
0x21: {  	s3 =	sadd.s32 s3, s9;
	s6 =	sadd.s32 @!p0 $0x88, s6;
	s7 =	simm.s32 @p2 $0x1082  }
0x22: {  	[simem:s7], [sflag:s8] =	dma.local @!p0 [hbm:s6], $0xF7A  }
0x23: {  	s9 =	sor.u32 $0xD0000000, s2;
	s6 =	simm.s32 $0x108;
	_ =	swait.ge @!p0 [sflag:s8], $0x0  }
0x24: {  	s3 =	sadd.s32 $0x88, s3;
	s6 =	simm.s32 @!p1 $0x1082;
	[sflag:s4] =	ssyncset.s32 $0xFFFFF086  }
0x25: {  	[simem:s6], [sflag:s4] =	dma.local [hbm:s3], $0xF7A  }
0x26: {  	[smem:$0x3F99] =	sst s1;
	(tag) =	ssettag s2;
	_ =	strace s9  }
0x27: {  	s1 =	sld [smem:$0x3FA9]  }
0x28: {  	s2 =	sld [smem:$0x3FAA]  }
0x29: {  	s4 =	sld [smem:$0x3FAC]  }
0x2a: {  	p0 =	seq.s32 s5, $0x0;
	s5 =	sld [smem:$0x3FAD]  }
0x2b: {  	s6 =	sld [smem:$0x3FAE]  }
0x2c: {  	s7 =	sld [smem:$0x3FAF]  }
0x2d: {  	s3 =	simm.s32 $0x108;
	s8 =	sld [smem:$0x3FB0]  }
0x2e: {  	s3 =	simm.s32 @!p0 $0x1082;
	s9 =	sld [smem:$0x3FB1]  }
0x2f: {  	lr =	sadd.s32 s0, s3;
	s0 =	sld [smem:$0x3FA8]  }
0x30: {  	s3 =	sld [smem:$0x3FAB]  }
0x31: {  	[smem:$0x3FB4] =	sst s10  }
0x32: {  	s10 =	sld [smem:$0x3FB2];
	_ =	sdelay $0x3  }
0x33: {  	p0 =	seq.s32 s10, $0x1;
	s10 =	sld [smem:$0x3FB4];
	_ =	sdelay $0x3  }
0x34: {  	[smem:$0x3FB4] =	sst s10  }
0x35: {  	s10 =	sld [smem:$0x3FB3];
	_ =	sdelay $0x3  }
0x36: {  	p1 =	seq.s32 s10, $0x1;
	s10 =	sld [smem:$0x3FB4];
	_ =	sdelay $0x3  }
0x37: {  	[smem:$0x3FB4] =	sst s10  }
0x38: {  	s10 =	sld [smem:$0x3FB5]  }
0x39: {  	_ = 	snop;
	(pc) =	sbr.ind lr, $3  }
0x3a: {  	_ = 	snop  }
0x3b: {  	_ = 	snop  }
0x3c: {  	p2 =	seq.s32 s10, $0x1;
	s10 =	sld [smem:$0x3FB4]  }
0x3d: {  	_ =	shalt  }
0x3e: {  	_ =	shalt  }
0x3f: {  	_ =	shalt  }
0x40: {  	_ =	shalt  }
0x41: {  	_ =	shalt  }
0x42: {  	_ =	shalt  }
0x43: {  	_ =	shalt  }
0x44: {  	_ =	shalt  }
0x45: {  	_ =	shalt  }
0x46: {  	_ =	shalt  }
0x47: {  	_ =	shalt  }
0x48: {  	_ =	shalt  }
0x49: {  	_ =	shalt  }
0x4a: {  	_ =	shalt  }
0x4b: {  	_ =	shalt  }
0x4c: {  	_ =	shalt  }
0x4d: {  	_ =	shalt  }
0x4e: {  	_ =	shalt  }
0x4f: {  	_ =	shalt  }
0x50: {  	_ =	shalt  }
0x51: {  	_ =	shalt  }
0x52: {  	_ =	shalt  }
0x53: {  	_ =	shalt  }
0x54: {  	_ =	shalt  }
0x55: {  	_ =	shalt  }
0x56: {  	_ =	shalt  }
0x57: {  	_ =	shalt  }
0x58: {  	_ =	shalt  }
0x59: {  	_ =	shalt  }
0x5a: {  	_ =	shalt  }
0x5b: {  	_ =	shalt  }
0x5c: {  	_ =	shalt  }
0x5d: {  	_ =	shalt  }
0x5e: {  	_ =	shalt  }
0x5f: {  	_ =	shalt  }
0x60: {  	_ =	shalt  }
0x61: {  	_ =	shalt  }
0x62: {  	_ =	shalt  }
0x63: {  	_ =	shalt  }
0x64: {  	_ =	shalt  }
0x65: {  	_ =	shalt  }
0x66: {  	_ =	shalt  }
0x67: {  	_ =	shalt  }
0x68: {  	_ =	shalt  }
0x69: {  	_ =	shalt  }
0x6a: {  	_ =	shalt  }
0x6b: {  	_ =	shalt  }
0x6c: {  	_ =	shalt  }
0x6d: {  	_ =	shalt  }
0x6e: {  	_ =	shalt  }
0x6f: {  	_ =	shalt  }
0x70: {  	_ =	shalt  }
0x71: {  	_ =	shalt  }
0x72: {  	_ =	shalt  }
0x73: {  	_ =	shalt  }
0x74: {  	_ =	shalt  }
0x75: {  	_ =	shalt  }
0x76: {  	_ =	shalt  }
0x77: {  	_ =	shalt  }
0x78: {  	_ =	shalt  }
0x79: {  	_ =	shalt  }
0x7a: {  	_ =	shalt  }
0x7b: {  	_ =	shalt  }
0x7c: {  	_ =	shalt  }
0x7d: {  	_ =	shalt  }
0x7e: {  	_ =	shalt  }
0x7f: {  	_ =	shalt  }
0x80: {  	_ =	shalt  }
0x81: {  	_ =	shalt  }
0x82: {  	_ =	shalt  }
0x83: {  	_ =	shalt  }
0x84: {  	_ =	shalt  }
0x85: {  	_ =	shalt  }
0x86: {  	_ =	shalt  }
0x87: {  	_ =	shalt  }
.Lfunc_end0:
.L_simem_size_0:
called_computation.1_lowered:
.L_overlay_start_0:
0x88: {  	s2 =	sld [smem:$0x3FD9]  }
0x89: {  	s3 =	sld [smem:$0x3FFE];
	_ =	sdelay $0x1  }
0x8a: {  	s1 =	srdreg.scid  }
0x8b: {  	s0 =	sand.u32 $0x1, s1  }
0x8c: {  	s16 =	sshll.u32 s0, $0xA;
	s2 =	sadd.s32 s3, s2  }
0x8d: {  	s2 =	sadd.s32 s2, s16  }
0x8e: {  	[smem:$0x3FC0] =	sst s2  }
0x8f: {  	_ = 	snop  }
0x90: {  	(tm) =	ssettm $0x1  }
0x91: {  	s17 =	sld [smem:$0x3FFB];
	_ =	sdelay $0x3  }
0x92: {  	_ =	strace s17  }
0x93: {  	s2 =	sld [smem:$0x3FFC];
	_ =	sdelay $0x3  }
0x94: {  	_ =	strace s2  }
0x95: {  	s2 =	sld [smem:$0x3FFD];
	_ =	sdelay $0x3  }
0x96: {  	_ =	strace s2  }
0x97: {  	_ =	strace $0x8FFFFFFF  }
0x98: {  	s18 =	sld [smem:$0x3FDB];
	_ =	sdelay $0x1  }
0x99: {  	s19 =	simm.s32 $_scs_section_size  }
0x9a: {  	s4 =	simm.s32 $_size__tile_overlayer_lowered;
	s5 =	simm.s32 $_tile_overlayer_lowered  }
0x9b: {  	s22 =	simm.s32 $0x1BFF;
	s21 =	sshll.u32 s5, $0x1;
	s2 =	sadd.s32 s19, s18  }
0x9c: {  	s6 =	simm.s32 $0x0;
	s20 =	sshll.u32 s4, $0x1;
	s4 =	sadd.s32 s21, s2  }
0x9d: {  	[timem:s6], [sflag:s22] =	dma.local [hbm:s4], s20  }
0x9e: {  	_ =	swait.ge [sflag:s22], s20  }
0x9f: {  	s3 =	ssub.s32 $0x0, s20;
	[sflag:s22] =	ssyncset.done $0x0  }
0xa0: {  	[sflag:s22] =	ssyncadd.s32 s3;
	_ =	sdelay $0x1  }
0xa1: {  	s23 =	simm.s32 $0x1B8B  }
0xa2: {  	_ =	swait.ge [sflag:s23], $0x1  }
0xa3: {  	[sflag:s23] =	ssyncset.done $0x0  }
0xa4: {  	s25 =	simm.s32 $0x1B8E;
	s24 =	sld [smem:$0x3FFE];
	[sflag:s23] =	ssyncadd.s32 $0xFFFFFFFF  }
0xa5: {  	s26 =	simm.s32 $execute0_lowered;
	[smem:$0x3FD2] =	sst s25  }
0xa6: {  	s4 =	sshll.u32 s26, $0x1;
	_ =	strace $0x80000049;
	[dreg:$0x1] =	wrdreg $0xFFFFFFFF  }
0xa7: {  	s28 =	simm.s32 $_size_execute0_lowered;
	s2 =	sadd.s32 s2, s4;
	[dreg:$0x0] =	wrdreg $0x0  }
0xa8: {  	s4 =	sshll.u32 s28, $0x1;
	[dreg:$0x2] =	wrdreg s2  }
0xa9: {  	[dreg:$0x3] =	wrdreg s4  }
0xaa: {  	[dreg:$0x4] =	wrdreg $0xC0  }
0xab: {  	_ =	task [dreg:s6], $0x5FFFF  }
0xac: {  	[dreg:$0x1] =	wrdreg $0xFFFFFFFF  }
0xad: {  	[dreg:$0x0] =	wrdreg $0x60  }
0xae: {  	[dreg:$0x2] =	wrdreg s24  }
0xaf: {  	[dreg:$0x3] =	wrdreg $0x9  }
0xb0: {  	_ =	task.clear_ibuf [dreg:s6], $0x4FFFF;
	_ =	strace $0x90000049  }
0xb1: {  	s29 =	simm.s32 $0x9;
	_ =	strace $0x8000004B  }
0xb2: {  	_ =	swait.ge [sflag:s29], $0x1  }
0xb3: {  	[sflag:s29] =	ssyncadd.s32 $0xFFFFFFFF  }
0xb4: {  	_ =	strace $0x9000004B  }
0xb5: {  	_ =	sfence  }
0xb6: {  	s30 =	sld [smem:$0x0];
	_ =	sdelay $0x2  }
0xb7: {  	s31 =	sshll.u32 s1, $0xD;
	s1 =	sshrl.u32 s1, $0x2  }
0xb8: {  	s3 =	sand.u32 $0x4000, s31;
	s1 =	sadd.s32 s1, s30  }
0xb9: {  	s0 =	sor.u32 s3, s0;
	s1 =	sshll.u32 s1, $0x11  }
0xba: {  	s0 =	sor.u32 s1, s0  }
0xbb: {  	s0 =	sadd.s32 $0x8F2B, s0  }
0xbc: {  	[sflag:s0] =	ssyncadd.remote.s32 $0x1  }
0xbd: {  	_ =	sfence.sel $0xFFFF  }
0xbe: {  	[dreg:$0x0] =	wrdreg $0xFFFFFFFF;
	(pc) =	sbr.abs _section_cstart, $3  }
0xbf: {  	[dreg:$0x1] =	wrdreg $0xFFFFFFFF  }
0xc0: {  	_ =	task.clear_ibuf [dreg:s6], $0x2FFFF;
	_ =	strace $0x9FFFFFFF  }
0xc1: {  	(tm) =	ssettm $0x7FFFFFFF  }
tec
execute0_lowered:
.L_overlay_start_1:
0x0: {  	(tag) =	ssettag $0x1  }
0x1: {  	s7 =	rddreg [dreg:$0x0]  }
0x2: {  	s0 =	rddreg [dreg:$0x1];
	s1 =	simm.s32 $0x0  }
0x3: {  	s4 =	srdreg.scid;
	s2 =	stileid.u32;
	s11 =	simm.s32 $0x7850  }
0x4: {  	v1 =	vimm.s32 $0x52741630;
	s12 =	simm.s32 $0x81B0;
	s13 =	simm.s32 $0x0;
	[smem:$0x7FF] =	sst s1  }
0x5: {  	v0 =	vlaneseq.u32;
	v2 =	vimm.s32 $0x63052741;
	s3 =	sadd.s32 $0x5400, s7;
	s6 =	sand.u32 $0x1, s4;
	s4 =	sadd.s32 $0x280400, s7  }
0x6: {  	v3 =	vimm.s32 $0x74163052;
	s9 =	sshll.u32 s2, $0x1;
	v0 =	vmul.u32 $0x3, v0;
	s5 =	sadd.s32 $0x3600, s7;
	v1 =	vunpack.c.l.s4.s8 v1;
	s8 =	ssub.s32 $0x2, s6  }
0x7: {  	s7 =	sadd.s32 $0x28F000, s7;
	v4 =	vunpack.c.l.s4.s8 v2;
	v5 =	vunpack.c.l.s4.s8 v3;
	s6 =	sor.u32 s9, s6;
	s10 =	sshrl.u32 s8, $0x1  }
0x8: {  	_ =	strace $0x8000004A;
	s31 =	ssub.s32 $0xE7, s6;
	v1 =	vunpack.c.0.s8.s32 v1;
	v2 =	vadd.s32 $0x1, v0;
	s30 =	ssub.s32 s8, s10  }
0x9: {  	v3 =	vunpack.c.0.s8.s32 v4;
	v4 =	vadd.s32 $0x2, v0;
	v5 =	vunpack.c.0.s8.s32 v5;
	s8 =	sshrl.u32 s31, $0x5;
	s10 =	simm.s32 $0x1;
	s9 =	smax.u32 s30, $0x1  }
.LBB2_1:
0xa: {  	[tilespmem:s1], [sflag:$0x1] =	stream.linear.gather [hbm4b:s5+s1], $0x7530, $0x38;
	[tilespmem:$0x8B10] =	vst v63  }
0xb: {  	_ =	swait.ge [sflag:s10], $0x7530  }
0xc: {  	[sflag:s10] =	ssyncset.done $0x0  }
0xd: {  	s14 =	simm.s32 $0x0;
	[sflag:s10] =	ssyncadd.s32 $0xFFFF8AD0  }
.LBB2_2:
0xe: {  	s15 =	sshll.u32 s14, $0x5  }
0xf: {  	s16 =	sor.u32 s6, s15  }
0x10: {  	s15 =	smul.u32 $0x320, s16;
	_ =	sdelay $0x1  }
0x11: {  	s18 =	simm.s32 $0x0;
	s15 =	sshrl.u32 s15, $0x3  }
0x12: {  	s16 =	smul.u32 $0x960, s16;
	s17 =	sadd.s32 s3, s15;
	s15 =	simm.s32 $0x7530  }
0x13: {  	[tilespmem:s15], [sflag:$0x1] =	stream.linear.gather [hbm4b:s17+s18], $0x320, $0x38;
	[tilespmem:$0x8B10] =	vst v63  }
0x14: {  	_ =	swait.ge [sflag:s10], $0x320  }
0x15: {  	s16 =	sshrl.u32 s16, $0x3;
	[sflag:s10] =	ssyncset.done $0x0  }
0x16: {  	s31 =	sadd.s32 s4, s16;
	[sflag:s10] =	ssyncadd.s32 $0xFFFFFCE0  }
0x17: {  	[tilespmem:s11], [sflag:$0x1] =	stream.linear.gather [hbm4b:s31+s18], $0x960, $0x38;
	[tilespmem:$0x8B10] =	vst v63  }
0x18: {  	_ =	swait.ge [sflag:s10], $0x960  }
0x19: {  	v6 =	vmov s18;
	[sflag:s10] =	ssyncset.done $0x0  }
0x1a: {  	v6 =	vmul.u32 $0x3, v6;
	[sflag:s10] =	ssyncadd.s32 $0xFFFFF6A0  }
0x1b: {  	v7 =	vld [tilespmem:s15+$0x0]  }
0x1c: {  	v6 =	vbroadcast v6, $0x0;
	_ =	sdelay $0x1  }
0x1d: {  	v8 =	vadd.s32 v0, v6  }
0x1e: {  	v8 =	vand.u32 $0xFFFFFFF8, v8  }
0x1f: {  	v8 =	vor.u32 v1, v8;
	v7 =	vmul.u32 $0x3, v7;
	_ =	sdelay $0x4  }
0x20: {  	v9 =	vld.idx.msk [tilespmem:v8+s11+$0x0], $0xffff  }
0x21: {  	v10 =	vld.idx.msk [tilespmem:v7+s1+$0x0], $0xffff  }
0x22: {  	v11 =	vadd.s32 v2, v6  }
0x23: {  	v11 =	vand.u32 $0xFFFFFFF8, v11  }
0x24: {  	v11 =	vor.u32 v3, v11  }
0x25: {  	v12 =	vadd.s32 $0x1, v7  }
0x26: {  	v9 =	vmul.f32 v10, v9;
	_ =	sdelay $0x1  }
0x27: {  	[tilespmem:v8+s12+$0x0] =	vst.idx.msk $0xffff, v9  }
0x28: {  	v8 =	vld.idx.msk [tilespmem:v11+s11+$0x0], $0xffff  }
0x29: {  	v9 =	vld.idx.msk [tilespmem:v12+s1+$0x0], $0xffff  }
0x2a: {  	v6 =	vadd.s32 v4, v6  }
0x2b: {  	v6 =	vand.u32 $0xFFFFFFF8, v6  }
0x2c: {  	v6 =	vor.u32 v5, v6  }
0x2d: {  	v10 =	vadd.s32 $0x2, v7  }
0x2e: {  	v7 =	vmul.f32 v9, v8;
	_ =	sdelay $0x1  }
0x2f: {  	[tilespmem:v11+s12+$0x0] =	vst.idx.msk $0xffff, v7  }
0x30: {  	v7 =	vld.idx.msk [tilespmem:v6+s11+$0x0], $0xffff  }
0x31: {  	s17 =	simm.s32 $0x10;
	v8 =	vld.idx.msk [tilespmem:v10+s1+$0x0], $0xffff  }
.LBB2_3:
0x32: {  	_ =	sdelay $0x1  }
0x33: {  	p0 =	sne.s32 s17, $0x310  }
0x34: {  	s15 =	sadd.s32 $0x10, s15;
	s18 =	smov.u32 s17;
	s17 =	sadd.s32 $0x10, s17  }
0x35: {  	v7 =	vmul.f32 v8, v7  }
0x36: {  	v8 =	vmov s18  }
0x37: {  	v8 =	vmul.u32 $0x3, v8;
	[tilespmem:v6+s12+$0x0] =	vst.idx.msk $0xffff, v7  }
0x38: {  	v6 =	vld [tilespmem:s15+$0x0]  }
0x39: {  	v7 =	vbroadcast v8, $0x0;
	_ =	sdelay $0x1  }
0x3a: {  	v8 =	vadd.s32 v0, v7;
	v9 =	vadd.s32 v2, v7;
	v7 =	vadd.s32 v4, v7  }
0x3b: {  	v8 =	vand.u32 $0xFFFFFFF8, v8;
	v9 =	vand.u32 $0xFFFFFFF8, v9;
	v7 =	vand.u32 $0xFFFFFFF8, v7  }
0x3c: {  	v8 =	vor.u32 v1, v8;
	v10 =	vmul.u32 $0x3, v6;
	_ =	sdelay $0x4  }
0x3d: {  	v6 =	vld.idx.msk [tilespmem:v8+s11+$0x0], $0xffff  }
0x3e: {  	v11 =	vld.idx.msk [tilespmem:v10+s1+$0x0], $0xffff;
	_ =	sdelay $0x3  }
0x3f: {  	v9 =	vor.u32 v3, v9  }
0x40: {  	v12 =	vadd.s32 $0x1, v10  }
0x41: {  	v6 =	vmul.f32 v11, v6;
	_ =	sdelay $0x1  }
0x42: {  	[tilespmem:v8+s12+$0x0] =	vst.idx.msk $0xffff, v6  }
0x43: {  	v8 =	vld.idx.msk [tilespmem:v9+s11+$0x0], $0xffff  }
0x44: {  	v11 =	vld.idx.msk [tilespmem:v12+s1+$0x0], $0xffff;
	_ =	sdelay $0x3  }
0x45: {  	v10 =	vadd.s32 $0x2, v10;
	v6 =	vor.u32 v5, v7;
	_ =	sdelay $0x1  }
.Ltmp0:
0x46: {  	v7 =	vmul.f32 v11, v8;
	(pc) =	sbr.rel @p0 .LBB2_3-.Ltmp0, $4  }
0x47: {  	_ = 	snop  }
0x48: {  	[tilespmem:v9+s12+$0x0] =	vst.idx.msk $0xffff, v7  }
0x49: {  	v7 =	vld.idx.msk [tilespmem:v6+s11+$0x0], $0xffff  }
0x4a: {  	v8 =	vld.idx.msk [tilespmem:v10+s1+$0x0], $0xffff  }
0x4b: {  	_ =	sdelay $0x3  }
0x4c: {  	s14 =	sadd.s32 $0x1, s14;
	v7 =	vmul.f32 v8, v7  }
0x4d: {  	p0 =	sne.s32 s14, s8  }
.Ltmp1:
0x4e: {  	s15 =	sadd.s32 s7, s16;
	[tilespmem:v6+s12+$0x0] =	vst.idx.msk $0xffff, v7;
	(pc) =	sbr.rel @p0 .LBB2_2-.Ltmp1, $4  }
0x4f: {  	[hbm4b:s15+s1] =	stream.linear.scatter [tilespmem:s12], [sflag:$0x1], $0x960, $0x38;
	[tilespmem:$0x8B10] =	vst v63  }
0x50: {  	_ =	swait.ge [sflag:s10], $0x960  }
0x51: {  	[sflag:s10] =	ssyncset.done $0x0  }
0x52: {  	[sflag:s10] =	ssyncadd.s32 $0xFFFFF6A0  }
0x53: {  	s13 =	sadd.s32 $0x1, s13  }
0x54: {  	p0 =	sne.s32 s13, s9  }
.Ltmp2:
0x55: {  	_ = 	snop;
	(pc) =	sbr.rel @p0 .LBB2_1-.Ltmp2, $1  }
0x56: {  	_ =	sdelay $0x3  }
0x57: {  	_ =	sfence.sel $0x180000  }
0x58: {  	[bflag:$0x0] =	sbarrier.arrive $0xFFFF  }
0x59: {  	p0 =	sne.s32 s2, $0x0;
	_ =	strace $0x9000004A  }
0x5a: {  	s0 =	sadd.s32 @!p0 $0x100000, s0;
	[bflag:$0x2] =	sbarrier.arrive $0xFFFF  }
0x5b: {  	[sflag:s0] =	ssyncadd.tile.s32 @!p0 $0x1;
	_ =	shalt  }
.Lfunc_end2:
_tile_overlayer_lowered:
.L_overlay_start_2:
0x5c: {  	(tag) =	ssettag $0x2  }
0x5d: {  	s0 =	rddreg [dreg:$0x0];
	s2 =	stileid.u32  }
0x5e: {  	s1 =	rddreg [dreg:$0x1];
	p0 =	sne.s32 s2, $0x0  }
0x5f: {  	s3 =	rddreg [dreg:$0x2];
	[bflag:$0x3] =	sbarrier.arrive $0xFFFF;
	s2 =	simm.s32 @!p0 $0x1C01  }
0x60: {  	[timem:s3], [sflag:s2] =	dma.local @!p0 [hbm:s0], s1  }
0x61: {  	s0 =	simm.s32 @!p0 $0x1  }
0x62: {  	_ =	swait.ge @!p0 [sflag:s0], s1  }
0x63: {  	s1 =	ssub.s32 @!p0 $0x0, s1;
	[sflag:s0] =	ssyncset.done @!p0 $0x0  }
0x64: {  	[sflag:s0] =	ssyncadd.s32 @!p0 s1  }
0x65: {  	[bflag:$0x3] =	sbarrier.arrive $0xFFFF  }
0x66: {  	_ =	shalt  }

// kernel: kernel.18.cloned.1.call-start
scs
__scs_entry_jumppad:
0x0: {  	(pc) =	sbr.rel $0x88, $3  }
0x1: {  	(tag) =	ssettag $0x0;
	lr =	simm.s32 $0x1  }
0x2: {  	[smem:$0x3F99] =	sst lr;
	_ =	strace $0xD0000000  }
0x3: {  	_ = 	snop  }
0x4: {  	_ = 	snop  }
0x5: {  	_ = 	snop  }
0x6: {  	_ = 	snop  }
0x7: {  	_ = 	snop  }
__scs_overlays_trampoline_lowered:
0x8: {  	[smem:$0x3FA8] =	sst s0  }
0x9: {  	[smem:$0x3FA9] =	sst s1  }
0xa: {  	[smem:$0x3FAA] =	sst s2  }
0xb: {  	[smem:$0x3FAB] =	sst s3  }
0xc: {  	[smem:$0x3FAC] =	sst s4  }
0xd: {  	[smem:$0x3FAD] =	sst s5  }
0xe: {  	[smem:$0x3FAE] =	sst s6  }
0xf: {  	[smem:$0x3FAF] =	sst s7  }
0x10: {  	[smem:$0x3FB0] =	sst s8  }
0x11: {  	[smem:$0x3FB1] =	sst s9;
	s0 =	simm.s32 @!p0 $0x0  }
0x12: {  	s1 =	sld [smem:$0x3F97];
	s0 =	simm.s32 @p0 $0x1  }
0x13: {  	[smem:$0x3FB2] =	sst s0;
	s0 =	simm.s32 @!p1 $0x0  }
0x14: {  	s2 =	sld [smem:$0x3F96];
	s0 =	simm.s32 @p1 $0x1  }
0x15: {  	[smem:$0x3FB3] =	sst s0;
	s0 =	simm.s32 @!p2 $0x0  }
0x16: {  	s3 =	sld [smem:$0x3FDB];
	s0 =	simm.s32 @p2 $0x1  }
0x17: {  	s4 =	simm.s32 $0x1BF5;
	[smem:$0x3FB5] =	sst s0  }
0x18: {  	s0 =	sld [smem:$0x3F98];
	_ =	swait.ge [sflag:s4], $0x0  }
0x19: {  	s7 =	sld [smem:$0x3F99]  }
0x1a: {  	s8 =	sadd.s32 $0xFFFFE003, lr  }
0x1b: {  	s9 =	sadd.s32 $0xFFFFFEF7, lr;
	s5 =	simm.s32 $0xFFFFFFFF;
	p2 =	slt.u32 s8, $0xFFFFF086  }
0x1c: {  	p1 =	slt.u32 s9, $0xF7A;
	s5 =	simm.s32 @!p2 $0x0  }
0x1d: {  	s5 =	simm.s32 @p1 $0x1;
	p0 =	seq.s32 s7, s2  }
0x1e: {  	s7 =	smul.u32 @!p0 $0xF7A, s2;
	p2 =	seq.s32 @!p0 s5, $0x0  }
0x1f: {  	s9 =	smul.u32 $0xF7A, s1;
	s8 =	simm.s32 @!p0 $0x1BF5;
	p2 =	por !p2, p0  }
0x20: {  	[sflag:s8] =	ssyncset.s32 @!p0 $0xFFFFF086;
	s6 =	sadd.s32 @!p0 s3, s7;
	s7 =	simm.s32 @!p0 $0x108  }
0x21: {  	s3 =	sadd.s32 s3, s9;
	s6 =	sadd.s32 @!p0 $0x88, s6;
	s7 =	simm.s32 @p2 $0x1082  }
0x22: {  	[simem:s7], [sflag:s8] =	dma.local @!p0 [hbm:s6], $0xF7A  }
0x23: {  	s9 =	sor.u32 $0xD0000000, s2;
	s6 =	simm.s32 $0x108;
	_ =	swait.ge @!p0 [sflag:s8], $0x0  }
0x24: {  	s3 =	sadd.s32 $0x88, s3;
	s6 =	simm.s32 @!p1 $0x1082;
	[sflag:s4] =	ssyncset.s32 $0xFFFFF086  }
0x25: {  	[simem:s6], [sflag:s4] =	dma.local [hbm:s3], $0xF7A  }
0x26: {  	[smem:$0x3F99] =	sst s1;
	(tag) =	ssettag s2;
	_ =	strace s9  }
0x27: {  	s1 =	sld [smem:$0x3FA9]  }
0x28: {  	s2 =	sld [smem:$0x3FAA]  }
0x29: {  	s4 =	sld [smem:$0x3FAC]  }
0x2a: {  	p0 =	seq.s32 s5, $0x0;
	s5 =	sld [smem:$0x3FAD]  }
0x2b: {  	s6 =	sld [smem:$0x3FAE]  }
0x2c: {  	s7 =	sld [smem:$0x3FAF]  }
0x2d: {  	s3 =	simm.s32 $0x108;
	s8 =	sld [smem:$0x3FB0]  }
0x2e: {  	s3 =	simm.s32 @!p0 $0x1082;
	s9 =	sld [smem:$0x3FB1]  }
0x2f: {  	lr =	sadd.s32 s0, s3;
	s0 =	sld [smem:$0x3FA8]  }
0x30: {  	s3 =	sld [smem:$0x3FAB]  }
0x31: {  	[smem:$0x3FB4] =	sst s10  }
0x32: {  	s10 =	sld [smem:$0x3FB2];
	_ =	sdelay $0x3  }
0x33: {  	p0 =	seq.s32 s10, $0x1;
	s10 =	sld [smem:$0x3FB4];
	_ =	sdelay $0x3  }
0x34: {  	[smem:$0x3FB4] =	sst s10  }
0x35: {  	s10 =	sld [smem:$0x3FB3];
	_ =	sdelay $0x3  }
0x36: {  	p1 =	seq.s32 s10, $0x1;
	s10 =	sld [smem:$0x3FB4];
	_ =	sdelay $0x3  }
0x37: {  	[smem:$0x3FB4] =	sst s10  }
0x38: {  	s10 =	sld [smem:$0x3FB5]  }
0x39: {  	_ = 	snop;
	(pc) =	sbr.ind lr, $3  }
0x3a: {  	_ = 	snop  }
0x3b: {  	_ = 	snop  }
0x3c: {  	p2 =	seq.s32 s10, $0x1;
	s10 =	sld [smem:$0x3FB4]  }
0x3d: {  	_ =	shalt  }
0x3e: {  	_ =	shalt  }
0x3f: {  	_ =	shalt  }
0x40: {  	_ =	shalt  }
0x41: {  	_ =	shalt  }
0x42: {  	_ =	shalt  }
0x43: {  	_ =	shalt  }
0x44: {  	_ =	shalt  }
0x45: {  	_ =	shalt  }
0x46: {  	_ =	shalt  }
0x47: {  	_ =	shalt  }
0x48: {  	_ =	shalt  }
0x49: {  	_ =	shalt  }
0x4a: {  	_ =	shalt  }
0x4b: {  	_ =	shalt  }
0x4c: {  	_ =	shalt  }
0x4d: {  	_ =	shalt  }
0x4e: {  	_ =	shalt  }
0x4f: {  	_ =	shalt  }
0x50: {  	_ =	shalt  }
0x51: {  	_ =	shalt  }
0x52: {  	_ =	shalt  }
0x53: {  	_ =	shalt  }
0x54: {  	_ =	shalt  }
0x55: {  	_ =	shalt  }
0x56: {  	_ =	shalt  }
0x57: {  	_ =	shalt  }
0x58: {  	_ =	shalt  }
0x59: {  	_ =	shalt  }
0x5a: {  	_ =	shalt  }
0x5b: {  	_ =	shalt  }
0x5c: {  	_ =	shalt  }
0x5d: {  	_ =	shalt  }
0x5e: {  	_ =	shalt  }
0x5f: {  	_ =	shalt  }
0x60: {  	_ =	shalt  }
0x61: {  	_ =	shalt  }
0x62: {  	_ =	shalt  }
0x63: {  	_ =	shalt  }
0x64: {  	_ =	shalt  }
0x65: {  	_ =	shalt  }
0x66: {  	_ =	shalt  }
0x67: {  	_ =	shalt  }
0x68: {  	_ =	shalt  }
0x69: {  	_ =	shalt  }
0x6a: {  	_ =	shalt  }
0x6b: {  	_ =	shalt  }
0x6c: {  	_ =	shalt  }
0x6d: {  	_ =	shalt  }
0x6e: {  	_ =	shalt  }
0x6f: {  	_ =	shalt  }
0x70: {  	_ =	shalt  }
0x71: {  	_ =	shalt  }
0x72: {  	_ =	shalt  }
0x73: {  	_ =	shalt  }
0x74: {  	_ =	shalt  }
0x75: {  	_ =	shalt  }
0x76: {  	_ =	shalt  }
0x77: {  	_ =	shalt  }
0x78: {  	_ =	shalt  }
0x79: {  	_ =	shalt  }
0x7a: {  	_ =	shalt  }
0x7b: {  	_ =	shalt  }
0x7c: {  	_ =	shalt  }
0x7d: {  	_ =	shalt  }
0x7e: {  	_ =	shalt  }
0x7f: {  	_ =	shalt  }
0x80: {  	_ =	shalt  }
0x81: {  	_ =	shalt  }
0x82: {  	_ =	shalt  }
0x83: {  	_ =	shalt  }
0x84: {  	_ =	shalt  }
0x85: {  	_ =	shalt  }
0x86: {  	_ =	shalt  }
0x87: {  	_ =	shalt  }
.Lfunc_end0:
.L_simem_size_0:
called_computation.2_lowered:
.L_overlay_start_0:
0x88: {  	s2 =	sld [smem:$0x3FD9]  }
0x89: {  	s3 =	sld [smem:$0x3FFE];
	_ =	sdelay $0x1  }
0x8a: {  	s1 =	srdreg.scid  }
0x8b: {  	s0 =	sand.u32 $0x1, s1  }
0x8c: {  	s17 =	sshll.u32 s0, $0xA;
	s2 =	sadd.s32 s3, s2  }
0x8d: {  	s2 =	sadd.s32 s2, s17  }
0x8e: {  	[smem:$0x3FC0] =	sst s2  }
0x8f: {  	_ = 	snop  }
0x90: {  	s18 =	sld [smem:$0x3FD0];
	(tm) =	ssettm $0x1  }
0x91: {  	s19 =	sld [smem:$0x3FFB];
	_ =	sdelay $0x3  }
0x92: {  	_ =	strace s19  }
0x93: {  	s2 =	sld [smem:$0x3FFC];
	_ =	sdelay $0x3  }
0x94: {  	_ =	strace s2  }
0x95: {  	s2 =	sld [smem:$0x3FFD];
	_ =	sdelay $0x3  }
0x96: {  	_ =	strace s2  }
0x97: {  	_ =	strace $0x8FFFFFFF  }
0x98: {  	s20 =	sld [smem:$0x3FDB];
	_ =	sdelay $0x1  }
0x99: {  	s4 =	simm.s32 $_scs_section_size  }
0x9a: {  	s5 =	simm.s32 $_size__tile_overlayer_lowered;
	s6 =	simm.s32 $_tile_overlayer_lowered  }
0x9b: {  	s7 =	simm.s32 $0x1BFF;
	s21 =	sshll.u32 s6, $0x1;
	s4 =	sadd.s32 s4, s20  }
0x9c: {  	s22 =	simm.s32 $0x0;
	s5 =	sshll.u32 s5, $0x1;
	s6 =	sadd.s32 s21, s4  }
0x9d: {  	[timem:s22], [sflag:s7] =	dma.local [hbm:s6], s5  }
0x9e: {  	_ =	swait.ge [sflag:s7], s5  }
0x9f: {  	s5 =	ssub.s32 $0x0, s5;
	[sflag:s7] =	ssyncset.done $0x0  }
0xa0: {  	[sflag:s7] =	ssyncadd.s32 s5;
	_ =	sdelay $0x1  }
0xa1: {  	s23 =	simm.s32 $0x1B8B  }
0xa2: {  	_ =	swait.ge [sflag:s23], $0x1  }
0xa3: {  	[sflag:s23] =	ssyncset.done $0x0  }
0xa4: {  	[sflag:s23] =	ssyncadd.s32 $0xFFFFFFFF  }
0xa5: {  	s5 =	sld [smem:$0x0]  }
0xa6: {  	s6 =	sand.u32 $0xFFFFFFFE, s1  }
0xa7: {  	p0 =	sne.s32 s1, s6  }
0xa8: {  	s6 =	sshll.u32 @p0 s6, $0xE  }
0xa9: {  	s6 =	sadd.s32 @p0 $0x11B8D, s6;
	s7 =	sshll.u32 @p0 s5, $0x11  }
0xaa: {  	s6 =	sor.u32 @p0 s7, s6  }
0xab: {  	[sflag:s6] =	ssyncadd.remote.s32 @p0 $0x1;
	_ =	sdelay $0x1  }
0xac: {  	s6 =	simm.s32 @p0 $0x1B8D  }
0xad: {  	_ =	swait.eq @p0 [sflag:s6], $0x1  }
0xae: {  	[sflag:s6] =	ssyncadd.s32 @p0 $0xFFFFFFFF  }
0xaf: {  	s7 =	sshll.u32 @!p0 s1, $0xE  }
0xb0: {  	s7 =	sor.u32 @!p0 $0x4000, s7;
	s6 =	simm.s32 @!p0 $0x1B8D  }
0xb1: {  	s5 =	sshll.u32 @!p0 s5, $0x11;
	s7 =	sadd.s32 @!p0 $0x11B8D, s7;
	_ =	swait.eq @!p0 [sflag:s6], $0x1  }
0xb2: {  	s5 =	sor.u32 @!p0 s5, s7;
	[sflag:s6] =	ssyncadd.s32 @!p0 $0xFFFFFFFF  }
0xb3: {  	s25 =	simm.s32 $0x1B8E;
	s24 =	sld [smem:$0x3FFE];
	[sflag:s5] =	ssyncadd.remote.s32 @!p0 $0x1  }
0xb4: {  	s26 =	simm.s32 $execute0_lowered;
	[smem:$0x3FD2] =	sst s25  }
0xb5: {  	s6 =	sshll.u32 s26, $0x1;
	_ =	strace $0x8000004F;
	[dreg:$0x1] =	wrdreg $0xFFFFFFFF  }
0xb6: {  	s28 =	simm.s32 $_size_execute0_lowered;
	s4 =	sadd.s32 s4, s6;
	[dreg:$0x0] =	wrdreg $0x0  }
0xb7: {  	s6 =	sshll.u32 s28, $0x1;
	[dreg:$0x2] =	wrdreg s4  }
0xb8: {  	[dreg:$0x3] =	wrdreg s6  }
0xb9: {  	[dreg:$0x4] =	wrdreg $0xC0  }
0xba: {  	_ =	task [dreg:s22], $0x5FFFF  }
0xbb: {  	[dreg:$0x1] =	wrdreg $0xFFFFFFFF  }
0xbc: {  	[dreg:$0x0] =	wrdreg $0x60  }
0xbd: {  	[dreg:$0x2] =	wrdreg s24  }
0xbe: {  	[dreg:$0x3] =	wrdreg s18  }
0xbf: {  	[dreg:$0x4] =	wrdreg $0xF2800  }
0xc0: {  	[dreg:$0x5] =	wrdreg $0x9  }
0xc1: {  	_ =	task.clear_ibuf [dreg:s22], $0x6FFFF;
	_ =	strace $0x9000004F  }
0xc2: {  	s29 =	simm.s32 $0x9;
	_ =	strace $0x80000051  }
0xc3: {  	_ =	swait.ge [sflag:s29], $0x1  }
0xc4: {  	[sflag:s29] =	ssyncadd.s32 $0xFFFFFFFF  }
0xc5: {  	_ =	strace $0x90000051  }
0xc6: {  	_ =	sfence  }
0xc7: {  	s30 =	sld [smem:$0x0];
	_ =	sdelay $0x2  }
0xc8: {  	s31 =	sshll.u32 s1, $0xD;
	s1 =	sshrl.u32 s1, $0x2  }
0xc9: {  	s4 =	sand.u32 $0x4000, s31;
	s1 =	sadd.s32 s1, s30  }
0xca: {  	s0 =	sor.u32 s4, s0;
	s1 =	sshll.u32 s1, $0x11  }
0xcb: {  	s0 =	sor.u32 s1, s0  }
0xcc: {  	s0 =	sadd.s32 $0x8F2B, s0  }
0xcd: {  	[sflag:s0] =	ssyncadd.remote.s32 $0x1  }
0xce: {  	_ =	sfence.sel $0xFFFF  }
0xcf: {  	[dreg:$0x0] =	wrdreg $0xFFFFFFFF;
	(pc) =	sbr.abs _section_cstart, $3  }
0xd0: {  	[dreg:$0x1] =	wrdreg $0xFFFFFFFF  }
0xd1: {  	_ =	task.clear_ibuf [dreg:s22], $0x2FFFF;
	_ =	strace $0x9FFFFFFF  }
0xd2: {  	(tm) =	ssettm $0x7FFFFFFF  }
0xd3: {  	_ =	shalt  }
tec
execute0_lowered:
.L_overlay_start_1:
0x0: {  	(tag) =	ssettag $0x1  }
0x1: {  	s0 =	rddreg [dreg:$0x0]  }
0x2: {  	s1 =	rddreg [dreg:$0x1]  }
0x3: {  	s2 =	rddreg [dreg:$0x2];
	s3 =	simm.s32 $0x0  }
0x4: {  	s9 =	srdreg.scid;
	[smem:$0x7FF] =	sst s3  }
0x5: {  	s5 =	stileid.u32;
	s8 =	sadd.s32 $0x21EC00, s0;
	s7 =	sadd.s32 $0x6A9200, s0  }
0x6: {  	s4 =	sadd.s32 $0xA400, s0;
	s11 =	sadd.s32 $0x4D4600, s0;
	s12 =	smul.u32 $0x3A800, s5  }
0x7: {  	s6 =	sadd.s32 $0x5400, s0;
	s21 =	sadd.s32 $0x23C200, s0;
	s16 =	smul.u32 $0xEA00, s5  }
0x8: {  	s9 =	sand.u32 $0x1, s9;
	s22 =	sadd.s32 $0x259800, s0;
	s18 =	smul.u32 $0x14, s5  }
0x9: {  	s15 =	ssub.s32 $0x3F7, s5;
	s20 =	smul.u32 $0xA0, s5;
	p1 =	sne.s32 s5, $0xF  }
0xa: {  	p2 =	seq.s32 s5, $0xF;
	_ =	strace $0x80000050;
	s10 =	ssub.s32 $0x2, s9  }
0xb: {  	s15 =	sshrl.u32 s15, $0x4;
	p0 =	seq.s32 s9, $0x1;
	[dreg:$0x5] =	wrdreg s22  }
0xc: {  	[dreg:$0x4] =	wrdreg s21;
	s13 =	sshrl.u32 s10, $0x1;
	s12 =	sshrl.u32 s12, $0x2  }
0xd: {  	s17 =	sadd.s32 $0x6000, s16;
	s19 =	sadd.s32 $0xC000, s16;
	s26 =	sadd.s32 s4, s18  }
0xe: {  	s28 =	sadd.s32 $0xA00, s20;
	s18 =	sadd.s32 s6, s18;
	s1 =	smov.u32 @p0 s8  }
0xf: {  	s7 =	smov.u32 @p0 s11;
	p0 =	sne.s32 s9, $0x0;
	s11 =	sadd.s32 $0x1, s15  }
0x10: {  	s0 =	ssub.s32 s10, s13;
	s25 =	sadd.s32 s12, s2;
	[dreg:$0x8] =	wrdreg s26  }
0x11: {  	s10 =	sadd.s32 s16, s2;
	[dreg:$0x9] =	wrdreg s18;
	s12 =	sadd.s32 $0x3C00, s25  }
0x12: {  	s29 =	sshrl.u32 s28, $0x3;
	s13 =	sadd.s32 $0x9C00, s25;
	[dreg:$0x6] =	wrdreg s12  }
0x13: {  	s14 =	sadd.s32 s19, s2;
	s30 =	sadd.s32 s4, s29;
	[dreg:$0x7] =	wrdreg s13  }
0x14: {  	s18 =	sshrl.u32 s17, $0x3;
	s8 =	sadd.s32 s6, s29;
	[dreg:$0xa] =	wrdreg s30  }
0x15: {  	s31 =	smul.u32 $0xC, s28;
	s23 =	sadd.s32 s22, s18;
	[dreg:$0xb] =	wrdreg s8  }
0x16: {  	s19 =	sshrl.u32 s19, $0x3;
	s24 =	sadd.s32 s21, s18;
	[dreg:$0xe] =	wrdreg s23  }
0x17: {  	s20 =	sshrl.u32 s11, $0x1;
	s26 =	sadd.s32 s22, s19;
	[dreg:$0xf] =	wrdreg s24  }
0x18: {  	s11 =	simm.s32 $0x3;
	s28 =	sadd.s32 s21, s19;
	[dreg:$0x10] =	wrdreg s26  }
0x19: {  	s25 =	smul.u32 $0x780, s5;
	s0 =	smax.u32 s0, $0x1;
	[dreg:$0x11] =	wrdreg s28  }
0x1a: {  	s12 =	sadd.s32 s17, s2;
	s13 =	sshrl.u32 s16, $0x3;
	[dreg:$0x12] =	wrdreg s0  }
0x1b: {  	s30 =	sadd.s32 s7, s31;
	s31 =	sadd.s32 $0xEA000, s2;
	s0 =	sadd.s32 $0xFFFFFFFF, s15  }
0x1c: {  	s23 =	simm.s32 $0xF140;
	s24 =	simm.s32 $0xA0;
	s26 =	simm.s32 $0xF1E0  }
.Ltmp0:
0x1d: {  	s8 =	simm.s32 $0x3C00;
	[dreg:$0x14] =	wrdreg s30;
	(pc) =	sbr.rel .LBB2_1-.Ltmp0, $4  }
0x1e: {  	s17 =	simm.s32 $0x0;
	s16 =	sadd.s32 s22, s13;
	[dreg:$0x15] =	wrdreg s31  }
0x1f: {  	s9 =	sadd.s32 s21, s13;
	s29 =	sadd.s32 s7, s25;
	[dreg:$0xc] =	wrdreg s16  }
0x20: {  	s21 =	simm.s32 $0x5;
	s13 =	simm.s32 $0x2;
	[dreg:$0xd] =	wrdreg s9  }
0x21: {  	v0 =	vimm.f32 $0.0e+00;
	[dreg:$0x13] =	wrdreg s29;
	s9 =	simm.s32 $0x1;
	s16 =	simm.s32 $0x4  }
.LBB2_16:
0x22: {  	s19 =	rddreg [dreg:$0x15]  }
0x23: {  	s18 =	sadd.s32 $0x1D400, s18;
	s22 =	simm.s32 $0x1FC5;
	s19 =	sshrl.u32 s19, $0x3  }
0x24: {  	[hbm:s18], [sflag:s22] =	dma.local [spmem:s19], $0xC0  }
0x25: {  	_ =	swait.ge [sflag:s21], $0xC0  }
0x26: {  	[sflag:s21] =	ssyncset.done $0x0  }
0x27: {  	[sflag:s21] =	ssyncadd.s32 $0xFFFFFF40  }
.LBB2_17:
0x28: {  	s17 =	sadd.s32 $0x1, s17;
	s18 =	rddreg [dreg:$0x12]  }
0x29: {  	p3 =	sne.s32 s17, s18  }
.Ltmp1:
0x2a: {  	_ = 	snop;
	(pc) =	sbr.rel @!p3 .LBB2_18-.Ltmp1, $1  }
0x2b: {  	_ =	sdelay $0x3  }
.LBB2_1:
0x2c: {  	s18 =	simm.s32 $0x0  }
0x2d: {  	[tilespmem:s18+$0x50] =	vst v0  }
0x2e: {  	[tilespmem:s18+$0x0] =	vst v0  }
0x2f: {  	[tilespmem:s18+$0x10] =	vst v0  }
0x30: {  	[tilespmem:s18+$0x20] =	vst v0  }
0x31: {  	s19 =	simm.s32 $0x180;
	[tilespmem:s18+$0x30] =	vst v0  }
.LBB2_2:
0x32: {  	p3 =	sne.s32 s19, $0xEE80;
	[tilespmem:s18+$0x40] =	vst v0;
	s18 =	sshra.s32 s19, $0x2;
	s19 =	sadd.s32 $0x180, s19  }
.Ltmp2:
0x33: {  	[tilespmem:s18+$0x50] =	vst v0;
	(pc) =	sbr.rel @p3 .LBB2_2-.Ltmp2, $4  }
0x34: {  	[tilespmem:s18+$0x0] =	vst v0  }
0x35: {  	[tilespmem:s18+$0x10] =	vst v0  }
0x36: {  	[tilespmem:s18+$0x20] =	vst v0  }
0x37: {  	[tilespmem:s18+$0x30] =	vst v0  }
0x38: {  	[tilespmem:s18+$0x40] =	vst v0  }
0x39: {  	[spmem:s10] =	stream.linear.scatter [tilespmem:s3], [sflag:$0x5], $0x3C00, $0x38;
	[tilespmem:$0x1DCE0] =	vst v63  }
0x3a: {  	_ =	swait.ge [sflag:s21], $0x3C00  }
0x3b: {  	[sflag:s21] =	ssyncset.done $0x0  }
0x3c: {  	s22 =	rddreg [dreg:$0x6];
	[sflag:s21] =	ssyncadd.s32 $0xFFFFC400  }
0x3d: {  	[spmem:s22] =	stream.linear.scatter [tilespmem:s3], [sflag:$0x5], $0x2400, $0x38;
	[tilespmem:$0x1DCE0] =	vst v63  }
0x3e: {  	_ =	swait.ge [sflag:s21], $0x2400  }
0x3f: {  	[sflag:s21] =	ssyncset.done $0x0  }
0x40: {  	[sflag:s21] =	ssyncadd.s32 $0xFFFFDC00  }
0x41: {  	[spmem:s12] =	stream.linear.scatter [tilespmem:s3], [sflag:$0x5], $0x3C00, $0x38;
	[tilespmem:$0x1DCE0] =	vst v63  }
0x42: {  	_ =	swait.ge [sflag:s21], $0x3C00  }
0x43: {  	[sflag:s21] =	ssyncset.done $0x0  }
0x44: {  	s25 =	rddreg [dreg:$0x7];
	[sflag:s21] =	ssyncadd.s32 $0xFFFFC400  }
0x45: {  	[spmem:s25] =	stream.linear.scatter [tilespmem:s3], [sflag:$0x5], $0x2400, $0x38;
	[tilespmem:$0x1DCE0] =	vst v63  }
0x46: {  	_ =	swait.ge [sflag:s21], $0x2400  }
0x47: {  	[sflag:s21] =	ssyncset.done $0x0  }
0x48: {  	[sflag:s21] =	ssyncadd.s32 $0xFFFFDC00  }
0x49: {  	[spmem:s14] =	stream.linear.scatter [tilespmem:s3], [sflag:$0x5], $0x2A00, $0x38;
	[tilespmem:$0x1DCE0] =	vst v63  }
0x4a: {  	_ =	swait.ge [sflag:s21], $0x2A00  }
0x4b: {  	[sflag:s21] =	ssyncset.done $0x0  }
0x4c: {  	s18 =	simm.s32 @!p1 $0x0;
	s19 =	rddreg [dreg:$0x15];
	[sflag:s21] =	ssyncadd.s32 $0xFFFFD600  }
0x4d: {  	[spmem:s19] =	stream.linear.scatter @!p1 [tilespmem:s18], [sflag:$0x5], $0x600, $0x38;
	[tilespmem:$0x1DCE0] =	vst v63  }
0x4e: {  	s18 =	simm.s32 @!p1 $0x5  }
0x4f: {  	_ =	swait.ge @!p1 [sflag:s18], $0x600  }
0x50: {  	[sflag:s18] =	ssyncset.done @!p1 $0x0  }
0x51: {  	[sflag:s18] =	ssyncadd.s32 @!p1 $0xFFFFFA00  }
0x52: {  	[bflag:$0x0] =	sbarrier.arrive $0xFFFF  }
0x53: {  	s22 =	simm.s32 $0xF000;
	s18 =	simm.s32 $0x0;
	s28 =	rddreg [dreg:$0x8]  }
0x54: {  	[tilespmem:s22], [sflag:$0x5] =	stream.linear.gather [hbm4b:s28+s18], $0xA0, $0x38;
	[tilespmem:$0x1DCE0] =	vst v63  }
0x55: {  	_ =	swait.ge [sflag:s21], $0xA0  }
0x56: {  	[sflag:s21] =	ssyncset.done $0x0  }
0x57: {  	s29 =	rddreg [dreg:$0x9];
	[sflag:s21] =	ssyncadd.s32 $0xFFFFFF60  }
0x58: {  	[tilespmem:s23], [sflag:$0x5] =	stream.linear.gather [hbm4b:s29+s18], $0xA0, $0x38;
	[tilespmem:$0x1DCE0] =	vst v63  }
0x59: {  	_ =	swait.ge [sflag:s21], $0xA0  }
0x5a: {  	[sflag:s21] =	ssyncset.done $0x0  }
0x5b: {  	[sflag:s21] =	ssyncadd.s32 $0xFFFFFF60  }
0x5c: {  	[tilespmem:s18], [sflag:$0x1] =	stream.indirect.gather [hbm4b:s1+s24], $0x60, s22, s24, $0xb8;
	[tilespmem:$0x1DCE0] =	vst v63  }
0x5d: {  	s31 =	simm.s32 $0x7800;
	s30 =	rddreg [dreg:$0x13]  }
0x5e: {  	[tilespmem:s31], [sflag:$0x3] =	stream.linear.gather [hbm4b:s30+s18], $0x3C00, $0x38;
	[tilespmem:$0x1DCE0] =	vst v63  }
0x5f: {  	s28 =	simm.s32 $0xF0A0;
	s25 =	rddreg [dreg:$0xa]  }
0x60: {  	[tilespmem:s28], [sflag:$0x5] =	stream.linear.gather [hbm4b:s25+s18], $0xA0, $0x38;
	[tilespmem:$0x1DCE0] =	vst v63  }
0x61: {  	_ =	swait.ge [sflag:s21], $0xA0  }
0x62: {  	[sflag:s21] =	ssyncset.done $0x0  }
0x63: {  	s29 =	rddreg [dreg:$0xb];
	[sflag:s21] =	ssyncadd.s32 $0xFFFFFF60  }
0x64: {  	[tilespmem:s26], [sflag:$0x5] =	stream.linear.gather [hbm4b:s29+s18], $0xA0, $0x38;
	[tilespmem:$0x1DCE0] =	vst v63  }
0x65: {  	_ =	swait.ge [sflag:s21], $0xA0  }
.Ltmp3:
0x66: {  	[sflag:s21] =	ssyncset.done $0x0;
	(pc) =	sbr.rel .LBB2_4-.Ltmp3, $4  }
0x67: {  	[sflag:s21] =	ssyncadd.s32 $0xFFFFFF60  }
0x68: {  	[tilespmem:s8], [sflag:$0x2] =	stream.indirect.gather [hbm4b:s1+s24], $0x60, s28, s24, $0xb8;
	[tilespmem:$0x1DCE0] =	vst v63  }
0x69: {  	s31 =	simm.s32 $0xB400;
	s30 =	rddreg [dreg:$0x14]  }
0x6a: {  	[tilespmem:s31], [sflag:$0x4] =	stream.linear.gather [hbm4b:s30+s18], $0x3C00, $0x38;
	[tilespmem:$0x1DCE0] =	vst v63  }
.LBB2_12:
0x6b: {  	s18 =	sadd.s32 $0x1, s18  }
0x6c: {  	p3 =	sne.s32 s18, s20  }
.Ltmp4:
0x6d: {  	_ = 	snop;
	(pc) =	sbr.rel @!p3 .LBB2_13-.Ltmp4, $1  }
0x6e: {  	_ =	sdelay $0x3  }
.LBB2_4:
0x6f: {  	s19 =	sshll.u32 s18, $0x1  }
0x70: {  	p3 =	sge.u32 s19, s15  }
.Ltmp5:
0x71: {  	_ = 	snop;
	(pc) =	sbr.rel @p3 .LBB2_8-.Ltmp5, $1  }
0x72: {  	_ =	sdelay $0x3  }
0x73: {  	_ =	swait.ge [sflag:s9], $0x3C00  }
0x74: {  	[sflag:s9] =	ssyncset.done $0x0  }
0x75: {  	[sflag:s9] =	ssyncadd.s32 $0xFFFFC400  }
0x76: {  	_ =	swait.ge [sflag:s11], $0x3C00  }
0x77: {  	[sflag:s11] =	ssyncset.done $0x0  }
0x78: {  	s28 =	simm.s32 $0x50;
	[sflag:s11] =	ssyncadd.s32 $0xFFFFC400  }
0x79: {  	v5 =	vld [tilespmem:s28+$0x77B0]  }
0x7a: {  	v4 =	vld [tilespmem:s28+$0x77C0]  }
0x7b: {  	v3 =	vld [tilespmem:s28+$0x77D0]  }
0x7c: {  	v2 =	vld [tilespmem:s28+$0x77E0]  }
0x7d: {  	v1 =	vld [tilespmem:s28+$0x7800]  }
0x7e: {  	v9 =	vld [tilespmem:s28+$0xFFFFFFB0]  }
0x7f: {  	v8 =	vld [tilespmem:s28+$0xFFFFFFC0]  }
0x80: {  	v7 =	vld [tilespmem:s28+$0xFFFFFFD0]  }
0x81: {  	s29 =	simm.s32 $0x2C0;
	v6 =	vld [tilespmem:s28+$0xFFFFFFE0]  }
.LBB2_6:
0x82: {  	p3 =	sne.s32 s29, $0xEFC0;
	v10 =	vld [tilespmem:s28+$0x0]  }
0x83: {  	v9 =	vmul.f32 v5, v9;
	v11 =	vld [tilespmem:s28+$0xFFFFFFF0]  }
0x84: {  	s22 =	sshra.s32 s29, $0x2;
	v8 =	vmul.f32 v4, v8;
	v12 =	vld [tilespmem:s28+$0x77F0]  }
0x85: {  	v5 =	vld [tilespmem:s22+$0x77B0];
	[tilespmem:s28+$0xFFFFFFB0] =	vst v9;
	v7 =	vmul.f32 v3, v7  }
0x86: {  	v4 =	vld [tilespmem:s22+$0x77C0];
	[tilespmem:s28+$0xFFFFFFC0] =	vst v8;
	v6 =	vmul.f32 v2, v6  }
0x87: {  	v3 =	vld [tilespmem:s22+$0x77D0];
	[tilespmem:s28+$0xFFFFFFD0] =	vst v7;
	v7 =	vmul.f32 v1, v10  }
0x88: {  	v2 =	vld [tilespmem:s22+$0x77E0];
	[tilespmem:s28+$0xFFFFFFE0] =	vst v6  }
.Ltmp6:
0x89: {  	v1 =	vld [tilespmem:s22+$0x7800];
	v6 =	vmul.f32 v12, v11;
	[tilespmem:s28+$0x0] =	vst v7;
	(pc) =	sbr.rel @p3 .LBB2_6-.Ltmp6, $4  }
0x8a: {  	v9 =	vld [tilespmem:s22+$0xFFFFFFB0]  }
0x8b: {  	v8 =	vld [tilespmem:s22+$0xFFFFFFC0];
	[tilespmem:s28+$0xFFFFFFF0] =	vst v6;
	s28 =	smov.u32 s22  }
0x8c: {  	v7 =	vld [tilespmem:s28+$0xFFFFFFD0]  }
0x8d: {  	s29 =	sadd.s32 $0x180, s29;
	v6 =	vld [tilespmem:s28+$0xFFFFFFE0]  }
0x8e: {  	v10 =	vld [tilespmem:s28+$0x0]  }
0x8f: {  	v11 =	vld [tilespmem:s28+$0xFFFFFFF0]  }
0x90: {  	v63 =	vld [tilespmem:s28+$0x77F0];
	v5 =	vmul.f32 v5, v9  }
0x91: {  	v4 =	vmul.f32 v4, v8  }
0x92: {  	[tilespmem:s28+$0xFFFFFFB0] =	vst v5;
	v3 =	vmul.f32 v3, v7  }
0x93: {  	[tilespmem:s28+$0xFFFFFFC0] =	vst v4;
	v2 =	vmul.f32 v2, v6  }
0x94: {  	s22 =	sadd.s32 $0x2, s19;
	[tilespmem:s28+$0xFFFFFFD0] =	vst v3;
	v1 =	vmul.f32 v1, v10  }
0x95: {  	p3 =	sge.u32 s22, s15;
	[tilespmem:s28+$0xFFFFFFE0] =	vst v2;
	v2 =	vmul.f32 v63, v11  }
0x96: {  	s22 =	sshll.u32 @!p3 s22, $0x4;
	[tilespmem:s28+$0x0] =	vst v1  }
0x97: {  	s22 =	sor.u32 @!p3 s5, s22;
	[tilespmem:s28+$0xFFFFFFF0] =	vst v2  }
0x98: {  	[spmem:s2] =	stream.indirect.scatter.add.f32 [tilespmem:s3], [sflag:$0x5], $0x60, s23, s24, $0xb8;
	[tilespmem:$0x1DCE0] =	vst v63  }
0x99: {  	s28 =	smul.u32 @!p3 $0x14, s22;
	_ =	swait.ge [sflag:s21], $0x3C00  }
0x9a: {  	s30 =	simm.s32 @!p3 $0x0;
	[sflag:s21] =	ssyncset.done $0x0  }
0x9b: {  	s25 =	simm.s32 @!p3 $0xF000;
	s29 =	sadd.s32 @!p3 s4, s28;
	[sflag:s21] =	ssyncadd.s32 $0xFFFFC400  }
0x9c: {  	[tilespmem:s25], [sflag:$0x5] =	stream.linear.gather @!p3 [hbm4b:s29+s30], $0xA0, $0x38;
	[tilespmem:$0x1DCE0] =	vst v63  }
0x9d: {  	s29 =	simm.s32 @!p3 $0x5  }
0x9e: {  	_ =	swait.ge @!p3 [sflag:s29], $0xA0  }
0x9f: {  	[sflag:s29] =	ssyncset.done @!p3 $0x0  }
0xa0: {  	s31 =	simm.s32 @!p3 $0xF140;
	s28 =	sadd.s32 @!p3 s6, s28;
	[sflag:s29] =	ssyncadd.s32 @!p3 $0xFFFFFF60  }
0xa1: {  	[tilespmem:s31], [sflag:$0x5] =	stream.linear.gather @!p3 [hbm4b:s28+s30], $0xA0, $0x38;
	[tilespmem:$0x1DCE0] =	vst v63  }
0xa2: {  	_ =	swait.ge @!p3 [sflag:s29], $0xA0  }
0xa3: {  	[sflag:s29] =	ssyncset.done @!p3 $0x0  }
0xa4: {  	s22 =	smul.u32 @!p3 $0x780, s22;
	s28 =	simm.s32 @!p3 $0xA0;
	[sflag:s29] =	ssyncadd.s32 @!p3 $0xFFFFFF60  }
0xa5: {  	[tilespmem:s30], [sflag:$0x1] =	stream.indirect.gather @!p3 [hbm4b:s1+s28], $0x60, s25, s28, $0xb8;
	[tilespmem:$0x1DCE0] =	vst v63  }
0xa6: {  	s22 =	sadd.s32 @!p3 s7, s22;
	s25 =	simm.s32 @!p3 $0x7800  }
0xa7: {  	[tilespmem:s25], [sflag:$0x3] =	stream.linear.gather @!p3 [hbm4b:s22+s30], $0x3C00, $0x38;
	[tilespmem:$0x1DCE0] =	vst v63  }
.LBB2_8:
0xa8: {  	p3 =	sge.u32 s19, s0  }
.Ltmp7:
0xa9: {  	_ = 	snop;
	(pc) =	sbr.rel @p3 .LBB2_12-.Ltmp7, $1  }
0xaa: {  	_ =	sdelay $0x3  }
0xab: {  	_ =	swait.ge [sflag:s13], $0x3C00  }
0xac: {  	[sflag:s13] =	ssyncset.done $0x0  }
0xad: {  	[sflag:s13] =	ssyncadd.s32 $0xFFFFC400  }
0xae: {  	_ =	swait.ge [sflag:s16], $0x3C00  }
0xaf: {  	[sflag:s16] =	ssyncset.done $0x0  }
0xb0: {  	s28 =	simm.s32 $0x50;
	[sflag:s16] =	ssyncadd.s32 $0xFFFFC400  }
0xb1: {  	v6 =	vld [tilespmem:s28+$0xB3B0]  }
0xb2: {  	v5 =	vld [tilespmem:s28+$0xB3C0]  }
0xb3: {  	v4 =	vld [tilespmem:s28+$0xB3D0]  }
0xb4: {  	v3 =	vld [tilespmem:s28+$0xB3E0]  }
0xb5: {  	v2 =	vld [tilespmem:s28+$0xB3F0]  }
0xb6: {  	v1 =	vld [tilespmem:s28+$0xB400]  }
0xb7: {  	v11 =	vld [tilespmem:s28+$0x3BB0]  }
0xb8: {  	v10 =	vld [tilespmem:s28+$0x3BC0]  }
0xb9: {  	v9 =	vld [tilespmem:s28+$0x3BD0]  }
0xba: {  	v8 =	vld [tilespmem:s28+$0x3BE0]  }
0xbb: {  	s29 =	simm.s32 $0x2C0;
	v7 =	vld [tilespmem:s28+$0x3BF0]  }
.LBB2_10:
0xbc: {  	s22 =	sshra.s32 s29, $0x2;
	p3 =	sne.s32 s29, $0xEFC0;
	v11 =	vmul.f32 v6, v11;
	v12 =	vld [tilespmem:s28+$0x3C00]  }
0xbd: {  	v6 =	vld [tilespmem:s22+$0xB3B0];
	v10 =	vmul.f32 v5, v10  }
0xbe: {  	v5 =	vld [tilespmem:s22+$0xB3C0];
	[tilespmem:s28+$0x3BB0] =	vst v11;
	v9 =	vmul.f32 v4, v9  }
0xbf: {  	v4 =	vld [tilespmem:s22+$0xB3D0];
	[tilespmem:s28+$0x3BC0] =	vst v10;
	v8 =	vmul.f32 v3, v8  }
0xc0: {  	v3 =	vld [tilespmem:s22+$0xB3E0];
	[tilespmem:s28+$0x3BD0] =	vst v9;
	v7 =	vmul.f32 v2, v7  }
0xc1: {  	v2 =	vld [tilespmem:s22+$0xB3F0];
	[tilespmem:s28+$0x3BE0] =	vst v8;
	v8 =	vmul.f32 v1, v12  }
0xc2: {  	v1 =	vld [tilespmem:s22+$0xB400];
	[tilespmem:s28+$0x3BF0] =	vst v7  }
.Ltmp8:
0xc3: {  	v11 =	vld [tilespmem:s22+$0x3BB0];
	[tilespmem:s28+$0x3C00] =	vst v8;
	s28 =	smov.u32 s22;
	(pc) =	sbr.rel @p3 .LBB2_10-.Ltmp8, $4  }
0xc4: {  	v10 =	vld [tilespmem:s28+$0x3BC0]  }
0xc5: {  	v9 =	vld [tilespmem:s28+$0x3BD0]  }
0xc6: {  	v8 =	vld [tilespmem:s28+$0x3BE0]  }
0xc7: {  	s29 =	sadd.s32 $0x180, s29;
	v7 =	vld [tilespmem:s28+$0x3BF0]  }
0xc8: {  	v6 =	vmul.f32 v6, v11;
	v63 =	vld [tilespmem:s28+$0x3C00]  }
0xc9: {  	v5 =	vmul.f32 v5, v10  }
0xca: {  	[tilespmem:s28+$0x3BB0] =	vst v6;
	v4 =	vmul.f32 v4, v9  }
0xcb: {  	[tilespmem:s28+$0x3BC0] =	vst v5;
	v3 =	vmul.f32 v3, v8  }
0xcc: {  	s19 =	sadd.s32 $0x3, s19;
	[tilespmem:s28+$0x3BD0] =	vst v4;
	v2 =	vmul.f32 v2, v7  }
0xcd: {  	p3 =	sge.u32 s19, s15;
	[tilespmem:s28+$0x3BE0] =	vst v3;
	v1 =	vmul.f32 v1, v63  }
0xce: {  	s19 =	sshll.u32 @!p3 s19, $0x4;
	[tilespmem:s28+$0x3BF0] =	vst v2  }
0xcf: {  	s19 =	sor.u32 @!p3 s5, s19;
	[tilespmem:s28+$0x3C00] =	vst v1  }
0xd0: {  	[spmem:s2] =	stream.indirect.scatter.add.f32 [tilespmem:s8], [sflag:$0x5], $0x60, s26, s24, $0xb8;
	[tilespmem:$0x1DCE0] =	vst v63  }
0xd1: {  	s22 =	smul.u32 @!p3 $0x14, s19;
	_ =	swait.ge [sflag:s21], $0x3C00  }
0xd2: {  	s29 =	simm.s32 @!p3 $0xF0A0;
	[sflag:s21] =	ssyncset.done $0x0  }
0xd3: {  	s25 =	sadd.s32 @!p3 s4, s22;
	s28 =	simm.s32 @!p3 $0x0;
	[sflag:s21] =	ssyncadd.s32 $0xFFFFC400  }
0xd4: {  	[tilespmem:s29], [sflag:$0x5] =	stream.linear.gather @!p3 [hbm4b:s25+s28], $0xA0, $0x38;
	[tilespmem:$0x1DCE0] =	vst v63  }
0xd5: {  	s25 =	simm.s32 @!p3 $0x5  }
0xd6: {  	_ =	swait.ge @!p3 [sflag:s25], $0xA0  }
0xd7: {  	[sflag:s25] =	ssyncset.done @!p3 $0x0  }
0xd8: {  	s30 =	simm.s32 @!p3 $0xF1E0;
	s22 =	sadd.s32 @!p3 s6, s22;
	[sflag:s25] =	ssyncadd.s32 @!p3 $0xFFFFFF60  }
0xd9: {  	[tilespmem:s30], [sflag:$0x5] =	stream.linear.gather @!p3 [hbm4b:s22+s28], $0xA0, $0x38;
	[tilespmem:$0x1DCE0] =	vst v63  }
0xda: {  	s19 =	smul.u32 @!p3 $0x780, s19;
	_ =	swait.ge @!p3 [sflag:s25], $0xA0  }
.Ltmp9:
0xdb: {  	[sflag:s25] =	ssyncset.done @!p3 $0x0;
	(pc) =	sbr.rel .LBB2_12-.Ltmp9, $4  }
0xdc: {  	s22 =	simm.s32 @!p3 $0xA0;
	[sflag:s25] =	ssyncadd.s32 @!p3 $0xFFFFFF60;
	s25 =	simm.s32 @!p3 $0x3C00  }
0xdd: {  	[tilespmem:s25], [sflag:$0x2] =	stream.indirect.gather @!p3 [hbm4b:s1+s22], $0x60, s29, s22, $0xb8;
	[tilespmem:$0x1DCE0] =	vst v63  }
0xde: {  	s19 =	sadd.s32 @!p3 s7, s19;
	s22 =	simm.s32 @!p3 $0xB400  }
0xdf: {  	[tilespmem:s22], [sflag:$0x4] =	stream.linear.gather @!p3 [hbm4b:s19+s28], $0x3C00, $0x38;
	[tilespmem:$0x1DCE0] =	vst v63  }
.LBB2_13:
.Ltmp10:
0xe0: {  	(pc) =	sbr.rel @p0 .LBB2_15-.Ltmp10, $3  }
0xe1: {  	_ =	sdelay $0x1  }
0xe2: {  	s18 =	sshll.u32 s5, $0x6;
	[bflag:$0x0] =	sbarrier.arrive $0xFFFF  }
0xe3: {  	s19 =	sshrl.u32 s10, $0x3;
	s18 =	sor.u32 $0x1C05, s18  }
0xe4: {  	s22 =	rddreg [dreg:$0xd]  }
0xe5: {  	[hbm:s22], [sflag:s18] =	dma.local [spmem:s19], $0xC00  }
0xe6: {  	_ =	swait.ge [sflag:s21], $0xC00  }
0xe7: {  	[sflag:s21] =	ssyncset.done $0x0  }
0xe8: {  	s28 =	sshrl.u32 s12, $0x3;
	s29 =	rddreg [dreg:$0xf];
	[sflag:s21] =	ssyncadd.s32 $0xFFFFF400  }
0xe9: {  	[hbm:s29], [sflag:s18] =	dma.local [spmem:s28], $0xC00  }
0xea: {  	_ =	swait.ge [sflag:s21], $0xC00  }
0xeb: {  	[sflag:s21] =	ssyncset.done $0x0  }
0xec: {  	s30 =	sshrl.u32 s14, $0x3;
	s31 =	rddreg [dreg:$0x11];
	[sflag:s21] =	ssyncadd.s32 $0xFFFFF400  }
0xed: {  	[hbm:s31], [sflag:s18] =	dma.local [spmem:s30], $0x540  }
.Ltmp11:
0xee: {  	_ = 	snop;
	(pc) =	sbr.rel @p2 .LBB2_16-.Ltmp11, $4  }
.Ltmp12:
0xef: {  	_ = 	snop;
	(pc) =	sbr.rel @!p2 .LBB2_17-.Ltmp12, $4  }
0xf0: {  	_ =	swait.ge [sflag:s21], $0x540  }
0xf1: {  	[sflag:s21] =	ssyncset.done $0x0  }
0xf2: {  	s18 =	rddreg [dreg:$0x4];
	[sflag:s21] =	ssyncadd.s32 $0xFFFFFAC0  }
0xf3: {  	_ = 	snop  }
.LBB2_15:
0xf4: {  	s22 =	rddreg [dreg:$0xc]  }
0xf5: {  	[hbm:s22], [sflag:s18] =	dma.local [spmem:s19], $0xC00  }
0xf6: {  	_ =	swait.ge [sflag:s21], $0xC00  }
0xf7: {  	[sflag:s21] =	ssyncset.done $0x0  }
0xf8: {  	s28 =	sshrl.u32 s12, $0x3;
	s29 =	rddreg [dreg:$0xe];
	[sflag:s21] =	ssyncadd.s32 $0xFFFFF400  }
0xf9: {  	[hbm:s29], [sflag:s18] =	dma.local [spmem:s28], $0xC00  }
0xfa: {  	_ =	swait.ge [sflag:s21], $0xC00  }
0xfb: {  	[sflag:s21] =	ssyncset.done $0x0  }
0xfc: {  	s30 =	sshrl.u32 s14, $0x3;
	s31 =	rddreg [dreg:$0x10];
	[sflag:s21] =	ssyncadd.s32 $0xFFFFF400  }
0xfd: {  	[hbm:s31], [sflag:s18] =	dma.local [spmem:s30], $0x540  }
.Ltmp13:
0xfe: {  	_ = 	snop;
	(pc) =	sbr.rel @p1 .LBB2_17-.Ltmp13, $4  }
.Ltmp14:
0xff: {  	_ = 	snop;
	(pc) =	sbr.rel @!p1 .LBB2_16-.Ltmp14, $4  }
0x100: {  	_ =	swait.ge [sflag:s21], $0x540  }
0x101: {  	[sflag:s21] =	ssyncset.done $0x0  }
0x102: {  	s18 =	rddreg [dreg:$0x5];
	[sflag:s21] =	ssyncadd.s32 $0xFFFFFAC0  }
0x103: {  	_ = 	snop  }
.LBB2_18:
0x104: {  	_ =	sfence.sel $0x180000  }
0x105: {  	[bflag:$0x0] =	sbarrier.arrive $0xFFFF  }
0x106: {  	_ =	strace $0x90000050  }
0x107: {  	[bflag:$0x2] =	sbarrier.arrive $0xFFFF  }
0x108: {  	p0 =	sne.s32 s5, $0x0;
	s0 =	rddreg [dreg:$0x3]  }
0x109: {  	s0 =	sadd.s32 @!p0 $0x100000, s0  }
0x10a: {  	[sflag:s0] =	ssyncadd.tile.s32 @!p0 $0x1;
	_ =	shalt  }
.Lfunc_end2:
_tile_overlayer_lowered:
.L_overlay_start_2:
0x10b: {  	(tag) =	ssettag $0x2  }
0x10c: {  	s0 =	rddreg [dreg:$0x0];
	s2 =	stileid.u32  }
0x10d: {  	s1 =	rddreg [dreg:$0x1];
	p0 =	sne.s32 s2, $0x0  }
0x10e: {  	s3 =	rddreg [dreg:$0x2];
	[bflag:$0x3] =	sbarrier.arrive $0xFFFF;
	s2 =	simm.s32 @!p0 $0x1C05  }
0x10f: {  	[timem:s3], [sflag:s2] =	dma.local @!p0 [hbm:s0], s1  }
0x110: {  	s0 =	simm.s32 @!p0 $0x5  }
0x111: {  	_ =	swait.ge @!p0 [sflag:s0], s1  }
0x112: {  	s1 =	ssub.s32 @!p0 $0x0, s1;
	[sflag:s0] =	ssyncset.done @!p0 $0x0  }
0x113: {  	[sflag:s0] =	ssyncadd.s32 @!p0 s1  }
0x114: {  	[bflag:$0x3] =	sbarrier.arrive $0xFFFF  }
0x115: {  	_ =	shalt  }

// kernel: kernel.21.cloned.1.call-start
scs
__scs_entry_jumppad:
0x0: {  	(pc) =	sbr.rel $0x88, $3  }
0x1: {  	(tag) =	ssettag $0x0;
	lr =	simm.s32 $0x1  }
0x2: {  	[smem:$0x3F99] =	sst lr;
	_ =	strace $0xD0000000  }
0x3: {  	_ = 	snop  }
0x4: {  	_ = 	snop  }
0x5: {  	_ = 	snop  }
0x6: {  	_ = 	snop  }
0x7: {  	_ = 	snop  }
__scs_overlays_trampoline_lowered:
0x8: {  	[smem:$0x3FA8] =	sst s0  }
0x9: {  	[smem:$0x3FA9] =	sst s1  }
0xa: {  	[smem:$0x3FAA] =	sst s2  }
0xb: {  	[smem:$0x3FAB] =	sst s3  }
0xc: {  	[smem:$0x3FAC] =	sst s4  }
0xd: {  	[smem:$0x3FAD] =	sst s5  }
0xe: {  	[smem:$0x3FAE] =	sst s6  }
0xf: {  	[smem:$0x3FAF] =	sst s7  }
0x10: {  	[smem:$0x3FB0] =	sst s8  }
0x11: {  	[smem:$0x3FB1] =	sst s9;
	s0 =	simm.s32 @!p0 $0x0  }
0x12: {  	s1 =	sld [smem:$0x3F97];
	s0 =	simm.s32 @p0 $0x1  }
0x13: {  	[smem:$0x3FB2] =	sst s0;
	s0 =	simm.s32 @!p1 $0x0  }
0x14: {  	s2 =	sld [smem:$0x3F96];
	s0 =	simm.s32 @p1 $0x1  }
0x15: {  	[smem:$0x3FB3] =	sst s0;
	s0 =	simm.s32 @!p2 $0x0  }
0x16: {  	s3 =	sld [smem:$0x3FDB];
	s0 =	simm.s32 @p2 $0x1  }
0x17: {  	s4 =	simm.s32 $0x1BF5;
	[smem:$0x3FB5] =	sst s0  }
0x18: {  	s0 =	sld [smem:$0x3F98];
	_ =	swait.ge [sflag:s4], $0x0  }
0x19: {  	s7 =	sld [smem:$0x3F99]  }
0x1a: {  	s8 =	sadd.s32 $0xFFFFE003, lr  }
0x1b: {  	s9 =	sadd.s32 $0xFFFFFEF7, lr;
	s5 =	simm.s32 $0xFFFFFFFF;
	p2 =	slt.u32 s8, $0xFFFFF086  }
0x1c: {  	p1 =	slt.u32 s9, $0xF7A;
	s5 =	simm.s32 @!p2 $0x0  }
0x1d: {  	s5 =	simm.s32 @p1 $0x1;
	p0 =	seq.s32 s7, s2  }
0x1e: {  	s7 =	smul.u32 @!p0 $0xF7A, s2;
	p2 =	seq.s32 @!p0 s5, $0x0  }
0x1f: {  	s9 =	smul.u32 $0xF7A, s1;
	s8 =	simm.s32 @!p0 $0x1BF5;
	p2 =	por !p2, p0  }
0x20: {  	[sflag:s8] =	ssyncset.s32 @!p0 $0xFFFFF086;
	s6 =	sadd.s32 @!p0 s3, s7;
	s7 =	simm.s32 @!p0 $0x108  }
0x21: {  	s3 =	sadd.s32 s3, s9;
	s6 =	sadd.s32 @!p0 $0x88, s6;
	s7 =	simm.s32 @p2 $0x1082  }
0x22: {  	[simem:s7], [sflag:s8] =	dma.local @!p0 [hbm:s6], $0xF7A  }
0x23: {  	s9 =	sor.u32 $0xD0000000, s2;
	s6 =	simm.s32 $0x108;
	_ =	swait.ge @!p0 [sflag:s8], $0x0  }
0x24: {  	s3 =	sadd.s32 $0x88, s3;
	s6 =	simm.s32 @!p1 $0x1082;
	[sflag:s4] =	ssyncset.s32 $0xFFFFF086  }
0x25: {  	[simem:s6], [sflag:s4] =	dma.local [hbm:s3], $0xF7A  }
0x26: {  	[smem:$0x3F99] =	sst s1;
	(tag) =	ssettag s2;
	_ =	strace s9  }
0x27: {  	s1 =	sld [smem:$0x3FA9]  }
0x28: {  	s2 =	sld [smem:$0x3FAA]  }
0x29: {  	s4 =	sld [smem:$0x3FAC]  }
0x2a: {  	p0 =	seq.s32 s5, $0x0;
	s5 =	sld [smem:$0x3FAD]  }
0x2b: {  	s6 =	sld [smem:$0x3FAE]  }
0x2c: {  	s7 =	sld [smem:$0x3FAF]  }
0x2d: {  	s3 =	simm.s32 $0x108;
	s8 =	sld [smem:$0x3FB0]  }
0x2e: {  	s3 =	simm.s32 @!p0 $0x1082;
	s9 =	sld [smem:$0x3FB1]  }
0x2f: {  	lr =	sadd.s32 s0, s3;
	s0 =	sld [smem:$0x3FA8]  }
0x30: {  	s3 =	sld [smem:$0x3FAB]  }
0x31: {  	[smem:$0x3FB4] =	sst s10  }
0x32: {  	s10 =	sld [smem:$0x3FB2];
	_ =	sdelay $0x3  }
0x33: {  	p0 =	seq.s32 s10, $0x1;
	s10 =	sld [smem:$0x3FB4];
	_ =	sdelay $0x3  }
0x34: {  	[smem:$0x3FB4] =	sst s10  }
0x35: {  	s10 =	sld [smem:$0x3FB3];
	_ =	sdelay $0x3  }
0x36: {  	p1 =	seq.s32 s10, $0x1;
	s10 =	sld [smem:$0x3FB4];
	_ =	sdelay $0x3  }
0x37: {  	[smem:$0x3FB4] =	sst s10  }
0x38: {  	s10 =	sld [smem:$0x3FB5]  }
0x39: {  	_ = 	snop;
	(pc) =	sbr.ind lr, $3  }
0x3a: {  	_ = 	snop  }
0x3b: {  	_ = 	snop  }
0x3c: {  	p2 =	seq.s32 s10, $0x1;
	s10 =	sld [smem:$0x3FB4]  }
0x3d: {  	_ =	shalt  }
0x3e: {  	_ =	shalt  }
0x3f: {  	_ =	shalt  }
0x40: {  	_ =	shalt  }
0x41: {  	_ =	shalt  }
0x42: {  	_ =	shalt  }
0x43: {  	_ =	shalt  }
0x44: {  	_ =	shalt  }
0x45: {  	_ =	shalt  }
0x46: {  	_ =	shalt  }
0x47: {  	_ =	shalt  }
0x48: {  	_ =	shalt  }
0x49: {  	_ =	shalt  }
0x4a: {  	_ =	shalt  }
0x4b: {  	_ =	shalt  }
0x4c: {  	_ =	shalt  }
0x4d: {  	_ =	shalt  }
0x4e: {  	_ =	shalt  }
0x4f: {  	_ =	shalt  }
0x50: {  	_ =	shalt  }
0x51: {  	_ =	shalt  }
0x52: {  	_ =	shalt  }
0x53: {  	_ =	shalt  }
0x54: {  	_ =	shalt  }
0x55: {  	_ =	shalt  }
0x56: {  	_ =	shalt  }
0x57: {  	_ =	shalt  }
0x58: {  	_ =	shalt  }
0x59: {  	_ =	shalt  }
0x5a: {  	_ =	shalt  }
0x5b: {  	_ =	shalt  }
0x5c: {  	_ =	shalt  }
0x5d: {  	_ =	shalt  }
0x5e: {  	_ =	shalt  }
0x5f: {  	_ =	shalt  }
0x60: {  	_ =	shalt  }
0x61: {  	_ =	shalt  }
0x62: {  	_ =	shalt  }
0x63: {  	_ =	shalt  }
0x64: {  	_ =	shalt  }
0x65: {  	_ =	shalt  }
0x66: {  	_ =	shalt  }
0x67: {  	_ =	shalt  }
0x68: {  	_ =	shalt  }
0x69: {  	_ =	shalt  }
0x6a: {  	_ =	shalt  }
0x6b: {  	_ =	shalt  }
0x6c: {  	_ =	shalt  }
0x6d: {  	_ =	shalt  }
0x6e: {  	_ =	shalt  }
0x6f: {  	_ =	shalt  }
0x70: {  	_ =	shalt  }
0x71: {  	_ =	shalt  }
0x72: {  	_ =	shalt  }
0x73: {  	_ =	shalt  }
0x74: {  	_ =	shalt  }
0x75: {  	_ =	shalt  }
0x76: {  	_ =	shalt  }
0x77: {  	_ =	shalt  }
0x78: {  	_ =	shalt  }
0x79: {  	_ =	shalt  }
0x7a: {  	_ =	shalt  }
0x7b: {  	_ =	shalt  }
0x7c: {  	_ =	shalt  }
0x7d: {  	_ =	shalt  }
0x7e: {  	_ =	shalt  }
0x7f: {  	_ =	shalt  }
0x80: {  	_ =	shalt  }
0x81: {  	_ =	shalt  }
0x82: {  	_ =	shalt  }
0x83: {  	_ =	shalt  }
0x84: {  	_ =	shalt  }
0x85: {  	_ =	shalt  }
0x86: {  	_ =	shalt  }
0x87: {  	_ =	shalt  }
.Lfunc_end0:
.L_simem_size_0:
called_computation.3_lowered:
.L_overlay_start_0:
0x88: {  	s2 =	sld [smem:$0x3FD9]  }
0x89: {  	s3 =	sld [smem:$0x3FFE];
	_ =	sdelay $0x1  }
0x8a: {  	s1 =	srdreg.scid  }
0x8b: {  	s0 =	sand.u32 $0x1, s1  }
0x8c: {  	s16 =	sshll.u32 s0, $0xA;
	s2 =	sadd.s32 s3, s2  }
0x8d: {  	s2 =	sadd.s32 s2, s16  }
0x8e: {  	[smem:$0x3FC0] =	sst s2  }
0x8f: {  	_ = 	snop  }
0x90: {  	(tm) =	ssettm $0x1  }
0x91: {  	s17 =	sld [smem:$0x3FFB];
	_ =	sdelay $0x3  }
0x92: {  	_ =	strace s17  }
0x93: {  	s2 =	sld [smem:$0x3FFC];
	_ =	sdelay $0x3  }
0x94: {  	_ =	strace s2  }
0x95: {  	s2 =	sld [smem:$0x3FFD];
	_ =	sdelay $0x3  }
0x96: {  	_ =	strace s2  }
0x97: {  	_ =	strace $0x8FFFFFFF  }
0x98: {  	s18 =	sld [smem:$0x3FDB];
	_ =	sdelay $0x1  }
0x99: {  	s19 =	simm.s32 $_scs_section_size  }
0x9a: {  	s4 =	simm.s32 $_size__tile_overlayer_lowered;
	s5 =	simm.s32 $_tile_overlayer_lowered  }
0x9b: {  	s22 =	simm.s32 $0x1BFF;
	s21 =	sshll.u32 s5, $0x1;
	s2 =	sadd.s32 s19, s18  }
0x9c: {  	s6 =	simm.s32 $0x0;
	s20 =	sshll.u32 s4, $0x1;
	s4 =	sadd.s32 s21, s2  }
0x9d: {  	[timem:s6], [sflag:s22] =	dma.local [hbm:s4], s20  }
0x9e: {  	_ =	swait.ge [sflag:s22], s20  }
0x9f: {  	s3 =	ssub.s32 $0x0, s20;
	[sflag:s22] =	ssyncset.done $0x0  }
0xa0: {  	[sflag:s22] =	ssyncadd.s32 s3;
	_ =	sdelay $0x1  }
0xa1: {  	s23 =	simm.s32 $0x1B8B  }
0xa2: {  	_ =	swait.ge [sflag:s23], $0x1  }
0xa3: {  	[sflag:s23] =	ssyncset.done $0x0  }
0xa4: {  	s25 =	simm.s32 $0x1B8E;
	s24 =	sld [smem:$0x3FFE];
	[sflag:s23] =	ssyncadd.s32 $0xFFFFFFFF  }
0xa5: {  	s26 =	simm.s32 $execute0_lowered;
	[smem:$0x3FD2] =	sst s25  }
0xa6: {  	s4 =	sshll.u32 s26, $0x1;
	_ =	strace $0x8000004C;
	[dreg:$0x1] =	wrdreg $0xFFFFFFFF  }
0xa7: {  	s28 =	simm.s32 $_size_execute0_lowered;
	s2 =	sadd.s32 s2, s4;
	[dreg:$0x0] =	wrdreg $0x0  }
0xa8: {  	s4 =	sshll.u32 s28, $0x1;
	[dreg:$0x2] =	wrdreg s2  }
0xa9: {  	[dreg:$0x3] =	wrdreg s4  }
0xaa: {  	[dreg:$0x4] =	wrdreg $0xC0  }
0xab: {  	_ =	task [dreg:s6], $0x5FFFF  }
0xac: {  	[dreg:$0x1] =	wrdreg $0xFFFFFFFF  }
0xad: {  	[dreg:$0x0] =	wrdreg $0x60  }
0xae: {  	[dreg:$0x2] =	wrdreg s24  }
0xaf: {  	[dreg:$0x3] =	wrdreg $0xF2800  }
0xb0: {  	[dreg:$0x4] =	wrdreg $0xA  }
0xb1: {  	_ =	task.clear_ibuf [dreg:s6], $0x5FFFF;
	_ =	strace $0x9000004C  }
0xb2: {  	s29 =	simm.s32 $0xA;
	_ =	strace $0x8000004E  }
0xb3: {  	_ =	swait.ge [sflag:s29], $0x1  }
0xb4: {  	[sflag:s29] =	ssyncadd.s32 $0xFFFFFFFF  }
0xb5: {  	_ =	strace $0x9000004E  }
0xb6: {  	_ =	sfence  }
0xb7: {  	s30 =	sld [smem:$0x0];
	_ =	sdelay $0x2  }
0xb8: {  	s31 =	sshll.u32 s1, $0xD;
	s1 =	sshrl.u32 s1, $0x2  }
0xb9: {  	s3 =	sand.u32 $0x4000, s31;
	s1 =	sadd.s32 s1, s30  }
0xba: {  	s0 =	sor.u32 s3, s0;
	s1 =	sshll.u32 s1, $0x11  }
0xbb: {  	s0 =	sor.u32 s1, s0  }
0xbc: {  	s0 =	sadd.s32 $0x8F2B, s0  }
0xbd: {  	[sflag:s0] =	ssyncadd.remote.s32 $0x1  }
0xbe: {  	_ =	sfence.sel $0xFFFF  }
0xbf: {  	[dreg:$0x0] =	wrdreg $0xFFFFFFFF;
	(pc) =	sbr.abs _section_cstart, $3  }
0xc0: {  	[dreg:$0x1] =	wrdreg $0xFFFFFFFF  }
0xc1: {  	_ =	task.clear_ibuf [dreg:s6], $0x2FFFF;
	_ =	strace $0x9FFFFFFF  }
0xc2: {  	(tm) =	ssettm $0x7FFFFFFF  }
0xc3: {  	_ =	shalt  }
tec
execute0_lowered:
.L_overlay_start_1:
0x0: {  	(tag) =	ssettag $0x1  }
0x1: {  	s0 =	rddreg [dreg:$0x0]  }
0x2: {  	s1 =	rddreg [dreg:$0x1];
	s2 =	simm.s32 $0x0;
	s9 =	srdreg.scid  }
0x3: {  	s5 =	stileid.u32;
	[smem:$0x7FF] =	sst s2  }
0x4: {  	s3 =	sadd.s32 $0xA400, s0;
	s4 =	sadd.s32 $0x5400, s0;
	s6 =	sadd.s32 $0x2E2400, s0  }
0x5: {  	s8 =	sadd.s32 $0x2C4E00, s0;
	s7 =	sadd.s32 $0xF400, s0;
	s12 =	smul.u32 $0x3A800, s5  }
0x6: {  	s9 =	sand.u32 $0x1, s9;
	s11 =	sadd.s32 $0x2FFA00, s0;
	s16 =	smul.u32 $0xEA00, s5  }
0x7: {  	s21 =	sadd.s32 $0x201600, s0;
	s22 =	sadd.s32 $0x1E4000, s0;
	s18 =	smul.u32 $0x14, s5  }
0x8: {  	s15 =	ssub.s32 $0x3F7, s5;
	s20 =	smul.u32 $0xA0, s5;
	p1 =	sne.s32 s5, $0xF  }
0x9: {  	p2 =	seq.s32 s5, $0xF;
	_ =	strace $0x8000004D;
	s10 =	ssub.s32 $0x2, s9  }
0xa: {  	s15 =	sshrl.u32 s15, $0x4;
	p0 =	seq.s32 s9, $0x1;
	[dreg:$0x4] =	wrdreg s22  }
0xb: {  	[dreg:$0x3] =	wrdreg s21;
	s13 =	sshrl.u32 s10, $0x1;
	s12 =	sshrl.u32 s12, $0x2  }
0xc: {  	s17 =	sadd.s32 $0x6000, s16;
	s19 =	sadd.s32 $0xC000, s16;
	s26 =	sadd.s32 s3, s18  }
0xd: {  	s28 =	sadd.s32 $0xA00, s20;
	s18 =	sadd.s32 s4, s18;
	s6 =	smov.u32 @p0 s8  }
0xe: {  	s7 =	smov.u32 @p0 s11;
	p0 =	sne.s32 s9, $0x0;
	s11 =	sadd.s32 $0x1, s15  }
0xf: {  	s0 =	ssub.s32 s10, s13;
	s25 =	sadd.s32 s12, s1;
	[dreg:$0x7] =	wrdreg s26  }
0x10: {  	s10 =	sadd.s32 s16, s1;
	[dreg:$0x8] =	wrdreg s18;
	s12 =	sadd.s32 $0x3C00, s25  }
0x11: {  	s29 =	sshrl.u32 s28, $0x3;
	s13 =	sadd.s32 $0x9C00, s25;
	[dreg:$0x5] =	wrdreg s12  }
0x12: {  	s14 =	sadd.s32 s19, s1;
	s30 =	sadd.s32 s3, s29;
	[dreg:$0x6] =	wrdreg s13  }
0x13: {  	s18 =	sshrl.u32 s17, $0x3;
	s8 =	sadd.s32 s4, s29;
	[dreg:$0x9] =	wrdreg s30  }
0x14: {  	s31 =	smul.u32 $0xC, s28;
	s23 =	sadd.s32 s22, s18;
	[dreg:$0xa] =	wrdreg s8  }
0x15: {  	s19 =	sshrl.u32 s19, $0x3;
	s24 =	sadd.s32 s21, s18;
	[dreg:$0xd] =	wrdreg s23  }
0x16: {  	s20 =	sshrl.u32 s11, $0x1;
	s26 =	sadd.s32 s22, s19;
	[dreg:$0xe] =	wrdreg s24  }
0x17: {  	s11 =	simm.s32 $0x3;
	s28 =	sadd.s32 s21, s19;
	[dreg:$0xf] =	wrdreg s26  }
0x18: {  	s25 =	smul.u32 $0x780, s5;
	s0 =	smax.u32 s0, $0x1;
	[dreg:$0x10] =	wrdreg s28  }
0x19: {  	s12 =	sadd.s32 s17, s1;
	s13 =	sshrl.u32 s16, $0x3;
	[dreg:$0x11] =	wrdreg s0  }
0x1a: {  	s30 =	sadd.s32 s7, s31;
	s31 =	sadd.s32 $0xEA000, s1;
	s0 =	sadd.s32 $0xFFFFFFFF, s15  }
0x1b: {  	s23 =	simm.s32 $0xF140;
	s24 =	simm.s32 $0xA0;
	s26 =	simm.s32 $0xF1E0  }
.Ltmp0:
0x1c: {  	s8 =	simm.s32 $0x3C00;
	[dreg:$0x13] =	wrdreg s30;
	(pc) =	sbr.rel .LBB2_1-.Ltmp0, $4  }
0x1d: {  	s17 =	simm.s32 $0x0;
	s16 =	sadd.s32 s22, s13;
	[dreg:$0x14] =	wrdreg s31  }
0x1e: {  	s9 =	sadd.s32 s21, s13;
	s29 =	sadd.s32 s7, s25;
	[dreg:$0xb] =	wrdreg s16  }
0x1f: {  	s21 =	simm.s32 $0x5;
	s13 =	simm.s32 $0x2;
	[dreg:$0xc] =	wrdreg s9  }
0x20: {  	v0 =	vimm.f32 $0.0e+00;
	[dreg:$0x12] =	wrdreg s29;
	s9 =	simm.s32 $0x1;
	s16 =	simm.s32 $0x4  }
.LBB2_16:
0x21: {  	s19 =	rddreg [dreg:$0x14]  }
0x22: {  	s18 =	sadd.s32 $0x1D400, s18;
	s22 =	simm.s32 $0x1FC5;
	s19 =	sshrl.u32 s19, $0x3  }
0x23: {  	[hbm:s18], [sflag:s22] =	dma.local [spmem:s19], $0xC0  }
0x24: {  	_ =	swait.ge [sflag:s21], $0xC0  }
0x25: {  	[sflag:s21] =	ssyncset.done $0x0  }
0x26: {  	[sflag:s21] =	ssyncadd.s32 $0xFFFFFF40  }
.LBB2_17:
0x27: {  	s17 =	sadd.s32 $0x1, s17;
	s18 =	rddreg [dreg:$0x11]  }
0x28: {  	p3 =	sne.s32 s17, s18  }
.Ltmp1:
0x29: {  	_ = 	snop;
	(pc) =	sbr.rel @!p3 .LBB2_18-.Ltmp1, $1  }
0x2a: {  	_ =	sdelay $0x3  }
.LBB2_1:
0x2b: {  	s18 =	simm.s32 $0x0  }
0x2c: {  	[tilespmem:s18+$0x50] =	vst v0  }
0x2d: {  	[tilespmem:s18+$0x0] =	vst v0  }
0x2e: {  	[tilespmem:s18+$0x10] =	vst v0  }
0x2f: {  	[tilespmem:s18+$0x20] =	vst v0  }
0x30: {  	s19 =	simm.s32 $0x180;
	[tilespmem:s18+$0x30] =	vst v0  }
.LBB2_2:
0x31: {  	p3 =	sne.s32 s19, $0xEE80;
	[tilespmem:s18+$0x40] =	vst v0;
	s18 =	sshra.s32 s19, $0x2;
	s19 =	sadd.s32 $0x180, s19  }
.Ltmp2:
0x32: {  	[tilespmem:s18+$0x50] =	vst v0;
	(pc) =	sbr.rel @p3 .LBB2_2-.Ltmp2, $4  }
0x33: {  	[tilespmem:s18+$0x0] =	vst v0  }
0x34: {  	[tilespmem:s18+$0x10] =	vst v0  }
0x35: {  	[tilespmem:s18+$0x20] =	vst v0  }
0x36: {  	[tilespmem:s18+$0x30] =	vst v0  }
0x37: {  	[tilespmem:s18+$0x40] =	vst v0  }
0x38: {  	[spmem:s10] =	stream.linear.scatter [tilespmem:s2], [sflag:$0x5], $0x3C00, $0x38;
	[tilespmem:$0x1DCE0] =	vst v63  }
0x39: {  	_ =	swait.ge [sflag:s21], $0x3C00  }
0x3a: {  	[sflag:s21] =	ssyncset.done $0x0  }
0x3b: {  	s22 =	rddreg [dreg:$0x5];
	[sflag:s21] =	ssyncadd.s32 $0xFFFFC400  }
0x3c: {  	[spmem:s22] =	stream.linear.scatter [tilespmem:s2], [sflag:$0x5], $0x2400, $0x38;
	[tilespmem:$0x1DCE0] =	vst v63  }
0x3d: {  	_ =	swait.ge [sflag:s21], $0x2400  }
0x3e: {  	[sflag:s21] =	ssyncset.done $0x0  }
0x3f: {  	[sflag:s21] =	ssyncadd.s32 $0xFFFFDC00  }
0x40: {  	[spmem:s12] =	stream.linear.scatter [tilespmem:s2], [sflag:$0x5], $0x3C00, $0x38;
	[tilespmem:$0x1DCE0] =	vst v63  }
0x41: {  	_ =	swait.ge [sflag:s21], $0x3C00  }
0x42: {  	[sflag:s21] =	ssyncset.done $0x0  }
0x43: {  	s25 =	rddreg [dreg:$0x6];
	[sflag:s21] =	ssyncadd.s32 $0xFFFFC400  }
0x44: {  	[spmem:s25] =	stream.linear.scatter [tilespmem:s2], [sflag:$0x5], $0x2400, $0x38;
	[tilespmem:$0x1DCE0] =	vst v63  }
0x45: {  	_ =	swait.ge [sflag:s21], $0x2400  }
0x46: {  	[sflag:s21] =	ssyncset.done $0x0  }
0x47: {  	[sflag:s21] =	ssyncadd.s32 $0xFFFFDC00  }
0x48: {  	[spmem:s14] =	stream.linear.scatter [tilespmem:s2], [sflag:$0x5], $0x2A00, $0x38;
	[tilespmem:$0x1DCE0] =	vst v63  }
0x49: {  	_ =	swait.ge [sflag:s21], $0x2A00  }
0x4a: {  	[sflag:s21] =	ssyncset.done $0x0  }
0x4b: {  	s18 =	simm.s32 @!p1 $0x0;
	s19 =	rddreg [dreg:$0x14];
	[sflag:s21] =	ssyncadd.s32 $0xFFFFD600  }
0x4c: {  	[spmem:s19] =	stream.linear.scatter @!p1 [tilespmem:s18], [sflag:$0x5], $0x600, $0x38;
	[tilespmem:$0x1DCE0] =	vst v63  }
0x4d: {  	s18 =	simm.s32 @!p1 $0x5  }
0x4e: {  	_ =	swait.ge @!p1 [sflag:s18], $0x600  }
0x4f: {  	[sflag:s18] =	ssyncset.done @!p1 $0x0  }
0x50: {  	[sflag:s18] =	ssyncadd.s32 @!p1 $0xFFFFFA00  }
0x51: {  	[bflag:$0x0] =	sbarrier.arrive $0xFFFF  }
0x52: {  	s22 =	simm.s32 $0xF000;
	s18 =	simm.s32 $0x0;
	s28 =	rddreg [dreg:$0x7]  }
0x53: {  	[tilespmem:s22], [sflag:$0x5] =	stream.linear.gather [hbm4b:s28+s18], $0xA0, $0x38;
	[tilespmem:$0x1DCE0] =	vst v63  }
0x54: {  	_ =	swait.ge [sflag:s21], $0xA0  }
0x55: {  	[sflag:s21] =	ssyncset.done $0x0  }
0x56: {  	s29 =	rddreg [dreg:$0x8];
	[sflag:s21] =	ssyncadd.s32 $0xFFFFFF60  }
0x57: {  	[tilespmem:s23], [sflag:$0x5] =	stream.linear.gather [hbm4b:s29+s18], $0xA0, $0x38;
	[tilespmem:$0x1DCE0] =	vst v63  }
0x58: {  	_ =	swait.ge [sflag:s21], $0xA0  }
0x59: {  	[sflag:s21] =	ssyncset.done $0x0  }
0x5a: {  	[sflag:s21] =	ssyncadd.s32 $0xFFFFFF60  }
0x5b: {  	[tilespmem:s18], [sflag:$0x1] =	stream.indirect.gather [hbm4b:s6+s24], $0x60, s22, s24, $0xb8;
	[tilespmem:$0x1DCE0] =	vst v63  }
0x5c: {  	s31 =	simm.s32 $0x7800;
	s30 =	rddreg [dreg:$0x12]  }
0x5d: {  	[tilespmem:s31], [sflag:$0x3] =	stream.linear.gather [hbm4b:s30+s18], $0x3C00, $0x38;
	[tilespmem:$0x1DCE0] =	vst v63  }
0x5e: {  	s28 =	simm.s32 $0xF0A0;
	s25 =	rddreg [dreg:$0x9]  }
0x5f: {  	[tilespmem:s28], [sflag:$0x5] =	stream.linear.gather [hbm4b:s25+s18], $0xA0, $0x38;
	[tilespmem:$0x1DCE0] =	vst v63  }
0x60: {  	_ =	swait.ge [sflag:s21], $0xA0  }
0x61: {  	[sflag:s21] =	ssyncset.done $0x0  }
0x62: {  	s29 =	rddreg [dreg:$0xa];
	[sflag:s21] =	ssyncadd.s32 $0xFFFFFF60  }
0x63: {  	[tilespmem:s26], [sflag:$0x5] =	stream.linear.gather [hbm4b:s29+s18], $0xA0, $0x38;
	[tilespmem:$0x1DCE0] =	vst v63  }
0x64: {  	_ =	swait.ge [sflag:s21], $0xA0  }
.Ltmp3:
0x65: {  	[sflag:s21] =	ssyncset.done $0x0;
	(pc) =	sbr.rel .LBB2_4-.Ltmp3, $4  }
0x66: {  	[sflag:s21] =	ssyncadd.s32 $0xFFFFFF60  }
0x67: {  	[tilespmem:s8], [sflag:$0x2] =	stream.indirect.gather [hbm4b:s6+s24], $0x60, s28, s24, $0xb8;
	[tilespmem:$0x1DCE0] =	vst v63  }
0x68: {  	s31 =	simm.s32 $0xB400;
	s30 =	rddreg [dreg:$0x13]  }
0x69: {  	[tilespmem:s31], [sflag:$0x4] =	stream.linear.gather [hbm4b:s30+s18], $0x3C00, $0x38;
	[tilespmem:$0x1DCE0] =	vst v63  }
.LBB2_12:
0x6a: {  	s18 =	sadd.s32 $0x1, s18  }
0x6b: {  	p3 =	sne.s32 s18, s20  }
.Ltmp4:
0x6c: {  	_ = 	snop;
	(pc) =	sbr.rel @!p3 .LBB2_13-.Ltmp4, $1  }
0x6d: {  	_ =	sdelay $0x3  }
.LBB2_4:
0x6e: {  	s19 =	sshll.u32 s18, $0x1  }
0x6f: {  	p3 =	sge.u32 s19, s15  }
.Ltmp5:
0x70: {  	_ = 	snop;
	(pc) =	sbr.rel @p3 .LBB2_8-.Ltmp5, $1  }
0x71: {  	_ =	sdelay $0x3  }
0x72: {  	_ =	swait.ge [sflag:s9], $0x3C00  }
0x73: {  	[sflag:s9] =	ssyncset.done $0x0  }
0x74: {  	[sflag:s9] =	ssyncadd.s32 $0xFFFFC400  }
0x75: {  	_ =	swait.ge [sflag:s11], $0x3C00  }
0x76: {  	[sflag:s11] =	ssyncset.done $0x0  }
0x77: {  	s28 =	simm.s32 $0x50;
	[sflag:s11] =	ssyncadd.s32 $0xFFFFC400  }
0x78: {  	v5 =	vld [tilespmem:s28+$0x77B0]  }
0x79: {  	v4 =	vld [tilespmem:s28+$0x77C0]  }
0x7a: {  	v3 =	vld [tilespmem:s28+$0x77D0]  }
0x7b: {  	v2 =	vld [tilespmem:s28+$0x77E0]  }
0x7c: {  	v1 =	vld [tilespmem:s28+$0x7800]  }
0x7d: {  	v9 =	vld [tilespmem:s28+$0xFFFFFFB0]  }
0x7e: {  	v8 =	vld [tilespmem:s28+$0xFFFFFFC0]  }
0x7f: {  	v7 =	vld [tilespmem:s28+$0xFFFFFFD0]  }
0x80: {  	s29 =	simm.s32 $0x2C0;
	v6 =	vld [tilespmem:s28+$0xFFFFFFE0]  }
.LBB2_6:
0x81: {  	p3 =	sne.s32 s29, $0xEFC0;
	v10 =	vld [tilespmem:s28+$0x0]  }
0x82: {  	v9 =	vmul.f32 v5, v9;
	v11 =	vld [tilespmem:s28+$0xFFFFFFF0]  }
0x83: {  	s22 =	sshra.s32 s29, $0x2;
	v8 =	vmul.f32 v4, v8;
	v12 =	vld [tilespmem:s28+$0x77F0]  }
0x84: {  	v5 =	vld [tilespmem:s22+$0x77B0];
	[tilespmem:s28+$0xFFFFFFB0] =	vst v9;
	v7 =	vmul.f32 v3, v7  }
0x85: {  	v4 =	vld [tilespmem:s22+$0x77C0];
	[tilespmem:s28+$0xFFFFFFC0] =	vst v8;
	v6 =	vmul.f32 v2, v6  }
0x86: {  	v3 =	vld [tilespmem:s22+$0x77D0];
	[tilespmem:s28+$0xFFFFFFD0] =	vst v7;
	v7 =	vmul.f32 v1, v10  }
0x87: {  	v2 =	vld [tilespmem:s22+$0x77E0];
	[tilespmem:s28+$0xFFFFFFE0] =	vst v6  }
.Ltmp6:
0x88: {  	v1 =	vld [tilespmem:s22+$0x7800];
	v6 =	vmul.f32 v12, v11;
	[tilespmem:s28+$0x0] =	vst v7;
	(pc) =	sbr.rel @p3 .LBB2_6-.Ltmp6, $4  }
0x89: {  	v9 =	vld [tilespmem:s22+$0xFFFFFFB0]  }
0x8a: {  	v8 =	vld [tilespmem:s22+$0xFFFFFFC0];
	[tilespmem:s28+$0xFFFFFFF0] =	vst v6;
	s28 =	smov.u32 s22  }
0x8b: {  	v7 =	vld [tilespmem:s28+$0xFFFFFFD0]  }
0x8c: {  	s29 =	sadd.s32 $0x180, s29;
	v6 =	vld [tilespmem:s28+$0xFFFFFFE0]  }
0x8d: {  	v10 =	vld [tilespmem:s28+$0x0]  }
0x8e: {  	v11 =	vld [tilespmem:s28+$0xFFFFFFF0]  }
0x8f: {  	v63 =	vld [tilespmem:s28+$0x77F0];
	v5 =	vmul.f32 v5, v9  }
0x90: {  	v4 =	vmul.f32 v4, v8  }
0x91: {  	[tilespmem:s28+$0xFFFFFFB0] =	vst v5;
	v3 =	vmul.f32 v3, v7  }
0x92: {  	[tilespmem:s28+$0xFFFFFFC0] =	vst v4;
	v2 =	vmul.f32 v2, v6  }
0x93: {  	s22 =	sadd.s32 $0x2, s19;
	[tilespmem:s28+$0xFFFFFFD0] =	vst v3;
	v1 =	vmul.f32 v1, v10  }
0x94: {  	p3 =	sge.u32 s22, s15;
	[tilespmem:s28+$0xFFFFFFE0] =	vst v2;
	v2 =	vmul.f32 v63, v11  }
0x95: {  	s22 =	sshll.u32 @!p3 s22, $0x4;
	[tilespmem:s28+$0x0] =	vst v1  }
0x96: {  	s22 =	sor.u32 @!p3 s5, s22;
	[tilespmem:s28+$0xFFFFFFF0] =	vst v2  }
0x97: {  	[spmem:s1] =	stream.indirect.scatter.add.f32 [tilespmem:s2], [sflag:$0x5], $0x60, s23, s24, $0xb8;
	[tilespmem:$0x1DCE0] =	vst v63  }
0x98: {  	s28 =	smul.u32 @!p3 $0x14, s22;
	_ =	swait.ge [sflag:s21], $0x3C00  }
0x99: {  	s30 =	simm.s32 @!p3 $0x0;
	[sflag:s21] =	ssyncset.done $0x0  }
0x9a: {  	s25 =	simm.s32 @!p3 $0xF000;
	s29 =	sadd.s32 @!p3 s3, s28;
	[sflag:s21] =	ssyncadd.s32 $0xFFFFC400  }
0x9b: {  	[tilespmem:s25], [sflag:$0x5] =	stream.linear.gather @!p3 [hbm4b:s29+s30], $0xA0, $0x38;
	[tilespmem:$0x1DCE0] =	vst v63  }
0x9c: {  	s29 =	simm.s32 @!p3 $0x5  }
0x9d: {  	_ =	swait.ge @!p3 [sflag:s29], $0xA0  }
0x9e: {  	[sflag:s29] =	ssyncset.done @!p3 $0x0  }
0x9f: {  	s31 =	simm.s32 @!p3 $0xF140;
	s28 =	sadd.s32 @!p3 s4, s28;
	[sflag:s29] =	ssyncadd.s32 @!p3 $0xFFFFFF60  }
0xa0: {  	[tilespmem:s31], [sflag:$0x5] =	stream.linear.gather @!p3 [hbm4b:s28+s30], $0xA0, $0x38;
	[tilespmem:$0x1DCE0] =	vst v63  }
0xa1: {  	_ =	swait.ge @!p3 [sflag:s29], $0xA0  }
0xa2: {  	[sflag:s29] =	ssyncset.done @!p3 $0x0  }
0xa3: {  	s22 =	smul.u32 @!p3 $0x780, s22;
	s28 =	simm.s32 @!p3 $0xA0;
	[sflag:s29] =	ssyncadd.s32 @!p3 $0xFFFFFF60  }
0xa4: {  	[tilespmem:s30], [sflag:$0x1] =	stream.indirect.gather @!p3 [hbm4b:s6+s28], $0x60, s25, s28, $0xb8;
	[tilespmem:$0x1DCE0] =	vst v63  }
0xa5: {  	s22 =	sadd.s32 @!p3 s7, s22;
	s25 =	simm.s32 @!p3 $0x7800  }
0xa6: {  	[tilespmem:s25], [sflag:$0x3] =	stream.linear.gather @!p3 [hbm4b:s22+s30], $0x3C00, $0x38;
	[tilespmem:$0x1DCE0] =	vst v63  }
.LBB2_8:
0xa7: {  	p3 =	sge.u32 s19, s0  }
.Ltmp7:
0xa8: {  	_ = 	snop;
	(pc) =	sbr.rel @p3 .LBB2_12-.Ltmp7, $1  }
0xa9: {  	_ =	sdelay $0x3  }
0xaa: {  	_ =	swait.ge [sflag:s13], $0x3C00  }
0xab: {  	[sflag:s13] =	ssyncset.done $0x0  }
0xac: {  	[sflag:s13] =	ssyncadd.s32 $0xFFFFC400  }
0xad: {  	_ =	swait.ge [sflag:s16], $0x3C00  }
0xae: {  	[sflag:s16] =	ssyncset.done $0x0  }
0xaf: {  	s28 =	simm.s32 $0x50;
	[sflag:s16] =	ssyncadd.s32 $0xFFFFC400  }
0xb0: {  	v6 =	vld [tilespmem:s28+$0xB3B0]  }
0xb1: {  	v5 =	vld [tilespmem:s28+$0xB3C0]  }
0xb2: {  	v4 =	vld [tilespmem:s28+$0xB3D0]  }
0xb3: {  	v3 =	vld [tilespmem:s28+$0xB3E0]  }
0xb4: {  	v2 =	vld [tilespmem:s28+$0xB3F0]  }
0xb5: {  	v1 =	vld [tilespmem:s28+$0xB400]  }
0xb6: {  	v11 =	vld [tilespmem:s28+$0x3BB0]  }
0xb7: {  	v10 =	vld [tilespmem:s28+$0x3BC0]  }
0xb8: {  	v9 =	vld [tilespmem:s28+$0x3BD0]  }
0xb9: {  	v8 =	vld [tilespmem:s28+$0x3BE0]  }
0xba: {  	s29 =	simm.s32 $0x2C0;
	v7 =	vld [tilespmem:s28+$0x3BF0]  }
.LBB2_10:
0xbb: {  	s22 =	sshra.s32 s29, $0x2;
	p3 =	sne.s32 s29, $0xEFC0;
	v11 =	vmul.f32 v6, v11;
	v12 =	vld [tilespmem:s28+$0x3C00]  }
0xbc: {  	v6 =	vld [tilespmem:s22+$0xB3B0];
	v10 =	vmul.f32 v5, v10  }
0xbd: {  	v5 =	vld [tilespmem:s22+$0xB3C0];
	[tilespmem:s28+$0x3BB0] =	vst v11;
	v9 =	vmul.f32 v4, v9  }
0xbe: {  	v4 =	vld [tilespmem:s22+$0xB3D0];
	[tilespmem:s28+$0x3BC0] =	vst v10;
	v8 =	vmul.f32 v3, v8  }
0xbf: {  	v3 =	vld [tilespmem:s22+$0xB3E0];
	[tilespmem:s28+$0x3BD0] =	vst v9;
	v7 =	vmul.f32 v2, v7  }
0xc0: {  	v2 =	vld [tilespmem:s22+$0xB3F0];
	[tilespmem:s28+$0x3BE0] =	vst v8;
	v8 =	vmul.f32 v1, v12  }
0xc1: {  	v1 =	vld [tilespmem:s22+$0xB400];
	[tilespmem:s28+$0x3BF0] =	vst v7  }
.Ltmp8:
0xc2: {  	v11 =	vld [tilespmem:s22+$0x3BB0];
	[tilespmem:s28+$0x3C00] =	vst v8;
	s28 =	smov.u32 s22;
	(pc) =	sbr.rel @p3 .LBB2_10-.Ltmp8, $4  }
0xc3: {  	v10 =	vld [tilespmem:s28+$0x3BC0]  }
0xc4: {  	v9 =	vld [tilespmem:s28+$0x3BD0]  }
0xc5: {  	v8 =	vld [tilespmem:s28+$0x3BE0]  }
0xc6: {  	s29 =	sadd.s32 $0x180, s29;
	v7 =	vld [tilespmem:s28+$0x3BF0]  }
0xc7: {  	v6 =	vmul.f32 v6, v11;
	v63 =	vld [tilespmem:s28+$0x3C00]  }
0xc8: {  	v5 =	vmul.f32 v5, v10  }
0xc9: {  	[tilespmem:s28+$0x3BB0] =	vst v6;
	v4 =	vmul.f32 v4, v9  }
0xca: {  	[tilespmem:s28+$0x3BC0] =	vst v5;
	v3 =	vmul.f32 v3, v8  }
0xcb: {  	s19 =	sadd.s32 $0x3, s19;
	[tilespmem:s28+$0x3BD0] =	vst v4;
	v2 =	vmul.f32 v2, v7  }
0xcc: {  	p3 =	sge.u32 s19, s15;
	[tilespmem:s28+$0x3BE0] =	vst v3;
	v1 =	vmul.f32 v1, v63  }
0xcd: {  	s19 =	sshll.u32 @!p3 s19, $0x4;
	[tilespmem:s28+$0x3BF0] =	vst v2  }
0xce: {  	s19 =	sor.u32 @!p3 s5, s19;
	[tilespmem:s28+$0x3C00] =	vst v1  }
0xcf: {  	[spmem:s1] =	stream.indirect.scatter.add.f32 [tilespmem:s8], [sflag:$0x5], $0x60, s26, s24, $0xb8;
	[tilespmem:$0x1DCE0] =	vst v63  }
0xd0: {  	s22 =	smul.u32 @!p3 $0x14, s19;
	_ =	swait.ge [sflag:s21], $0x3C00  }
0xd1: {  	s29 =	simm.s32 @!p3 $0xF0A0;
	[sflag:s21] =	ssyncset.done $0x0  }
0xd2: {  	s25 =	sadd.s32 @!p3 s3, s22;
	s28 =	simm.s32 @!p3 $0x0;
	[sflag:s21] =	ssyncadd.s32 $0xFFFFC400  }
0xd3: {  	[tilespmem:s29], [sflag:$0x5] =	stream.linear.gather @!p3 [hbm4b:s25+s28], $0xA0, $0x38;
	[tilespmem:$0x1DCE0] =	vst v63  }
0xd4: {  	s25 =	simm.s32 @!p3 $0x5  }
0xd5: {  	_ =	swait.ge @!p3 [sflag:s25], $0xA0  }
0xd6: {  	[sflag:s25] =	ssyncset.done @!p3 $0x0  }
0xd7: {  	s30 =	simm.s32 @!p3 $0xF1E0;
	s22 =	sadd.s32 @!p3 s4, s22;
	[sflag:s25] =	ssyncadd.s32 @!p3 $0xFFFFFF60  }
0xd8: {  	[tilespmem:s30], [sflag:$0x5] =	stream.linear.gather @!p3 [hbm4b:s22+s28], $0xA0, $0x38;
	[tilespmem:$0x1DCE0] =	vst v63  }
0xd9: {  	s19 =	smul.u32 @!p3 $0x780, s19;
	_ =	swait.ge @!p3 [sflag:s25], $0xA0  }
.Ltmp9:
0xda: {  	[sflag:s25] =	ssyncset.done @!p3 $0x0;
	(pc) =	sbr.rel .LBB2_12-.Ltmp9, $4  }
0xdb: {  	s22 =	simm.s32 @!p3 $0xA0;
	[sflag:s25] =	ssyncadd.s32 @!p3 $0xFFFFFF60;
	s25 =	simm.s32 @!p3 $0x3C00  }
0xdc: {  	[tilespmem:s25], [sflag:$0x2] =	stream.indirect.gather @!p3 [hbm4b:s6+s22], $0x60, s29, s22, $0xb8;
	[tilespmem:$0x1DCE0] =	vst v63  }
0xdd: {  	s19 =	sadd.s32 @!p3 s7, s19;
	s22 =	simm.s32 @!p3 $0xB400  }
0xde: {  	[tilespmem:s22], [sflag:$0x4] =	stream.linear.gather @!p3 [hbm4b:s19+s28], $0x3C00, $0x38;
	[tilespmem:$0x1DCE0] =	vst v63  }
.LBB2_13:
.Ltmp10:
0xdf: {  	(pc) =	sbr.rel @p0 .LBB2_15-.Ltmp10, $3  }
0xe0: {  	_ =	sdelay $0x1  }
0xe1: {  	s18 =	sshll.u32 s5, $0x6;
	[bflag:$0x0] =	sbarrier.arrive $0xFFFF  }
0xe2: {  	s19 =	sshrl.u32 s10, $0x3;
	s18 =	sor.u32 $0x1C05, s18  }
0xe3: {  	s22 =	rddreg [dreg:$0xc]  }
0xe4: {  	[hbm:s22], [sflag:s18] =	dma.local [spmem:s19], $0xC00  }
0xe5: {  	_ =	swait.ge [sflag:s21], $0xC00  }
0xe6: {  	[sflag:s21] =	ssyncset.done $0x0  }
0xe7: {  	s28 =	sshrl.u32 s12, $0x3;
	s29 =	rddreg [dreg:$0xe];
	[sflag:s21] =	ssyncadd.s32 $0xFFFFF400  }
0xe8: {  	[hbm:s29], [sflag:s18] =	dma.local [spmem:s28], $0xC00  }
0xe9: {  	_ =	swait.ge [sflag:s21], $0xC00  }
0xea: {  	[sflag:s21] =	ssyncset.done $0x0  }
0xeb: {  	s30 =	sshrl.u32 s14, $0x3;
	s31 =	rddreg [dreg:$0x10];
	[sflag:s21] =	ssyncadd.s32 $0xFFFFF400  }
0xec: {  	[hbm:s31], [sflag:s18] =	dma.local [spmem:s30], $0x540  }
.Ltmp11:
0xed: {  	_ = 	snop;
	(pc) =	sbr.rel @p2 .LBB2_16-.Ltmp11, $4  }
.Ltmp12:
0xee: {  	_ = 	snop;
	(pc) =	sbr.rel @!p2 .LBB2_17-.Ltmp12, $4  }
0xef: {  	_ =	swait.ge [sflag:s21], $0x540  }
0xf0: {  	[sflag:s21] =	ssyncset.done $0x0  }
0xf1: {  	s18 =	rddreg [dreg:$0x3];
	[sflag:s21] =	ssyncadd.s32 $0xFFFFFAC0  }
0xf2: {  	_ = 	snop  }
.LBB2_15:
0xf3: {  	s22 =	rddreg [dreg:$0xb]  }
0xf4: {  	[hbm:s22], [sflag:s18] =	dma.local [spmem:s19], $0xC00  }
0xf5: {  	_ =	swait.ge [sflag:s21], $0xC00  }
0xf6: {  	[sflag:s21] =	ssyncset.done $0x0  }
0xf7: {  	s28 =	sshrl.u32 s12, $0x3;
	s29 =	rddreg [dreg:$0xd];
	[sflag:s21] =	ssyncadd.s32 $0xFFFFF400  }
0xf8: {  	[hbm:s29], [sflag:s18] =	dma.local [spmem:s28], $0xC00  }
0xf9: {  	_ =	swait.ge [sflag:s21], $0xC00  }
0xfa: {  	[sflag:s21] =	ssyncset.done $0x0  }
0xfb: {  	s30 =	sshrl.u32 s14, $0x3;
	s31 =	rddreg [dreg:$0xf];
	[sflag:s21] =	ssyncadd.s32 $0xFFFFF400  }
0xfc: {  	[hbm:s31], [sflag:s18] =	dma.local [spmem:s30], $0x540  }
.Ltmp13:
0xfd: {  	_ = 	snop;
	(pc) =	sbr.rel @p1 .LBB2_17-.Ltmp13, $4  }
.Ltmp14:
0xfe: {  	_ = 	snop;
	(pc) =	sbr.rel @!p1 .LBB2_16-.Ltmp14, $4  }
0xff: {  	_ =	swait.ge [sflag:s21], $0x540  }
0x100: {  	[sflag:s21] =	ssyncset.done $0x0  }
0x101: {  	s18 =	rddreg [dreg:$0x4];
	[sflag:s21] =	ssyncadd.s32 $0xFFFFFAC0  }
0x102: {  	_ = 	snop  }
.LBB2_18:
0x103: {  	_ =	sfence.sel $0x180000  }
0x104: {  	[bflag:$0x0] =	sbarrier.arrive $0xFFFF  }
0x105: {  	_ =	strace $0x9000004D  }
0x106: {  	[bflag:$0x2] =	sbarrier.arrive $0xFFFF  }
0x107: {  	p0 =	sne.s32 s5, $0x0;
	s0 =	rddreg [dreg:$0x2]  }
0x108: {  	s0 =	sadd.s32 @!p0 $0x100000, s0  }
0x109: {  	[sflag:s0] =	ssyncadd.tile.s32 @!p0 $0x1;
	_ =	shalt  }
.Lfunc_end2:
_tile_overlayer_lowered:
.L_overlay_start_2:
0x10a: {  	(tag) =	ssettag $0x2  }
0x10b: {  	s0 =	rddreg [dreg:$0x0];
	s2 =	stileid.u32  }
0x10c: {  	s1 =	rddreg [dreg:$0x1];
	p0 =	sne.s32 s2, $0x0  }
0x10d: {  	s3 =	rddreg [dreg:$0x2];
	[bflag:$0x3] =	sbarrier.arrive $0xFFFF;
	s2 =	simm.s32 @!p0 $0x1C05  }
0x10e: {  	[timem:s3], [sflag:s2] =	dma.local @!p0 [hbm:s0], s1  }
0x10f: {  	s0 =	simm.s32 @!p0 $0x5  }
0x110: {  	_ =	swait.ge @!p0 [sflag:s0], s1  }
0x111: {  	s1 =	ssub.s32 @!p0 $0x0, s1;
	[sflag:s0] =	ssyncset.done @!p0 $0x0  }
0x112: {  	[sflag:s0] =	ssyncadd.s32 @!p0 s1  }
0x113: {  	[bflag:$0x3] =	sbarrier.arrive $0xFFFF  }
0x114: {  	_ =	shalt  }

</sc_bundles>
